<compile_context>
chip_gen: v7x
topology: tpu7x:2x2x1
jax: 0.10.2.dev20260603
libtpu: 0.0.44.dev20260713+nightly
codegen_flags: <defaults>
</compile_context>

<pallas_src>
import functools

import jax
import jax.numpy as jnp
from jax import lax
from jax.experimental import pallas as pl
from jax.experimental.pallas import tpu as pltpu
from jax.experimental.pallas import tpu_sc as plsc

_N = 10000
_E = 160000
_D = 256
_H = 128
_G = 64
_NS = 16
_NC = 2
_RT = 624
_TAIL0 = _RT * _NS
_TAIL = _N - _TAIL0
_ET = _E // _NS
_KA = 80
_CA = 126
_ETP = _CA * _KA
_JUNK = _N
_NP = _N + 16
_EPS = 1e-5
_F32 = jnp.float32


def _mesh():
    return plsc.VectorSubcoreMesh(core_axis_name="c", subcore_axis_name="s",
                                  num_cores=_NC, num_subcores=_NS)



def _build_sc_agg(interpret=False):
    out_type = jax.ShapeDtypeStruct((_NC * _N, _H), _F32)
    scratch = [
        pltpu.VMEM_SHARED((_NP, _H), _F32),
        pltpu.VMEM((_ETP,), jnp.int32),
        pltpu.VMEM((_CA, _KA), jnp.int32),
        pltpu.VMEM((_KA,), jnp.int32),
        pltpu.VMEM((_KA,), jnp.int32),
        pltpu.VMEM((_KA, _H), _F32),
        pltpu.VMEM((_KA, _H), _F32),
        pltpu.SemaphoreType.DMA,
        pltpu.SemaphoreType.DMA,
    ]

    @functools.partial(pl.kernel, out_type=out_type, mesh=_mesh(),
                       scratch_types=scratch, interpret=interpret)
    def k(a_st, c_st, srct, dstt, p_st, aggsm, srcv, dstv,
          adj0, adj1, rows0, rows1, sg0, sg1):
        cid = lax.axis_index("c")
        sid = lax.axis_index("s")
        co = cid * _N
        r0 = sid * _RT

        pltpu.sync_copy(c_st.at[pl.ds(co + r0, _RT)], aggsm.at[pl.ds(r0, _RT)])

        @pl.when(sid == _NS - 1)
        def _():
            pltpu.sync_copy(c_st.at[pl.ds(_TAIL0 + co, _TAIL)],
                            aggsm.at[pl.ds(_TAIL0, _TAIL)])

        pltpu.sync_copy(srct.at[sid], srcv)
        pltpu.sync_copy(dstt.at[sid], dstv)
        plsc.subcore_barrier()

        def fill(adj, j):
            for v in range(_KA // 16):
                adj[pl.ds(v * 16, 16)] = srcv[pl.ds(j * _KA + v * 16, 16)] + co

        def gather_fire(adj, rows, sem):
            pltpu.async_copy(a_st.at[adj], rows, sem)

        def gather_wait(adj, rows, sem):
            pltpu.make_async_copy(a_st.at[adj], rows, sem).wait()

        fill(adj0, 0)
        gather_fire(adj0, rows0, sg0)

        def step(m, carry):
            j0 = 2 * m
            fill(adj1, j0 + 1)
            gather_fire(adj1, rows1, sg1)
            gather_wait(adj0, rows0, sg0)
            pltpu.sync_copy(rows0, aggsm.at[dstv.at[j0]], add=True)

            @pl.when(j0 + 2 < _CA)
            def _():
                fill(adj0, j0 + 2)
                gather_fire(adj0, rows0, sg0)

            gather_wait(adj1, rows1, sg1)
            pltpu.sync_copy(rows1, aggsm.at[dstv.at[j0 + 1]], add=True)
            return carry

        lax.fori_loop(0, _CA // 2, step, 0)
        plsc.subcore_barrier()

        pltpu.sync_copy(aggsm.at[pl.ds(r0, _RT)], p_st.at[pl.ds(co + r0, _RT)])

        @pl.when(sid == _NS - 1)
        def _():
            pltpu.sync_copy(aggsm.at[pl.ds(_TAIL0, _TAIL)],
                            p_st.at[pl.ds(co + _TAIL0, _TAIL)])

    return k



_RB = 1000
_NB = _N // _RB


def _build_layer_mm(act, interpret=False):

    def body(*refs):
        if act:
            (h0, h1, ss, tt, da, w1, b1, w2, w3, b3, a_st, c_st) = refs
        else:
            (h0, h1, da, w1, b1, w2, w3, b3, a_st, c_st) = refs
        x0 = h0[...]
        x1 = h1[...]
        if act:
            x0 = jnp.maximum(x0 * ss[0:1, :] + tt[0:1, :], 0.0)
            x1 = jnp.maximum(x1 * ss[1:2, :] + tt[1:2, :], 0.0)
        dot = functools.partial(jnp.dot, preferred_element_type=_F32,
                                precision=lax.Precision.HIGHEST)
        a = dot(x0, w1[0]) + dot(x1, w1[1]) + b1[...]
        b = dot(x0, w2[0]) + dot(x1, w2[1])
        c = dot(x0, w3[0]) + dot(x1, w3[1]) + b3[...]
        deg = da[:, 0:1]
        a_st[...] = a
        c_st[...] = c - deg * b

    rb0 = pl.BlockSpec((_RB, _H), lambda i, hh: (i, 0))
    rb1 = pl.BlockSpec((_RB, _H), lambda i, hh: (i + _NB, 0))
    sb = pl.BlockSpec((_NC, _H), lambda i, hh: (0, 0))
    db0 = pl.BlockSpec((_RB, _H), lambda i, hh: (i, 0))
    wb = pl.BlockSpec((_NC, _H, _H), lambda i, hh: (0, 0, hh))
    bb = pl.BlockSpec((1, _H), lambda i, hh: (0, hh))
    ob = pl.BlockSpec((_RB, _H), lambda i, hh: (hh * _NB + i, 0))
    if act:
        in_specs = [rb0, rb1, sb, sb, db0, wb, bb, wb, wb, bb]
    else:
        in_specs = [rb0, rb0, db0, wb, bb, wb, wb, bb]
    out_specs = [ob, ob]
    out_shape = [jax.ShapeDtypeStruct((_NC * _N, _H), _F32)] * 2
    return pl.pallas_call(
        body,
        grid=(_NB, _NC),
        in_specs=in_specs,
        out_specs=out_specs,
        out_shape=out_shape,
        interpret=interpret,
    )


def _build_stats(interpret=False):

    def body(p_st, g, e, s, t):
        for hh in range(_NC):
            x = p_st[pl.ds(hh * _N, _N), :]
            mean = jnp.sum(x, axis=0, keepdims=True) / _N
            d = x - mean
            var = jnp.sum(d * d, axis=0, keepdims=True) / _N
            rstd = lax.rsqrt(var + _EPS)
            sc = g[hh:hh + 1, :] * rstd
            s[hh:hh + 1, :] = sc
            t[hh:hh + 1, :] = e[hh:hh + 1, :] - mean * sc

    out_shape = [jax.ShapeDtypeStruct((_NC, _H), _F32)] * 2
    return pl.pallas_call(body, out_shape=out_shape, interpret=interpret)


def _build_pool(interpret=False):

    def body(p_st, ss, tt, wg1, bg1, wg2, bg2, bat, out):
        h0 = jnp.maximum(p_st[pl.ds(0, _N), :] * ss[0:1, :] + tt[0:1, :], 0.0)
        h1 = jnp.maximum(p_st[pl.ds(_N, _N), :] * ss[1:2, :] + tt[1:2, :], 0.0)
        dot = functools.partial(jnp.dot, preferred_element_type=_F32,
                                precision=lax.Precision.HIGHEST)
        g1 = jnp.maximum(dot(h0, wg1[0]) + dot(h1, wg1[1]) + bg1[...], 0.0)
        g2 = jnp.maximum(
            jnp.sum(g1 * wg2[...], axis=1, keepdims=True) + bg2[0, 0], 0.0)
        b = bat[...]
        ids = lax.broadcasted_iota(jnp.int32, (_N, _G), 1)
        onehot_b = b == ids
        neg = jnp.where(onehot_b, g2, -jnp.inf)
        gmax = jnp.max(neg, axis=0, keepdims=True)
        gmax_n = jnp.sum(jnp.where(onehot_b, gmax, 0.0), axis=1,
                         keepdims=True)
        gexp = jnp.exp(g2 - gmax_n)
        onehot = onehot_b.astype(_F32)
        gsum = jnp.sum(onehot * gexp, axis=0, keepdims=True)
        gsum_n = jnp.sum(onehot * gsum, axis=1, keepdims=True)
        gate = gexp / (gsum_n + 1e-16)
        dn = (((0,), (0,)), ((), ()))
        out[:, :_H] = lax.dot_general(onehot, gate * h0, dn,
                                      preferred_element_type=_F32,
                                      precision=lax.Precision.HIGHEST)
        out[:, _H:] = lax.dot_general(onehot, gate * h1, dn,
                                      preferred_element_type=_F32,
                                      precision=lax.Precision.HIGHEST)

    return pl.pallas_call(
        body, out_shape=jax.ShapeDtypeStruct((_G, _D), _F32),
        interpret=interpret)



def _run(x, edge_index, batch, params, interpret=False, sc_interpret=False):
    src = edge_index[0].astype(jnp.int32)
    dst = edge_index[1].astype(jnp.int32)
    pad = _ETP - _ET
    srct = jnp.pad(src.reshape(_NS, _ET), ((0, 0), (0, pad)))
    dstt = jnp.pad(dst.reshape(_NS, _ET), ((0, 0), (0, pad)),
                   constant_values=_JUNK).reshape(_NS, _CA, _KA)

    sc_agg = _build_sc_agg(sc_interpret)
    mm_first = _build_layer_mm(False, interpret)
    mm_act = _build_layer_mm(True, interpret)
    stats = _build_stats(interpret)
    pool = _build_pool(interpret)

    ones_st = jnp.ones((_NC * _N, _H), _F32)
    zeros_st = jnp.zeros((_NC * _N, _H), _F32)
    d_st = sc_agg(ones_st, zeros_st, srct, dstt)

    def wsplit(p):
        w1 = p["W1"].T.reshape(_NC, _H, _D)
        w2 = p["W2"].T.reshape(_NC, _H, _D)
        w3 = p["W3"].T.reshape(_NC, _H, _D)
        return (w1, p["b1"].reshape(1, _D), w2, w3, p["b3"].reshape(1, _D))

    lw = [wsplit(p) for p in params["layers"]]

    x0 = x[:, :_H]
    x1 = x[:, _H:]
    w1, b1, w2, w3, b3 = lw[0]
    a_st, c_st = mm_first(x0, x1, d_st, w1, b1, w2, w3, b3)

    for l in range(6):
        p_st = sc_agg(a_st, c_st, srct, dstt)
        pr = params["layers"][l]
        g = pr["gamma"].reshape(_NC, _H)
        e = pr["beta"].reshape(_NC, _H)
        ss, tt = stats(p_st, g, e)
        if l < 5:
            w1, b1, w2, w3, b3 = lw[l + 1]
            a_st, c_st = mm_act(p_st, p_st, ss, tt, d_st,
                                w1, b1, w2, w3, b3)

    g = params["gate"]
    wg1 = g["Wg1"].T.reshape(_NC, _H, _G)
    bg1 = g["bg1"].reshape(1, _G)
    wg2 = g["Wg2"].reshape(1, _G)
    bg2 = g["bg2"].reshape(1, 1)
    bat = batch.astype(jnp.int32).reshape(_N, 1)
    return pool(p_st, ss, tt, wg1, bg1, wg2, bg2, bat)


def kernel(x, edge_index, batch, params):
    return _run(x, edge_index, batch, params)

# --- scband reference (transcript-rebuilt; emitter-appended) ---
"""Pipeline reference for scband-gbfeatures-8624294331068 (READ-ONLY COPY).

The authoritative reference and input builder live on the scoring server;
editing this copy changes nothing except your own understanding.
"""

import jax, jax.numpy as jnp
import numpy as np

N_NODES = 10000
N_EDGES = 160000
D_IN = 256
H_CH = 256
OUT_CH = 256
N_LAYERS = 6
POOL_ATT_CH = 64
N_GRAPHS = 64
EPS_BN = 1e-5


def _linear_params(key, fan_in, fan_out, bias=True):
    k1, k2 = jax.random.split(key)
    bound = 1.0 / np.sqrt(fan_in)
    W = jax.random.uniform(k1, (fan_out, fan_in), jnp.float32, -bound, bound)
    if bias:
        b = jax.random.uniform(k2, (fan_out,), jnp.float32, -bound, bound)
        return W, b
    return W, None


def setup_inputs(seed: int = 0):
    key = jax.random.key(seed)
    keys = jax.random.split(key, 8)
    x = jax.random.normal(keys[0], (N_NODES, D_IN), dtype=jnp.float32)
    edge_index = jax.random.randint(keys[1], (2, N_EDGES), 0, N_NODES)
    batch = jnp.sort(jax.random.randint(keys[2], (N_NODES,), 0, N_GRAPHS))
    batch = batch.at[-1].set(N_GRAPHS - 1)
    dims = [D_IN] + [H_CH] * (N_LAYERS - 1) + [OUT_CH]
    layers = []
    pk = keys[3]
    for i in range(N_LAYERS):
        in_ch, out_ch = dims[i], dims[i + 1]
        pk, k1, k2, k3 = jax.random.split(pk, 4)
        W1, b1 = _linear_params(k1, in_ch, out_ch, True)
        W2, _ = _linear_params(k2, in_ch, out_ch, False)
        W3, b3 = _linear_params(k3, in_ch, out_ch, True)
        layers.append({"W1": W1, "b1": b1, "W2": W2, "W3": W3, "b3": b3,
                       "gamma": jnp.ones((out_ch,), jnp.float32),
                       "beta": jnp.zeros((out_ch,), jnp.float32)})
    kg1, kg2 = jax.random.split(keys[4])
    Wg1, bg1 = _linear_params(kg1, OUT_CH, POOL_ATT_CH, True)
    Wg2, bg2 = _linear_params(kg2, POOL_ATT_CH, 1, True)
    params = {"layers": layers,
              "gate": {"Wg1": Wg1, "bg1": bg1, "Wg2": Wg2, "bg2": bg2}}
    return {"x": x, "edge_index": edge_index, "batch": batch, "params": params}


def _forward(x, edge_index, batch, params):
    # GBFeatures forward: 6 x (LEConv -> BatchNorm(train stats) -> ReLU), then
    # GlobalAttentionSelect pooling with pool_ref='last'.
    src = edge_index[0]
    dst = edge_index[1]
    h = x
    for p in params["layers"]:
        # LEConv: out_i = sum_{j->i} (lin1(x_j) - lin2(x_i)) + lin3(x_i)
        a = h @ p["W1"].T + p["b1"]
        b = h @ p["W2"].T
        msg = a[src] - b[dst]
        agg = jnp.zeros_like(a).at[dst].add(msg)
        out = agg + h @ p["W3"].T + p["b3"]
        # BatchNorm1d in training mode (biased batch statistics)
        mean = jnp.mean(out, axis=0)
        var = jnp.var(out, axis=0)
        out = (out - mean) / jnp.sqrt(var + EPS_BN) * p["gamma"] + p["beta"]
        h = jax.nn.relu(out)
    # GlobalAttentionSelect: gate_nn = Linear -> ReLU -> Linear -> ReLU
    size = N_GRAPHS  # batch[-1] + 1 (batch is constructed so batch[-1] == N_GRAPHS-1)
    g = params["gate"]
    gate = jax.nn.relu(h @ g["Wg1"].T + g["bg1"])
    gate = jax.nn.relu(gate @ g["Wg2"].T + g["bg2"]).reshape(-1, 1)
    # segment softmax over graphs (PyG softmax: sub max, exp, / (sum + 1e-16))
    gmax = jax.ops.segment_max(gate, batch, num_segments=size)
    gexp = jnp.exp(gate - gmax[batch])
    gsum = jax.ops.segment_sum(gexp, batch, num_segments=size)
    gate = gexp / (gsum[batch] + 1e-16)
    return jax.ops.segment_sum(gate * h, batch, num_segments=size)


def reference(x, edge_index, batch, params):
    return _forward(x, edge_index, batch, params)

if __name__ == "__main__":
    import jax
    _d = setup_inputs()
    print(jax.jit(kernel)(*tuple(_d.values())))

</pallas_src>

<mosaic_0001>
#map = affine_map<(d0, d1) -> (0, 0)>
#map1 = affine_map<(d0, d1) -> (0, 0, 0)>
module attributes {stable_mosaic.version = 14 : i64} {
  func.func @k(%arg0: i32, %arg1: i32, %arg2: memref<20000x128xf32, #tpu.memory_space<hbm>>, %arg3: memref<20000x128xf32, #tpu.memory_space<hbm>>, %arg4: memref<16x10080xi32, #tpu.memory_space<hbm>>, %arg5: memref<16x126x80xi32, #tpu.memory_space<hbm>>, %arg6: memref<20000x128xf32, #tpu.memory_space<hbm>>, %arg7: memref<10016x128xf32, #tpu.memory_space<vmem_shared>>, %arg8: memref<10080xi32, #tpu.memory_space<vmem>>, %arg9: memref<126x80xi32, #tpu.memory_space<vmem>>, %arg10: memref<80xi32, #tpu.memory_space<vmem>>, %arg11: memref<80xi32, #tpu.memory_space<vmem>>, %arg12: memref<80x128xf32, #tpu.memory_space<vmem>>, %arg13: memref<80x128xf32, #tpu.memory_space<vmem>>, %arg14: memref<!tpu.dma_semaphore, #tpu.memory_space<semaphore_mem>>, %arg15: memref<!tpu.dma_semaphore, #tpu.memory_space<semaphore_mem>>) attributes {dimension_semantics = [#tpu.dimension_semantics<core_parallel>, #tpu.dimension_semantics<subcore_parallel>], iteration_bounds = array<i64: 2, 16>, scalar_prefetch = 0 : i64, scratch_operands = 9 : i64, tpu.core_type = #tpu.core_type<sc_vector_subcore>, window_params = [{transform_indices = #map}, {transform_indices = #map}, {transform_indices = #map}, {transform_indices = #map1}, {transform_indices = #map}]} {
    %mul3A = arith.constant 10000 : i32
    %mul3A_0 = arith.muli %arg0, %mul3A : i32
    %mul3A_1 = arith.constant 624 : i32
    %mul3A_2 = arith.muli %arg1, %mul3A_1 : i32
    %add3A = arith.addi %mul3A_0, %mul3A_2 : i32
    "tpu.region"() ({
      %run_scoped3A = tpu.sem_alloc : memref<!tpu.dma_semaphore, #tpu.memory_space<semaphore_mem>>
      %dma_start3A_62 = arith.constant 0 : i32
      %dma_start3A_63 = tpu.memref_slice %arg7[%mul3A_2, %dma_start3A_62] : memref<10016x128xf32, #tpu.memory_space<vmem_shared>> -> memref<624x128xf32, #tpu.memory_space<vmem_shared>>
      %dma_start3A_64 = arith.constant 0 : i32
      %dma_start3A_65 = tpu.memref_slice %arg3[%add3A, %dma_start3A_64] : memref<20000x128xf32, #tpu.memory_space<hbm>> -> memref<624x128xf32, #tpu.memory_space<hbm>>
      tpu.enqueue_dma source(%dma_start3A_65 : memref<624x128xf32, #tpu.memory_space<hbm>>) target(%dma_start3A_63 : memref<624x128xf32, #tpu.memory_space<vmem_shared>>) target_semaphore(%run_scoped3A : memref<!tpu.dma_semaphore, #tpu.memory_space<semaphore_mem>>)
      %dma_wait3A = arith.constant 0 : i32
      %dma_wait3A_66 = tpu.memref_slice %arg7[%mul3A_2, %dma_wait3A] : memref<10016x128xf32, #tpu.memory_space<vmem_shared>> -> memref<624x128xf32, #tpu.memory_space<vmem_shared>>
      %dma_wait3A_67 = arith.constant 0 : i32
      %dma_wait3A_68 = tpu.memref_slice %arg3[%add3A, %dma_wait3A_67] : memref<20000x128xf32, #tpu.memory_space<hbm>> -> memref<624x128xf32, #tpu.memory_space<hbm>>
      tpu.wait_dma2 semaphore(%run_scoped3A : memref<!tpu.dma_semaphore, #tpu.memory_space<semaphore_mem>>) src(%dma_wait3A_68 : memref<624x128xf32, #tpu.memory_space<hbm>>) dst(%dma_wait3A_66 : memref<624x128xf32, #tpu.memory_space<vmem_shared>>)
      tpu.yield
    }) : () -> ()
    %eq3A = arith.constant 15 : i32
    %eq3A_3 = arith.cmpi eq, %arg1, %eq3A : i32
    %convert_element_type3A = arith.extui %eq3A_3 : i1 to i32
    %cond3A = arith.constant 0 : i32
    %cond3A_4 = arith.cmpi ne, %convert_element_type3A, %cond3A : i32
    scf.if %cond3A_4 {
      %add3A_62 = arith.constant 9984 : i32
      %add3A_63 = arith.addi %add3A_62, %mul3A_0 : i32
      "tpu.region"() ({
        %run_scoped3A = tpu.sem_alloc : memref<!tpu.dma_semaphore, #tpu.memory_space<semaphore_mem>>
        %dma_start3A_64 = arith.constant 9984 : i32
        %dma_start3A_65 = arith.constant 0 : i32
        %dma_start3A_66 = tpu.memref_slice %arg7[%dma_start3A_64, %dma_start3A_65] : memref<10016x128xf32, #tpu.memory_space<vmem_shared>> -> memref<16x128xf32, #tpu.memory_space<vmem_shared>>
        %dma_start3A_67 = arith.constant 0 : i32
        %dma_start3A_68 = tpu.memref_slice %arg3[%add3A_63, %dma_start3A_67] : memref<20000x128xf32, #tpu.memory_space<hbm>> -> memref<16x128xf32, #tpu.memory_space<hbm>>
        tpu.enqueue_dma source(%dma_start3A_68 : memref<16x128xf32, #tpu.memory_space<hbm>>) target(%dma_start3A_66 : memref<16x128xf32, #tpu.memory_space<vmem_shared>>) target_semaphore(%run_scoped3A : memref<!tpu.dma_semaphore, #tpu.memory_space<semaphore_mem>>)
        %dma_wait3A = arith.constant 9984 : i32
        %dma_wait3A_69 = arith.constant 0 : i32
        %dma_wait3A_70 = tpu.memref_slice %arg7[%dma_wait3A, %dma_wait3A_69] : memref<10016x128xf32, #tpu.memory_space<vmem_shared>> -> memref<16x128xf32, #tpu.memory_space<vmem_shared>>
        %dma_wait3A_71 = arith.constant 0 : i32
        %dma_wait3A_72 = tpu.memref_slice %arg3[%add3A_63, %dma_wait3A_71] : memref<20000x128xf32, #tpu.memory_space<hbm>> -> memref<16x128xf32, #tpu.memory_space<hbm>>
        tpu.wait_dma2 semaphore(%run_scoped3A : memref<!tpu.dma_semaphore, #tpu.memory_space<semaphore_mem>>) src(%dma_wait3A_72 : memref<16x128xf32, #tpu.memory_space<hbm>>) dst(%dma_wait3A_70 : memref<16x128xf32, #tpu.memory_space<vmem_shared>>)
        tpu.yield
      }) : () -> ()
    } else {
    }
    "tpu.region"() ({
      %run_scoped3A = tpu.sem_alloc : memref<!tpu.dma_semaphore, #tpu.memory_space<semaphore_mem>>
      %dma_start3A_62 = arith.constant 0 : i32
      %dma_start3A_63 = tpu.memref_slice %arg4[%arg1, %dma_start3A_62] : memref<16x10080xi32, #tpu.memory_space<hbm>> -> memref<1x10080xi32, #tpu.memory_space<hbm>>
      %dma_start3A_64 = tpu.memref_squeeze %dma_start3A_63 : memref<1x10080xi32, #tpu.memory_space<hbm>> -> memref<10080xi32, #tpu.memory_space<hbm>>
      %dma_start3A_65 = arith.constant 0 : i32
      %dma_start3A_66 = tpu.memref_slice %arg4[%arg1, %dma_start3A_65] : memref<16x10080xi32, #tpu.memory_space<hbm>> -> memref<1x10080xi32, #tpu.memory_space<hbm>>
      %dma_start3A_67 = tpu.memref_squeeze %dma_start3A_66 : memref<1x10080xi32, #tpu.memory_space<hbm>> -> memref<10080xi32, #tpu.memory_space<hbm>>
      tpu.enqueue_dma source(%dma_start3A_67 : memref<10080xi32, #tpu.memory_space<hbm>>) target(%arg8 : memref<10080xi32, #tpu.memory_space<vmem>>) target_semaphore(%run_scoped3A : memref<!tpu.dma_semaphore, #tpu.memory_space<semaphore_mem>>)
      %dma_wait3A = arith.constant 0 : i32
      %dma_wait3A_68 = tpu.memref_slice %arg4[%arg1, %dma_wait3A] : memref<16x10080xi32, #tpu.memory_space<hbm>> -> memref<1x10080xi32, #tpu.memory_space<hbm>>
      %dma_wait3A_69 = tpu.memref_squeeze %dma_wait3A_68 : memref<1x10080xi32, #tpu.memory_space<hbm>> -> memref<10080xi32, #tpu.memory_space<hbm>>
      %dma_wait3A_70 = arith.constant 0 : i32
      %dma_wait3A_71 = tpu.memref_slice %arg4[%arg1, %dma_wait3A_70] : memref<16x10080xi32, #tpu.memory_space<hbm>> -> memref<1x10080xi32, #tpu.memory_space<hbm>>
      %dma_wait3A_72 = tpu.memref_squeeze %dma_wait3A_71 : memref<1x10080xi32, #tpu.memory_space<hbm>> -> memref<10080xi32, #tpu.memory_space<hbm>>
      tpu.wait_dma2 semaphore(%run_scoped3A : memref<!tpu.dma_semaphore, #tpu.memory_space<semaphore_mem>>) src(%dma_wait3A_72 : memref<10080xi32, #tpu.memory_space<hbm>>) dst(%arg8 : memref<10080xi32, #tpu.memory_space<vmem>>)
      tpu.yield
    }) : () -> ()
    "tpu.region"() ({
      %run_scoped3A = tpu.sem_alloc : memref<!tpu.dma_semaphore, #tpu.memory_space<semaphore_mem>>
      %dma_start3A_62 = arith.constant 0 : i32
      %dma_start3A_63 = arith.constant 0 : i32
      %dma_start3A_64 = tpu.memref_slice %arg5[%arg1, %dma_start3A_62, %dma_start3A_63] : memref<16x126x80xi32, #tpu.memory_space<hbm>> -> memref<1x126x80xi32, #tpu.memory_space<hbm>>
      %dma_start3A_65 = tpu.memref_squeeze %dma_start3A_64 : memref<1x126x80xi32, #tpu.memory_space<hbm>> -> memref<126x80xi32, #tpu.memory_space<hbm>>
      %dma_start3A_66 = arith.constant 0 : i32
      %dma_start3A_67 = arith.constant 0 : i32
      %dma_start3A_68 = tpu.memref_slice %arg5[%arg1, %dma_start3A_66, %dma_start3A_67] : memref<16x126x80xi32, #tpu.memory_space<hbm>> -> memref<1x126x80xi32, #tpu.memory_space<hbm>>
      %dma_start3A_69 = tpu.memref_squeeze %dma_start3A_68 : memref<1x126x80xi32, #tpu.memory_space<hbm>> -> memref<126x80xi32, #tpu.memory_space<hbm>>
      tpu.enqueue_dma source(%dma_start3A_69 : memref<126x80xi32, #tpu.memory_space<hbm>>) target(%arg9 : memref<126x80xi32, #tpu.memory_space<vmem>>) target_semaphore(%run_scoped3A : memref<!tpu.dma_semaphore, #tpu.memory_space<semaphore_mem>>)
      %dma_wait3A = arith.constant 0 : i32
      %dma_wait3A_70 = arith.constant 0 : i32
      %dma_wait3A_71 = tpu.memref_slice %arg5[%arg1, %dma_wait3A, %dma_wait3A_70] : memref<16x126x80xi32, #tpu.memory_space<hbm>> -> memref<1x126x80xi32, #tpu.memory_space<hbm>>
      %dma_wait3A_72 = tpu.memref_squeeze %dma_wait3A_71 : memref<1x126x80xi32, #tpu.memory_space<hbm>> -> memref<126x80xi32, #tpu.memory_space<hbm>>
      %dma_wait3A_73 = arith.constant 0 : i32
      %dma_wait3A_74 = arith.constant 0 : i32
      %dma_wait3A_75 = tpu.memref_slice %arg5[%arg1, %dma_wait3A_73, %dma_wait3A_74] : memref<16x126x80xi32, #tpu.memory_space<hbm>> -> memref<1x126x80xi32, #tpu.memory_space<hbm>>
      %dma_wait3A_76 = tpu.memref_squeeze %dma_wait3A_75 : memref<1x126x80xi32, #tpu.memory_space<hbm>> -> memref<126x80xi32, #tpu.memory_space<hbm>>
      tpu.wait_dma2 semaphore(%run_scoped3A : memref<!tpu.dma_semaphore, #tpu.memory_space<semaphore_mem>>) src(%dma_wait3A_76 : memref<126x80xi32, #tpu.memory_space<hbm>>) dst(%arg9 : memref<126x80xi32, #tpu.memory_space<vmem>>)
      tpu.yield
    }) : () -> ()
    %barrier3A = arith.constant 0 : index
    tpu.barrier barrier_id(%barrier3A)
    %get3A = arith.constant 0 : index
    %get3A_5 = tpu.vector_load %arg8[%get3A] {strides = array<i32>} : memref<10080xi32, #tpu.memory_space<vmem>>, vector<16xi32>,
    %get3A_6 = vector.shape_cast %get3A_5 : vector<16xi32> to vector<16xi32>
    %add3A_7 = vector.broadcast %mul3A_0 : i32 to vector<16xi32>
    %add3A_8 = arith.addi %get3A_6, %add3A_7 : vector<16xi32>
    %swap3A = arith.constant 0 : index
    %swap3A_9 = tpu.vector_load %arg10[%swap3A] {strides = array<i32>} : memref<80xi32, #tpu.memory_space<vmem>>, vector<16xi32>,
    %swap3A_10 = vector.shape_cast %swap3A_9 : vector<16xi32> to vector<16xi32>
    %swap3A_11 = vector.shape_cast %add3A_8 : vector<16xi32> to vector<16xi32>
    tpu.vector_store %arg10[%swap3A], %swap3A_11 {strides = array<i32>} : memref<80xi32, #tpu.memory_space<vmem>>, vector<16xi32>,
    %get3A_12 = arith.constant 16 : index
    %get3A_13 = tpu.vector_load %arg8[%get3A_12] {strides = array<i32>} : memref<10080xi32, #tpu.memory_space<vmem>>, vector<16xi32>,
    %get3A_14 = vector.shape_cast %get3A_13 : vector<16xi32> to vector<16xi32>
    %add3A_15 = vector.broadcast %mul3A_0 : i32 to vector<16xi32>
    %add3A_16 = arith.addi %get3A_14, %add3A_15 : vector<16xi32>
    %swap3A_17 = arith.constant 16 : index
    %swap3A_18 = tpu.vector_load %arg10[%swap3A_17] {strides = array<i32>} : memref<80xi32, #tpu.memory_space<vmem>>, vector<16xi32>,
    %swap3A_19 = vector.shape_cast %swap3A_18 : vector<16xi32> to vector<16xi32>
    %swap3A_20 = vector.shape_cast %add3A_16 : vector<16xi32> to vector<16xi32>
    tpu.vector_store %arg10[%swap3A_17], %swap3A_20 {strides = array<i32>} : memref<80xi32, #tpu.memory_space<vmem>>, vector<16xi32>,
    %get3A_21 = arith.constant 32 : index
    %get3A_22 = tpu.vector_load %arg8[%get3A_21] {strides = array<i32>} : memref<10080xi32, #tpu.memory_space<vmem>>, vector<16xi32>,
    %get3A_23 = vector.shape_cast %get3A_22 : vector<16xi32> to vector<16xi32>
    %add3A_24 = vector.broadcast %mul3A_0 : i32 to vector<16xi32>
    %add3A_25 = arith.addi %get3A_23, %add3A_24 : vector<16xi32>
    %swap3A_26 = arith.constant 32 : index
    %swap3A_27 = tpu.vector_load %arg10[%swap3A_26] {strides = array<i32>} : memref<80xi32, #tpu.memory_space<vmem>>, vector<16xi32>,
    %swap3A_28 = vector.shape_cast %swap3A_27 : vector<16xi32> to vector<16xi32>
    %swap3A_29 = vector.shape_cast %add3A_25 : vector<16xi32> to vector<16xi32>
    tpu.vector_store %arg10[%swap3A_26], %swap3A_29 {strides = array<i32>} : memref<80xi32, #tpu.memory_space<vmem>>, vector<16xi32>,
    %get3A_30 = arith.constant 48 : index
    %get3A_31 = tpu.vector_load %arg8[%get3A_30] {strides = array<i32>} : memref<10080xi32, #tpu.memory_space<vmem>>, vector<16xi32>,
    %get3A_32 = vector.shape_cast %get3A_31 : vector<16xi32> to vector<16xi32>
    %add3A_33 = vector.broadcast %mul3A_0 : i32 to vector<16xi32>
    %add3A_34 = arith.addi %get3A_32, %add3A_33 : vector<16xi32>
    %swap3A_35 = arith.constant 48 : index
    %swap3A_36 = tpu.vector_load %arg10[%swap3A_35] {strides = array<i32>} : memref<80xi32, #tpu.memory_space<vmem>>, vector<16xi32>,
    %swap3A_37 = vector.shape_cast %swap3A_36 : vector<16xi32> to vector<16xi32>
    %swap3A_38 = vector.shape_cast %add3A_34 : vector<16xi32> to vector<16xi32>
    tpu.vector_store %arg10[%swap3A_35], %swap3A_38 {strides = array<i32>} : memref<80xi32, #tpu.memory_space<vmem>>, vector<16xi32>,
    %get3A_39 = arith.constant 64 : index
    %get3A_40 = tpu.vector_load %arg8[%get3A_39] {strides = array<i32>} : memref<10080xi32, #tpu.memory_space<vmem>>, vector<16xi32>,
    %get3A_41 = vector.shape_cast %get3A_40 : vector<16xi32> to vector<16xi32>
    %add3A_42 = vector.broadcast %mul3A_0 : i32 to vector<16xi32>
    %add3A_43 = arith.addi %get3A_41, %add3A_42 : vector<16xi32>
    %swap3A_44 = arith.constant 64 : index
    %swap3A_45 = tpu.vector_load %arg10[%swap3A_44] {strides = array<i32>} : memref<80xi32, #tpu.memory_space<vmem>>, vector<16xi32>,
    %swap3A_46 = vector.shape_cast %swap3A_45 : vector<16xi32> to vector<16xi32>
    %swap3A_47 = vector.shape_cast %add3A_43 : vector<16xi32> to vector<16xi32>
    tpu.vector_store %arg10[%swap3A_44], %swap3A_47 {strides = array<i32>} : memref<80xi32, #tpu.memory_space<vmem>>, vector<16xi32>,
    %dma_start3A = arith.constant 0 : i32
    %dma_start3A_48 = arith.constant 0 : i32
    %dma_start3A_49 = tpu.memref_slice %arg2[%dma_start3A, %dma_start3A_48] : memref<20000x128xf32, #tpu.memory_space<hbm>> -> memref<20000x128xf32, #tpu.memory_space<hbm>>
    tpu.enqueue_indirect_dma source(%dma_start3A_49 : memref<20000x128xf32, #tpu.memory_space<hbm>>) target(%arg12 : memref<80x128xf32, #tpu.memory_space<vmem>>) offsets(%arg10 : memref<80xi32, #tpu.memory_space<vmem>>) semaphore(%arg14 : memref<!tpu.dma_semaphore, #tpu.memory_space<semaphore_mem>>)
    %scan3A = arith.constant 0 : i32
    %scan3A_50 = arith.constant 0 : i32
    %scan3A_51 = arith.constant 63 : i32
    %scan3A_52 = arith.addi %scan3A_50, %scan3A_51 : i32
    %scan3A_53 = arith.constant 1 : i32
    scf.for %scan3A_62 = %scan3A_50 to %scan3A_52 step %scan3A_53  : i32 {
      %mul3A_63 = arith.constant 2 : i32
      %mul3A_64 = arith.muli %mul3A_63, %scan3A_62 : i32
      %add3A_65 = arith.constant 1 : i32
      %add3A_66 = arith.addi %mul3A_64, %add3A_65 : i32
      %mul3A_67 = arith.constant 80 : i32
      %mul3A_68 = arith.muli %add3A_66, %mul3A_67 : i32
      %add3A_69 = arith.constant 0 : i32
      %add3A_70 = arith.addi %mul3A_68, %add3A_69 : i32
      %get3A_71 = arith.index_cast %add3A_70 : i32 to index
      %get3A_72 = tpu.vector_load %arg8[%get3A_71] {strides = array<i32>} : memref<10080xi32, #tpu.memory_space<vmem>>, vector<16xi32>,
      %get3A_73 = vector.shape_cast %get3A_72 : vector<16xi32> to vector<16xi32>
      %add3A_74 = vector.broadcast %mul3A_0 : i32 to vector<16xi32>
      %add3A_75 = arith.addi %get3A_73, %add3A_74 : vector<16xi32>
      %swap3A_76 = arith.constant 0 : index
      %swap3A_77 = tpu.vector_load %arg11[%swap3A_76] {strides = array<i32>} : memref<80xi32, #tpu.memory_space<vmem>>, vector<16xi32>,
      %swap3A_78 = vector.shape_cast %swap3A_77 : vector<16xi32> to vector<16xi32>
      %swap3A_79 = vector.shape_cast %add3A_75 : vector<16xi32> to vector<16xi32>
      tpu.vector_store %arg11[%swap3A_76], %swap3A_79 {strides = array<i32>} : memref<80xi32, #tpu.memory_space<vmem>>, vector<16xi32>,
      %mul3A_80 = arith.constant 80 : i32
      %mul3A_81 = arith.muli %add3A_66, %mul3A_80 : i32
      %add3A_82 = arith.constant 16 : i32
      %add3A_83 = arith.addi %mul3A_81, %add3A_82 : i32
      %get3A_84 = arith.index_cast %add3A_83 : i32 to index
      %get3A_85 = tpu.vector_load %arg8[%get3A_84] {strides = array<i32>} : memref<10080xi32, #tpu.memory_space<vmem>>, vector<16xi32>,
      %get3A_86 = vector.shape_cast %get3A_85 : vector<16xi32> to vector<16xi32>
      %add3A_87 = vector.broadcast %mul3A_0 : i32 to vector<16xi32>
      %add3A_88 = arith.addi %get3A_86, %add3A_87 : vector<16xi32>
      %swap3A_89 = arith.constant 16 : index
      %swap3A_90 = tpu.vector_load %arg11[%swap3A_89] {strides = array<i32>} : memref<80xi32, #tpu.memory_space<vmem>>, vector<16xi32>,
      %swap3A_91 = vector.shape_cast %swap3A_90 : vector<16xi32> to vector<16xi32>
      %swap3A_92 = vector.shape_cast %add3A_88 : vector<16xi32> to vector<16xi32>
      tpu.vector_store %arg11[%swap3A_89], %swap3A_92 {strides = array<i32>} : memref<80xi32, #tpu.memory_space<vmem>>, vector<16xi32>,
      %mul3A_93 = arith.constant 80 : i32
      %mul3A_94 = arith.muli %add3A_66, %mul3A_93 : i32
      %add3A_95 = arith.constant 32 : i32
      %add3A_96 = arith.addi %mul3A_94, %add3A_95 : i32
      %get3A_97 = arith.index_cast %add3A_96 : i32 to index
      %get3A_98 = tpu.vector_load %arg8[%get3A_97] {strides = array<i32>} : memref<10080xi32, #tpu.memory_space<vmem>>, vector<16xi32>,
      %get3A_99 = vector.shape_cast %get3A_98 : vector<16xi32> to vector<16xi32>
      %add3A_100 = vector.broadcast %mul3A_0 : i32 to vector<16xi32>
      %add3A_101 = arith.addi %get3A_99, %add3A_100 : vector<16xi32>
      %swap3A_102 = arith.constant 32 : index
      %swap3A_103 = tpu.vector_load %arg11[%swap3A_102] {strides = array<i32>} : memref<80xi32, #tpu.memory_space<vmem>>, vector<16xi32>,
      %swap3A_104 = vector.shape_cast %swap3A_103 : vector<16xi32> to vector<16xi32>
      %swap3A_105 = vector.shape_cast %add3A_101 : vector<16xi32> to vector<16xi32>
      tpu.vector_store %arg11[%swap3A_102], %swap3A_105 {strides = array<i32>} : memref<80xi32, #tpu.memory_space<vmem>>, vector<16xi32>,
      %mul3A_106 = arith.constant 80 : i32
      %mul3A_107 = arith.muli %add3A_66, %mul3A_106 : i32
      %add3A_108 = arith.constant 48 : i32
      %add3A_109 = arith.addi %mul3A_107, %add3A_108 : i32
      %get3A_110 = arith.index_cast %add3A_109 : i32 to index
      %get3A_111 = tpu.vector_load %arg8[%get3A_110] {strides = array<i32>} : memref<10080xi32, #tpu.memory_space<vmem>>, vector<16xi32>,
      %get3A_112 = vector.shape_cast %get3A_111 : vector<16xi32> to vector<16xi32>
      %add3A_113 = vector.broadcast %mul3A_0 : i32 to vector<16xi32>
      %add3A_114 = arith.addi %get3A_112, %add3A_113 : vector<16xi32>
      %swap3A_115 = arith.constant 48 : index
      %swap3A_116 = tpu.vector_load %arg11[%swap3A_115] {strides = array<i32>} : memref<80xi32, #tpu.memory_space<vmem>>, vector<16xi32>,
      %swap3A_117 = vector.shape_cast %swap3A_116 : vector<16xi32> to vector<16xi32>
      %swap3A_118 = vector.shape_cast %add3A_114 : vector<16xi32> to vector<16xi32>
      tpu.vector_store %arg11[%swap3A_115], %swap3A_118 {strides = array<i32>} : memref<80xi32, #tpu.memory_space<vmem>>, vector<16xi32>,
      %mul3A_119 = arith.constant 80 : i32
      %mul3A_120 = arith.muli %add3A_66, %mul3A_119 : i32
      %add3A_121 = arith.constant 64 : i32
      %add3A_122 = arith.addi %mul3A_120, %add3A_121 : i32
      %get3A_123 = arith.index_cast %add3A_122 : i32 to index
      %get3A_124 = tpu.vector_load %arg8[%get3A_123] {strides = array<i32>} : memref<10080xi32, #tpu.memory_space<vmem>>, vector<16xi32>,
      %get3A_125 = vector.shape_cast %get3A_124 : vector<16xi32> to vector<16xi32>
      %add3A_126 = vector.broadcast %mul3A_0 : i32 to vector<16xi32>
      %add3A_127 = arith.addi %get3A_125, %add3A_126 : vector<16xi32>
      %swap3A_128 = arith.constant 64 : index
      %swap3A_129 = tpu.vector_load %arg11[%swap3A_128] {strides = array<i32>} : memref<80xi32, #tpu.memory_space<vmem>>, vector<16xi32>,
      %swap3A_130 = vector.shape_cast %swap3A_129 : vector<16xi32> to vector<16xi32>
      %swap3A_131 = vector.shape_cast %add3A_127 : vector<16xi32> to vector<16xi32>
      tpu.vector_store %arg11[%swap3A_128], %swap3A_131 {strides = array<i32>} : memref<80xi32, #tpu.memory_space<vmem>>, vector<16xi32>,
      %dma_start3A_132 = arith.constant 0 : i32
      %dma_start3A_133 = arith.constant 0 : i32
      %dma_start3A_134 = tpu.memref_slice %arg2[%dma_start3A_132, %dma_start3A_133] : memref<20000x128xf32, #tpu.memory_space<hbm>> -> memref<20000x128xf32, #tpu.memory_space<hbm>>
      tpu.enqueue_indirect_dma source(%dma_start3A_134 : memref<20000x128xf32, #tpu.memory_space<hbm>>) target(%arg13 : memref<80x128xf32, #tpu.memory_space<vmem>>) offsets(%arg11 : memref<80xi32, #tpu.memory_space<vmem>>) semaphore(%arg15 : memref<!tpu.dma_semaphore, #tpu.memory_space<semaphore_mem>>)
      %dma_wait3A = arith.constant 0 : i32
      %dma_wait3A_135 = arith.constant 0 : i32
      %dma_wait3A_136 = tpu.memref_slice %arg2[%dma_wait3A, %dma_wait3A_135] : memref<20000x128xf32, #tpu.memory_space<hbm>> -> memref<20000x128xf32, #tpu.memory_space<hbm>>
      tpu.wait_indirect_dma semaphore(%arg14 : memref<!tpu.dma_semaphore, #tpu.memory_space<semaphore_mem>>) src(%dma_wait3A_136 : memref<20000x128xf32, #tpu.memory_space<hbm>>) dst(%arg12 : memref<80x128xf32, #tpu.memory_space<vmem>>)
      "tpu.region"() ({
        %run_scoped3A = tpu.sem_alloc : memref<!tpu.dma_semaphore, #tpu.memory_space<semaphore_mem>>
        %dma_start3A_148 = arith.constant 0 : i32
        %dma_start3A_149 = tpu.memref_slice %arg9[%mul3A_64, %dma_start3A_148] : memref<126x80xi32, #tpu.memory_space<vmem>> -> memref<1x80xi32, #tpu.memory_space<vmem>>
        %dma_start3A_150 = tpu.memref_squeeze %dma_start3A_149 : memref<1x80xi32, #tpu.memory_space<vmem>> -> memref<80xi32, #tpu.memory_space<vmem>>
        %dma_start3A_151 = arith.constant 0 : i32
        %dma_start3A_152 = arith.constant 0 : i32
        %dma_start3A_153 = tpu.memref_slice %arg7[%dma_start3A_151, %dma_start3A_152] : memref<10016x128xf32, #tpu.memory_space<vmem_shared>> -> memref<10016x128xf32, #tpu.memory_space<vmem_shared>>
        tpu.enqueue_indirect_dma source(%arg12 : memref<80x128xf32, #tpu.memory_space<vmem>>) target(%dma_start3A_153 : memref<10016x128xf32, #tpu.memory_space<vmem_shared>>) offsets(%dma_start3A_150 : memref<80xi32, #tpu.memory_space<vmem>>) semaphore(%run_scoped3A : memref<!tpu.dma_semaphore, #tpu.memory_space<semaphore_mem>>) {add = true}
        %dma_wait3A_154 = arith.constant 0 : i32
        %dma_wait3A_155 = tpu.memref_slice %arg9[%mul3A_64, %dma_wait3A_154] : memref<126x80xi32, #tpu.memory_space<vmem>> -> memref<1x80xi32, #tpu.memory_space<vmem>>
        %dma_wait3A_156 = tpu.memref_squeeze %dma_wait3A_155 : memref<1x80xi32, #tpu.memory_space<vmem>> -> memref<80xi32, #tpu.memory_space<vmem>>
        %dma_wait3A_157 = arith.constant 0 : i32
        %dma_wait3A_158 = arith.constant 0 : i32
        %dma_wait3A_159 = tpu.memref_slice %arg7[%dma_wait3A_157, %dma_wait3A_158] : memref<10016x128xf32, #tpu.memory_space<vmem_shared>> -> memref<10016x128xf32, #tpu.memory_space<vmem_shared>>
        tpu.wait_indirect_dma semaphore(%run_scoped3A : memref<!tpu.dma_semaphore, #tpu.memory_space<semaphore_mem>>) src(%arg12 : memref<80x128xf32, #tpu.memory_space<vmem>>) dst(%dma_wait3A_159 : memref<10016x128xf32, #tpu.memory_space<vmem_shared>>)
        tpu.yield
      }) : () -> ()
      %add3A_137 = arith.constant 2 : i32
      %add3A_138 = arith.addi %mul3A_64, %add3A_137 : i32
      %lt3A = arith.constant 126 : i32
      %lt3A_139 = arith.cmpi slt, %add3A_138, %lt3A : i32
      %convert_element_type3A_140 = arith.extui %lt3A_139 : i1 to i32
      %cond3A_141 = arith.constant 0 : i32
      %cond3A_142 = arith.cmpi ne, %convert_element_type3A_140, %cond3A_141 : i32
      scf.if %cond3A_142 {
        %add3A_148 = arith.constant 2 : i32
        %add3A_149 = arith.addi %mul3A_64, %add3A_148 : i32
        %mul3A_150 = arith.constant 80 : i32
        %mul3A_151 = arith.muli %add3A_149, %mul3A_150 : i32
        %add3A_152 = arith.constant 0 : i32
        %add3A_153 = arith.addi %mul3A_151, %add3A_152 : i32
        %get3A_154 = arith.index_cast %add3A_153 : i32 to index
        %get3A_155 = tpu.vector_load %arg8[%get3A_154] {strides = array<i32>} : memref<10080xi32, #tpu.memory_space<vmem>>, vector<16xi32>,
        %get3A_156 = vector.shape_cast %get3A_155 : vector<16xi32> to vector<16xi32>
        %add3A_157 = vector.broadcast %mul3A_0 : i32 to vector<16xi32>
        %add3A_158 = arith.addi %get3A_156, %add3A_157 : vector<16xi32>
        %swap3A_159 = arith.constant 0 : index
        %swap3A_160 = tpu.vector_load %arg10[%swap3A_159] {strides = array<i32>} : memref<80xi32, #tpu.memory_space<vmem>>, vector<16xi32>,
        %swap3A_161 = vector.shape_cast %swap3A_160 : vector<16xi32> to vector<16xi32>
        %swap3A_162 = vector.shape_cast %add3A_158 : vector<16xi32> to vector<16xi32>
        tpu.vector_store %arg10[%swap3A_159], %swap3A_162 {strides = array<i32>} : memref<80xi32, #tpu.memory_space<vmem>>, vector<16xi32>,
        %mul3A_163 = arith.constant 80 : i32
        %mul3A_164 = arith.muli %add3A_149, %mul3A_163 : i32
        %add3A_165 = arith.constant 16 : i32
        %add3A_166 = arith.addi %mul3A_164, %add3A_165 : i32
        %get3A_167 = arith.index_cast %add3A_166 : i32 to index
        %get3A_168 = tpu.vector_load %arg8[%get3A_167] {strides = array<i32>} : memref<10080xi32, #tpu.memory_space<vmem>>, vector<16xi32>,
        %get3A_169 = vector.shape_cast %get3A_168 : vector<16xi32> to vector<16xi32>
        %add3A_170 = vector.broadcast %mul3A_0 : i32 to vector<16xi32>
        %add3A_171 = arith.addi %get3A_169, %add3A_170 : vector<16xi32>
        %swap3A_172 = arith.constant 16 : index
        %swap3A_173 = tpu.vector_load %arg10[%swap3A_172] {strides = array<i32>} : memref<80xi32, #tpu.memory_space<vmem>>, vector<16xi32>,
        %swap3A_174 = vector.shape_cast %swap3A_173 : vector<16xi32> to vector<16xi32>
        %swap3A_175 = vector.shape_cast %add3A_171 : vector<16xi32> to vector<16xi32>
        tpu.vector_store %arg10[%swap3A_172], %swap3A_175 {strides = array<i32>} : memref<80xi32, #tpu.memory_space<vmem>>, vector<16xi32>,
        %mul3A_176 = arith.constant 80 : i32
        %mul3A_177 = arith.muli %add3A_149, %mul3A_176 : i32
        %add3A_178 = arith.constant 32 : i32
        %add3A_179 = arith.addi %mul3A_177, %add3A_178 : i32
        %get3A_180 = arith.index_cast %add3A_179 : i32 to index
        %get3A_181 = tpu.vector_load %arg8[%get3A_180] {strides = array<i32>} : memref<10080xi32, #tpu.memory_space<vmem>>, vector<16xi32>,
        %get3A_182 = vector.shape_cast %get3A_181 : vector<16xi32> to vector<16xi32>
        %add3A_183 = vector.broadcast %mul3A_0 : i32 to vector<16xi32>
        %add3A_184 = arith.addi %get3A_182, %add3A_183 : vector<16xi32>
        %swap3A_185 = arith.constant 32 : index
        %swap3A_186 = tpu.vector_load %arg10[%swap3A_185] {strides = array<i32>} : memref<80xi32, #tpu.memory_space<vmem>>, vector<16xi32>,
        %swap3A_187 = vector.shape_cast %swap3A_186 : vector<16xi32> to vector<16xi32>
        %swap3A_188 = vector.shape_cast %add3A_184 : vector<16xi32> to vector<16xi32>
        tpu.vector_store %arg10[%swap3A_185], %swap3A_188 {strides = array<i32>} : memref<80xi32, #tpu.memory_space<vmem>>, vector<16xi32>,
        %mul3A_189 = arith.constant 80 : i32
        %mul3A_190 = arith.muli %add3A_149, %mul3A_189 : i32
        %add3A_191 = arith.constant 48 : i32
        %add3A_192 = arith.addi %mul3A_190, %add3A_191 : i32
        %get3A_193 = arith.index_cast %add3A_192 : i32 to index
        %get3A_194 = tpu.vector_load %arg8[%get3A_193] {strides = array<i32>} : memref<10080xi32, #tpu.memory_space<vmem>>, vector<16xi32>,
        %get3A_195 = vector.shape_cast %get3A_194 : vector<16xi32> to vector<16xi32>
        %add3A_196 = vector.broadcast %mul3A_0 : i32 to vector<16xi32>
        %add3A_197 = arith.addi %get3A_195, %add3A_196 : vector<16xi32>
        %swap3A_198 = arith.constant 48 : index
        %swap3A_199 = tpu.vector_load %arg10[%swap3A_198] {strides = array<i32>} : memref<80xi32, #tpu.memory_space<vmem>>, vector<16xi32>,
        %swap3A_200 = vector.shape_cast %swap3A_199 : vector<16xi32> to vector<16xi32>
        %swap3A_201 = vector.shape_cast %add3A_197 : vector<16xi32> to vector<16xi32>
        tpu.vector_store %arg10[%swap3A_198], %swap3A_201 {strides = array<i32>} : memref<80xi32, #tpu.memory_space<vmem>>, vector<16xi32>,
        %mul3A_202 = arith.constant 80 : i32
        %mul3A_203 = arith.muli %add3A_149, %mul3A_202 : i32
        %add3A_204 = arith.constant 64 : i32
        %add3A_205 = arith.addi %mul3A_203, %add3A_204 : i32
        %get3A_206 = arith.index_cast %add3A_205 : i32 to index
        %get3A_207 = tpu.vector_load %arg8[%get3A_206] {strides = array<i32>} : memref<10080xi32, #tpu.memory_space<vmem>>, vector<16xi32>,
        %get3A_208 = vector.shape_cast %get3A_207 : vector<16xi32> to vector<16xi32>
        %add3A_209 = vector.broadcast %mul3A_0 : i32 to vector<16xi32>
        %add3A_210 = arith.addi %get3A_208, %add3A_209 : vector<16xi32>
        %swap3A_211 = arith.constant 64 : index
        %swap3A_212 = tpu.vector_load %arg10[%swap3A_211] {strides = array<i32>} : memref<80xi32, #tpu.memory_space<vmem>>, vector<16xi32>,
        %swap3A_213 = vector.shape_cast %swap3A_212 : vector<16xi32> to vector<16xi32>
        %swap3A_214 = vector.shape_cast %add3A_210 : vector<16xi32> to vector<16xi32>
        tpu.vector_store %arg10[%swap3A_211], %swap3A_214 {strides = array<i32>} : memref<80xi32, #tpu.memory_space<vmem>>, vector<16xi32>,
        %dma_start3A_215 = arith.constant 0 : i32
        %dma_start3A_216 = arith.constant 0 : i32
        %dma_start3A_217 = tpu.memref_slice %arg2[%dma_start3A_215, %dma_start3A_216] : memref<20000x128xf32, #tpu.memory_space<hbm>> -> memref<20000x128xf32, #tpu.memory_space<hbm>>
        tpu.enqueue_indirect_dma source(%dma_start3A_217 : memref<20000x128xf32, #tpu.memory_space<hbm>>) target(%arg12 : memref<80x128xf32, #tpu.memory_space<vmem>>) offsets(%arg10 : memref<80xi32, #tpu.memory_space<vmem>>) semaphore(%arg14 : memref<!tpu.dma_semaphore, #tpu.memory_space<semaphore_mem>>)
      } else {
      }
      %dma_wait3A_143 = arith.constant 0 : i32
      %dma_wait3A_144 = arith.constant 0 : i32
      %dma_wait3A_145 = tpu.memref_slice %arg2[%dma_wait3A_143, %dma_wait3A_144] : memref<20000x128xf32, #tpu.memory_space<hbm>> -> memref<20000x128xf32, #tpu.memory_space<hbm>>
      tpu.wait_indirect_dma semaphore(%arg15 : memref<!tpu.dma_semaphore, #tpu.memory_space<semaphore_mem>>) src(%dma_wait3A_145 : memref<20000x128xf32, #tpu.memory_space<hbm>>) dst(%arg13 : memref<80x128xf32, #tpu.memory_space<vmem>>)
      %add3A_146 = arith.constant 1 : i32
      %add3A_147 = arith.addi %mul3A_64, %add3A_146 : i32
      "tpu.region"() ({
        %run_scoped3A = tpu.sem_alloc : memref<!tpu.dma_semaphore, #tpu.memory_space<semaphore_mem>>
        %dma_start3A_148 = arith.constant 0 : i32
        %dma_start3A_149 = tpu.memref_slice %arg9[%add3A_147, %dma_start3A_148] : memref<126x80xi32, #tpu.memory_space<vmem>> -> memref<1x80xi32, #tpu.memory_space<vmem>>
        %dma_start3A_150 = tpu.memref_squeeze %dma_start3A_149 : memref<1x80xi32, #tpu.memory_space<vmem>> -> memref<80xi32, #tpu.memory_space<vmem>>
        %dma_start3A_151 = arith.constant 0 : i32
        %dma_start3A_152 = arith.constant 0 : i32
        %dma_start3A_153 = tpu.memref_slice %arg7[%dma_start3A_151, %dma_start3A_152] : memref<10016x128xf32, #tpu.memory_space<vmem_shared>> -> memref<10016x128xf32, #tpu.memory_space<vmem_shared>>
        tpu.enqueue_indirect_dma source(%arg13 : memref<80x128xf32, #tpu.memory_space<vmem>>) target(%dma_start3A_153 : memref<10016x128xf32, #tpu.memory_space<vmem_shared>>) offsets(%dma_start3A_150 : memref<80xi32, #tpu.memory_space<vmem>>) semaphore(%run_scoped3A : memref<!tpu.dma_semaphore, #tpu.memory_space<semaphore_mem>>) {add = true}
        %dma_wait3A_154 = arith.constant 0 : i32
        %dma_wait3A_155 = tpu.memref_slice %arg9[%add3A_147, %dma_wait3A_154] : memref<126x80xi32, #tpu.memory_space<vmem>> -> memref<1x80xi32, #tpu.memory_space<vmem>>
        %dma_wait3A_156 = tpu.memref_squeeze %dma_wait3A_155 : memref<1x80xi32, #tpu.memory_space<vmem>> -> memref<80xi32, #tpu.memory_space<vmem>>
        %dma_wait3A_157 = arith.constant 0 : i32
        %dma_wait3A_158 = arith.constant 0 : i32
        %dma_wait3A_159 = tpu.memref_slice %arg7[%dma_wait3A_157, %dma_wait3A_158] : memref<10016x128xf32, #tpu.memory_space<vmem_shared>> -> memref<10016x128xf32, #tpu.memory_space<vmem_shared>>
        tpu.wait_indirect_dma semaphore(%run_scoped3A : memref<!tpu.dma_semaphore, #tpu.memory_space<semaphore_mem>>) src(%arg13 : memref<80x128xf32, #tpu.memory_space<vmem>>) dst(%dma_wait3A_159 : memref<10016x128xf32, #tpu.memory_space<vmem_shared>>)
        tpu.yield
      }) : () -> ()
    }
    %scan3A_54 = arith.constant 63 : i32
    %barrier3A_55 = arith.constant 0 : index
    tpu.barrier barrier_id(%barrier3A_55)
    %add3A_56 = arith.addi %mul3A_0, %mul3A_2 : i32
    "tpu.region"() ({
      %run_scoped3A = tpu.sem_alloc : memref<!tpu.dma_semaphore, #tpu.memory_space<semaphore_mem>>
      %dma_start3A_62 = arith.constant 0 : i32
      %dma_start3A_63 = tpu.memref_slice %arg6[%add3A_56, %dma_start3A_62] : memref<20000x128xf32, #tpu.memory_space<hbm>> -> memref<624x128xf32, #tpu.memory_space<hbm>>
      %dma_start3A_64 = arith.constant 0 : i32
      %dma_start3A_65 = tpu.memref_slice %arg7[%mul3A_2, %dma_start3A_64] : memref<10016x128xf32, #tpu.memory_space<vmem_shared>> -> memref<624x128xf32, #tpu.memory_space<vmem_shared>>
      tpu.enqueue_dma source(%dma_start3A_65 : memref<624x128xf32, #tpu.memory_space<vmem_shared>>) target(%dma_start3A_63 : memref<624x128xf32, #tpu.memory_space<hbm>>) target_semaphore(%run_scoped3A : memref<!tpu.dma_semaphore, #tpu.memory_space<semaphore_mem>>)
      %dma_wait3A = arith.constant 0 : i32
      %dma_wait3A_66 = tpu.memref_slice %arg6[%add3A_56, %dma_wait3A] : memref<20000x128xf32, #tpu.memory_space<hbm>> -> memref<624x128xf32, #tpu.memory_space<hbm>>
      %dma_wait3A_67 = arith.constant 0 : i32
      %dma_wait3A_68 = tpu.memref_slice %arg7[%mul3A_2, %dma_wait3A_67] : memref<10016x128xf32, #tpu.memory_space<vmem_shared>> -> memref<624x128xf32, #tpu.memory_space<vmem_shared>>
      tpu.wait_dma2 semaphore(%run_scoped3A : memref<!tpu.dma_semaphore, #tpu.memory_space<semaphore_mem>>) src(%dma_wait3A_68 : memref<624x128xf32, #tpu.memory_space<vmem_shared>>) dst(%dma_wait3A_66 : memref<624x128xf32, #tpu.memory_space<hbm>>)
      tpu.yield
    }) : () -> ()
    %eq3A_57 = arith.constant 15 : i32
    %eq3A_58 = arith.cmpi eq, %arg1, %eq3A_57 : i32
    %convert_element_type3A_59 = arith.extui %eq3A_58 : i1 to i32
    %cond3A_60 = arith.constant 0 : i32
    %cond3A_61 = arith.cmpi ne, %convert_element_type3A_59, %cond3A_60 : i32
    scf.if %cond3A_61 {
      %add3A_62 = arith.constant 9984 : i32
      %add3A_63 = arith.addi %mul3A_0, %add3A_62 : i32
      "tpu.region"() ({
        %run_scoped3A = tpu.sem_alloc : memref<!tpu.dma_semaphore, #tpu.memory_space<semaphore_mem>>
        %dma_start3A_64 = arith.constant 0 : i32
        %dma_start3A_65 = tpu.memref_slice %arg6[%add3A_63, %dma_start3A_64] : memref<20000x128xf32, #tpu.memory_space<hbm>> -> memref<16x128xf32, #tpu.memory_space<hbm>>
        %dma_start3A_66 = arith.constant 9984 : i32
        %dma_start3A_67 = arith.constant 0 : i32
        %dma_start3A_68 = tpu.memref_slice %arg7[%dma_start3A_66, %dma_start3A_67] : memref<10016x128xf32, #tpu.memory_space<vmem_shared>> -> memref<16x128xf32, #tpu.memory_space<vmem_shared>>
        tpu.enqueue_dma source(%dma_start3A_68 : memref<16x128xf32, #tpu.memory_space<vmem_shared>>) target(%dma_start3A_65 : memref<16x128xf32, #tpu.memory_space<hbm>>) target_semaphore(%run_scoped3A : memref<!tpu.dma_semaphore, #tpu.memory_space<semaphore_mem>>)
        %dma_wait3A = arith.constant 0 : i32
        %dma_wait3A_69 = tpu.memref_slice %arg6[%add3A_63, %dma_wait3A] : memref<20000x128xf32, #tpu.memory_space<hbm>> -> memref<16x128xf32, #tpu.memory_space<hbm>>
        %dma_wait3A_70 = arith.constant 9984 : i32
        %dma_wait3A_71 = arith.constant 0 : i32
        %dma_wait3A_72 = tpu.memref_slice %arg7[%dma_wait3A_70, %dma_wait3A_71] : memref<10016x128xf32, #tpu.memory_space<vmem_shared>> -> memref<16x128xf32, #tpu.memory_space<vmem_shared>>
        tpu.wait_dma2 semaphore(%run_scoped3A : memref<!tpu.dma_semaphore, #tpu.memory_space<semaphore_mem>>) src(%dma_wait3A_72 : memref<16x128xf32, #tpu.memory_space<vmem_shared>>) dst(%dma_wait3A_69 : memref<16x128xf32, #tpu.memory_space<hbm>>)
        tpu.yield
      }) : () -> ()
    } else {
    }
    return
  }
}

#map = affine_map<(d0, d1) -> (0, 0)>
#map1 = affine_map<(d0, d1) -> (0, 0, 0)>
module attributes {stable_mosaic.version = 14 : i64} {
  func.func @k(%arg0: i32, %arg1: i32, %arg2: memref<20000x128xf32, #tpu.memory_space<hbm>>, %arg3: memref<20000x128xf32, #tpu.memory_space<hbm>>, %arg4: memref<16x10080xi32, #tpu.memory_space<hbm>>, %arg5: memref<16x126x80xi32, #tpu.memory_space<hbm>>, %arg6: memref<20000x128xf32, #tpu.memory_space<hbm>>, %arg7: memref<10016x128xf32, #tpu.memory_space<vmem_shared>>, %arg8: memref<10080xi32, #tpu.memory_space<vmem>>, %arg9: memref<126x80xi32, #tpu.memory_space<vmem>>, %arg10: memref<80xi32, #tpu.memory_space<vmem>>, %arg11: memref<80xi32, #tpu.memory_space<vmem>>, %arg12: memref<80x128xf32, #tpu.memory_space<vmem>>, %arg13: memref<80x128xf32, #tpu.memory_space<vmem>>, %arg14: memref<!tpu.dma_semaphore, #tpu.memory_space<semaphore_mem>>, %arg15: memref<!tpu.dma_semaphore, #tpu.memory_space<semaphore_mem>>) attributes {dimension_semantics = [#tpu.dimension_semantics<core_parallel>, #tpu.dimension_semantics<subcore_parallel>], iteration_bounds = array<i64: 2, 16>, scalar_prefetch = 0 : i64, scratch_operands = 9 : i64, tpu.core_type = #tpu.core_type<sc_vector_subcore>, window_params = [{transform_indices = #map}, {transform_indices = #map}, {transform_indices = #map}, {transform_indices = #map1}, {transform_indices = #map}]} {
    %mul3A = arith.constant 10000 : i32
    %mul3A_0 = arith.muli %arg0, %mul3A : i32
    %mul3A_1 = arith.constant 624 : i32
    %mul3A_2 = arith.muli %arg1, %mul3A_1 : i32
    %add3A = arith.addi %mul3A_0, %mul3A_2 : i32
    "tpu.region"() ({
      %run_scoped3A = tpu.sem_alloc : memref<!tpu.dma_semaphore, #tpu.memory_space<semaphore_mem>>
      %dma_start3A_62 = arith.constant 0 : i32
      %dma_start3A_63 = tpu.memref_slice %arg7[%mul3A_2, %dma_start3A_62] : memref<10016x128xf32, #tpu.memory_space<vmem_shared>> -> memref<624x128xf32, #tpu.memory_space<vmem_shared>>
      %dma_start3A_64 = arith.constant 0 : i32
      %dma_start3A_65 = tpu.memref_slice %arg3[%add3A, %dma_start3A_64] : memref<20000x128xf32, #tpu.memory_space<hbm>> -> memref<624x128xf32, #tpu.memory_space<hbm>>
      tpu.enqueue_dma source(%dma_start3A_65 : memref<624x128xf32, #tpu.memory_space<hbm>>) target(%dma_start3A_63 : memref<624x128xf32, #tpu.memory_space<vmem_shared>>) target_semaphore(%run_scoped3A : memref<!tpu.dma_semaphore, #tpu.memory_space<semaphore_mem>>)
      %dma_wait3A = arith.constant 0 : i32
      %dma_wait3A_66 = tpu.memref_slice %arg7[%mul3A_2, %dma_wait3A] : memref<10016x128xf32, #tpu.memory_space<vmem_shared>> -> memref<624x128xf32, #tpu.memory_space<vmem_shared>>
      %dma_wait3A_67 = arith.constant 0 : i32
      %dma_wait3A_68 = tpu.memref_slice %arg3[%add3A, %dma_wait3A_67] : memref<20000x128xf32, #tpu.memory_space<hbm>> -> memref<624x128xf32, #tpu.memory_space<hbm>>
      tpu.wait_dma2 semaphore(%run_scoped3A : memref<!tpu.dma_semaphore, #tpu.memory_space<semaphore_mem>>) src(%dma_wait3A_68 : memref<624x128xf32, #tpu.memory_space<hbm>>) dst(%dma_wait3A_66 : memref<624x128xf32, #tpu.memory_space<vmem_shared>>)
      tpu.yield
    }) : () -> ()
    %eq3A = arith.constant 15 : i32
    %eq3A_3 = arith.cmpi eq, %arg1, %eq3A : i32
    %convert_element_type3A = arith.extui %eq3A_3 : i1 to i32
    %cond3A = arith.constant 0 : i32
    %cond3A_4 = arith.cmpi ne, %convert_element_type3A, %cond3A : i32
    scf.if %cond3A_4 {
      %add3A_62 = arith.constant 9984 : i32
      %add3A_63 = arith.addi %add3A_62, %mul3A_0 : i32
      "tpu.region"() ({
        %run_scoped3A = tpu.sem_alloc : memref<!tpu.dma_semaphore, #tpu.memory_space<semaphore_mem>>
        %dma_start3A_64 = arith.constant 9984 : i32
        %dma_start3A_65 = arith.constant 0 : i32
        %dma_start3A_66 = tpu.memref_slice %arg7[%dma_start3A_64, %dma_start3A_65] : memref<10016x128xf32, #tpu.memory_space<vmem_shared>> -> memref<16x128xf32, #tpu.memory_space<vmem_shared>>
        %dma_start3A_67 = arith.constant 0 : i32
        %dma_start3A_68 = tpu.memref_slice %arg3[%add3A_63, %dma_start3A_67] : memref<20000x128xf32, #tpu.memory_space<hbm>> -> memref<16x128xf32, #tpu.memory_space<hbm>>
        tpu.enqueue_dma source(%dma_start3A_68 : memref<16x128xf32, #tpu.memory_space<hbm>>) target(%dma_start3A_66 : memref<16x128xf32, #tpu.memory_space<vmem_shared>>) target_semaphore(%run_scoped3A : memref<!tpu.dma_semaphore, #tpu.memory_space<semaphore_mem>>)
        %dma_wait3A = arith.constant 9984 : i32
        %dma_wait3A_69 = arith.constant 0 : i32
        %dma_wait3A_70 = tpu.memref_slice %arg7[%dma_wait3A, %dma_wait3A_69] : memref<10016x128xf32, #tpu.memory_space<vmem_shared>> -> memref<16x128xf32, #tpu.memory_space<vmem_shared>>
        %dma_wait3A_71 = arith.constant 0 : i32
        %dma_wait3A_72 = tpu.memref_slice %arg3[%add3A_63, %dma_wait3A_71] : memref<20000x128xf32, #tpu.memory_space<hbm>> -> memref<16x128xf32, #tpu.memory_space<hbm>>
        tpu.wait_dma2 semaphore(%run_scoped3A : memref<!tpu.dma_semaphore, #tpu.memory_space<semaphore_mem>>) src(%dma_wait3A_72 : memref<16x128xf32, #tpu.memory_space<hbm>>) dst(%dma_wait3A_70 : memref<16x128xf32, #tpu.memory_space<vmem_shared>>)
        tpu.yield
      }) : () -> ()
    } else {
    }
    "tpu.region"() ({
      %run_scoped3A = tpu.sem_alloc : memref<!tpu.dma_semaphore, #tpu.memory_space<semaphore_mem>>
      %dma_start3A_62 = arith.constant 0 : i32
      %dma_start3A_63 = tpu.memref_slice %arg4[%arg1, %dma_start3A_62] : memref<16x10080xi32, #tpu.memory_space<hbm>> -> memref<1x10080xi32, #tpu.memory_space<hbm>>
      %dma_start3A_64 = tpu.memref_squeeze %dma_start3A_63 : memref<1x10080xi32, #tpu.memory_space<hbm>> -> memref<10080xi32, #tpu.memory_space<hbm>>
      %dma_start3A_65 = arith.constant 0 : i32
      %dma_start3A_66 = tpu.memref_slice %arg4[%arg1, %dma_start3A_65] : memref<16x10080xi32, #tpu.memory_space<hbm>> -> memref<1x10080xi32, #tpu.memory_space<hbm>>
      %dma_start3A_67 = tpu.memref_squeeze %dma_start3A_66 : memref<1x10080xi32, #tpu.memory_space<hbm>> -> memref<10080xi32, #tpu.memory_space<hbm>>
      tpu.enqueue_dma source(%dma_start3A_67 : memref<10080xi32, #tpu.memory_space<hbm>>) target(%arg8 : memref<10080xi32, #tpu.memory_space<vmem>>) target_semaphore(%run_scoped3A : memref<!tpu.dma_semaphore, #tpu.memory_space<semaphore_mem>>)
      %dma_wait3A = arith.constant 0 : i32
      %dma_wait3A_68 = tpu.memref_slice %arg4[%arg1, %dma_wait3A] : memref<16x10080xi32, #tpu.memory_space<hbm>> -> memref<1x10080xi32, #tpu.memory_space<hbm>>
      %dma_wait3A_69 = tpu.memref_squeeze %dma_wait3A_68 : memref<1x10080xi32, #tpu.memory_space<hbm>> -> memref<10080xi32, #tpu.memory_space<hbm>>
      %dma_wait3A_70 = arith.constant 0 : i32
      %dma_wait3A_71 = tpu.memref_slice %arg4[%arg1, %dma_wait3A_70] : memref<16x10080xi32, #tpu.memory_space<hbm>> -> memref<1x10080xi32, #tpu.memory_space<hbm>>
      %dma_wait3A_72 = tpu.memref_squeeze %dma_wait3A_71 : memref<1x10080xi32, #tpu.memory_space<hbm>> -> memref<10080xi32, #tpu.memory_space<hbm>>
      tpu.wait_dma2 semaphore(%run_scoped3A : memref<!tpu.dma_semaphore, #tpu.memory_space<semaphore_mem>>) src(%dma_wait3A_72 : memref<10080xi32, #tpu.memory_space<hbm>>) dst(%arg8 : memref<10080xi32, #tpu.memory_space<vmem>>)
      tpu.yield
    }) : () -> ()
    "tpu.region"() ({
      %run_scoped3A = tpu.sem_alloc : memref<!tpu.dma_semaphore, #tpu.memory_space<semaphore_mem>>
      %dma_start3A_62 = arith.constant 0 : i32
      %dma_start3A_63 = arith.constant 0 : i32
      %dma_start3A_64 = tpu.memref_slice %arg5[%arg1, %dma_start3A_62, %dma_start3A_63] : memref<16x126x80xi32, #tpu.memory_space<hbm>> -> memref<1x126x80xi32, #tpu.memory_space<hbm>>
      %dma_start3A_65 = tpu.memref_squeeze %dma_start3A_64 : memref<1x126x80xi32, #tpu.memory_space<hbm>> -> memref<126x80xi32, #tpu.memory_space<hbm>>
      %dma_start3A_66 = arith.constant 0 : i32
      %dma_start3A_67 = arith.constant 0 : i32
      %dma_start3A_68 = tpu.memref_slice %arg5[%arg1, %dma_start3A_66, %dma_start3A_67] : memref<16x126x80xi32, #tpu.memory_space<hbm>> -> memref<1x126x80xi32, #tpu.memory_space<hbm>>
      %dma_start3A_69 = tpu.memref_squeeze %dma_start3A_68 : memref<1x126x80xi32, #tpu.memory_space<hbm>> -> memref<126x80xi32, #tpu.memory_space<hbm>>
      tpu.enqueue_dma source(%dma_start3A_69 : memref<126x80xi32, #tpu.memory_space<hbm>>) target(%arg9 : memref<126x80xi32, #tpu.memory_space<vmem>>) target_semaphore(%run_scoped3A : memref<!tpu.dma_semaphore, #tpu.memory_space<semaphore_mem>>)
      %dma_wait3A = arith.constant 0 : i32
      %dma_wait3A_70 = arith.constant 0 : i32
      %dma_wait3A_71 = tpu.memref_slice %arg5[%arg1, %dma_wait3A, %dma_wait3A_70] : memref<16x126x80xi32, #tpu.memory_space<hbm>> -> memref<1x126x80xi32, #tpu.memory_space<hbm>>
      %dma_wait3A_72 = tpu.memref_squeeze %dma_wait3A_71 : memref<1x126x80xi32, #tpu.memory_space<hbm>> -> memref<126x80xi32, #tpu.memory_space<hbm>>
      %dma_wait3A_73 = arith.constant 0 : i32
      %dma_wait3A_74 = arith.constant 0 : i32
      %dma_wait3A_75 = tpu.memref_slice %arg5[%arg1, %dma_wait3A_73, %dma_wait3A_74] : memref<16x126x80xi32, #tpu.memory_space<hbm>> -> memref<1x126x80xi32, #tpu.memory_space<hbm>>
      %dma_wait3A_76 = tpu.memref_squeeze %dma_wait3A_75 : memref<1x126x80xi32, #tpu.memory_space<hbm>> -> memref<126x80xi32, #tpu.memory_space<hbm>>
      tpu.wait_dma2 semaphore(%run_scoped3A : memref<!tpu.dma_semaphore, #tpu.memory_space<semaphore_mem>>) src(%dma_wait3A_76 : memref<126x80xi32, #tpu.memory_space<hbm>>) dst(%arg9 : memref<126x80xi32, #tpu.memory_space<vmem>>)
      tpu.yield
    }) : () -> ()
    %barrier3A = arith.constant 0 : index
    tpu.barrier barrier_id(%barrier3A)
    %get3A = arith.constant 0 : index
    %get3A_5 = tpu.vector_load %arg8[%get3A] {strides = array<i32>} : memref<10080xi32, #tpu.memory_space<vmem>>, vector<16xi32>,
    %get3A_6 = vector.shape_cast %get3A_5 : vector<16xi32> to vector<16xi32>
    %add3A_7 = vector.broadcast %mul3A_0 : i32 to vector<16xi32>
    %add3A_8 = arith.addi %get3A_6, %add3A_7 : vector<16xi32>
    %swap3A = arith.constant 0 : index
    %swap3A_9 = tpu.vector_load %arg10[%swap3A] {strides = array<i32>} : memref<80xi32, #tpu.memory_space<vmem>>, vector<16xi32>,
    %swap3A_10 = vector.shape_cast %swap3A_9 : vector<16xi32> to vector<16xi32>
    %swap3A_11 = vector.shape_cast %add3A_8 : vector<16xi32> to vector<16xi32>
    tpu.vector_store %arg10[%swap3A], %swap3A_11 {strides = array<i32>} : memref<80xi32, #tpu.memory_space<vmem>>, vector<16xi32>,
    %get3A_12 = arith.constant 16 : index
    %get3A_13 = tpu.vector_load %arg8[%get3A_12] {strides = array<i32>} : memref<10080xi32, #tpu.memory_space<vmem>>, vector<16xi32>,
    %get3A_14 = vector.shape_cast %get3A_13 : vector<16xi32> to vector<16xi32>
    %add3A_15 = vector.broadcast %mul3A_0 : i32 to vector<16xi32>
    %add3A_16 = arith.addi %get3A_14, %add3A_15 : vector<16xi32>
    %swap3A_17 = arith.constant 16 : index
    %swap3A_18 = tpu.vector_load %arg10[%swap3A_17] {strides = array<i32>} : memref<80xi32, #tpu.memory_space<vmem>>, vector<16xi32>,
    %swap3A_19 = vector.shape_cast %swap3A_18 : vector<16xi32> to vector<16xi32>
    %swap3A_20 = vector.shape_cast %add3A_16 : vector<16xi32> to vector<16xi32>
    tpu.vector_store %arg10[%swap3A_17], %swap3A_20 {strides = array<i32>} : memref<80xi32, #tpu.memory_space<vmem>>, vector<16xi32>,
    %get3A_21 = arith.constant 32 : index
    %get3A_22 = tpu.vector_load %arg8[%get3A_21] {strides = array<i32>} : memref<10080xi32, #tpu.memory_space<vmem>>, vector<16xi32>,
    %get3A_23 = vector.shape_cast %get3A_22 : vector<16xi32> to vector<16xi32>
    %add3A_24 = vector.broadcast %mul3A_0 : i32 to vector<16xi32>
    %add3A_25 = arith.addi %get3A_23, %add3A_24 : vector<16xi32>
    %swap3A_26 = arith.constant 32 : index
    %swap3A_27 = tpu.vector_load %arg10[%swap3A_26] {strides = array<i32>} : memref<80xi32, #tpu.memory_space<vmem>>, vector<16xi32>,
    %swap3A_28 = vector.shape_cast %swap3A_27 : vector<16xi32> to vector<16xi32>
    %swap3A_29 = vector.shape_cast %add3A_25 : vector<16xi32> to vector<16xi32>
    tpu.vector_store %arg10[%swap3A_26], %swap3A_29 {strides = array<i32>} : memref<80xi32, #tpu.memory_space<vmem>>, vector<16xi32>,
    %get3A_30 = arith.constant 48 : index
    %get3A_31 = tpu.vector_load %arg8[%get3A_30] {strides = array<i32>} : memref<10080xi32, #tpu.memory_space<vmem>>, vector<16xi32>,
    %get3A_32 = vector.shape_cast %get3A_31 : vector<16xi32> to vector<16xi32>
    %add3A_33 = vector.broadcast %mul3A_0 : i32 to vector<16xi32>
    %add3A_34 = arith.addi %get3A_32, %add3A_33 : vector<16xi32>
    %swap3A_35 = arith.constant 48 : index
    %swap3A_36 = tpu.vector_load %arg10[%swap3A_35] {strides = array<i32>} : memref<80xi32, #tpu.memory_space<vmem>>, vector<16xi32>,
    %swap3A_37 = vector.shape_cast %swap3A_36 : vector<16xi32> to vector<16xi32>
    %swap3A_38 = vector.shape_cast %add3A_34 : vector<16xi32> to vector<16xi32>
    tpu.vector_store %arg10[%swap3A_35], %swap3A_38 {strides = array<i32>} : memref<80xi32, #tpu.memory_space<vmem>>, vector<16xi32>,
    %get3A_39 = arith.constant 64 : index
    %get3A_40 = tpu.vector_load %arg8[%get3A_39] {strides = array<i32>} : memref<10080xi32, #tpu.memory_space<vmem>>, vector<16xi32>,
    %get3A_41 = vector.shape_cast %get3A_40 : vector<16xi32> to vector<16xi32>
    %add3A_42 = vector.broadcast %mul3A_0 : i32 to vector<16xi32>
    %add3A_43 = arith.addi %get3A_41, %add3A_42 : vector<16xi32>
    %swap3A_44 = arith.constant 64 : index
    %swap3A_45 = tpu.vector_load %arg10[%swap3A_44] {strides = array<i32>} : memref<80xi32, #tpu.memory_space<vmem>>, vector<16xi32>,
    %swap3A_46 = vector.shape_cast %swap3A_45 : vector<16xi32> to vector<16xi32>
    %swap3A_47 = vector.shape_cast %add3A_43 : vector<16xi32> to vector<16xi32>
    tpu.vector_store %arg10[%swap3A_44], %swap3A_47 {strides = array<i32>} : memref<80xi32, #tpu.memory_space<vmem>>, vector<16xi32>,
    %dma_start3A = arith.constant 0 : i32
    %dma_start3A_48 = arith.constant 0 : i32
    %dma_start3A_49 = tpu.memref_slice %arg2[%dma_start3A, %dma_start3A_48] : memref<20000x128xf32, #tpu.memory_space<hbm>> -> memref<20000x128xf32, #tpu.memory_space<hbm>>
    tpu.enqueue_indirect_dma source(%dma_start3A_49 : memref<20000x128xf32, #tpu.memory_space<hbm>>) target(%arg12 : memref<80x128xf32, #tpu.memory_space<vmem>>) offsets(%arg10 : memref<80xi32, #tpu.memory_space<vmem>>) semaphore(%arg14 : memref<!tpu.dma_semaphore, #tpu.memory_space<semaphore_mem>>)
    %scan3A = arith.constant 0 : i32
    %scan3A_50 = arith.constant 0 : i32
    %scan3A_51 = arith.constant 63 : i32
    %scan3A_52 = arith.addi %scan3A_50, %scan3A_51 : i32
    %scan3A_53 = arith.constant 1 : i32
    scf.for %scan3A_62 = %scan3A_50 to %scan3A_52 step %scan3A_53  : i32 {
      %mul3A_63 = arith.constant 2 : i32
      %mul3A_64 = arith.muli %mul3A_63, %scan3A_62 : i32
      %add3A_65 = arith.constant 1 : i32
      %add3A_66 = arith.addi %mul3A_64, %add3A_65 : i32
      %mul3A_67 = arith.constant 80 : i32
      %mul3A_68 = arith.muli %add3A_66, %mul3A_67 : i32
      %add3A_69 = arith.constant 0 : i32
      %add3A_70 = arith.addi %mul3A_68, %add3A_69 : i32
      %get3A_71 = arith.index_cast %add3A_70 : i32 to index
      %get3A_72 = tpu.vector_load %arg8[%get3A_71] {strides = array<i32>} : memref<10080xi32, #tpu.memory_space<vmem>>, vector<16xi32>,
      %get3A_73 = vector.shape_cast %get3A_72 : vector<16xi32> to vector<16xi32>
      %add3A_74 = vector.broadcast %mul3A_0 : i32 to vector<16xi32>
      %add3A_75 = arith.addi %get3A_73, %add3A_74 : vector<16xi32>
      %swap3A_76 = arith.constant 0 : index
      %swap3A_77 = tpu.vector_load %arg11[%swap3A_76] {strides = array<i32>} : memref<80xi32, #tpu.memory_space<vmem>>, vector<16xi32>,
      %swap3A_78 = vector.shape_cast %swap3A_77 : vector<16xi32> to vector<16xi32>
      %swap3A_79 = vector.shape_cast %add3A_75 : vector<16xi32> to vector<16xi32>
      tpu.vector_store %arg11[%swap3A_76], %swap3A_79 {strides = array<i32>} : memref<80xi32, #tpu.memory_space<vmem>>, vector<16xi32>,
      %mul3A_80 = arith.constant 80 : i32
      %mul3A_81 = arith.muli %add3A_66, %mul3A_80 : i32
      %add3A_82 = arith.constant 16 : i32
      %add3A_83 = arith.addi %mul3A_81, %add3A_82 : i32
      %get3A_84 = arith.index_cast %add3A_83 : i32 to index
      %get3A_85 = tpu.vector_load %arg8[%get3A_84] {strides = array<i32>} : memref<10080xi32, #tpu.memory_space<vmem>>, vector<16xi32>,
      %get3A_86 = vector.shape_cast %get3A_85 : vector<16xi32> to vector<16xi32>
      %add3A_87 = vector.broadcast %mul3A_0 : i32 to vector<16xi32>
      %add3A_88 = arith.addi %get3A_86, %add3A_87 : vector<16xi32>
      %swap3A_89 = arith.constant 16 : index
      %swap3A_90 = tpu.vector_load %arg11[%swap3A_89] {strides = array<i32>} : memref<80xi32, #tpu.memory_space<vmem>>, vector<16xi32>,
      %swap3A_91 = vector.shape_cast %swap3A_90 : vector<16xi32> to vector<16xi32>
      %swap3A_92 = vector.shape_cast %add3A_88 : vector<16xi32> to vector<16xi32>
      tpu.vector_store %arg11[%swap3A_89], %swap3A_92 {strides = array<i32>} : memref<80xi32, #tpu.memory_space<vmem>>, vector<16xi32>,
      %mul3A_93 = arith.constant 80 : i32
      %mul3A_94 = arith.muli %add3A_66, %mul3A_93 : i32
      %add3A_95 = arith.constant 32 : i32
      %add3A_96 = arith.addi %mul3A_94, %add3A_95 : i32
      %get3A_97 = arith.index_cast %add3A_96 : i32 to index
      %get3A_98 = tpu.vector_load %arg8[%get3A_97] {strides = array<i32>} : memref<10080xi32, #tpu.memory_space<vmem>>, vector<16xi32>,
      %get3A_99 = vector.shape_cast %get3A_98 : vector<16xi32> to vector<16xi32>
      %add3A_100 = vector.broadcast %mul3A_0 : i32 to vector<16xi32>
      %add3A_101 = arith.addi %get3A_99, %add3A_100 : vector<16xi32>
      %swap3A_102 = arith.constant 32 : index
      %swap3A_103 = tpu.vector_load %arg11[%swap3A_102] {strides = array<i32>} : memref<80xi32, #tpu.memory_space<vmem>>, vector<16xi32>,
      %swap3A_104 = vector.shape_cast %swap3A_103 : vector<16xi32> to vector<16xi32>
      %swap3A_105 = vector.shape_cast %add3A_101 : vector<16xi32> to vector<16xi32>
      tpu.vector_store %arg11[%swap3A_102], %swap3A_105 {strides = array<i32>} : memref<80xi32, #tpu.memory_space<vmem>>, vector<16xi32>,
      %mul3A_106 = arith.constant 80 : i32
      %mul3A_107 = arith.muli %add3A_66, %mul3A_106 : i32
      %add3A_108 = arith.constant 48 : i32
      %add3A_109 = arith.addi %mul3A_107, %add3A_108 : i32
      %get3A_110 = arith.index_cast %add3A_109 : i32 to index
      %get3A_111 = tpu.vector_load %arg8[%get3A_110] {strides = array<i32>} : memref<10080xi32, #tpu.memory_space<vmem>>, vector<16xi32>,
      %get3A_112 = vector.shape_cast %get3A_111 : vector<16xi32> to vector<16xi32>
      %add3A_113 = vector.broadcast %mul3A_0 : i32 to vector<16xi32>
      %add3A_114 = arith.addi %get3A_112, %add3A_113 : vector<16xi32>
      %swap3A_115 = arith.constant 48 : index
      %swap3A_116 = tpu.vector_load %arg11[%swap3A_115] {strides = array<i32>} : memref<80xi32, #tpu.memory_space<vmem>>, vector<16xi32>,
      %swap3A_117 = vector.shape_cast %swap3A_116 : vector<16xi32> to vector<16xi32>
      %swap3A_118 = vector.shape_cast %add3A_114 : vector<16xi32> to vector<16xi32>
      tpu.vector_store %arg11[%swap3A_115], %swap3A_118 {strides = array<i32>} : memref<80xi32, #tpu.memory_space<vmem>>, vector<16xi32>,
      %mul3A_119 = arith.constant 80 : i32
      %mul3A_120 = arith.muli %add3A_66, %mul3A_119 : i32
      %add3A_121 = arith.constant 64 : i32
      %add3A_122 = arith.addi %mul3A_120, %add3A_121 : i32
      %get3A_123 = arith.index_cast %add3A_122 : i32 to index
      %get3A_124 = tpu.vector_load %arg8[%get3A_123] {strides = array<i32>} : memref<10080xi32, #tpu.memory_space<vmem>>, vector<16xi32>,
      %get3A_125 = vector.shape_cast %get3A_124 : vector<16xi32> to vector<16xi32>
      %add3A_126 = vector.broadcast %mul3A_0 : i32 to vector<16xi32>
      %add3A_127 = arith.addi %get3A_125, %add3A_126 : vector<16xi32>
      %swap3A_128 = arith.constant 64 : index
      %swap3A_129 = tpu.vector_load %arg11[%swap3A_128] {strides = array<i32>} : memref<80xi32, #tpu.memory_space<vmem>>, vector<16xi32>,
      %swap3A_130 = vector.shape_cast %swap3A_129 : vector<16xi32> to vector<16xi32>
      %swap3A_131 = vector.shape_cast %add3A_127 : vector<16xi32> to vector<16xi32>
      tpu.vector_store %arg11[%swap3A_128], %swap3A_131 {strides = array<i32>} : memref<80xi32, #tpu.memory_space<vmem>>, vector<16xi32>,
      %dma_start3A_132 = arith.constant 0 : i32
      %dma_start3A_133 = arith.constant 0 : i32
      %dma_start3A_134 = tpu.memref_slice %arg2[%dma_start3A_132, %dma_start3A_133] : memref<20000x128xf32, #tpu.memory_space<hbm>> -> memref<20000x128xf32, #tpu.memory_space<hbm>>
      tpu.enqueue_indirect_dma source(%dma_start3A_134 : memref<20000x128xf32, #tpu.memory_space<hbm>>) target(%arg13 : memref<80x128xf32, #tpu.memory_space<vmem>>) offsets(%arg11 : memref<80xi32, #tpu.memory_space<vmem>>) semaphore(%arg15 : memref<!tpu.dma_semaphore, #tpu.memory_space<semaphore_mem>>)
      %dma_wait3A = arith.constant 0 : i32
      %dma_wait3A_135 = arith.constant 0 : i32
      %dma_wait3A_136 = tpu.memref_slice %arg2[%dma_wait3A, %dma_wait3A_135] : memref<20000x128xf32, #tpu.memory_space<hbm>> -> memref<20000x128xf32, #tpu.memory_space<hbm>>
      tpu.wait_indirect_dma semaphore(%arg14 : memref<!tpu.dma_semaphore, #tpu.memory_space<semaphore_mem>>) src(%dma_wait3A_136 : memref<20000x128xf32, #tpu.memory_space<hbm>>) dst(%arg12 : memref<80x128xf32, #tpu.memory_space<vmem>>)
      "tpu.region"() ({
        %run_scoped3A = tpu.sem_alloc : memref<!tpu.dma_semaphore, #tpu.memory_space<semaphore_mem>>
        %dma_start3A_148 = arith.constant 0 : i32
        %dma_start3A_149 = tpu.memref_slice %arg9[%mul3A_64, %dma_start3A_148] : memref<126x80xi32, #tpu.memory_space<vmem>> -> memref<1x80xi32, #tpu.memory_space<vmem>>
        %dma_start3A_150 = tpu.memref_squeeze %dma_start3A_149 : memref<1x80xi32, #tpu.memory_space<vmem>> -> memref<80xi32, #tpu.memory_space<vmem>>
        %dma_start3A_151 = arith.constant 0 : i32
        %dma_start3A_152 = arith.constant 0 : i32
        %dma_start3A_153 = tpu.memref_slice %arg7[%dma_start3A_151, %dma_start3A_152] : memref<10016x128xf32, #tpu.memory_space<vmem_shared>> -> memref<10016x128xf32, #tpu.memory_space<vmem_shared>>
        tpu.enqueue_indirect_dma source(%arg12 : memref<80x128xf32, #tpu.memory_space<vmem>>) target(%dma_start3A_153 : memref<10016x128xf32, #tpu.memory_space<vmem_shared>>) offsets(%dma_start3A_150 : memref<80xi32, #tpu.memory_space<vmem>>) semaphore(%run_scoped3A : memref<!tpu.dma_semaphore, #tpu.memory_space<semaphore_mem>>) {add = true}
        %dma_wait3A_154 = arith.constant 0 : i32
        %dma_wait3A_155 = tpu.memref_slice %arg9[%mul3A_64, %dma_wait3A_154] : memref<126x80xi32, #tpu.memory_space<vmem>> -> memref<1x80xi32, #tpu.memory_space<vmem>>
        %dma_wait3A_156 = tpu.memref_squeeze %dma_wait3A_155 : memref<1x80xi32, #tpu.memory_space<vmem>> -> memref<80xi32, #tpu.memory_space<vmem>>
        %dma_wait3A_157 = arith.constant 0 : i32
        %dma_wait3A_158 = arith.constant 0 : i32
        %dma_wait3A_159 = tpu.memref_slice %arg7[%dma_wait3A_157, %dma_wait3A_158] : memref<10016x128xf32, #tpu.memory_space<vmem_shared>> -> memref<10016x128xf32, #tpu.memory_space<vmem_shared>>
        tpu.wait_indirect_dma semaphore(%run_scoped3A : memref<!tpu.dma_semaphore, #tpu.memory_space<semaphore_mem>>) src(%arg12 : memref<80x128xf32, #tpu.memory_space<vmem>>) dst(%dma_wait3A_159 : memref<10016x128xf32, #tpu.memory_space<vmem_shared>>)
        tpu.yield
      }) : () -> ()
      %add3A_137 = arith.constant 2 : i32
      %add3A_138 = arith.addi %mul3A_64, %add3A_137 : i32
      %lt3A = arith.constant 126 : i32
      %lt3A_139 = arith.cmpi slt, %add3A_138, %lt3A : i32
      %convert_element_type3A_140 = arith.extui %lt3A_139 : i1 to i32
      %cond3A_141 = arith.constant 0 : i32
      %cond3A_142 = arith.cmpi ne, %convert_element_type3A_140, %cond3A_141 : i32
      scf.if %cond3A_142 {
        %add3A_148 = arith.constant 2 : i32
        %add3A_149 = arith.addi %mul3A_64, %add3A_148 : i32
        %mul3A_150 = arith.constant 80 : i32
        %mul3A_151 = arith.muli %add3A_149, %mul3A_150 : i32
        %add3A_152 = arith.constant 0 : i32
        %add3A_153 = arith.addi %mul3A_151, %add3A_152 : i32
        %get3A_154 = arith.index_cast %add3A_153 : i32 to index
        %get3A_155 = tpu.vector_load %arg8[%get3A_154] {strides = array<i32>} : memref<10080xi32, #tpu.memory_space<vmem>>, vector<16xi32>,
        %get3A_156 = vector.shape_cast %get3A_155 : vector<16xi32> to vector<16xi32>
        %add3A_157 = vector.broadcast %mul3A_0 : i32 to vector<16xi32>
        %add3A_158 = arith.addi %get3A_156, %add3A_157 : vector<16xi32>
        %swap3A_159 = arith.constant 0 : index
        %swap3A_160 = tpu.vector_load %arg10[%swap3A_159] {strides = array<i32>} : memref<80xi32, #tpu.memory_space<vmem>>, vector<16xi32>,
        %swap3A_161 = vector.shape_cast %swap3A_160 : vector<16xi32> to vector<16xi32>
        %swap3A_162 = vector.shape_cast %add3A_158 : vector<16xi32> to vector<16xi32>
        tpu.vector_store %arg10[%swap3A_159], %swap3A_162 {strides = array<i32>} : memref<80xi32, #tpu.memory_space<vmem>>, vector<16xi32>,
        %mul3A_163 = arith.constant 80 : i32
        %mul3A_164 = arith.muli %add3A_149, %mul3A_163 : i32
        %add3A_165 = arith.constant 16 : i32
        %add3A_166 = arith.addi %mul3A_164, %add3A_165 : i32
        %get3A_167 = arith.index_cast %add3A_166 : i32 to index
        %get3A_168 = tpu.vector_load %arg8[%get3A_167] {strides = array<i32>} : memref<10080xi32, #tpu.memory_space<vmem>>, vector<16xi32>,
        %get3A_169 = vector.shape_cast %get3A_168 : vector<16xi32> to vector<16xi32>
        %add3A_170 = vector.broadcast %mul3A_0 : i32 to vector<16xi32>
        %add3A_171 = arith.addi %get3A_169, %add3A_170 : vector<16xi32>
        %swap3A_172 = arith.constant 16 : index
        %swap3A_173 = tpu.vector_load %arg10[%swap3A_172] {strides = array<i32>} : memref<80xi32, #tpu.memory_space<vmem>>, vector<16xi32>,
        %swap3A_174 = vector.shape_cast %swap3A_173 : vector<16xi32> to vector<16xi32>
        %swap3A_175 = vector.shape_cast %add3A_171 : vector<16xi32> to vector<16xi32>
        tpu.vector_store %arg10[%swap3A_172], %swap3A_175 {strides = array<i32>} : memref<80xi32, #tpu.memory_space<vmem>>, vector<16xi32>,
        %mul3A_176 = arith.constant 80 : i32
        %mul3A_177 = arith.muli %add3A_149, %mul3A_176 : i32
        %add3A_178 = arith.constant 32 : i32
        %add3A_179 = arith.addi %mul3A_177, %add3A_178 : i32
        %get3A_180 = arith.index_cast %add3A_179 : i32 to index
        %get3A_181 = tpu.vector_load %arg8[%get3A_180] {strides = array<i32>} : memref<10080xi32, #tpu.memory_space<vmem>>, vector<16xi32>,
        %get3A_182 = vector.shape_cast %get3A_181 : vector<16xi32> to vector<16xi32>
        %add3A_183 = vector.broadcast %mul3A_0 : i32 to vector<16xi32>
        %add3A_184 = arith.addi %get3A_182, %add3A_183 : vector<16xi32>
        %swap3A_185 = arith.constant 32 : index
        %swap3A_186 = tpu.vector_load %arg10[%swap3A_185] {strides = array<i32>} : memref<80xi32, #tpu.memory_space<vmem>>, vector<16xi32>,
        %swap3A_187 = vector.shape_cast %swap3A_186 : vector<16xi32> to vector<16xi32>
        %swap3A_188 = vector.shape_cast %add3A_184 : vector<16xi32> to vector<16xi32>
        tpu.vector_store %arg10[%swap3A_185], %swap3A_188 {strides = array<i32>} : memref<80xi32, #tpu.memory_space<vmem>>, vector<16xi32>,
        %mul3A_189 = arith.constant 80 : i32
        %mul3A_190 = arith.muli %add3A_149, %mul3A_189 : i32
        %add3A_191 = arith.constant 48 : i32
        %add3A_192 = arith.addi %mul3A_190, %add3A_191 : i32
        %get3A_193 = arith.index_cast %add3A_192 : i32 to index
        %get3A_194 = tpu.vector_load %arg8[%get3A_193] {strides = array<i32>} : memref<10080xi32, #tpu.memory_space<vmem>>, vector<16xi32>,
        %get3A_195 = vector.shape_cast %get3A_194 : vector<16xi32> to vector<16xi32>
        %add3A_196 = vector.broadcast %mul3A_0 : i32 to vector<16xi32>
        %add3A_197 = arith.addi %get3A_195, %add3A_196 : vector<16xi32>
        %swap3A_198 = arith.constant 48 : index
        %swap3A_199 = tpu.vector_load %arg10[%swap3A_198] {strides = array<i32>} : memref<80xi32, #tpu.memory_space<vmem>>, vector<16xi32>,
        %swap3A_200 = vector.shape_cast %swap3A_199 : vector<16xi32> to vector<16xi32>
        %swap3A_201 = vector.shape_cast %add3A_197 : vector<16xi32> to vector<16xi32>
        tpu.vector_store %arg10[%swap3A_198], %swap3A_201 {strides = array<i32>} : memref<80xi32, #tpu.memory_space<vmem>>, vector<16xi32>,
        %mul3A_202 = arith.constant 80 : i32
        %mul3A_203 = arith.muli %add3A_149, %mul3A_202 : i32
        %add3A_204 = arith.constant 64 : i32
        %add3A_205 = arith.addi %mul3A_203, %add3A_204 : i32
        %get3A_206 = arith.index_cast %add3A_205 : i32 to index
        %get3A_207 = tpu.vector_load %arg8[%get3A_206] {strides = array<i32>} : memref<10080xi32, #tpu.memory_space<vmem>>, vector<16xi32>,
        %get3A_208 = vector.shape_cast %get3A_207 : vector<16xi32> to vector<16xi32>
        %add3A_209 = vector.broadcast %mul3A_0 : i32 to vector<16xi32>
        %add3A_210 = arith.addi %get3A_208, %add3A_209 : vector<16xi32>
        %swap3A_211 = arith.constant 64 : index
        %swap3A_212 = tpu.vector_load %arg10[%swap3A_211] {strides = array<i32>} : memref<80xi32, #tpu.memory_space<vmem>>, vector<16xi32>,
        %swap3A_213 = vector.shape_cast %swap3A_212 : vector<16xi32> to vector<16xi32>
        %swap3A_214 = vector.shape_cast %add3A_210 : vector<16xi32> to vector<16xi32>
        tpu.vector_store %arg10[%swap3A_211], %swap3A_214 {strides = array<i32>} : memref<80xi32, #tpu.memory_space<vmem>>, vector<16xi32>,
        %dma_start3A_215 = arith.constant 0 : i32
        %dma_start3A_216 = arith.constant 0 : i32
        %dma_start3A_217 = tpu.memref_slice %arg2[%dma_start3A_215, %dma_start3A_216] : memref<20000x128xf32, #tpu.memory_space<hbm>> -> memref<20000x128xf32, #tpu.memory_space<hbm>>
        tpu.enqueue_indirect_dma source(%dma_start3A_217 : memref<20000x128xf32, #tpu.memory_space<hbm>>) target(%arg12 : memref<80x128xf32, #tpu.memory_space<vmem>>) offsets(%arg10 : memref<80xi32, #tpu.memory_space<vmem>>) semaphore(%arg14 : memref<!tpu.dma_semaphore, #tpu.memory_space<semaphore_mem>>)
      } else {
      }
      %dma_wait3A_143 = arith.constant 0 : i32
      %dma_wait3A_144 = arith.constant 0 : i32
      %dma_wait3A_145 = tpu.memref_slice %arg2[%dma_wait3A_143, %dma_wait3A_144] : memref<20000x128xf32, #tpu.memory_space<hbm>> -> memref<20000x128xf32, #tpu.memory_space<hbm>>
      tpu.wait_indirect_dma semaphore(%arg15 : memref<!tpu.dma_semaphore, #tpu.memory_space<semaphore_mem>>) src(%dma_wait3A_145 : memref<20000x128xf32, #tpu.memory_space<hbm>>) dst(%arg13 : memref<80x128xf32, #tpu.memory_space<vmem>>)
      %add3A_146 = arith.constant 1 : i32
      %add3A_147 = arith.addi %mul3A_64, %add3A_146 : i32
      "tpu.region"() ({
        %run_scoped3A = tpu.sem_alloc : memref<!tpu.dma_semaphore, #tpu.memory_space<semaphore_mem>>
        %dma_start3A_148 = arith.constant 0 : i32
        %dma_start3A_149 = tpu.memref_slice %arg9[%add3A_147, %dma_start3A_148] : memref<126x80xi32, #tpu.memory_space<vmem>> -> memref<1x80xi32, #tpu.memory_space<vmem>>
        %dma_start3A_150 = tpu.memref_squeeze %dma_start3A_149 : memref<1x80xi32, #tpu.memory_space<vmem>> -> memref<80xi32, #tpu.memory_space<vmem>>
        %dma_start3A_151 = arith.constant 0 : i32
        %dma_start3A_152 = arith.constant 0 : i32
        %dma_start3A_153 = tpu.memref_slice %arg7[%dma_start3A_151, %dma_start3A_152] : memref<10016x128xf32, #tpu.memory_space<vmem_shared>> -> memref<10016x128xf32, #tpu.memory_space<vmem_shared>>
        tpu.enqueue_indirect_dma source(%arg13 : memref<80x128xf32, #tpu.memory_space<vmem>>) target(%dma_start3A_153 : memref<10016x128xf32, #tpu.memory_space<vmem_shared>>) offsets(%dma_start3A_150 : memref<80xi32, #tpu.memory_space<vmem>>) semaphore(%run_scoped3A : memref<!tpu.dma_semaphore, #tpu.memory_space<semaphore_mem>>) {add = true}
        %dma_wait3A_154 = arith.constant 0 : i32
        %dma_wait3A_155 = tpu.memref_slice %arg9[%add3A_147, %dma_wait3A_154] : memref<126x80xi32, #tpu.memory_space<vmem>> -> memref<1x80xi32, #tpu.memory_space<vmem>>
        %dma_wait3A_156 = tpu.memref_squeeze %dma_wait3A_155 : memref<1x80xi32, #tpu.memory_space<vmem>> -> memref<80xi32, #tpu.memory_space<vmem>>
        %dma_wait3A_157 = arith.constant 0 : i32
        %dma_wait3A_158 = arith.constant 0 : i32
        %dma_wait3A_159 = tpu.memref_slice %arg7[%dma_wait3A_157, %dma_wait3A_158] : memref<10016x128xf32, #tpu.memory_space<vmem_shared>> -> memref<10016x128xf32, #tpu.memory_space<vmem_shared>>
        tpu.wait_indirect_dma semaphore(%run_scoped3A : memref<!tpu.dma_semaphore, #tpu.memory_space<semaphore_mem>>) src(%arg13 : memref<80x128xf32, #tpu.memory_space<vmem>>) dst(%dma_wait3A_159 : memref<10016x128xf32, #tpu.memory_space<vmem_shared>>)
        tpu.yield
      }) : () -> ()
    }
    %scan3A_54 = arith.constant 63 : i32
    %barrier3A_55 = arith.constant 0 : index
    tpu.barrier barrier_id(%barrier3A_55)
    %add3A_56 = arith.addi %mul3A_0, %mul3A_2 : i32
    "tpu.region"() ({
      %run_scoped3A = tpu.sem_alloc : memref<!tpu.dma_semaphore, #tpu.memory_space<semaphore_mem>>
      %dma_start3A_62 = arith.constant 0 : i32
      %dma_start3A_63 = tpu.memref_slice %arg6[%add3A_56, %dma_start3A_62] : memref<20000x128xf32, #tpu.memory_space<hbm>> -> memref<624x128xf32, #tpu.memory_space<hbm>>
      %dma_start3A_64 = arith.constant 0 : i32
      %dma_start3A_65 = tpu.memref_slice %arg7[%mul3A_2, %dma_start3A_64] : memref<10016x128xf32, #tpu.memory_space<vmem_shared>> -> memref<624x128xf32, #tpu.memory_space<vmem_shared>>
      tpu.enqueue_dma source(%dma_start3A_65 : memref<624x128xf32, #tpu.memory_space<vmem_shared>>) target(%dma_start3A_63 : memref<624x128xf32, #tpu.memory_space<hbm>>) target_semaphore(%run_scoped3A : memref<!tpu.dma_semaphore, #tpu.memory_space<semaphore_mem>>)
      %dma_wait3A = arith.constant 0 : i32
      %dma_wait3A_66 = tpu.memref_slice %arg6[%add3A_56, %dma_wait3A] : memref<20000x128xf32, #tpu.memory_space<hbm>> -> memref<624x128xf32, #tpu.memory_space<hbm>>
      %dma_wait3A_67 = arith.constant 0 : i32
      %dma_wait3A_68 = tpu.memref_slice %arg7[%mul3A_2, %dma_wait3A_67] : memref<10016x128xf32, #tpu.memory_space<vmem_shared>> -> memref<624x128xf32, #tpu.memory_space<vmem_shared>>
      tpu.wait_dma2 semaphore(%run_scoped3A : memref<!tpu.dma_semaphore, #tpu.memory_space<semaphore_mem>>) src(%dma_wait3A_68 : memref<624x128xf32, #tpu.memory_space<vmem_shared>>) dst(%dma_wait3A_66 : memref<624x128xf32, #tpu.memory_space<hbm>>)
      tpu.yield
    }) : () -> ()
    %eq3A_57 = arith.constant 15 : i32
    %eq3A_58 = arith.cmpi eq, %arg1, %eq3A_57 : i32
    %convert_element_type3A_59 = arith.extui %eq3A_58 : i1 to i32
    %cond3A_60 = arith.constant 0 : i32
    %cond3A_61 = arith.cmpi ne, %convert_element_type3A_59, %cond3A_60 : i32
    scf.if %cond3A_61 {
      %add3A_62 = arith.constant 9984 : i32
      %add3A_63 = arith.addi %mul3A_0, %add3A_62 : i32
      "tpu.region"() ({
        %run_scoped3A = tpu.sem_alloc : memref<!tpu.dma_semaphore, #tpu.memory_space<semaphore_mem>>
        %dma_start3A_64 = arith.constant 0 : i32
        %dma_start3A_65 = tpu.memref_slice %arg6[%add3A_63, %dma_start3A_64] : memref<20000x128xf32, #tpu.memory_space<hbm>> -> memref<16x128xf32, #tpu.memory_space<hbm>>
        %dma_start3A_66 = arith.constant 9984 : i32
        %dma_start3A_67 = arith.constant 0 : i32
        %dma_start3A_68 = tpu.memref_slice %arg7[%dma_start3A_66, %dma_start3A_67] : memref<10016x128xf32, #tpu.memory_space<vmem_shared>> -> memref<16x128xf32, #tpu.memory_space<vmem_shared>>
        tpu.enqueue_dma source(%dma_start3A_68 : memref<16x128xf32, #tpu.memory_space<vmem_shared>>) target(%dma_start3A_65 : memref<16x128xf32, #tpu.memory_space<hbm>>) target_semaphore(%run_scoped3A : memref<!tpu.dma_semaphore, #tpu.memory_space<semaphore_mem>>)
        %dma_wait3A = arith.constant 0 : i32
        %dma_wait3A_69 = tpu.memref_slice %arg6[%add3A_63, %dma_wait3A] : memref<20000x128xf32, #tpu.memory_space<hbm>> -> memref<16x128xf32, #tpu.memory_space<hbm>>
        %dma_wait3A_70 = arith.constant 9984 : i32
        %dma_wait3A_71 = arith.constant 0 : i32
        %dma_wait3A_72 = tpu.memref_slice %arg7[%dma_wait3A_70, %dma_wait3A_71] : memref<10016x128xf32, #tpu.memory_space<vmem_shared>> -> memref<16x128xf32, #tpu.memory_space<vmem_shared>>
        tpu.wait_dma2 semaphore(%run_scoped3A : memref<!tpu.dma_semaphore, #tpu.memory_space<semaphore_mem>>) src(%dma_wait3A_72 : memref<16x128xf32, #tpu.memory_space<vmem_shared>>) dst(%dma_wait3A_69 : memref<16x128xf32, #tpu.memory_space<hbm>>)
        tpu.yield
      }) : () -> ()
    } else {
    }
    return
  }
}

#map = affine_map<(d0, d1) -> (0, 0)>
#map1 = affine_map<(d0, d1) -> (0, 0, 0)>
module attributes {stable_mosaic.version = 14 : i64} {
  func.func @k(%arg0: i32, %arg1: i32, %arg2: memref<20000x128xf32, #tpu.memory_space<hbm>>, %arg3: memref<20000x128xf32, #tpu.memory_space<hbm>>, %arg4: memref<16x10080xi32, #tpu.memory_space<hbm>>, %arg5: memref<16x126x80xi32, #tpu.memory_space<hbm>>, %arg6: memref<20000x128xf32, #tpu.memory_space<hbm>>, %arg7: memref<10016x128xf32, #tpu.memory_space<vmem_shared>>, %arg8: memref<10080xi32, #tpu.memory_space<vmem>>, %arg9: memref<126x80xi32, #tpu.memory_space<vmem>>, %arg10: memref<80xi32, #tpu.memory_space<vmem>>, %arg11: memref<80xi32, #tpu.memory_space<vmem>>, %arg12: memref<80x128xf32, #tpu.memory_space<vmem>>, %arg13: memref<80x128xf32, #tpu.memory_space<vmem>>, %arg14: memref<!tpu.dma_semaphore, #tpu.memory_space<semaphore_mem>>, %arg15: memref<!tpu.dma_semaphore, #tpu.memory_space<semaphore_mem>>) attributes {dimension_semantics = [#tpu.dimension_semantics<core_parallel>, #tpu.dimension_semantics<subcore_parallel>], iteration_bounds = array<i64: 2, 16>, scalar_prefetch = 0 : i64, scratch_operands = 9 : i64, tpu.core_type = #tpu.core_type<sc_vector_subcore>, window_params = [{transform_indices = #map}, {transform_indices = #map}, {transform_indices = #map}, {transform_indices = #map1}, {transform_indices = #map}]} {
    %mul3A = arith.constant 10000 : i32
    %mul3A_0 = arith.muli %arg0, %mul3A : i32
    %mul3A_1 = arith.constant 624 : i32
    %mul3A_2 = arith.muli %arg1, %mul3A_1 : i32
    %add3A = arith.addi %mul3A_0, %mul3A_2 : i32
    "tpu.region"() ({
      %run_scoped3A = tpu.sem_alloc : memref<!tpu.dma_semaphore, #tpu.memory_space<semaphore_mem>>
      %dma_start3A_62 = arith.constant 0 : i32
      %dma_start3A_63 = tpu.memref_slice %arg7[%mul3A_2, %dma_start3A_62] : memref<10016x128xf32, #tpu.memory_space<vmem_shared>> -> memref<624x128xf32, #tpu.memory_space<vmem_shared>>
      %dma_start3A_64 = arith.constant 0 : i32
      %dma_start3A_65 = tpu.memref_slice %arg3[%add3A, %dma_start3A_64] : memref<20000x128xf32, #tpu.memory_space<hbm>> -> memref<624x128xf32, #tpu.memory_space<hbm>>
      tpu.enqueue_dma source(%dma_start3A_65 : memref<624x128xf32, #tpu.memory_space<hbm>>) target(%dma_start3A_63 : memref<624x128xf32, #tpu.memory_space<vmem_shared>>) target_semaphore(%run_scoped3A : memref<!tpu.dma_semaphore, #tpu.memory_space<semaphore_mem>>)
      %dma_wait3A = arith.constant 0 : i32
      %dma_wait3A_66 = tpu.memref_slice %arg7[%mul3A_2, %dma_wait3A] : memref<10016x128xf32, #tpu.memory_space<vmem_shared>> -> memref<624x128xf32, #tpu.memory_space<vmem_shared>>
      %dma_wait3A_67 = arith.constant 0 : i32
      %dma_wait3A_68 = tpu.memref_slice %arg3[%add3A, %dma_wait3A_67] : memref<20000x128xf32, #tpu.memory_space<hbm>> -> memref<624x128xf32, #tpu.memory_space<hbm>>
      tpu.wait_dma2 semaphore(%run_scoped3A : memref<!tpu.dma_semaphore, #tpu.memory_space<semaphore_mem>>) src(%dma_wait3A_68 : memref<624x128xf32, #tpu.memory_space<hbm>>) dst(%dma_wait3A_66 : memref<624x128xf32, #tpu.memory_space<vmem_shared>>)
      tpu.yield
    }) : () -> ()
    %eq3A = arith.constant 15 : i32
    %eq3A_3 = arith.cmpi eq, %arg1, %eq3A : i32
    %convert_element_type3A = arith.extui %eq3A_3 : i1 to i32
    %cond3A = arith.constant 0 : i32
    %cond3A_4 = arith.cmpi ne, %convert_element_type3A, %cond3A : i32
    scf.if %cond3A_4 {
      %add3A_62 = arith.constant 9984 : i32
      %add3A_63 = arith.addi %add3A_62, %mul3A_0 : i32
      "tpu.region"() ({
        %run_scoped3A = tpu.sem_alloc : memref<!tpu.dma_semaphore, #tpu.memory_space<semaphore_mem>>
        %dma_start3A_64 = arith.constant 9984 : i32
        %dma_start3A_65 = arith.constant 0 : i32
        %dma_start3A_66 = tpu.memref_slice %arg7[%dma_start3A_64, %dma_start3A_65] : memref<10016x128xf32, #tpu.memory_space<vmem_shared>> -> memref<16x128xf32, #tpu.memory_space<vmem_shared>>
        %dma_start3A_67 = arith.constant 0 : i32
        %dma_start3A_68 = tpu.memref_slice %arg3[%add3A_63, %dma_start3A_67] : memref<20000x128xf32, #tpu.memory_space<hbm>> -> memref<16x128xf32, #tpu.memory_space<hbm>>
        tpu.enqueue_dma source(%dma_start3A_68 : memref<16x128xf32, #tpu.memory_space<hbm>>) target(%dma_start3A_66 : memref<16x128xf32, #tpu.memory_space<vmem_shared>>) target_semaphore(%run_scoped3A : memref<!tpu.dma_semaphore, #tpu.memory_space<semaphore_mem>>)
        %dma_wait3A = arith.constant 9984 : i32
        %dma_wait3A_69 = arith.constant 0 : i32
        %dma_wait3A_70 = tpu.memref_slice %arg7[%dma_wait3A, %dma_wait3A_69] : memref<10016x128xf32, #tpu.memory_space<vmem_shared>> -> memref<16x128xf32, #tpu.memory_space<vmem_shared>>
        %dma_wait3A_71 = arith.constant 0 : i32
        %dma_wait3A_72 = tpu.memref_slice %arg3[%add3A_63, %dma_wait3A_71] : memref<20000x128xf32, #tpu.memory_space<hbm>> -> memref<16x128xf32, #tpu.memory_space<hbm>>
        tpu.wait_dma2 semaphore(%run_scoped3A : memref<!tpu.dma_semaphore, #tpu.memory_space<semaphore_mem>>) src(%dma_wait3A_72 : memref<16x128xf32, #tpu.memory_space<hbm>>) dst(%dma_wait3A_70 : memref<16x128xf32, #tpu.memory_space<vmem_shared>>)
        tpu.yield
      }) : () -> ()
    } else {
    }
    "tpu.region"() ({
      %run_scoped3A = tpu.sem_alloc : memref<!tpu.dma_semaphore, #tpu.memory_space<semaphore_mem>>
      %dma_start3A_62 = arith.constant 0 : i32
      %dma_start3A_63 = tpu.memref_slice %arg4[%arg1, %dma_start3A_62] : memref<16x10080xi32, #tpu.memory_space<hbm>> -> memref<1x10080xi32, #tpu.memory_space<hbm>>
      %dma_start3A_64 = tpu.memref_squeeze %dma_start3A_63 : memref<1x10080xi32, #tpu.memory_space<hbm>> -> memref<10080xi32, #tpu.memory_space<hbm>>
      %dma_start3A_65 = arith.constant 0 : i32
      %dma_start3A_66 = tpu.memref_slice %arg4[%arg1, %dma_start3A_65] : memref<16x10080xi32, #tpu.memory_space<hbm>> -> memref<1x10080xi32, #tpu.memory_space<hbm>>
      %dma_start3A_67 = tpu.memref_squeeze %dma_start3A_66 : memref<1x10080xi32, #tpu.memory_space<hbm>> -> memref<10080xi32, #tpu.memory_space<hbm>>
      tpu.enqueue_dma source(%dma_start3A_67 : memref<10080xi32, #tpu.memory_space<hbm>>) target(%arg8 : memref<10080xi32, #tpu.memory_space<vmem>>) target_semaphore(%run_scoped3A : memref<!tpu.dma_semaphore, #tpu.memory_space<semaphore_mem>>)
      %dma_wait3A = arith.constant 0 : i32
      %dma_wait3A_68 = tpu.memref_slice %arg4[%arg1, %dma_wait3A] : memref<16x10080xi32, #tpu.memory_space<hbm>> -> memref<1x10080xi32, #tpu.memory_space<hbm>>
      %dma_wait3A_69 = tpu.memref_squeeze %dma_wait3A_68 : memref<1x10080xi32, #tpu.memory_space<hbm>> -> memref<10080xi32, #tpu.memory_space<hbm>>
      %dma_wait3A_70 = arith.constant 0 : i32
      %dma_wait3A_71 = tpu.memref_slice %arg4[%arg1, %dma_wait3A_70] : memref<16x10080xi32, #tpu.memory_space<hbm>> -> memref<1x10080xi32, #tpu.memory_space<hbm>>
      %dma_wait3A_72 = tpu.memref_squeeze %dma_wait3A_71 : memref<1x10080xi32, #tpu.memory_space<hbm>> -> memref<10080xi32, #tpu.memory_space<hbm>>
      tpu.wait_dma2 semaphore(%run_scoped3A : memref<!tpu.dma_semaphore, #tpu.memory_space<semaphore_mem>>) src(%dma_wait3A_72 : memref<10080xi32, #tpu.memory_space<hbm>>) dst(%arg8 : memref<10080xi32, #tpu.memory_space<vmem>>)
      tpu.yield
    }) : () -> ()
    "tpu.region"() ({
      %run_scoped3A = tpu.sem_alloc : memref<!tpu.dma_semaphore, #tpu.memory_space<semaphore_mem>>
      %dma_start3A_62 = arith.constant 0 : i32
      %dma_start3A_63 = arith.constant 0 : i32
      %dma_start3A_64 = tpu.memref_slice %arg5[%arg1, %dma_start3A_62, %dma_start3A_63] : memref<16x126x80xi32, #tpu.memory_space<hbm>> -> memref<1x126x80xi32, #tpu.memory_space<hbm>>
      %dma_start3A_65 = tpu.memref_squeeze %dma_start3A_64 : memref<1x126x80xi32, #tpu.memory_space<hbm>> -> memref<126x80xi32, #tpu.memory_space<hbm>>
      %dma_start3A_66 = arith.constant 0 : i32
      %dma_start3A_67 = arith.constant 0 : i32
      %dma_start3A_68 = tpu.memref_slice %arg5[%arg1, %dma_start3A_66, %dma_start3A_67] : memref<16x126x80xi32, #tpu.memory_space<hbm>> -> memref<1x126x80xi32, #tpu.memory_space<hbm>>
      %dma_start3A_69 = tpu.memref_squeeze %dma_start3A_68 : memref<1x126x80xi32, #tpu.memory_space<hbm>> -> memref<126x80xi32, #tpu.memory_space<hbm>>
      tpu.enqueue_dma source(%dma_start3A_69 : memref<126x80xi32, #tpu.memory_space<hbm>>) target(%arg9 : memref<126x80xi32, #tpu.memory_space<vmem>>) target_semaphore(%run_scoped3A : memref<!tpu.dma_semaphore, #tpu.memory_space<semaphore_mem>>)
      %dma_wait3A = arith.constant 0 : i32
      %dma_wait3A_70 = arith.constant 0 : i32
      %dma_wait3A_71 = tpu.memref_slice %arg5[%arg1, %dma_wait3A, %dma_wait3A_70] : memref<16x126x80xi32, #tpu.memory_space<hbm>> -> memref<1x126x80xi32, #tpu.memory_space<hbm>>
      %dma_wait3A_72 = tpu.memref_squeeze %dma_wait3A_71 : memref<1x126x80xi32, #tpu.memory_space<hbm>> -> memref<126x80xi32, #tpu.memory_space<hbm>>
      %dma_wait3A_73 = arith.constant 0 : i32
      %dma_wait3A_74 = arith.constant 0 : i32
      %dma_wait3A_75 = tpu.memref_slice %arg5[%arg1, %dma_wait3A_73, %dma_wait3A_74] : memref<16x126x80xi32, #tpu.memory_space<hbm>> -> memref<1x126x80xi32, #tpu.memory_space<hbm>>
      %dma_wait3A_76 = tpu.memref_squeeze %dma_wait3A_75 : memref<1x126x80xi32, #tpu.memory_space<hbm>> -> memref<126x80xi32, #tpu.memory_space<hbm>>
      tpu.wait_dma2 semaphore(%run_scoped3A : memref<!tpu.dma_semaphore, #tpu.memory_space<semaphore_mem>>) src(%dma_wait3A_76 : memref<126x80xi32, #tpu.memory_space<hbm>>) dst(%arg9 : memref<126x80xi32, #tpu.memory_space<vmem>>)
      tpu.yield
    }) : () -> ()
    %barrier3A = arith.constant 0 : index
    tpu.barrier barrier_id(%barrier3A)
    %get3A = arith.constant 0 : index
    %get3A_5 = tpu.vector_load %arg8[%get3A] {strides = array<i32>} : memref<10080xi32, #tpu.memory_space<vmem>>, vector<16xi32>,
    %get3A_6 = vector.shape_cast %get3A_5 : vector<16xi32> to vector<16xi32>
    %add3A_7 = vector.broadcast %mul3A_0 : i32 to vector<16xi32>
    %add3A_8 = arith.addi %get3A_6, %add3A_7 : vector<16xi32>
    %swap3A = arith.constant 0 : index
    %swap3A_9 = tpu.vector_load %arg10[%swap3A] {strides = array<i32>} : memref<80xi32, #tpu.memory_space<vmem>>, vector<16xi32>,
    %swap3A_10 = vector.shape_cast %swap3A_9 : vector<16xi32> to vector<16xi32>
    %swap3A_11 = vector.shape_cast %add3A_8 : vector<16xi32> to vector<16xi32>
    tpu.vector_store %arg10[%swap3A], %swap3A_11 {strides = array<i32>} : memref<80xi32, #tpu.memory_space<vmem>>, vector<16xi32>,
    %get3A_12 = arith.constant 16 : index
    %get3A_13 = tpu.vector_load %arg8[%get3A_12] {strides = array<i32>} : memref<10080xi32, #tpu.memory_space<vmem>>, vector<16xi32>,
    %get3A_14 = vector.shape_cast %get3A_13 : vector<16xi32> to vector<16xi32>
    %add3A_15 = vector.broadcast %mul3A_0 : i32 to vector<16xi32>
    %add3A_16 = arith.addi %get3A_14, %add3A_15 : vector<16xi32>
    %swap3A_17 = arith.constant 16 : index
    %swap3A_18 = tpu.vector_load %arg10[%swap3A_17] {strides = array<i32>} : memref<80xi32, #tpu.memory_space<vmem>>, vector<16xi32>,
    %swap3A_19 = vector.shape_cast %swap3A_18 : vector<16xi32> to vector<16xi32>
    %swap3A_20 = vector.shape_cast %add3A_16 : vector<16xi32> to vector<16xi32>
    tpu.vector_store %arg10[%swap3A_17], %swap3A_20 {strides = array<i32>} : memref<80xi32, #tpu.memory_space<vmem>>, vector<16xi32>,
    %get3A_21 = arith.constant 32 : index
    %get3A_22 = tpu.vector_load %arg8[%get3A_21] {strides = array<i32>} : memref<10080xi32, #tpu.memory_space<vmem>>, vector<16xi32>,
    %get3A_23 = vector.shape_cast %get3A_22 : vector<16xi32> to vector<16xi32>
    %add3A_24 = vector.broadcast %mul3A_0 : i32 to vector<16xi32>
    %add3A_25 = arith.addi %get3A_23, %add3A_24 : vector<16xi32>
    %swap3A_26 = arith.constant 32 : index
    %swap3A_27 = tpu.vector_load %arg10[%swap3A_26] {strides = array<i32>} : memref<80xi32, #tpu.memory_space<vmem>>, vector<16xi32>,
    %swap3A_28 = vector.shape_cast %swap3A_27 : vector<16xi32> to vector<16xi32>
    %swap3A_29 = vector.shape_cast %add3A_25 : vector<16xi32> to vector<16xi32>
    tpu.vector_store %arg10[%swap3A_26], %swap3A_29 {strides = array<i32>} : memref<80xi32, #tpu.memory_space<vmem>>, vector<16xi32>,
    %get3A_30 = arith.constant 48 : index
    %get3A_31 = tpu.vector_load %arg8[%get3A_30] {strides = array<i32>} : memref<10080xi32, #tpu.memory_space<vmem>>, vector<16xi32>,
    %get3A_32 = vector.shape_cast %get3A_31 : vector<16xi32> to vector<16xi32>
    %add3A_33 = vector.broadcast %mul3A_0 : i32 to vector<16xi32>
    %add3A_34 = arith.addi %get3A_32, %add3A_33 : vector<16xi32>
    %swap3A_35 = arith.constant 48 : index
    %swap3A_36 = tpu.vector_load %arg10[%swap3A_35] {strides = array<i32>} : memref<80xi32, #tpu.memory_space<vmem>>, vector<16xi32>,
    %swap3A_37 = vector.shape_cast %swap3A_36 : vector<16xi32> to vector<16xi32>
    %swap3A_38 = vector.shape_cast %add3A_34 : vector<16xi32> to vector<16xi32>
    tpu.vector_store %arg10[%swap3A_35], %swap3A_38 {strides = array<i32>} : memref<80xi32, #tpu.memory_space<vmem>>, vector<16xi32>,
    %get3A_39 = arith.constant 64 : index
    %get3A_40 = tpu.vector_load %arg8[%get3A_39] {strides = array<i32>} : memref<10080xi32, #tpu.memory_space<vmem>>, vector<16xi32>,
    %get3A_41 = vector.shape_cast %get3A_40 : vector<16xi32> to vector<16xi32>
    %add3A_42 = vector.broadcast %mul3A_0 : i32 to vector<16xi32>
    %add3A_43 = arith.addi %get3A_41, %add3A_42 : vector<16xi32>
    %swap3A_44 = arith.constant 64 : index
    %swap3A_45 = tpu.vector_load %arg10[%swap3A_44] {strides = array<i32>} : memref<80xi32, #tpu.memory_space<vmem>>, vector<16xi32>,
    %swap3A_46 = vector.shape_cast %swap3A_45 : vector<16xi32> to vector<16xi32>
    %swap3A_47 = vector.shape_cast %add3A_43 : vector<16xi32> to vector<16xi32>
    tpu.vector_store %arg10[%swap3A_44], %swap3A_47 {strides = array<i32>} : memref<80xi32, #tpu.memory_space<vmem>>, vector<16xi32>,
    %dma_start3A = arith.constant 0 : i32
    %dma_start3A_48 = arith.constant 0 : i32
    %dma_start3A_49 = tpu.memref_slice %arg2[%dma_start3A, %dma_start3A_48] : memref<20000x128xf32, #tpu.memory_space<hbm>> -> memref<20000x128xf32, #tpu.memory_space<hbm>>
    tpu.enqueue_indirect_dma source(%dma_start3A_49 : memref<20000x128xf32, #tpu.memory_space<hbm>>) target(%arg12 : memref<80x128xf32, #tpu.memory_space<vmem>>) offsets(%arg10 : memref<80xi32, #tpu.memory_space<vmem>>) semaphore(%arg14 : memref<!tpu.dma_semaphore, #tpu.memory_space<semaphore_mem>>)
    %scan3A = arith.constant 0 : i32
    %scan3A_50 = arith.constant 0 : i32
    %scan3A_51 = arith.constant 63 : i32
    %scan3A_52 = arith.addi %scan3A_50, %scan3A_51 : i32
    %scan3A_53 = arith.constant 1 : i32
    scf.for %scan3A_62 = %scan3A_50 to %scan3A_52 step %scan3A_53  : i32 {
      %mul3A_63 = arith.constant 2 : i32
      %mul3A_64 = arith.muli %mul3A_63, %scan3A_62 : i32
      %add3A_65 = arith.constant 1 : i32
      %add3A_66 = arith.addi %mul3A_64, %add3A_65 : i32
      %mul3A_67 = arith.constant 80 : i32
      %mul3A_68 = arith.muli %add3A_66, %mul3A_67 : i32
      %add3A_69 = arith.constant 0 : i32
      %add3A_70 = arith.addi %mul3A_68, %add3A_69 : i32
      %get3A_71 = arith.index_cast %add3A_70 : i32 to index
      %get3A_72 = tpu.vector_load %arg8[%get3A_71] {strides = array<i32>} : memref<10080xi32, #tpu.memory_space<vmem>>, vector<16xi32>,
      %get3A_73 = vector.shape_cast %get3A_72 : vector<16xi32> to vector<16xi32>
      %add3A_74 = vector.broadcast %mul3A_0 : i32 to vector<16xi32>
      %add3A_75 = arith.addi %get3A_73, %add3A_74 : vector<16xi32>
      %swap3A_76 = arith.constant 0 : index
      %swap3A_77 = tpu.vector_load %arg11[%swap3A_76] {strides = array<i32>} : memref<80xi32, #tpu.memory_space<vmem>>, vector<16xi32>,
      %swap3A_78 = vector.shape_cast %swap3A_77 : vector<16xi32> to vector<16xi32>
      %swap3A_79 = vector.shape_cast %add3A_75 : vector<16xi32> to vector<16xi32>
      tpu.vector_store %arg11[%swap3A_76], %swap3A_79 {strides = array<i32>} : memref<80xi32, #tpu.memory_space<vmem>>, vector<16xi32>,
      %mul3A_80 = arith.constant 80 : i32
      %mul3A_81 = arith.muli %add3A_66, %mul3A_80 : i32
      %add3A_82 = arith.constant 16 : i32
      %add3A_83 = arith.addi %mul3A_81, %add3A_82 : i32
      %get3A_84 = arith.index_cast %add3A_83 : i32 to index
      %get3A_85 = tpu.vector_load %arg8[%get3A_84] {strides = array<i32>} : memref<10080xi32, #tpu.memory_space<vmem>>, vector<16xi32>,
      %get3A_86 = vector.shape_cast %get3A_85 : vector<16xi32> to vector<16xi32>
      %add3A_87 = vector.broadcast %mul3A_0 : i32 to vector<16xi32>
      %add3A_88 = arith.addi %get3A_86, %add3A_87 : vector<16xi32>
      %swap3A_89 = arith.constant 16 : index
      %swap3A_90 = tpu.vector_load %arg11[%swap3A_89] {strides = array<i32>} : memref<80xi32, #tpu.memory_space<vmem>>, vector<16xi32>,
      %swap3A_91 = vector.shape_cast %swap3A_90 : vector<16xi32> to vector<16xi32>
      %swap3A_92 = vector.shape_cast %add3A_88 : vector<16xi32> to vector<16xi32>
      tpu.vector_store %arg11[%swap3A_89], %swap3A_92 {strides = array<i32>} : memref<80xi32, #tpu.memory_space<vmem>>, vector<16xi32>,
      %mul3A_93 = arith.constant 80 : i32
      %mul3A_94 = arith.muli %add3A_66, %mul3A_93 : i32
      %add3A_95 = arith.constant 32 : i32
      %add3A_96 = arith.addi %mul3A_94, %add3A_95 : i32
      %get3A_97 = arith.index_cast %add3A_96 : i32 to index
      %get3A_98 = tpu.vector_load %arg8[%get3A_97] {strides = array<i32>} : memref<10080xi32, #tpu.memory_space<vmem>>, vector<16xi32>,
      %get3A_99 = vector.shape_cast %get3A_98 : vector<16xi32> to vector<16xi32>
      %add3A_100 = vector.broadcast %mul3A_0 : i32 to vector<16xi32>
      %add3A_101 = arith.addi %get3A_99, %add3A_100 : vector<16xi32>
      %swap3A_102 = arith.constant 32 : index
      %swap3A_103 = tpu.vector_load %arg11[%swap3A_102] {strides = array<i32>} : memref<80xi32, #tpu.memory_space<vmem>>, vector<16xi32>,
      %swap3A_104 = vector.shape_cast %swap3A_103 : vector<16xi32> to vector<16xi32>
      %swap3A_105 = vector.shape_cast %add3A_101 : vector<16xi32> to vector<16xi32>
      tpu.vector_store %arg11[%swap3A_102], %swap3A_105 {strides = array<i32>} : memref<80xi32, #tpu.memory_space<vmem>>, vector<16xi32>,
      %mul3A_106 = arith.constant 80 : i32
      %mul3A_107 = arith.muli %add3A_66, %mul3A_106 : i32
      %add3A_108 = arith.constant 48 : i32
      %add3A_109 = arith.addi %mul3A_107, %add3A_108 : i32
      %get3A_110 = arith.index_cast %add3A_109 : i32 to index
      %get3A_111 = tpu.vector_load %arg8[%get3A_110] {strides = array<i32>} : memref<10080xi32, #tpu.memory_space<vmem>>, vector<16xi32>,
      %get3A_112 = vector.shape_cast %get3A_111 : vector<16xi32> to vector<16xi32>
      %add3A_113 = vector.broadcast %mul3A_0 : i32 to vector<16xi32>
      %add3A_114 = arith.addi %get3A_112, %add3A_113 : vector<16xi32>
      %swap3A_115 = arith.constant 48 : index
      %swap3A_116 = tpu.vector_load %arg11[%swap3A_115] {strides = array<i32>} : memref<80xi32, #tpu.memory_space<vmem>>, vector<16xi32>,
      %swap3A_117 = vector.shape_cast %swap3A_116 : vector<16xi32> to vector<16xi32>
      %swap3A_118 = vector.shape_cast %add3A_114 : vector<16xi32> to vector<16xi32>
      tpu.vector_store %arg11[%swap3A_115], %swap3A_118 {strides = array<i32>} : memref<80xi32, #tpu.memory_space<vmem>>, vector<16xi32>,
      %mul3A_119 = arith.constant 80 : i32
      %mul3A_120 = arith.muli %add3A_66, %mul3A_119 : i32
      %add3A_121 = arith.constant 64 : i32
      %add3A_122 = arith.addi %mul3A_120, %add3A_121 : i32
      %get3A_123 = arith.index_cast %add3A_122 : i32 to index
      %get3A_124 = tpu.vector_load %arg8[%get3A_123] {strides = array<i32>} : memref<10080xi32, #tpu.memory_space<vmem>>, vector<16xi32>,
      %get3A_125 = vector.shape_cast %get3A_124 : vector<16xi32> to vector<16xi32>
      %add3A_126 = vector.broadcast %mul3A_0 : i32 to vector<16xi32>
      %add3A_127 = arith.addi %get3A_125, %add3A_126 : vector<16xi32>
      %swap3A_128 = arith.constant 64 : index
      %swap3A_129 = tpu.vector_load %arg11[%swap3A_128] {strides = array<i32>} : memref<80xi32, #tpu.memory_space<vmem>>, vector<16xi32>,
      %swap3A_130 = vector.shape_cast %swap3A_129 : vector<16xi32> to vector<16xi32>
      %swap3A_131 = vector.shape_cast %add3A_127 : vector<16xi32> to vector<16xi32>
      tpu.vector_store %arg11[%swap3A_128], %swap3A_131 {strides = array<i32>} : memref<80xi32, #tpu.memory_space<vmem>>, vector<16xi32>,
      %dma_start3A_132 = arith.constant 0 : i32
      %dma_start3A_133 = arith.constant 0 : i32
      %dma_start3A_134 = tpu.memref_slice %arg2[%dma_start3A_132, %dma_start3A_133] : memref<20000x128xf32, #tpu.memory_space<hbm>> -> memref<20000x128xf32, #tpu.memory_space<hbm>>
      tpu.enqueue_indirect_dma source(%dma_start3A_134 : memref<20000x128xf32, #tpu.memory_space<hbm>>) target(%arg13 : memref<80x128xf32, #tpu.memory_space<vmem>>) offsets(%arg11 : memref<80xi32, #tpu.memory_space<vmem>>) semaphore(%arg15 : memref<!tpu.dma_semaphore, #tpu.memory_space<semaphore_mem>>)
      %dma_wait3A = arith.constant 0 : i32
      %dma_wait3A_135 = arith.constant 0 : i32
      %dma_wait3A_136 = tpu.memref_slice %arg2[%dma_wait3A, %dma_wait3A_135] : memref<20000x128xf32, #tpu.memory_space<hbm>> -> memref<20000x128xf32, #tpu.memory_space<hbm>>
      tpu.wait_indirect_dma semaphore(%arg14 : memref<!tpu.dma_semaphore, #tpu.memory_space<semaphore_mem>>) src(%dma_wait3A_136 : memref<20000x128xf32, #tpu.memory_space<hbm>>) dst(%arg12 : memref<80x128xf32, #tpu.memory_space<vmem>>)
      "tpu.region"() ({
        %run_scoped3A = tpu.sem_alloc : memref<!tpu.dma_semaphore, #tpu.memory_space<semaphore_mem>>
        %dma_start3A_148 = arith.constant 0 : i32
        %dma_start3A_149 = tpu.memref_slice %arg9[%mul3A_64, %dma_start3A_148] : memref<126x80xi32, #tpu.memory_space<vmem>> -> memref<1x80xi32, #tpu.memory_space<vmem>>
        %dma_start3A_150 = tpu.memref_squeeze %dma_start3A_149 : memref<1x80xi32, #tpu.memory_space<vmem>> -> memref<80xi32, #tpu.memory_space<vmem>>
        %dma_start3A_151 = arith.constant 0 : i32
        %dma_start3A_152 = arith.constant 0 : i32
        %dma_start3A_153 = tpu.memref_slice %arg7[%dma_start3A_151, %dma_start3A_152] : memref<10016x128xf32, #tpu.memory_space<vmem_shared>> -> memref<10016x128xf32, #tpu.memory_space<vmem_shared>>
        tpu.enqueue_indirect_dma source(%arg12 : memref<80x128xf32, #tpu.memory_space<vmem>>) target(%dma_start3A_153 : memref<10016x128xf32, #tpu.memory_space<vmem_shared>>) offsets(%dma_start3A_150 : memref<80xi32, #tpu.memory_space<vmem>>) semaphore(%run_scoped3A : memref<!tpu.dma_semaphore, #tpu.memory_space<semaphore_mem>>) {add = true}
        %dma_wait3A_154 = arith.constant 0 : i32
        %dma_wait3A_155 = tpu.memref_slice %arg9[%mul3A_64, %dma_wait3A_154] : memref<126x80xi32, #tpu.memory_space<vmem>> -> memref<1x80xi32, #tpu.memory_space<vmem>>
        %dma_wait3A_156 = tpu.memref_squeeze %dma_wait3A_155 : memref<1x80xi32, #tpu.memory_space<vmem>> -> memref<80xi32, #tpu.memory_space<vmem>>
        %dma_wait3A_157 = arith.constant 0 : i32
        %dma_wait3A_158 = arith.constant 0 : i32
        %dma_wait3A_159 = tpu.memref_slice %arg7[%dma_wait3A_157, %dma_wait3A_158] : memref<10016x128xf32, #tpu.memory_space<vmem_shared>> -> memref<10016x128xf32, #tpu.memory_space<vmem_shared>>
        tpu.wait_indirect_dma semaphore(%run_scoped3A : memref<!tpu.dma_semaphore, #tpu.memory_space<semaphore_mem>>) src(%arg12 : memref<80x128xf32, #tpu.memory_space<vmem>>) dst(%dma_wait3A_159 : memref<10016x128xf32, #tpu.memory_space<vmem_shared>>)
        tpu.yield
      }) : () -> ()
      %add3A_137 = arith.constant 2 : i32
      %add3A_138 = arith.addi %mul3A_64, %add3A_137 : i32
      %lt3A = arith.constant 126 : i32
      %lt3A_139 = arith.cmpi slt, %add3A_138, %lt3A : i32
      %convert_element_type3A_140 = arith.extui %lt3A_139 : i1 to i32
      %cond3A_141 = arith.constant 0 : i32
      %cond3A_142 = arith.cmpi ne, %convert_element_type3A_140, %cond3A_141 : i32
      scf.if %cond3A_142 {
        %add3A_148 = arith.constant 2 : i32
        %add3A_149 = arith.addi %mul3A_64, %add3A_148 : i32
        %mul3A_150 = arith.constant 80 : i32
        %mul3A_151 = arith.muli %add3A_149, %mul3A_150 : i32
        %add3A_152 = arith.constant 0 : i32
        %add3A_153 = arith.addi %mul3A_151, %add3A_152 : i32
        %get3A_154 = arith.index_cast %add3A_153 : i32 to index
        %get3A_155 = tpu.vector_load %arg8[%get3A_154] {strides = array<i32>} : memref<10080xi32, #tpu.memory_space<vmem>>, vector<16xi32>,
        %get3A_156 = vector.shape_cast %get3A_155 : vector<16xi32> to vector<16xi32>
        %add3A_157 = vector.broadcast %mul3A_0 : i32 to vector<16xi32>
        %add3A_158 = arith.addi %get3A_156, %add3A_157 : vector<16xi32>
        %swap3A_159 = arith.constant 0 : index
        %swap3A_160 = tpu.vector_load %arg10[%swap3A_159] {strides = array<i32>} : memref<80xi32, #tpu.memory_space<vmem>>, vector<16xi32>,
        %swap3A_161 = vector.shape_cast %swap3A_160 : vector<16xi32> to vector<16xi32>
        %swap3A_162 = vector.shape_cast %add3A_158 : vector<16xi32> to vector<16xi32>
        tpu.vector_store %arg10[%swap3A_159], %swap3A_162 {strides = array<i32>} : memref<80xi32, #tpu.memory_space<vmem>>, vector<16xi32>,
        %mul3A_163 = arith.constant 80 : i32
        %mul3A_164 = arith.muli %add3A_149, %mul3A_163 : i32
        %add3A_165 = arith.constant 16 : i32
        %add3A_166 = arith.addi %mul3A_164, %add3A_165 : i32
        %get3A_167 = arith.index_cast %add3A_166 : i32 to index
        %get3A_168 = tpu.vector_load %arg8[%get3A_167] {strides = array<i32>} : memref<10080xi32, #tpu.memory_space<vmem>>, vector<16xi32>,
        %get3A_169 = vector.shape_cast %get3A_168 : vector<16xi32> to vector<16xi32>
        %add3A_170 = vector.broadcast %mul3A_0 : i32 to vector<16xi32>
        %add3A_171 = arith.addi %get3A_169, %add3A_170 : vector<16xi32>
        %swap3A_172 = arith.constant 16 : index
        %swap3A_173 = tpu.vector_load %arg10[%swap3A_172] {strides = array<i32>} : memref<80xi32, #tpu.memory_space<vmem>>, vector<16xi32>,
        %swap3A_174 = vector.shape_cast %swap3A_173 : vector<16xi32> to vector<16xi32>
        %swap3A_175 = vector.shape_cast %add3A_171 : vector<16xi32> to vector<16xi32>
        tpu.vector_store %arg10[%swap3A_172], %swap3A_175 {strides = array<i32>} : memref<80xi32, #tpu.memory_space<vmem>>, vector<16xi32>,
        %mul3A_176 = arith.constant 80 : i32
        %mul3A_177 = arith.muli %add3A_149, %mul3A_176 : i32
        %add3A_178 = arith.constant 32 : i32
        %add3A_179 = arith.addi %mul3A_177, %add3A_178 : i32
        %get3A_180 = arith.index_cast %add3A_179 : i32 to index
        %get3A_181 = tpu.vector_load %arg8[%get3A_180] {strides = array<i32>} : memref<10080xi32, #tpu.memory_space<vmem>>, vector<16xi32>,
        %get3A_182 = vector.shape_cast %get3A_181 : vector<16xi32> to vector<16xi32>
        %add3A_183 = vector.broadcast %mul3A_0 : i32 to vector<16xi32>
        %add3A_184 = arith.addi %get3A_182, %add3A_183 : vector<16xi32>
        %swap3A_185 = arith.constant 32 : index
        %swap3A_186 = tpu.vector_load %arg10[%swap3A_185] {strides = array<i32>} : memref<80xi32, #tpu.memory_space<vmem>>, vector<16xi32>,
        %swap3A_187 = vector.shape_cast %swap3A_186 : vector<16xi32> to vector<16xi32>
        %swap3A_188 = vector.shape_cast %add3A_184 : vector<16xi32> to vector<16xi32>
        tpu.vector_store %arg10[%swap3A_185], %swap3A_188 {strides = array<i32>} : memref<80xi32, #tpu.memory_space<vmem>>, vector<16xi32>,
        %mul3A_189 = arith.constant 80 : i32
        %mul3A_190 = arith.muli %add3A_149, %mul3A_189 : i32
        %add3A_191 = arith.constant 48 : i32
        %add3A_192 = arith.addi %mul3A_190, %add3A_191 : i32
        %get3A_193 = arith.index_cast %add3A_192 : i32 to index
        %get3A_194 = tpu.vector_load %arg8[%get3A_193] {strides = array<i32>} : memref<10080xi32, #tpu.memory_space<vmem>>, vector<16xi32>,
        %get3A_195 = vector.shape_cast %get3A_194 : vector<16xi32> to vector<16xi32>
        %add3A_196 = vector.broadcast %mul3A_0 : i32 to vector<16xi32>
        %add3A_197 = arith.addi %get3A_195, %add3A_196 : vector<16xi32>
        %swap3A_198 = arith.constant 48 : index
        %swap3A_199 = tpu.vector_load %arg10[%swap3A_198] {strides = array<i32>} : memref<80xi32, #tpu.memory_space<vmem>>, vector<16xi32>,
        %swap3A_200 = vector.shape_cast %swap3A_199 : vector<16xi32> to vector<16xi32>
        %swap3A_201 = vector.shape_cast %add3A_197 : vector<16xi32> to vector<16xi32>
        tpu.vector_store %arg10[%swap3A_198], %swap3A_201 {strides = array<i32>} : memref<80xi32, #tpu.memory_space<vmem>>, vector<16xi32>,
        %mul3A_202 = arith.constant 80 : i32
        %mul3A_203 = arith.muli %add3A_149, %mul3A_202 : i32
        %add3A_204 = arith.constant 64 : i32
        %add3A_205 = arith.addi %mul3A_203, %add3A_204 : i32
        %get3A_206 = arith.index_cast %add3A_205 : i32 to index
        %get3A_207 = tpu.vector_load %arg8[%get3A_206] {strides = array<i32>} : memref<10080xi32, #tpu.memory_space<vmem>>, vector<16xi32>,
        %get3A_208 = vector.shape_cast %get3A_207 : vector<16xi32> to vector<16xi32>
        %add3A_209 = vector.broadcast %mul3A_0 : i32 to vector<16xi32>
        %add3A_210 = arith.addi %get3A_208, %add3A_209 : vector<16xi32>
        %swap3A_211 = arith.constant 64 : index
        %swap3A_212 = tpu.vector_load %arg10[%swap3A_211] {strides = array<i32>} : memref<80xi32, #tpu.memory_space<vmem>>, vector<16xi32>,
        %swap3A_213 = vector.shape_cast %swap3A_212 : vector<16xi32> to vector<16xi32>
        %swap3A_214 = vector.shape_cast %add3A_210 : vector<16xi32> to vector<16xi32>
        tpu.vector_store %arg10[%swap3A_211], %swap3A_214 {strides = array<i32>} : memref<80xi32, #tpu.memory_space<vmem>>, vector<16xi32>,
        %dma_start3A_215 = arith.constant 0 : i32
        %dma_start3A_216 = arith.constant 0 : i32
        %dma_start3A_217 = tpu.memref_slice %arg2[%dma_start3A_215, %dma_start3A_216] : memref<20000x128xf32, #tpu.memory_space<hbm>> -> memref<20000x128xf32, #tpu.memory_space<hbm>>
        tpu.enqueue_indirect_dma source(%dma_start3A_217 : memref<20000x128xf32, #tpu.memory_space<hbm>>) target(%arg12 : memref<80x128xf32, #tpu.memory_space<vmem>>) offsets(%arg10 : memref<80xi32, #tpu.memory_space<vmem>>) semaphore(%arg14 : memref<!tpu.dma_semaphore, #tpu.memory_space<semaphore_mem>>)
      } else {
      }
      %dma_wait3A_143 = arith.constant 0 : i32
      %dma_wait3A_144 = arith.constant 0 : i32
      %dma_wait3A_145 = tpu.memref_slice %arg2[%dma_wait3A_143, %dma_wait3A_144] : memref<20000x128xf32, #tpu.memory_space<hbm>> -> memref<20000x128xf32, #tpu.memory_space<hbm>>
      tpu.wait_indirect_dma semaphore(%arg15 : memref<!tpu.dma_semaphore, #tpu.memory_space<semaphore_mem>>) src(%dma_wait3A_145 : memref<20000x128xf32, #tpu.memory_space<hbm>>) dst(%arg13 : memref<80x128xf32, #tpu.memory_space<vmem>>)
      %add3A_146 = arith.constant 1 : i32
      %add3A_147 = arith.addi %mul3A_64, %add3A_146 : i32
      "tpu.region"() ({
        %run_scoped3A = tpu.sem_alloc : memref<!tpu.dma_semaphore, #tpu.memory_space<semaphore_mem>>
        %dma_start3A_148 = arith.constant 0 : i32
        %dma_start3A_149 = tpu.memref_slice %arg9[%add3A_147, %dma_start3A_148] : memref<126x80xi32, #tpu.memory_space<vmem>> -> memref<1x80xi32, #tpu.memory_space<vmem>>
        %dma_start3A_150 = tpu.memref_squeeze %dma_start3A_149 : memref<1x80xi32, #tpu.memory_space<vmem>> -> memref<80xi32, #tpu.memory_space<vmem>>
        %dma_start3A_151 = arith.constant 0 : i32
        %dma_start3A_152 = arith.constant 0 : i32
        %dma_start3A_153 = tpu.memref_slice %arg7[%dma_start3A_151, %dma_start3A_152] : memref<10016x128xf32, #tpu.memory_space<vmem_shared>> -> memref<10016x128xf32, #tpu.memory_space<vmem_shared>>
        tpu.enqueue_indirect_dma source(%arg13 : memref<80x128xf32, #tpu.memory_space<vmem>>) target(%dma_start3A_153 : memref<10016x128xf32, #tpu.memory_space<vmem_shared>>) offsets(%dma_start3A_150 : memref<80xi32, #tpu.memory_space<vmem>>) semaphore(%run_scoped3A : memref<!tpu.dma_semaphore, #tpu.memory_space<semaphore_mem>>) {add = true}
        %dma_wait3A_154 = arith.constant 0 : i32
        %dma_wait3A_155 = tpu.memref_slice %arg9[%add3A_147, %dma_wait3A_154] : memref<126x80xi32, #tpu.memory_space<vmem>> -> memref<1x80xi32, #tpu.memory_space<vmem>>
        %dma_wait3A_156 = tpu.memref_squeeze %dma_wait3A_155 : memref<1x80xi32, #tpu.memory_space<vmem>> -> memref<80xi32, #tpu.memory_space<vmem>>
        %dma_wait3A_157 = arith.constant 0 : i32
        %dma_wait3A_158 = arith.constant 0 : i32
        %dma_wait3A_159 = tpu.memref_slice %arg7[%dma_wait3A_157, %dma_wait3A_158] : memref<10016x128xf32, #tpu.memory_space<vmem_shared>> -> memref<10016x128xf32, #tpu.memory_space<vmem_shared>>
        tpu.wait_indirect_dma semaphore(%run_scoped3A : memref<!tpu.dma_semaphore, #tpu.memory_space<semaphore_mem>>) src(%arg13 : memref<80x128xf32, #tpu.memory_space<vmem>>) dst(%dma_wait3A_159 : memref<10016x128xf32, #tpu.memory_space<vmem_shared>>)
        tpu.yield
      }) : () -> ()
    }
    %scan3A_54 = arith.constant 63 : i32
    %barrier3A_55 = arith.constant 0 : index
    tpu.barrier barrier_id(%barrier3A_55)
    %add3A_56 = arith.addi %mul3A_0, %mul3A_2 : i32
    "tpu.region"() ({
      %run_scoped3A = tpu.sem_alloc : memref<!tpu.dma_semaphore, #tpu.memory_space<semaphore_mem>>
      %dma_start3A_62 = arith.constant 0 : i32
      %dma_start3A_63 = tpu.memref_slice %arg6[%add3A_56, %dma_start3A_62] : memref<20000x128xf32, #tpu.memory_space<hbm>> -> memref<624x128xf32, #tpu.memory_space<hbm>>
      %dma_start3A_64 = arith.constant 0 : i32
      %dma_start3A_65 = tpu.memref_slice %arg7[%mul3A_2, %dma_start3A_64] : memref<10016x128xf32, #tpu.memory_space<vmem_shared>> -> memref<624x128xf32, #tpu.memory_space<vmem_shared>>
      tpu.enqueue_dma source(%dma_start3A_65 : memref<624x128xf32, #tpu.memory_space<vmem_shared>>) target(%dma_start3A_63 : memref<624x128xf32, #tpu.memory_space<hbm>>) target_semaphore(%run_scoped3A : memref<!tpu.dma_semaphore, #tpu.memory_space<semaphore_mem>>)
      %dma_wait3A = arith.constant 0 : i32
      %dma_wait3A_66 = tpu.memref_slice %arg6[%add3A_56, %dma_wait3A] : memref<20000x128xf32, #tpu.memory_space<hbm>> -> memref<624x128xf32, #tpu.memory_space<hbm>>
      %dma_wait3A_67 = arith.constant 0 : i32
      %dma_wait3A_68 = tpu.memref_slice %arg7[%mul3A_2, %dma_wait3A_67] : memref<10016x128xf32, #tpu.memory_space<vmem_shared>> -> memref<624x128xf32, #tpu.memory_space<vmem_shared>>
      tpu.wait_dma2 semaphore(%run_scoped3A : memref<!tpu.dma_semaphore, #tpu.memory_space<semaphore_mem>>) src(%dma_wait3A_68 : memref<624x128xf32, #tpu.memory_space<vmem_shared>>) dst(%dma_wait3A_66 : memref<624x128xf32, #tpu.memory_space<hbm>>)
      tpu.yield
    }) : () -> ()
    %eq3A_57 = arith.constant 15 : i32
    %eq3A_58 = arith.cmpi eq, %arg1, %eq3A_57 : i32
    %convert_element_type3A_59 = arith.extui %eq3A_58 : i1 to i32
    %cond3A_60 = arith.constant 0 : i32
    %cond3A_61 = arith.cmpi ne, %convert_element_type3A_59, %cond3A_60 : i32
    scf.if %cond3A_61 {
      %add3A_62 = arith.constant 9984 : i32
      %add3A_63 = arith.addi %mul3A_0, %add3A_62 : i32
      "tpu.region"() ({
        %run_scoped3A = tpu.sem_alloc : memref<!tpu.dma_semaphore, #tpu.memory_space<semaphore_mem>>
        %dma_start3A_64 = arith.constant 0 : i32
        %dma_start3A_65 = tpu.memref_slice %arg6[%add3A_63, %dma_start3A_64] : memref<20000x128xf32, #tpu.memory_space<hbm>> -> memref<16x128xf32, #tpu.memory_space<hbm>>
        %dma_start3A_66 = arith.constant 9984 : i32
        %dma_start3A_67 = arith.constant 0 : i32
        %dma_start3A_68 = tpu.memref_slice %arg7[%dma_start3A_66, %dma_start3A_67] : memref<10016x128xf32, #tpu.memory_space<vmem_shared>> -> memref<16x128xf32, #tpu.memory_space<vmem_shared>>
        tpu.enqueue_dma source(%dma_start3A_68 : memref<16x128xf32, #tpu.memory_space<vmem_shared>>) target(%dma_start3A_65 : memref<16x128xf32, #tpu.memory_space<hbm>>) target_semaphore(%run_scoped3A : memref<!tpu.dma_semaphore, #tpu.memory_space<semaphore_mem>>)
        %dma_wait3A = arith.constant 0 : i32
        %dma_wait3A_69 = tpu.memref_slice %arg6[%add3A_63, %dma_wait3A] : memref<20000x128xf32, #tpu.memory_space<hbm>> -> memref<16x128xf32, #tpu.memory_space<hbm>>
        %dma_wait3A_70 = arith.constant 9984 : i32
        %dma_wait3A_71 = arith.constant 0 : i32
        %dma_wait3A_72 = tpu.memref_slice %arg7[%dma_wait3A_70, %dma_wait3A_71] : memref<10016x128xf32, #tpu.memory_space<vmem_shared>> -> memref<16x128xf32, #tpu.memory_space<vmem_shared>>
        tpu.wait_dma2 semaphore(%run_scoped3A : memref<!tpu.dma_semaphore, #tpu.memory_space<semaphore_mem>>) src(%dma_wait3A_72 : memref<16x128xf32, #tpu.memory_space<vmem_shared>>) dst(%dma_wait3A_69 : memref<16x128xf32, #tpu.memory_space<hbm>>)
        tpu.yield
      }) : () -> ()
    } else {
    }
    return
  }
}

#map = affine_map<(d0, d1) -> (0, 0)>
#map1 = affine_map<(d0, d1) -> (0, 0, 0)>
module attributes {stable_mosaic.version = 14 : i64} {
  func.func @k(%arg0: i32, %arg1: i32, %arg2: memref<20000x128xf32, #tpu.memory_space<hbm>>, %arg3: memref<20000x128xf32, #tpu.memory_space<hbm>>, %arg4: memref<16x10080xi32, #tpu.memory_space<hbm>>, %arg5: memref<16x126x80xi32, #tpu.memory_space<hbm>>, %arg6: memref<20000x128xf32, #tpu.memory_space<hbm>>, %arg7: memref<10016x128xf32, #tpu.memory_space<vmem_shared>>, %arg8: memref<10080xi32, #tpu.memory_space<vmem>>, %arg9: memref<126x80xi32, #tpu.memory_space<vmem>>, %arg10: memref<80xi32, #tpu.memory_space<vmem>>, %arg11: memref<80xi32, #tpu.memory_space<vmem>>, %arg12: memref<80x128xf32, #tpu.memory_space<vmem>>, %arg13: memref<80x128xf32, #tpu.memory_space<vmem>>, %arg14: memref<!tpu.dma_semaphore, #tpu.memory_space<semaphore_mem>>, %arg15: memref<!tpu.dma_semaphore, #tpu.memory_space<semaphore_mem>>) attributes {dimension_semantics = [#tpu.dimension_semantics<core_parallel>, #tpu.dimension_semantics<subcore_parallel>], iteration_bounds = array<i64: 2, 16>, scalar_prefetch = 0 : i64, scratch_operands = 9 : i64, tpu.core_type = #tpu.core_type<sc_vector_subcore>, window_params = [{transform_indices = #map}, {transform_indices = #map}, {transform_indices = #map}, {transform_indices = #map1}, {transform_indices = #map}]} {
    %mul3A = arith.constant 10000 : i32
    %mul3A_0 = arith.muli %arg0, %mul3A : i32
    %mul3A_1 = arith.constant 624 : i32
    %mul3A_2 = arith.muli %arg1, %mul3A_1 : i32
    %add3A = arith.addi %mul3A_0, %mul3A_2 : i32
    "tpu.region"() ({
      %run_scoped3A = tpu.sem_alloc : memref<!tpu.dma_semaphore, #tpu.memory_space<semaphore_mem>>
      %dma_start3A_62 = arith.constant 0 : i32
      %dma_start3A_63 = tpu.memref_slice %arg7[%mul3A_2, %dma_start3A_62] : memref<10016x128xf32, #tpu.memory_space<vmem_shared>> -> memref<624x128xf32, #tpu.memory_space<vmem_shared>>
      %dma_start3A_64 = arith.constant 0 : i32
      %dma_start3A_65 = tpu.memref_slice %arg3[%add3A, %dma_start3A_64] : memref<20000x128xf32, #tpu.memory_space<hbm>> -> memref<624x128xf32, #tpu.memory_space<hbm>>
      tpu.enqueue_dma source(%dma_start3A_65 : memref<624x128xf32, #tpu.memory_space<hbm>>) target(%dma_start3A_63 : memref<624x128xf32, #tpu.memory_space<vmem_shared>>) target_semaphore(%run_scoped3A : memref<!tpu.dma_semaphore, #tpu.memory_space<semaphore_mem>>)
      %dma_wait3A = arith.constant 0 : i32
      %dma_wait3A_66 = tpu.memref_slice %arg7[%mul3A_2, %dma_wait3A] : memref<10016x128xf32, #tpu.memory_space<vmem_shared>> -> memref<624x128xf32, #tpu.memory_space<vmem_shared>>
      %dma_wait3A_67 = arith.constant 0 : i32
      %dma_wait3A_68 = tpu.memref_slice %arg3[%add3A, %dma_wait3A_67] : memref<20000x128xf32, #tpu.memory_space<hbm>> -> memref<624x128xf32, #tpu.memory_space<hbm>>
      tpu.wait_dma2 semaphore(%run_scoped3A : memref<!tpu.dma_semaphore, #tpu.memory_space<semaphore_mem>>) src(%dma_wait3A_68 : memref<624x128xf32, #tpu.memory_space<hbm>>) dst(%dma_wait3A_66 : memref<624x128xf32, #tpu.memory_space<vmem_shared>>)
      tpu.yield
    }) : () -> ()
    %eq3A = arith.constant 15 : i32
    %eq3A_3 = arith.cmpi eq, %arg1, %eq3A : i32
    %convert_element_type3A = arith.extui %eq3A_3 : i1 to i32
    %cond3A = arith.constant 0 : i32
    %cond3A_4 = arith.cmpi ne, %convert_element_type3A, %cond3A : i32
    scf.if %cond3A_4 {
      %add3A_62 = arith.constant 9984 : i32
      %add3A_63 = arith.addi %add3A_62, %mul3A_0 : i32
      "tpu.region"() ({
        %run_scoped3A = tpu.sem_alloc : memref<!tpu.dma_semaphore, #tpu.memory_space<semaphore_mem>>
        %dma_start3A_64 = arith.constant 9984 : i32
        %dma_start3A_65 = arith.constant 0 : i32
        %dma_start3A_66 = tpu.memref_slice %arg7[%dma_start3A_64, %dma_start3A_65] : memref<10016x128xf32, #tpu.memory_space<vmem_shared>> -> memref<16x128xf32, #tpu.memory_space<vmem_shared>>
        %dma_start3A_67 = arith.constant 0 : i32
        %dma_start3A_68 = tpu.memref_slice %arg3[%add3A_63, %dma_start3A_67] : memref<20000x128xf32, #tpu.memory_space<hbm>> -> memref<16x128xf32, #tpu.memory_space<hbm>>
        tpu.enqueue_dma source(%dma_start3A_68 : memref<16x128xf32, #tpu.memory_space<hbm>>) target(%dma_start3A_66 : memref<16x128xf32, #tpu.memory_space<vmem_shared>>) target_semaphore(%run_scoped3A : memref<!tpu.dma_semaphore, #tpu.memory_space<semaphore_mem>>)
        %dma_wait3A = arith.constant 9984 : i32
        %dma_wait3A_69 = arith.constant 0 : i32
        %dma_wait3A_70 = tpu.memref_slice %arg7[%dma_wait3A, %dma_wait3A_69] : memref<10016x128xf32, #tpu.memory_space<vmem_shared>> -> memref<16x128xf32, #tpu.memory_space<vmem_shared>>
        %dma_wait3A_71 = arith.constant 0 : i32
        %dma_wait3A_72 = tpu.memref_slice %arg3[%add3A_63, %dma_wait3A_71] : memref<20000x128xf32, #tpu.memory_space<hbm>> -> memref<16x128xf32, #tpu.memory_space<hbm>>
        tpu.wait_dma2 semaphore(%run_scoped3A : memref<!tpu.dma_semaphore, #tpu.memory_space<semaphore_mem>>) src(%dma_wait3A_72 : memref<16x128xf32, #tpu.memory_space<hbm>>) dst(%dma_wait3A_70 : memref<16x128xf32, #tpu.memory_space<vmem_shared>>)
        tpu.yield
      }) : () -> ()
    } else {
    }
    "tpu.region"() ({
      %run_scoped3A = tpu.sem_alloc : memref<!tpu.dma_semaphore, #tpu.memory_space<semaphore_mem>>
      %dma_start3A_62 = arith.constant 0 : i32
      %dma_start3A_63 = tpu.memref_slice %arg4[%arg1, %dma_start3A_62] : memref<16x10080xi32, #tpu.memory_space<hbm>> -> memref<1x10080xi32, #tpu.memory_space<hbm>>
      %dma_start3A_64 = tpu.memref_squeeze %dma_start3A_63 : memref<1x10080xi32, #tpu.memory_space<hbm>> -> memref<10080xi32, #tpu.memory_space<hbm>>
      %dma_start3A_65 = arith.constant 0 : i32
      %dma_start3A_66 = tpu.memref_slice %arg4[%arg1, %dma_start3A_65] : memref<16x10080xi32, #tpu.memory_space<hbm>> -> memref<1x10080xi32, #tpu.memory_space<hbm>>
      %dma_start3A_67 = tpu.memref_squeeze %dma_start3A_66 : memref<1x10080xi32, #tpu.memory_space<hbm>> -> memref<10080xi32, #tpu.memory_space<hbm>>
      tpu.enqueue_dma source(%dma_start3A_67 : memref<10080xi32, #tpu.memory_space<hbm>>) target(%arg8 : memref<10080xi32, #tpu.memory_space<vmem>>) target_semaphore(%run_scoped3A : memref<!tpu.dma_semaphore, #tpu.memory_space<semaphore_mem>>)
      %dma_wait3A = arith.constant 0 : i32
      %dma_wait3A_68 = tpu.memref_slice %arg4[%arg1, %dma_wait3A] : memref<16x10080xi32, #tpu.memory_space<hbm>> -> memref<1x10080xi32, #tpu.memory_space<hbm>>
      %dma_wait3A_69 = tpu.memref_squeeze %dma_wait3A_68 : memref<1x10080xi32, #tpu.memory_space<hbm>> -> memref<10080xi32, #tpu.memory_space<hbm>>
      %dma_wait3A_70 = arith.constant 0 : i32
      %dma_wait3A_71 = tpu.memref_slice %arg4[%arg1, %dma_wait3A_70] : memref<16x10080xi32, #tpu.memory_space<hbm>> -> memref<1x10080xi32, #tpu.memory_space<hbm>>
      %dma_wait3A_72 = tpu.memref_squeeze %dma_wait3A_71 : memref<1x10080xi32, #tpu.memory_space<hbm>> -> memref<10080xi32, #tpu.memory_space<hbm>>
      tpu.wait_dma2 semaphore(%run_scoped3A : memref<!tpu.dma_semaphore, #tpu.memory_space<semaphore_mem>>) src(%dma_wait3A_72 : memref<10080xi32, #tpu.memory_space<hbm>>) dst(%arg8 : memref<10080xi32, #tpu.memory_space<vmem>>)
      tpu.yield
    }) : () -> ()
    "tpu.region"() ({
      %run_scoped3A = tpu.sem_alloc : memref<!tpu.dma_semaphore, #tpu.memory_space<semaphore_mem>>
      %dma_start3A_62 = arith.constant 0 : i32
      %dma_start3A_63 = arith.constant 0 : i32
      %dma_start3A_64 = tpu.memref_slice %arg5[%arg1, %dma_start3A_62, %dma_start3A_63] : memref<16x126x80xi32, #tpu.memory_space<hbm>> -> memref<1x126x80xi32, #tpu.memory_space<hbm>>
      %dma_start3A_65 = tpu.memref_squeeze %dma_start3A_64 : memref<1x126x80xi32, #tpu.memory_space<hbm>> -> memref<126x80xi32, #tpu.memory_space<hbm>>
      %dma_start3A_66 = arith.constant 0 : i32
      %dma_start3A_67 = arith.constant 0 : i32
      %dma_start3A_68 = tpu.memref_slice %arg5[%arg1, %dma_start3A_66, %dma_start3A_67] : memref<16x126x80xi32, #tpu.memory_space<hbm>> -> memref<1x126x80xi32, #tpu.memory_space<hbm>>
      %dma_start3A_69 = tpu.memref_squeeze %dma_start3A_68 : memref<1x126x80xi32, #tpu.memory_space<hbm>> -> memref<126x80xi32, #tpu.memory_space<hbm>>
      tpu.enqueue_dma source(%dma_start3A_69 : memref<126x80xi32, #tpu.memory_space<hbm>>) target(%arg9 : memref<126x80xi32, #tpu.memory_space<vmem>>) target_semaphore(%run_scoped3A : memref<!tpu.dma_semaphore, #tpu.memory_space<semaphore_mem>>)
      %dma_wait3A = arith.constant 0 : i32
      %dma_wait3A_70 = arith.constant 0 : i32
      %dma_wait3A_71 = tpu.memref_slice %arg5[%arg1, %dma_wait3A, %dma_wait3A_70] : memref<16x126x80xi32, #tpu.memory_space<hbm>> -> memref<1x126x80xi32, #tpu.memory_space<hbm>>
      %dma_wait3A_72 = tpu.memref_squeeze %dma_wait3A_71 : memref<1x126x80xi32, #tpu.memory_space<hbm>> -> memref<126x80xi32, #tpu.memory_space<hbm>>
      %dma_wait3A_73 = arith.constant 0 : i32
      %dma_wait3A_74 = arith.constant 0 : i32
      %dma_wait3A_75 = tpu.memref_slice %arg5[%arg1, %dma_wait3A_73, %dma_wait3A_74] : memref<16x126x80xi32, #tpu.memory_space<hbm>> -> memref<1x126x80xi32, #tpu.memory_space<hbm>>
      %dma_wait3A_76 = tpu.memref_squeeze %dma_wait3A_75 : memref<1x126x80xi32, #tpu.memory_space<hbm>> -> memref<126x80xi32, #tpu.memory_space<hbm>>
      tpu.wait_dma2 semaphore(%run_scoped3A : memref<!tpu.dma_semaphore, #tpu.memory_space<semaphore_mem>>) src(%dma_wait3A_76 : memref<126x80xi32, #tpu.memory_space<hbm>>) dst(%arg9 : memref<126x80xi32, #tpu.memory_space<vmem>>)
      tpu.yield
    }) : () -> ()
    %barrier3A = arith.constant 0 : index
    tpu.barrier barrier_id(%barrier3A)
    %get3A = arith.constant 0 : index
    %get3A_5 = tpu.vector_load %arg8[%get3A] {strides = array<i32>} : memref<10080xi32, #tpu.memory_space<vmem>>, vector<16xi32>,
    %get3A_6 = vector.shape_cast %get3A_5 : vector<16xi32> to vector<16xi32>
    %add3A_7 = vector.broadcast %mul3A_0 : i32 to vector<16xi32>
    %add3A_8 = arith.addi %get3A_6, %add3A_7 : vector<16xi32>
    %swap3A = arith.constant 0 : index
    %swap3A_9 = tpu.vector_load %arg10[%swap3A] {strides = array<i32>} : memref<80xi32, #tpu.memory_space<vmem>>, vector<16xi32>,
    %swap3A_10 = vector.shape_cast %swap3A_9 : vector<16xi32> to vector<16xi32>
    %swap3A_11 = vector.shape_cast %add3A_8 : vector<16xi32> to vector<16xi32>
    tpu.vector_store %arg10[%swap3A], %swap3A_11 {strides = array<i32>} : memref<80xi32, #tpu.memory_space<vmem>>, vector<16xi32>,
    %get3A_12 = arith.constant 16 : index
    %get3A_13 = tpu.vector_load %arg8[%get3A_12] {strides = array<i32>} : memref<10080xi32, #tpu.memory_space<vmem>>, vector<16xi32>,
    %get3A_14 = vector.shape_cast %get3A_13 : vector<16xi32> to vector<16xi32>
    %add3A_15 = vector.broadcast %mul3A_0 : i32 to vector<16xi32>
    %add3A_16 = arith.addi %get3A_14, %add3A_15 : vector<16xi32>
    %swap3A_17 = arith.constant 16 : index
    %swap3A_18 = tpu.vector_load %arg10[%swap3A_17] {strides = array<i32>} : memref<80xi32, #tpu.memory_space<vmem>>, vector<16xi32>,
    %swap3A_19 = vector.shape_cast %swap3A_18 : vector<16xi32> to vector<16xi32>
    %swap3A_20 = vector.shape_cast %add3A_16 : vector<16xi32> to vector<16xi32>
    tpu.vector_store %arg10[%swap3A_17], %swap3A_20 {strides = array<i32>} : memref<80xi32, #tpu.memory_space<vmem>>, vector<16xi32>,
    %get3A_21 = arith.constant 32 : index
    %get3A_22 = tpu.vector_load %arg8[%get3A_21] {strides = array<i32>} : memref<10080xi32, #tpu.memory_space<vmem>>, vector<16xi32>,
    %get3A_23 = vector.shape_cast %get3A_22 : vector<16xi32> to vector<16xi32>
    %add3A_24 = vector.broadcast %mul3A_0 : i32 to vector<16xi32>
    %add3A_25 = arith.addi %get3A_23, %add3A_24 : vector<16xi32>
    %swap3A_26 = arith.constant 32 : index
    %swap3A_27 = tpu.vector_load %arg10[%swap3A_26] {strides = array<i32>} : memref<80xi32, #tpu.memory_space<vmem>>, vector<16xi32>,
    %swap3A_28 = vector.shape_cast %swap3A_27 : vector<16xi32> to vector<16xi32>
    %swap3A_29 = vector.shape_cast %add3A_25 : vector<16xi32> to vector<16xi32>
    tpu.vector_store %arg10[%swap3A_26], %swap3A_29 {strides = array<i32>} : memref<80xi32, #tpu.memory_space<vmem>>, vector<16xi32>,
    %get3A_30 = arith.constant 48 : index
    %get3A_31 = tpu.vector_load %arg8[%get3A_30] {strides = array<i32>} : memref<10080xi32, #tpu.memory_space<vmem>>, vector<16xi32>,
    %get3A_32 = vector.shape_cast %get3A_31 : vector<16xi32> to vector<16xi32>
    %add3A_33 = vector.broadcast %mul3A_0 : i32 to vector<16xi32>
    %add3A_34 = arith.addi %get3A_32, %add3A_33 : vector<16xi32>
    %swap3A_35 = arith.constant 48 : index
    %swap3A_36 = tpu.vector_load %arg10[%swap3A_35] {strides = array<i32>} : memref<80xi32, #tpu.memory_space<vmem>>, vector<16xi32>,
    %swap3A_37 = vector.shape_cast %swap3A_36 : vector<16xi32> to vector<16xi32>
    %swap3A_38 = vector.shape_cast %add3A_34 : vector<16xi32> to vector<16xi32>
    tpu.vector_store %arg10[%swap3A_35], %swap3A_38 {strides = array<i32>} : memref<80xi32, #tpu.memory_space<vmem>>, vector<16xi32>,
    %get3A_39 = arith.constant 64 : index
    %get3A_40 = tpu.vector_load %arg8[%get3A_39] {strides = array<i32>} : memref<10080xi32, #tpu.memory_space<vmem>>, vector<16xi32>,
    %get3A_41 = vector.shape_cast %get3A_40 : vector<16xi32> to vector<16xi32>
    %add3A_42 = vector.broadcast %mul3A_0 : i32 to vector<16xi32>
    %add3A_43 = arith.addi %get3A_41, %add3A_42 : vector<16xi32>
    %swap3A_44 = arith.constant 64 : index
    %swap3A_45 = tpu.vector_load %arg10[%swap3A_44] {strides = array<i32>} : memref<80xi32, #tpu.memory_space<vmem>>, vector<16xi32>,
    %swap3A_46 = vector.shape_cast %swap3A_45 : vector<16xi32> to vector<16xi32>
    %swap3A_47 = vector.shape_cast %add3A_43 : vector<16xi32> to vector<16xi32>
    tpu.vector_store %arg10[%swap3A_44], %swap3A_47 {strides = array<i32>} : memref<80xi32, #tpu.memory_space<vmem>>, vector<16xi32>,
    %dma_start3A = arith.constant 0 : i32
    %dma_start3A_48 = arith.constant 0 : i32
    %dma_start3A_49 = tpu.memref_slice %arg2[%dma_start3A, %dma_start3A_48] : memref<20000x128xf32, #tpu.memory_space<hbm>> -> memref<20000x128xf32, #tpu.memory_space<hbm>>
    tpu.enqueue_indirect_dma source(%dma_start3A_49 : memref<20000x128xf32, #tpu.memory_space<hbm>>) target(%arg12 : memref<80x128xf32, #tpu.memory_space<vmem>>) offsets(%arg10 : memref<80xi32, #tpu.memory_space<vmem>>) semaphore(%arg14 : memref<!tpu.dma_semaphore, #tpu.memory_space<semaphore_mem>>)
    %scan3A = arith.constant 0 : i32
    %scan3A_50 = arith.constant 0 : i32
    %scan3A_51 = arith.constant 63 : i32
    %scan3A_52 = arith.addi %scan3A_50, %scan3A_51 : i32
    %scan3A_53 = arith.constant 1 : i32
    scf.for %scan3A_62 = %scan3A_50 to %scan3A_52 step %scan3A_53  : i32 {
      %mul3A_63 = arith.constant 2 : i32
      %mul3A_64 = arith.muli %mul3A_63, %scan3A_62 : i32
      %add3A_65 = arith.constant 1 : i32
      %add3A_66 = arith.addi %mul3A_64, %add3A_65 : i32
      %mul3A_67 = arith.constant 80 : i32
      %mul3A_68 = arith.muli %add3A_66, %mul3A_67 : i32
      %add3A_69 = arith.constant 0 : i32
      %add3A_70 = arith.addi %mul3A_68, %add3A_69 : i32
      %get3A_71 = arith.index_cast %add3A_70 : i32 to index
      %get3A_72 = tpu.vector_load %arg8[%get3A_71] {strides = array<i32>} : memref<10080xi32, #tpu.memory_space<vmem>>, vector<16xi32>,
      %get3A_73 = vector.shape_cast %get3A_72 : vector<16xi32> to vector<16xi32>
      %add3A_74 = vector.broadcast %mul3A_0 : i32 to vector<16xi32>
      %add3A_75 = arith.addi %get3A_73, %add3A_74 : vector<16xi32>
      %swap3A_76 = arith.constant 0 : index
      %swap3A_77 = tpu.vector_load %arg11[%swap3A_76] {strides = array<i32>} : memref<80xi32, #tpu.memory_space<vmem>>, vector<16xi32>,
      %swap3A_78 = vector.shape_cast %swap3A_77 : vector<16xi32> to vector<16xi32>
      %swap3A_79 = vector.shape_cast %add3A_75 : vector<16xi32> to vector<16xi32>
      tpu.vector_store %arg11[%swap3A_76], %swap3A_79 {strides = array<i32>} : memref<80xi32, #tpu.memory_space<vmem>>, vector<16xi32>,
      %mul3A_80 = arith.constant 80 : i32
      %mul3A_81 = arith.muli %add3A_66, %mul3A_80 : i32
      %add3A_82 = arith.constant 16 : i32
      %add3A_83 = arith.addi %mul3A_81, %add3A_82 : i32
      %get3A_84 = arith.index_cast %add3A_83 : i32 to index
      %get3A_85 = tpu.vector_load %arg8[%get3A_84] {strides = array<i32>} : memref<10080xi32, #tpu.memory_space<vmem>>, vector<16xi32>,
      %get3A_86 = vector.shape_cast %get3A_85 : vector<16xi32> to vector<16xi32>
      %add3A_87 = vector.broadcast %mul3A_0 : i32 to vector<16xi32>
      %add3A_88 = arith.addi %get3A_86, %add3A_87 : vector<16xi32>
      %swap3A_89 = arith.constant 16 : index
      %swap3A_90 = tpu.vector_load %arg11[%swap3A_89] {strides = array<i32>} : memref<80xi32, #tpu.memory_space<vmem>>, vector<16xi32>,
      %swap3A_91 = vector.shape_cast %swap3A_90 : vector<16xi32> to vector<16xi32>
      %swap3A_92 = vector.shape_cast %add3A_88 : vector<16xi32> to vector<16xi32>
      tpu.vector_store %arg11[%swap3A_89], %swap3A_92 {strides = array<i32>} : memref<80xi32, #tpu.memory_space<vmem>>, vector<16xi32>,
      %mul3A_93 = arith.constant 80 : i32
      %mul3A_94 = arith.muli %add3A_66, %mul3A_93 : i32
      %add3A_95 = arith.constant 32 : i32
      %add3A_96 = arith.addi %mul3A_94, %add3A_95 : i32
      %get3A_97 = arith.index_cast %add3A_96 : i32 to index
      %get3A_98 = tpu.vector_load %arg8[%get3A_97] {strides = array<i32>} : memref<10080xi32, #tpu.memory_space<vmem>>, vector<16xi32>,
      %get3A_99 = vector.shape_cast %get3A_98 : vector<16xi32> to vector<16xi32>
      %add3A_100 = vector.broadcast %mul3A_0 : i32 to vector<16xi32>
      %add3A_101 = arith.addi %get3A_99, %add3A_100 : vector<16xi32>
      %swap3A_102 = arith.constant 32 : index
      %swap3A_103 = tpu.vector_load %arg11[%swap3A_102] {strides = array<i32>} : memref<80xi32, #tpu.memory_space<vmem>>, vector<16xi32>,
      %swap3A_104 = vector.shape_cast %swap3A_103 : vector<16xi32> to vector<16xi32>
      %swap3A_105 = vector.shape_cast %add3A_101 : vector<16xi32> to vector<16xi32>
      tpu.vector_store %arg11[%swap3A_102], %swap3A_105 {strides = array<i32>} : memref<80xi32, #tpu.memory_space<vmem>>, vector<16xi32>,
      %mul3A_106 = arith.constant 80 : i32
      %mul3A_107 = arith.muli %add3A_66, %mul3A_106 : i32
      %add3A_108 = arith.constant 48 : i32
      %add3A_109 = arith.addi %mul3A_107, %add3A_108 : i32
      %get3A_110 = arith.index_cast %add3A_109 : i32 to index
      %get3A_111 = tpu.vector_load %arg8[%get3A_110] {strides = array<i32>} : memref<10080xi32, #tpu.memory_space<vmem>>, vector<16xi32>,
      %get3A_112 = vector.shape_cast %get3A_111 : vector<16xi32> to vector<16xi32>
      %add3A_113 = vector.broadcast %mul3A_0 : i32 to vector<16xi32>
      %add3A_114 = arith.addi %get3A_112, %add3A_113 : vector<16xi32>
      %swap3A_115 = arith.constant 48 : index
      %swap3A_116 = tpu.vector_load %arg11[%swap3A_115] {strides = array<i32>} : memref<80xi32, #tpu.memory_space<vmem>>, vector<16xi32>,
      %swap3A_117 = vector.shape_cast %swap3A_116 : vector<16xi32> to vector<16xi32>
      %swap3A_118 = vector.shape_cast %add3A_114 : vector<16xi32> to vector<16xi32>
      tpu.vector_store %arg11[%swap3A_115], %swap3A_118 {strides = array<i32>} : memref<80xi32, #tpu.memory_space<vmem>>, vector<16xi32>,
      %mul3A_119 = arith.constant 80 : i32
      %mul3A_120 = arith.muli %add3A_66, %mul3A_119 : i32
      %add3A_121 = arith.constant 64 : i32
      %add3A_122 = arith.addi %mul3A_120, %add3A_121 : i32
      %get3A_123 = arith.index_cast %add3A_122 : i32 to index
      %get3A_124 = tpu.vector_load %arg8[%get3A_123] {strides = array<i32>} : memref<10080xi32, #tpu.memory_space<vmem>>, vector<16xi32>,
      %get3A_125 = vector.shape_cast %get3A_124 : vector<16xi32> to vector<16xi32>
      %add3A_126 = vector.broadcast %mul3A_0 : i32 to vector<16xi32>
      %add3A_127 = arith.addi %get3A_125, %add3A_126 : vector<16xi32>
      %swap3A_128 = arith.constant 64 : index
      %swap3A_129 = tpu.vector_load %arg11[%swap3A_128] {strides = array<i32>} : memref<80xi32, #tpu.memory_space<vmem>>, vector<16xi32>,
      %swap3A_130 = vector.shape_cast %swap3A_129 : vector<16xi32> to vector<16xi32>
      %swap3A_131 = vector.shape_cast %add3A_127 : vector<16xi32> to vector<16xi32>
      tpu.vector_store %arg11[%swap3A_128], %swap3A_131 {strides = array<i32>} : memref<80xi32, #tpu.memory_space<vmem>>, vector<16xi32>,
      %dma_start3A_132 = arith.constant 0 : i32
      %dma_start3A_133 = arith.constant 0 : i32
      %dma_start3A_134 = tpu.memref_slice %arg2[%dma_start3A_132, %dma_start3A_133] : memref<20000x128xf32, #tpu.memory_space<hbm>> -> memref<20000x128xf32, #tpu.memory_space<hbm>>
      tpu.enqueue_indirect_dma source(%dma_start3A_134 : memref<20000x128xf32, #tpu.memory_space<hbm>>) target(%arg13 : memref<80x128xf32, #tpu.memory_space<vmem>>) offsets(%arg11 : memref<80xi32, #tpu.memory_space<vmem>>) semaphore(%arg15 : memref<!tpu.dma_semaphore, #tpu.memory_space<semaphore_mem>>)
      %dma_wait3A = arith.constant 0 : i32
      %dma_wait3A_135 = arith.constant 0 : i32
      %dma_wait3A_136 = tpu.memref_slice %arg2[%dma_wait3A, %dma_wait3A_135] : memref<20000x128xf32, #tpu.memory_space<hbm>> -> memref<20000x128xf32, #tpu.memory_space<hbm>>
      tpu.wait_indirect_dma semaphore(%arg14 : memref<!tpu.dma_semaphore, #tpu.memory_space<semaphore_mem>>) src(%dma_wait3A_136 : memref<20000x128xf32, #tpu.memory_space<hbm>>) dst(%arg12 : memref<80x128xf32, #tpu.memory_space<vmem>>)
      "tpu.region"() ({
        %run_scoped3A = tpu.sem_alloc : memref<!tpu.dma_semaphore, #tpu.memory_space<semaphore_mem>>
        %dma_start3A_148 = arith.constant 0 : i32
        %dma_start3A_149 = tpu.memref_slice %arg9[%mul3A_64, %dma_start3A_148] : memref<126x80xi32, #tpu.memory_space<vmem>> -> memref<1x80xi32, #tpu.memory_space<vmem>>
        %dma_start3A_150 = tpu.memref_squeeze %dma_start3A_149 : memref<1x80xi32, #tpu.memory_space<vmem>> -> memref<80xi32, #tpu.memory_space<vmem>>
        %dma_start3A_151 = arith.constant 0 : i32
        %dma_start3A_152 = arith.constant 0 : i32
        %dma_start3A_153 = tpu.memref_slice %arg7[%dma_start3A_151, %dma_start3A_152] : memref<10016x128xf32, #tpu.memory_space<vmem_shared>> -> memref<10016x128xf32, #tpu.memory_space<vmem_shared>>
        tpu.enqueue_indirect_dma source(%arg12 : memref<80x128xf32, #tpu.memory_space<vmem>>) target(%dma_start3A_153 : memref<10016x128xf32, #tpu.memory_space<vmem_shared>>) offsets(%dma_start3A_150 : memref<80xi32, #tpu.memory_space<vmem>>) semaphore(%run_scoped3A : memref<!tpu.dma_semaphore, #tpu.memory_space<semaphore_mem>>) {add = true}
        %dma_wait3A_154 = arith.constant 0 : i32
        %dma_wait3A_155 = tpu.memref_slice %arg9[%mul3A_64, %dma_wait3A_154] : memref<126x80xi32, #tpu.memory_space<vmem>> -> memref<1x80xi32, #tpu.memory_space<vmem>>
        %dma_wait3A_156 = tpu.memref_squeeze %dma_wait3A_155 : memref<1x80xi32, #tpu.memory_space<vmem>> -> memref<80xi32, #tpu.memory_space<vmem>>
        %dma_wait3A_157 = arith.constant 0 : i32
        %dma_wait3A_158 = arith.constant 0 : i32
        %dma_wait3A_159 = tpu.memref_slice %arg7[%dma_wait3A_157, %dma_wait3A_158] : memref<10016x128xf32, #tpu.memory_space<vmem_shared>> -> memref<10016x128xf32, #tpu.memory_space<vmem_shared>>
        tpu.wait_indirect_dma semaphore(%run_scoped3A : memref<!tpu.dma_semaphore, #tpu.memory_space<semaphore_mem>>) src(%arg12 : memref<80x128xf32, #tpu.memory_space<vmem>>) dst(%dma_wait3A_159 : memref<10016x128xf32, #tpu.memory_space<vmem_shared>>)
        tpu.yield
      }) : () -> ()
      %add3A_137 = arith.constant 2 : i32
      %add3A_138 = arith.addi %mul3A_64, %add3A_137 : i32
      %lt3A = arith.constant 126 : i32
      %lt3A_139 = arith.cmpi slt, %add3A_138, %lt3A : i32
      %convert_element_type3A_140 = arith.extui %lt3A_139 : i1 to i32
      %cond3A_141 = arith.constant 0 : i32
      %cond3A_142 = arith.cmpi ne, %convert_element_type3A_140, %cond3A_141 : i32
      scf.if %cond3A_142 {
        %add3A_148 = arith.constant 2 : i32
        %add3A_149 = arith.addi %mul3A_64, %add3A_148 : i32
        %mul3A_150 = arith.constant 80 : i32
        %mul3A_151 = arith.muli %add3A_149, %mul3A_150 : i32
        %add3A_152 = arith.constant 0 : i32
        %add3A_153 = arith.addi %mul3A_151, %add3A_152 : i32
        %get3A_154 = arith.index_cast %add3A_153 : i32 to index
        %get3A_155 = tpu.vector_load %arg8[%get3A_154] {strides = array<i32>} : memref<10080xi32, #tpu.memory_space<vmem>>, vector<16xi32>,
        %get3A_156 = vector.shape_cast %get3A_155 : vector<16xi32> to vector<16xi32>
        %add3A_157 = vector.broadcast %mul3A_0 : i32 to vector<16xi32>
        %add3A_158 = arith.addi %get3A_156, %add3A_157 : vector<16xi32>
        %swap3A_159 = arith.constant 0 : index
        %swap3A_160 = tpu.vector_load %arg10[%swap3A_159] {strides = array<i32>} : memref<80xi32, #tpu.memory_space<vmem>>, vector<16xi32>,
        %swap3A_161 = vector.shape_cast %swap3A_160 : vector<16xi32> to vector<16xi32>
        %swap3A_162 = vector.shape_cast %add3A_158 : vector<16xi32> to vector<16xi32>
        tpu.vector_store %arg10[%swap3A_159], %swap3A_162 {strides = array<i32>} : memref<80xi32, #tpu.memory_space<vmem>>, vector<16xi32>,
        %mul3A_163 = arith.constant 80 : i32
        %mul3A_164 = arith.muli %add3A_149, %mul3A_163 : i32
        %add3A_165 = arith.constant 16 : i32
        %add3A_166 = arith.addi %mul3A_164, %add3A_165 : i32
        %get3A_167 = arith.index_cast %add3A_166 : i32 to index
        %get3A_168 = tpu.vector_load %arg8[%get3A_167] {strides = array<i32>} : memref<10080xi32, #tpu.memory_space<vmem>>, vector<16xi32>,
        %get3A_169 = vector.shape_cast %get3A_168 : vector<16xi32> to vector<16xi32>
        %add3A_170 = vector.broadcast %mul3A_0 : i32 to vector<16xi32>
        %add3A_171 = arith.addi %get3A_169, %add3A_170 : vector<16xi32>
        %swap3A_172 = arith.constant 16 : index
        %swap3A_173 = tpu.vector_load %arg10[%swap3A_172] {strides = array<i32>} : memref<80xi32, #tpu.memory_space<vmem>>, vector<16xi32>,
        %swap3A_174 = vector.shape_cast %swap3A_173 : vector<16xi32> to vector<16xi32>
        %swap3A_175 = vector.shape_cast %add3A_171 : vector<16xi32> to vector<16xi32>
        tpu.vector_store %arg10[%swap3A_172], %swap3A_175 {strides = array<i32>} : memref<80xi32, #tpu.memory_space<vmem>>, vector<16xi32>,
        %mul3A_176 = arith.constant 80 : i32
        %mul3A_177 = arith.muli %add3A_149, %mul3A_176 : i32
        %add3A_178 = arith.constant 32 : i32
        %add3A_179 = arith.addi %mul3A_177, %add3A_178 : i32
        %get3A_180 = arith.index_cast %add3A_179 : i32 to index
        %get3A_181 = tpu.vector_load %arg8[%get3A_180] {strides = array<i32>} : memref<10080xi32, #tpu.memory_space<vmem>>, vector<16xi32>,
        %get3A_182 = vector.shape_cast %get3A_181 : vector<16xi32> to vector<16xi32>
        %add3A_183 = vector.broadcast %mul3A_0 : i32 to vector<16xi32>
        %add3A_184 = arith.addi %get3A_182, %add3A_183 : vector<16xi32>
        %swap3A_185 = arith.constant 32 : index
        %swap3A_186 = tpu.vector_load %arg10[%swap3A_185] {strides = array<i32>} : memref<80xi32, #tpu.memory_space<vmem>>, vector<16xi32>,
        %swap3A_187 = vector.shape_cast %swap3A_186 : vector<16xi32> to vector<16xi32>
        %swap3A_188 = vector.shape_cast %add3A_184 : vector<16xi32> to vector<16xi32>
        tpu.vector_store %arg10[%swap3A_185], %swap3A_188 {strides = array<i32>} : memref<80xi32, #tpu.memory_space<vmem>>, vector<16xi32>,
        %mul3A_189 = arith.constant 80 : i32
        %mul3A_190 = arith.muli %add3A_149, %mul3A_189 : i32
        %add3A_191 = arith.constant 48 : i32
        %add3A_192 = arith.addi %mul3A_190, %add3A_191 : i32
        %get3A_193 = arith.index_cast %add3A_192 : i32 to index
        %get3A_194 = tpu.vector_load %arg8[%get3A_193] {strides = array<i32>} : memref<10080xi32, #tpu.memory_space<vmem>>, vector<16xi32>,
        %get3A_195 = vector.shape_cast %get3A_194 : vector<16xi32> to vector<16xi32>
        %add3A_196 = vector.broadcast %mul3A_0 : i32 to vector<16xi32>
        %add3A_197 = arith.addi %get3A_195, %add3A_196 : vector<16xi32>
        %swap3A_198 = arith.constant 48 : index
        %swap3A_199 = tpu.vector_load %arg10[%swap3A_198] {strides = array<i32>} : memref<80xi32, #tpu.memory_space<vmem>>, vector<16xi32>,
        %swap3A_200 = vector.shape_cast %swap3A_199 : vector<16xi32> to vector<16xi32>
        %swap3A_201 = vector.shape_cast %add3A_197 : vector<16xi32> to vector<16xi32>
        tpu.vector_store %arg10[%swap3A_198], %swap3A_201 {strides = array<i32>} : memref<80xi32, #tpu.memory_space<vmem>>, vector<16xi32>,
        %mul3A_202 = arith.constant 80 : i32
        %mul3A_203 = arith.muli %add3A_149, %mul3A_202 : i32
        %add3A_204 = arith.constant 64 : i32
        %add3A_205 = arith.addi %mul3A_203, %add3A_204 : i32
        %get3A_206 = arith.index_cast %add3A_205 : i32 to index
        %get3A_207 = tpu.vector_load %arg8[%get3A_206] {strides = array<i32>} : memref<10080xi32, #tpu.memory_space<vmem>>, vector<16xi32>,
        %get3A_208 = vector.shape_cast %get3A_207 : vector<16xi32> to vector<16xi32>
        %add3A_209 = vector.broadcast %mul3A_0 : i32 to vector<16xi32>
        %add3A_210 = arith.addi %get3A_208, %add3A_209 : vector<16xi32>
        %swap3A_211 = arith.constant 64 : index
        %swap3A_212 = tpu.vector_load %arg10[%swap3A_211] {strides = array<i32>} : memref<80xi32, #tpu.memory_space<vmem>>, vector<16xi32>,
        %swap3A_213 = vector.shape_cast %swap3A_212 : vector<16xi32> to vector<16xi32>
        %swap3A_214 = vector.shape_cast %add3A_210 : vector<16xi32> to vector<16xi32>
        tpu.vector_store %arg10[%swap3A_211], %swap3A_214 {strides = array<i32>} : memref<80xi32, #tpu.memory_space<vmem>>, vector<16xi32>,
        %dma_start3A_215 = arith.constant 0 : i32
        %dma_start3A_216 = arith.constant 0 : i32
        %dma_start3A_217 = tpu.memref_slice %arg2[%dma_start3A_215, %dma_start3A_216] : memref<20000x128xf32, #tpu.memory_space<hbm>> -> memref<20000x128xf32, #tpu.memory_space<hbm>>
        tpu.enqueue_indirect_dma source(%dma_start3A_217 : memref<20000x128xf32, #tpu.memory_space<hbm>>) target(%arg12 : memref<80x128xf32, #tpu.memory_space<vmem>>) offsets(%arg10 : memref<80xi32, #tpu.memory_space<vmem>>) semaphore(%arg14 : memref<!tpu.dma_semaphore, #tpu.memory_space<semaphore_mem>>)
      } else {
      }
      %dma_wait3A_143 = arith.constant 0 : i32
      %dma_wait3A_144 = arith.constant 0 : i32
      %dma_wait3A_145 = tpu.memref_slice %arg2[%dma_wait3A_143, %dma_wait3A_144] : memref<20000x128xf32, #tpu.memory_space<hbm>> -> memref<20000x128xf32, #tpu.memory_space<hbm>>
      tpu.wait_indirect_dma semaphore(%arg15 : memref<!tpu.dma_semaphore, #tpu.memory_space<semaphore_mem>>) src(%dma_wait3A_145 : memref<20000x128xf32, #tpu.memory_space<hbm>>) dst(%arg13 : memref<80x128xf32, #tpu.memory_space<vmem>>)
      %add3A_146 = arith.constant 1 : i32
      %add3A_147 = arith.addi %mul3A_64, %add3A_146 : i32
      "tpu.region"() ({
        %run_scoped3A = tpu.sem_alloc : memref<!tpu.dma_semaphore, #tpu.memory_space<semaphore_mem>>
        %dma_start3A_148 = arith.constant 0 : i32
        %dma_start3A_149 = tpu.memref_slice %arg9[%add3A_147, %dma_start3A_148] : memref<126x80xi32, #tpu.memory_space<vmem>> -> memref<1x80xi32, #tpu.memory_space<vmem>>
        %dma_start3A_150 = tpu.memref_squeeze %dma_start3A_149 : memref<1x80xi32, #tpu.memory_space<vmem>> -> memref<80xi32, #tpu.memory_space<vmem>>
        %dma_start3A_151 = arith.constant 0 : i32
        %dma_start3A_152 = arith.constant 0 : i32
        %dma_start3A_153 = tpu.memref_slice %arg7[%dma_start3A_151, %dma_start3A_152] : memref<10016x128xf32, #tpu.memory_space<vmem_shared>> -> memref<10016x128xf32, #tpu.memory_space<vmem_shared>>
        tpu.enqueue_indirect_dma source(%arg13 : memref<80x128xf32, #tpu.memory_space<vmem>>) target(%dma_start3A_153 : memref<10016x128xf32, #tpu.memory_space<vmem_shared>>) offsets(%dma_start3A_150 : memref<80xi32, #tpu.memory_space<vmem>>) semaphore(%run_scoped3A : memref<!tpu.dma_semaphore, #tpu.memory_space<semaphore_mem>>) {add = true}
        %dma_wait3A_154 = arith.constant 0 : i32
        %dma_wait3A_155 = tpu.memref_slice %arg9[%add3A_147, %dma_wait3A_154] : memref<126x80xi32, #tpu.memory_space<vmem>> -> memref<1x80xi32, #tpu.memory_space<vmem>>
        %dma_wait3A_156 = tpu.memref_squeeze %dma_wait3A_155 : memref<1x80xi32, #tpu.memory_space<vmem>> -> memref<80xi32, #tpu.memory_space<vmem>>
        %dma_wait3A_157 = arith.constant 0 : i32
        %dma_wait3A_158 = arith.constant 0 : i32
        %dma_wait3A_159 = tpu.memref_slice %arg7[%dma_wait3A_157, %dma_wait3A_158] : memref<10016x128xf32, #tpu.memory_space<vmem_shared>> -> memref<10016x128xf32, #tpu.memory_space<vmem_shared>>
        tpu.wait_indirect_dma semaphore(%run_scoped3A : memref<!tpu.dma_semaphore, #tpu.memory_space<semaphore_mem>>) src(%arg13 : memref<80x128xf32, #tpu.memory_space<vmem>>) dst(%dma_wait3A_159 : memref<10016x128xf32, #tpu.memory_space<vmem_shared>>)
        tpu.yield
      }) : () -> ()
    }
    %scan3A_54 = arith.constant 63 : i32
    %barrier3A_55 = arith.constant 0 : index
    tpu.barrier barrier_id(%barrier3A_55)
    %add3A_56 = arith.addi %mul3A_0, %mul3A_2 : i32
    "tpu.region"() ({
      %run_scoped3A = tpu.sem_alloc : memref<!tpu.dma_semaphore, #tpu.memory_space<semaphore_mem>>
      %dma_start3A_62 = arith.constant 0 : i32
      %dma_start3A_63 = tpu.memref_slice %arg6[%add3A_56, %dma_start3A_62] : memref<20000x128xf32, #tpu.memory_space<hbm>> -> memref<624x128xf32, #tpu.memory_space<hbm>>
      %dma_start3A_64 = arith.constant 0 : i32
      %dma_start3A_65 = tpu.memref_slice %arg7[%mul3A_2, %dma_start3A_64] : memref<10016x128xf32, #tpu.memory_space<vmem_shared>> -> memref<624x128xf32, #tpu.memory_space<vmem_shared>>
      tpu.enqueue_dma source(%dma_start3A_65 : memref<624x128xf32, #tpu.memory_space<vmem_shared>>) target(%dma_start3A_63 : memref<624x128xf32, #tpu.memory_space<hbm>>) target_semaphore(%run_scoped3A : memref<!tpu.dma_semaphore, #tpu.memory_space<semaphore_mem>>)
      %dma_wait3A = arith.constant 0 : i32
      %dma_wait3A_66 = tpu.memref_slice %arg6[%add3A_56, %dma_wait3A] : memref<20000x128xf32, #tpu.memory_space<hbm>> -> memref<624x128xf32, #tpu.memory_space<hbm>>
      %dma_wait3A_67 = arith.constant 0 : i32
      %dma_wait3A_68 = tpu.memref_slice %arg7[%mul3A_2, %dma_wait3A_67] : memref<10016x128xf32, #tpu.memory_space<vmem_shared>> -> memref<624x128xf32, #tpu.memory_space<vmem_shared>>
      tpu.wait_dma2 semaphore(%run_scoped3A : memref<!tpu.dma_semaphore, #tpu.memory_space<semaphore_mem>>) src(%dma_wait3A_68 : memref<624x128xf32, #tpu.memory_space<vmem_shared>>) dst(%dma_wait3A_66 : memref<624x128xf32, #tpu.memory_space<hbm>>)
      tpu.yield
    }) : () -> ()
    %eq3A_57 = arith.constant 15 : i32
    %eq3A_58 = arith.cmpi eq, %arg1, %eq3A_57 : i32
    %convert_element_type3A_59 = arith.extui %eq3A_58 : i1 to i32
    %cond3A_60 = arith.constant 0 : i32
    %cond3A_61 = arith.cmpi ne, %convert_element_type3A_59, %cond3A_60 : i32
    scf.if %cond3A_61 {
      %add3A_62 = arith.constant 9984 : i32
      %add3A_63 = arith.addi %mul3A_0, %add3A_62 : i32
      "tpu.region"() ({
        %run_scoped3A = tpu.sem_alloc : memref<!tpu.dma_semaphore, #tpu.memory_space<semaphore_mem>>
        %dma_start3A_64 = arith.constant 0 : i32
        %dma_start3A_65 = tpu.memref_slice %arg6[%add3A_63, %dma_start3A_64] : memref<20000x128xf32, #tpu.memory_space<hbm>> -> memref<16x128xf32, #tpu.memory_space<hbm>>
        %dma_start3A_66 = arith.constant 9984 : i32
        %dma_start3A_67 = arith.constant 0 : i32
        %dma_start3A_68 = tpu.memref_slice %arg7[%dma_start3A_66, %dma_start3A_67] : memref<10016x128xf32, #tpu.memory_space<vmem_shared>> -> memref<16x128xf32, #tpu.memory_space<vmem_shared>>
        tpu.enqueue_dma source(%dma_start3A_68 : memref<16x128xf32, #tpu.memory_space<vmem_shared>>) target(%dma_start3A_65 : memref<16x128xf32, #tpu.memory_space<hbm>>) target_semaphore(%run_scoped3A : memref<!tpu.dma_semaphore, #tpu.memory_space<semaphore_mem>>)
        %dma_wait3A = arith.constant 0 : i32
        %dma_wait3A_69 = tpu.memref_slice %arg6[%add3A_63, %dma_wait3A] : memref<20000x128xf32, #tpu.memory_space<hbm>> -> memref<16x128xf32, #tpu.memory_space<hbm>>
        %dma_wait3A_70 = arith.constant 9984 : i32
        %dma_wait3A_71 = arith.constant 0 : i32
        %dma_wait3A_72 = tpu.memref_slice %arg7[%dma_wait3A_70, %dma_wait3A_71] : memref<10016x128xf32, #tpu.memory_space<vmem_shared>> -> memref<16x128xf32, #tpu.memory_space<vmem_shared>>
        tpu.wait_dma2 semaphore(%run_scoped3A : memref<!tpu.dma_semaphore, #tpu.memory_space<semaphore_mem>>) src(%dma_wait3A_72 : memref<16x128xf32, #tpu.memory_space<vmem_shared>>) dst(%dma_wait3A_69 : memref<16x128xf32, #tpu.memory_space<hbm>>)
        tpu.yield
      }) : () -> ()
    } else {
    }
    return
  }
}

#map = affine_map<(d0, d1) -> (0, 0)>
#map1 = affine_map<(d0, d1) -> (0, 0, 0)>
module attributes {stable_mosaic.version = 14 : i64} {
  func.func @k(%arg0: i32, %arg1: i32, %arg2: memref<20000x128xf32, #tpu.memory_space<hbm>>, %arg3: memref<20000x128xf32, #tpu.memory_space<hbm>>, %arg4: memref<16x10080xi32, #tpu.memory_space<hbm>>, %arg5: memref<16x126x80xi32, #tpu.memory_space<hbm>>, %arg6: memref<20000x128xf32, #tpu.memory_space<hbm>>, %arg7: memref<10016x128xf32, #tpu.memory_space<vmem_shared>>, %arg8: memref<10080xi32, #tpu.memory_space<vmem>>, %arg9: memref<126x80xi32, #tpu.memory_space<vmem>>, %arg10: memref<80xi32, #tpu.memory_space<vmem>>, %arg11: memref<80xi32, #tpu.memory_space<vmem>>, %arg12: memref<80x128xf32, #tpu.memory_space<vmem>>, %arg13: memref<80x128xf32, #tpu.memory_space<vmem>>, %arg14: memref<!tpu.dma_semaphore, #tpu.memory_space<semaphore_mem>>, %arg15: memref<!tpu.dma_semaphore, #tpu.memory_space<semaphore_mem>>) attributes {dimension_semantics = [#tpu.dimension_semantics<core_parallel>, #tpu.dimension_semantics<subcore_parallel>], iteration_bounds = array<i64: 2, 16>, scalar_prefetch = 0 : i64, scratch_operands = 9 : i64, tpu.core_type = #tpu.core_type<sc_vector_subcore>, window_params = [{transform_indices = #map}, {transform_indices = #map}, {transform_indices = #map}, {transform_indices = #map1}, {transform_indices = #map}]} {
    %mul3A = arith.constant 10000 : i32
    %mul3A_0 = arith.muli %arg0, %mul3A : i32
    %mul3A_1 = arith.constant 624 : i32
    %mul3A_2 = arith.muli %arg1, %mul3A_1 : i32
    %add3A = arith.addi %mul3A_0, %mul3A_2 : i32
    "tpu.region"() ({
      %run_scoped3A = tpu.sem_alloc : memref<!tpu.dma_semaphore, #tpu.memory_space<semaphore_mem>>
      %dma_start3A_62 = arith.constant 0 : i32
      %dma_start3A_63 = tpu.memref_slice %arg7[%mul3A_2, %dma_start3A_62] : memref<10016x128xf32, #tpu.memory_space<vmem_shared>> -> memref<624x128xf32, #tpu.memory_space<vmem_shared>>
      %dma_start3A_64 = arith.constant 0 : i32
      %dma_start3A_65 = tpu.memref_slice %arg3[%add3A, %dma_start3A_64] : memref<20000x128xf32, #tpu.memory_space<hbm>> -> memref<624x128xf32, #tpu.memory_space<hbm>>
      tpu.enqueue_dma source(%dma_start3A_65 : memref<624x128xf32, #tpu.memory_space<hbm>>) target(%dma_start3A_63 : memref<624x128xf32, #tpu.memory_space<vmem_shared>>) target_semaphore(%run_scoped3A : memref<!tpu.dma_semaphore, #tpu.memory_space<semaphore_mem>>)
      %dma_wait3A = arith.constant 0 : i32
      %dma_wait3A_66 = tpu.memref_slice %arg7[%mul3A_2, %dma_wait3A] : memref<10016x128xf32, #tpu.memory_space<vmem_shared>> -> memref<624x128xf32, #tpu.memory_space<vmem_shared>>
      %dma_wait3A_67 = arith.constant 0 : i32
      %dma_wait3A_68 = tpu.memref_slice %arg3[%add3A, %dma_wait3A_67] : memref<20000x128xf32, #tpu.memory_space<hbm>> -> memref<624x128xf32, #tpu.memory_space<hbm>>
      tpu.wait_dma2 semaphore(%run_scoped3A : memref<!tpu.dma_semaphore, #tpu.memory_space<semaphore_mem>>) src(%dma_wait3A_68 : memref<624x128xf32, #tpu.memory_space<hbm>>) dst(%dma_wait3A_66 : memref<624x128xf32, #tpu.memory_space<vmem_shared>>)
      tpu.yield
    }) : () -> ()
    %eq3A = arith.constant 15 : i32
    %eq3A_3 = arith.cmpi eq, %arg1, %eq3A : i32
    %convert_element_type3A = arith.extui %eq3A_3 : i1 to i32
    %cond3A = arith.constant 0 : i32
    %cond3A_4 = arith.cmpi ne, %convert_element_type3A, %cond3A : i32
    scf.if %cond3A_4 {
      %add3A_62 = arith.constant 9984 : i32
      %add3A_63 = arith.addi %add3A_62, %mul3A_0 : i32
      "tpu.region"() ({
        %run_scoped3A = tpu.sem_alloc : memref<!tpu.dma_semaphore, #tpu.memory_space<semaphore_mem>>
        %dma_start3A_64 = arith.constant 9984 : i32
        %dma_start3A_65 = arith.constant 0 : i32
        %dma_start3A_66 = tpu.memref_slice %arg7[%dma_start3A_64, %dma_start3A_65] : memref<10016x128xf32, #tpu.memory_space<vmem_shared>> -> memref<16x128xf32, #tpu.memory_space<vmem_shared>>
        %dma_start3A_67 = arith.constant 0 : i32
        %dma_start3A_68 = tpu.memref_slice %arg3[%add3A_63, %dma_start3A_67] : memref<20000x128xf32, #tpu.memory_space<hbm>> -> memref<16x128xf32, #tpu.memory_space<hbm>>
        tpu.enqueue_dma source(%dma_start3A_68 : memref<16x128xf32, #tpu.memory_space<hbm>>) target(%dma_start3A_66 : memref<16x128xf32, #tpu.memory_space<vmem_shared>>) target_semaphore(%run_scoped3A : memref<!tpu.dma_semaphore, #tpu.memory_space<semaphore_mem>>)
        %dma_wait3A = arith.constant 9984 : i32
        %dma_wait3A_69 = arith.constant 0 : i32
        %dma_wait3A_70 = tpu.memref_slice %arg7[%dma_wait3A, %dma_wait3A_69] : memref<10016x128xf32, #tpu.memory_space<vmem_shared>> -> memref<16x128xf32, #tpu.memory_space<vmem_shared>>
        %dma_wait3A_71 = arith.constant 0 : i32
        %dma_wait3A_72 = tpu.memref_slice %arg3[%add3A_63, %dma_wait3A_71] : memref<20000x128xf32, #tpu.memory_space<hbm>> -> memref<16x128xf32, #tpu.memory_space<hbm>>
        tpu.wait_dma2 semaphore(%run_scoped3A : memref<!tpu.dma_semaphore, #tpu.memory_space<semaphore_mem>>) src(%dma_wait3A_72 : memref<16x128xf32, #tpu.memory_space<hbm>>) dst(%dma_wait3A_70 : memref<16x128xf32, #tpu.memory_space<vmem_shared>>)
        tpu.yield
      }) : () -> ()
    } else {
    }
    "tpu.region"() ({
      %run_scoped3A = tpu.sem_alloc : memref<!tpu.dma_semaphore, #tpu.memory_space<semaphore_mem>>
      %dma_start3A_62 = arith.constant 0 : i32
      %dma_start3A_63 = tpu.memref_slice %arg4[%arg1, %dma_start3A_62] : memref<16x10080xi32, #tpu.memory_space<hbm>> -> memref<1x10080xi32, #tpu.memory_space<hbm>>
      %dma_start3A_64 = tpu.memref_squeeze %dma_start3A_63 : memref<1x10080xi32, #tpu.memory_space<hbm>> -> memref<10080xi32, #tpu.memory_space<hbm>>
      %dma_start3A_65 = arith.constant 0 : i32
      %dma_start3A_66 = tpu.memref_slice %arg4[%arg1, %dma_start3A_65] : memref<16x10080xi32, #tpu.memory_space<hbm>> -> memref<1x10080xi32, #tpu.memory_space<hbm>>
      %dma_start3A_67 = tpu.memref_squeeze %dma_start3A_66 : memref<1x10080xi32, #tpu.memory_space<hbm>> -> memref<10080xi32, #tpu.memory_space<hbm>>
      tpu.enqueue_dma source(%dma_start3A_67 : memref<10080xi32, #tpu.memory_space<hbm>>) target(%arg8 : memref<10080xi32, #tpu.memory_space<vmem>>) target_semaphore(%run_scoped3A : memref<!tpu.dma_semaphore, #tpu.memory_space<semaphore_mem>>)
      %dma_wait3A = arith.constant 0 : i32
      %dma_wait3A_68 = tpu.memref_slice %arg4[%arg1, %dma_wait3A] : memref<16x10080xi32, #tpu.memory_space<hbm>> -> memref<1x10080xi32, #tpu.memory_space<hbm>>
      %dma_wait3A_69 = tpu.memref_squeeze %dma_wait3A_68 : memref<1x10080xi32, #tpu.memory_space<hbm>> -> memref<10080xi32, #tpu.memory_space<hbm>>
      %dma_wait3A_70 = arith.constant 0 : i32
      %dma_wait3A_71 = tpu.memref_slice %arg4[%arg1, %dma_wait3A_70] : memref<16x10080xi32, #tpu.memory_space<hbm>> -> memref<1x10080xi32, #tpu.memory_space<hbm>>
      %dma_wait3A_72 = tpu.memref_squeeze %dma_wait3A_71 : memref<1x10080xi32, #tpu.memory_space<hbm>> -> memref<10080xi32, #tpu.memory_space<hbm>>
      tpu.wait_dma2 semaphore(%run_scoped3A : memref<!tpu.dma_semaphore, #tpu.memory_space<semaphore_mem>>) src(%dma_wait3A_72 : memref<10080xi32, #tpu.memory_space<hbm>>) dst(%arg8 : memref<10080xi32, #tpu.memory_space<vmem>>)
      tpu.yield
    }) : () -> ()
    "tpu.region"() ({
      %run_scoped3A = tpu.sem_alloc : memref<!tpu.dma_semaphore, #tpu.memory_space<semaphore_mem>>
      %dma_start3A_62 = arith.constant 0 : i32
      %dma_start3A_63 = arith.constant 0 : i32
      %dma_start3A_64 = tpu.memref_slice %arg5[%arg1, %dma_start3A_62, %dma_start3A_63] : memref<16x126x80xi32, #tpu.memory_space<hbm>> -> memref<1x126x80xi32, #tpu.memory_space<hbm>>
      %dma_start3A_65 = tpu.memref_squeeze %dma_start3A_64 : memref<1x126x80xi32, #tpu.memory_space<hbm>> -> memref<126x80xi32, #tpu.memory_space<hbm>>
      %dma_start3A_66 = arith.constant 0 : i32
      %dma_start3A_67 = arith.constant 0 : i32
      %dma_start3A_68 = tpu.memref_slice %arg5[%arg1, %dma_start3A_66, %dma_start3A_67] : memref<16x126x80xi32, #tpu.memory_space<hbm>> -> memref<1x126x80xi32, #tpu.memory_space<hbm>>
      %dma_start3A_69 = tpu.memref_squeeze %dma_start3A_68 : memref<1x126x80xi32, #tpu.memory_space<hbm>> -> memref<126x80xi32, #tpu.memory_space<hbm>>
      tpu.enqueue_dma source(%dma_start3A_69 : memref<126x80xi32, #tpu.memory_space<hbm>>) target(%arg9 : memref<126x80xi32, #tpu.memory_space<vmem>>) target_semaphore(%run_scoped3A : memref<!tpu.dma_semaphore, #tpu.memory_space<semaphore_mem>>)
      %dma_wait3A = arith.constant 0 : i32
      %dma_wait3A_70 = arith.constant 0 : i32
      %dma_wait3A_71 = tpu.memref_slice %arg5[%arg1, %dma_wait3A, %dma_wait3A_70] : memref<16x126x80xi32, #tpu.memory_space<hbm>> -> memref<1x126x80xi32, #tpu.memory_space<hbm>>
      %dma_wait3A_72 = tpu.memref_squeeze %dma_wait3A_71 : memref<1x126x80xi32, #tpu.memory_space<hbm>> -> memref<126x80xi32, #tpu.memory_space<hbm>>
      %dma_wait3A_73 = arith.constant 0 : i32
      %dma_wait3A_74 = arith.constant 0 : i32
      %dma_wait3A_75 = tpu.memref_slice %arg5[%arg1, %dma_wait3A_73, %dma_wait3A_74] : memref<16x126x80xi32, #tpu.memory_space<hbm>> -> memref<1x126x80xi32, #tpu.memory_space<hbm>>
      %dma_wait3A_76 = tpu.memref_squeeze %dma_wait3A_75 : memref<1x126x80xi32, #tpu.memory_space<hbm>> -> memref<126x80xi32, #tpu.memory_space<hbm>>
      tpu.wait_dma2 semaphore(%run_scoped3A : memref<!tpu.dma_semaphore, #tpu.memory_space<semaphore_mem>>) src(%dma_wait3A_76 : memref<126x80xi32, #tpu.memory_space<hbm>>) dst(%arg9 : memref<126x80xi32, #tpu.memory_space<vmem>>)
      tpu.yield
    }) : () -> ()
    %barrier3A = arith.constant 0 : index
    tpu.barrier barrier_id(%barrier3A)
    %get3A = arith.constant 0 : index
    %get3A_5 = tpu.vector_load %arg8[%get3A] {strides = array<i32>} : memref<10080xi32, #tpu.memory_space<vmem>>, vector<16xi32>,
    %get3A_6 = vector.shape_cast %get3A_5 : vector<16xi32> to vector<16xi32>
    %add3A_7 = vector.broadcast %mul3A_0 : i32 to vector<16xi32>
    %add3A_8 = arith.addi %get3A_6, %add3A_7 : vector<16xi32>
    %swap3A = arith.constant 0 : index
    %swap3A_9 = tpu.vector_load %arg10[%swap3A] {strides = array<i32>} : memref<80xi32, #tpu.memory_space<vmem>>, vector<16xi32>,
    %swap3A_10 = vector.shape_cast %swap3A_9 : vector<16xi32> to vector<16xi32>
    %swap3A_11 = vector.shape_cast %add3A_8 : vector<16xi32> to vector<16xi32>
    tpu.vector_store %arg10[%swap3A], %swap3A_11 {strides = array<i32>} : memref<80xi32, #tpu.memory_space<vmem>>, vector<16xi32>,
    %get3A_12 = arith.constant 16 : index
    %get3A_13 = tpu.vector_load %arg8[%get3A_12] {strides = array<i32>} : memref<10080xi32, #tpu.memory_space<vmem>>, vector<16xi32>,
    %get3A_14 = vector.shape_cast %get3A_13 : vector<16xi32> to vector<16xi32>
    %add3A_15 = vector.broadcast %mul3A_0 : i32 to vector<16xi32>
    %add3A_16 = arith.addi %get3A_14, %add3A_15 : vector<16xi32>
    %swap3A_17 = arith.constant 16 : index
    %swap3A_18 = tpu.vector_load %arg10[%swap3A_17] {strides = array<i32>} : memref<80xi32, #tpu.memory_space<vmem>>, vector<16xi32>,
    %swap3A_19 = vector.shape_cast %swap3A_18 : vector<16xi32> to vector<16xi32>
    %swap3A_20 = vector.shape_cast %add3A_16 : vector<16xi32> to vector<16xi32>
    tpu.vector_store %arg10[%swap3A_17], %swap3A_20 {strides = array<i32>} : memref<80xi32, #tpu.memory_space<vmem>>, vector<16xi32>,
    %get3A_21 = arith.constant 32 : index
    %get3A_22 = tpu.vector_load %arg8[%get3A_21] {strides = array<i32>} : memref<10080xi32, #tpu.memory_space<vmem>>, vector<16xi32>,
    %get3A_23 = vector.shape_cast %get3A_22 : vector<16xi32> to vector<16xi32>
    %add3A_24 = vector.broadcast %mul3A_0 : i32 to vector<16xi32>
    %add3A_25 = arith.addi %get3A_23, %add3A_24 : vector<16xi32>
    %swap3A_26 = arith.constant 32 : index
    %swap3A_27 = tpu.vector_load %arg10[%swap3A_26] {strides = array<i32>} : memref<80xi32, #tpu.memory_space<vmem>>, vector<16xi32>,
    %swap3A_28 = vector.shape_cast %swap3A_27 : vector<16xi32> to vector<16xi32>
    %swap3A_29 = vector.shape_cast %add3A_25 : vector<16xi32> to vector<16xi32>
    tpu.vector_store %arg10[%swap3A_26], %swap3A_29 {strides = array<i32>} : memref<80xi32, #tpu.memory_space<vmem>>, vector<16xi32>,
    %get3A_30 = arith.constant 48 : index
    %get3A_31 = tpu.vector_load %arg8[%get3A_30] {strides = array<i32>} : memref<10080xi32, #tpu.memory_space<vmem>>, vector<16xi32>,
    %get3A_32 = vector.shape_cast %get3A_31 : vector<16xi32> to vector<16xi32>
    %add3A_33 = vector.broadcast %mul3A_0 : i32 to vector<16xi32>
    %add3A_34 = arith.addi %get3A_32, %add3A_33 : vector<16xi32>
    %swap3A_35 = arith.constant 48 : index
    %swap3A_36 = tpu.vector_load %arg10[%swap3A_35] {strides = array<i32>} : memref<80xi32, #tpu.memory_space<vmem>>, vector<16xi32>,
    %swap3A_37 = vector.shape_cast %swap3A_36 : vector<16xi32> to vector<16xi32>
    %swap3A_38 = vector.shape_cast %add3A_34 : vector<16xi32> to vector<16xi32>
    tpu.vector_store %arg10[%swap3A_35], %swap3A_38 {strides = array<i32>} : memref<80xi32, #tpu.memory_space<vmem>>, vector<16xi32>,
    %get3A_39 = arith.constant 64 : index
    %get3A_40 = tpu.vector_load %arg8[%get3A_39] {strides = array<i32>} : memref<10080xi32, #tpu.memory_space<vmem>>, vector<16xi32>,
    %get3A_41 = vector.shape_cast %get3A_40 : vector<16xi32> to vector<16xi32>
    %add3A_42 = vector.broadcast %mul3A_0 : i32 to vector<16xi32>
    %add3A_43 = arith.addi %get3A_41, %add3A_42 : vector<16xi32>
    %swap3A_44 = arith.constant 64 : index
    %swap3A_45 = tpu.vector_load %arg10[%swap3A_44] {strides = array<i32>} : memref<80xi32, #tpu.memory_space<vmem>>, vector<16xi32>,
    %swap3A_46 = vector.shape_cast %swap3A_45 : vector<16xi32> to vector<16xi32>
    %swap3A_47 = vector.shape_cast %add3A_43 : vector<16xi32> to vector<16xi32>
    tpu.vector_store %arg10[%swap3A_44], %swap3A_47 {strides = array<i32>} : memref<80xi32, #tpu.memory_space<vmem>>, vector<16xi32>,
    %dma_start3A = arith.constant 0 : i32
    %dma_start3A_48 = arith.constant 0 : i32
    %dma_start3A_49 = tpu.memref_slice %arg2[%dma_start3A, %dma_start3A_48] : memref<20000x128xf32, #tpu.memory_space<hbm>> -> memref<20000x128xf32, #tpu.memory_space<hbm>>
    tpu.enqueue_indirect_dma source(%dma_start3A_49 : memref<20000x128xf32, #tpu.memory_space<hbm>>) target(%arg12 : memref<80x128xf32, #tpu.memory_space<vmem>>) offsets(%arg10 : memref<80xi32, #tpu.memory_space<vmem>>) semaphore(%arg14 : memref<!tpu.dma_semaphore, #tpu.memory_space<semaphore_mem>>)
    %scan3A = arith.constant 0 : i32
    %scan3A_50 = arith.constant 0 : i32
    %scan3A_51 = arith.constant 63 : i32
    %scan3A_52 = arith.addi %scan3A_50, %scan3A_51 : i32
    %scan3A_53 = arith.constant 1 : i32
    scf.for %scan3A_62 = %scan3A_50 to %scan3A_52 step %scan3A_53  : i32 {
      %mul3A_63 = arith.constant 2 : i32
      %mul3A_64 = arith.muli %mul3A_63, %scan3A_62 : i32
      %add3A_65 = arith.constant 1 : i32
      %add3A_66 = arith.addi %mul3A_64, %add3A_65 : i32
      %mul3A_67 = arith.constant 80 : i32
      %mul3A_68 = arith.muli %add3A_66, %mul3A_67 : i32
      %add3A_69 = arith.constant 0 : i32
      %add3A_70 = arith.addi %mul3A_68, %add3A_69 : i32
      %get3A_71 = arith.index_cast %add3A_70 : i32 to index
      %get3A_72 = tpu.vector_load %arg8[%get3A_71] {strides = array<i32>} : memref<10080xi32, #tpu.memory_space<vmem>>, vector<16xi32>,
      %get3A_73 = vector.shape_cast %get3A_72 : vector<16xi32> to vector<16xi32>
      %add3A_74 = vector.broadcast %mul3A_0 : i32 to vector<16xi32>
      %add3A_75 = arith.addi %get3A_73, %add3A_74 : vector<16xi32>
      %swap3A_76 = arith.constant 0 : index
      %swap3A_77 = tpu.vector_load %arg11[%swap3A_76] {strides = array<i32>} : memref<80xi32, #tpu.memory_space<vmem>>, vector<16xi32>,
      %swap3A_78 = vector.shape_cast %swap3A_77 : vector<16xi32> to vector<16xi32>
      %swap3A_79 = vector.shape_cast %add3A_75 : vector<16xi32> to vector<16xi32>
      tpu.vector_store %arg11[%swap3A_76], %swap3A_79 {strides = array<i32>} : memref<80xi32, #tpu.memory_space<vmem>>, vector<16xi32>,
      %mul3A_80 = arith.constant 80 : i32
      %mul3A_81 = arith.muli %add3A_66, %mul3A_80 : i32
      %add3A_82 = arith.constant 16 : i32
      %add3A_83 = arith.addi %mul3A_81, %add3A_82 : i32
      %get3A_84 = arith.index_cast %add3A_83 : i32 to index
      %get3A_85 = tpu.vector_load %arg8[%get3A_84] {strides = array<i32>} : memref<10080xi32, #tpu.memory_space<vmem>>, vector<16xi32>,
      %get3A_86 = vector.shape_cast %get3A_85 : vector<16xi32> to vector<16xi32>
      %add3A_87 = vector.broadcast %mul3A_0 : i32 to vector<16xi32>
      %add3A_88 = arith.addi %get3A_86, %add3A_87 : vector<16xi32>
      %swap3A_89 = arith.constant 16 : index
      %swap3A_90 = tpu.vector_load %arg11[%swap3A_89] {strides = array<i32>} : memref<80xi32, #tpu.memory_space<vmem>>, vector<16xi32>,
      %swap3A_91 = vector.shape_cast %swap3A_90 : vector<16xi32> to vector<16xi32>
      %swap3A_92 = vector.shape_cast %add3A_88 : vector<16xi32> to vector<16xi32>
      tpu.vector_store %arg11[%swap3A_89], %swap3A_92 {strides = array<i32>} : memref<80xi32, #tpu.memory_space<vmem>>, vector<16xi32>,
      %mul3A_93 = arith.constant 80 : i32
      %mul3A_94 = arith.muli %add3A_66, %mul3A_93 : i32
      %add3A_95 = arith.constant 32 : i32
      %add3A_96 = arith.addi %mul3A_94, %add3A_95 : i32
      %get3A_97 = arith.index_cast %add3A_96 : i32 to index
      %get3A_98 = tpu.vector_load %arg8[%get3A_97] {strides = array<i32>} : memref<10080xi32, #tpu.memory_space<vmem>>, vector<16xi32>,
      %get3A_99 = vector.shape_cast %get3A_98 : vector<16xi32> to vector<16xi32>
      %add3A_100 = vector.broadcast %mul3A_0 : i32 to vector<16xi32>
      %add3A_101 = arith.addi %get3A_99, %add3A_100 : vector<16xi32>
      %swap3A_102 = arith.constant 32 : index
      %swap3A_103 = tpu.vector_load %arg11[%swap3A_102] {strides = array<i32>} : memref<80xi32, #tpu.memory_space<vmem>>, vector<16xi32>,
      %swap3A_104 = vector.shape_cast %swap3A_103 : vector<16xi32> to vector<16xi32>
      %swap3A_105 = vector.shape_cast %add3A_101 : vector<16xi32> to vector<16xi32>
      tpu.vector_store %arg11[%swap3A_102], %swap3A_105 {strides = array<i32>} : memref<80xi32, #tpu.memory_space<vmem>>, vector<16xi32>,
      %mul3A_106 = arith.constant 80 : i32
      %mul3A_107 = arith.muli %add3A_66, %mul3A_106 : i32
      %add3A_108 = arith.constant 48 : i32
      %add3A_109 = arith.addi %mul3A_107, %add3A_108 : i32
      %get3A_110 = arith.index_cast %add3A_109 : i32 to index
      %get3A_111 = tpu.vector_load %arg8[%get3A_110] {strides = array<i32>} : memref<10080xi32, #tpu.memory_space<vmem>>, vector<16xi32>,
      %get3A_112 = vector.shape_cast %get3A_111 : vector<16xi32> to vector<16xi32>
      %add3A_113 = vector.broadcast %mul3A_0 : i32 to vector<16xi32>
      %add3A_114 = arith.addi %get3A_112, %add3A_113 : vector<16xi32>
      %swap3A_115 = arith.constant 48 : index
      %swap3A_116 = tpu.vector_load %arg11[%swap3A_115] {strides = array<i32>} : memref<80xi32, #tpu.memory_space<vmem>>, vector<16xi32>,
      %swap3A_117 = vector.shape_cast %swap3A_116 : vector<16xi32> to vector<16xi32>
      %swap3A_118 = vector.shape_cast %add3A_114 : vector<16xi32> to vector<16xi32>
      tpu.vector_store %arg11[%swap3A_115], %swap3A_118 {strides = array<i32>} : memref<80xi32, #tpu.memory_space<vmem>>, vector<16xi32>,
      %mul3A_119 = arith.constant 80 : i32
      %mul3A_120 = arith.muli %add3A_66, %mul3A_119 : i32
      %add3A_121 = arith.constant 64 : i32
      %add3A_122 = arith.addi %mul3A_120, %add3A_121 : i32
      %get3A_123 = arith.index_cast %add3A_122 : i32 to index
      %get3A_124 = tpu.vector_load %arg8[%get3A_123] {strides = array<i32>} : memref<10080xi32, #tpu.memory_space<vmem>>, vector<16xi32>,
      %get3A_125 = vector.shape_cast %get3A_124 : vector<16xi32> to vector<16xi32>
      %add3A_126 = vector.broadcast %mul3A_0 : i32 to vector<16xi32>
      %add3A_127 = arith.addi %get3A_125, %add3A_126 : vector<16xi32>
      %swap3A_128 = arith.constant 64 : index
      %swap3A_129 = tpu.vector_load %arg11[%swap3A_128] {strides = array<i32>} : memref<80xi32, #tpu.memory_space<vmem>>, vector<16xi32>,
      %swap3A_130 = vector.shape_cast %swap3A_129 : vector<16xi32> to vector<16xi32>
      %swap3A_131 = vector.shape_cast %add3A_127 : vector<16xi32> to vector<16xi32>
      tpu.vector_store %arg11[%swap3A_128], %swap3A_131 {strides = array<i32>} : memref<80xi32, #tpu.memory_space<vmem>>, vector<16xi32>,
      %dma_start3A_132 = arith.constant 0 : i32
      %dma_start3A_133 = arith.constant 0 : i32
      %dma_start3A_134 = tpu.memref_slice %arg2[%dma_start3A_132, %dma_start3A_133] : memref<20000x128xf32, #tpu.memory_space<hbm>> -> memref<20000x128xf32, #tpu.memory_space<hbm>>
      tpu.enqueue_indirect_dma source(%dma_start3A_134 : memref<20000x128xf32, #tpu.memory_space<hbm>>) target(%arg13 : memref<80x128xf32, #tpu.memory_space<vmem>>) offsets(%arg11 : memref<80xi32, #tpu.memory_space<vmem>>) semaphore(%arg15 : memref<!tpu.dma_semaphore, #tpu.memory_space<semaphore_mem>>)
      %dma_wait3A = arith.constant 0 : i32
      %dma_wait3A_135 = arith.constant 0 : i32
      %dma_wait3A_136 = tpu.memref_slice %arg2[%dma_wait3A, %dma_wait3A_135] : memref<20000x128xf32, #tpu.memory_space<hbm>> -> memref<20000x128xf32, #tpu.memory_space<hbm>>
      tpu.wait_indirect_dma semaphore(%arg14 : memref<!tpu.dma_semaphore, #tpu.memory_space<semaphore_mem>>) src(%dma_wait3A_136 : memref<20000x128xf32, #tpu.memory_space<hbm>>) dst(%arg12 : memref<80x128xf32, #tpu.memory_space<vmem>>)
      "tpu.region"() ({
        %run_scoped3A = tpu.sem_alloc : memref<!tpu.dma_semaphore, #tpu.memory_space<semaphore_mem>>
        %dma_start3A_148 = arith.constant 0 : i32
        %dma_start3A_149 = tpu.memref_slice %arg9[%mul3A_64, %dma_start3A_148] : memref<126x80xi32, #tpu.memory_space<vmem>> -> memref<1x80xi32, #tpu.memory_space<vmem>>
        %dma_start3A_150 = tpu.memref_squeeze %dma_start3A_149 : memref<1x80xi32, #tpu.memory_space<vmem>> -> memref<80xi32, #tpu.memory_space<vmem>>
        %dma_start3A_151 = arith.constant 0 : i32
        %dma_start3A_152 = arith.constant 0 : i32
        %dma_start3A_153 = tpu.memref_slice %arg7[%dma_start3A_151, %dma_start3A_152] : memref<10016x128xf32, #tpu.memory_space<vmem_shared>> -> memref<10016x128xf32, #tpu.memory_space<vmem_shared>>
        tpu.enqueue_indirect_dma source(%arg12 : memref<80x128xf32, #tpu.memory_space<vmem>>) target(%dma_start3A_153 : memref<10016x128xf32, #tpu.memory_space<vmem_shared>>) offsets(%dma_start3A_150 : memref<80xi32, #tpu.memory_space<vmem>>) semaphore(%run_scoped3A : memref<!tpu.dma_semaphore, #tpu.memory_space<semaphore_mem>>) {add = true}
        %dma_wait3A_154 = arith.constant 0 : i32
        %dma_wait3A_155 = tpu.memref_slice %arg9[%mul3A_64, %dma_wait3A_154] : memref<126x80xi32, #tpu.memory_space<vmem>> -> memref<1x80xi32, #tpu.memory_space<vmem>>
        %dma_wait3A_156 = tpu.memref_squeeze %dma_wait3A_155 : memref<1x80xi32, #tpu.memory_space<vmem>> -> memref<80xi32, #tpu.memory_space<vmem>>
        %dma_wait3A_157 = arith.constant 0 : i32
        %dma_wait3A_158 = arith.constant 0 : i32
        %dma_wait3A_159 = tpu.memref_slice %arg7[%dma_wait3A_157, %dma_wait3A_158] : memref<10016x128xf32, #tpu.memory_space<vmem_shared>> -> memref<10016x128xf32, #tpu.memory_space<vmem_shared>>
        tpu.wait_indirect_dma semaphore(%run_scoped3A : memref<!tpu.dma_semaphore, #tpu.memory_space<semaphore_mem>>) src(%arg12 : memref<80x128xf32, #tpu.memory_space<vmem>>) dst(%dma_wait3A_159 : memref<10016x128xf32, #tpu.memory_space<vmem_shared>>)
        tpu.yield
      }) : () -> ()
      %add3A_137 = arith.constant 2 : i32
      %add3A_138 = arith.addi %mul3A_64, %add3A_137 : i32
      %lt3A = arith.constant 126 : i32
      %lt3A_139 = arith.cmpi slt, %add3A_138, %lt3A : i32
      %convert_element_type3A_140 = arith.extui %lt3A_139 : i1 to i32
      %cond3A_141 = arith.constant 0 : i32
      %cond3A_142 = arith.cmpi ne, %convert_element_type3A_140, %cond3A_141 : i32
      scf.if %cond3A_142 {
        %add3A_148 = arith.constant 2 : i32
        %add3A_149 = arith.addi %mul3A_64, %add3A_148 : i32
        %mul3A_150 = arith.constant 80 : i32
        %mul3A_151 = arith.muli %add3A_149, %mul3A_150 : i32
        %add3A_152 = arith.constant 0 : i32
        %add3A_153 = arith.addi %mul3A_151, %add3A_152 : i32
        %get3A_154 = arith.index_cast %add3A_153 : i32 to index
        %get3A_155 = tpu.vector_load %arg8[%get3A_154] {strides = array<i32>} : memref<10080xi32, #tpu.memory_space<vmem>>, vector<16xi32>,
        %get3A_156 = vector.shape_cast %get3A_155 : vector<16xi32> to vector<16xi32>
        %add3A_157 = vector.broadcast %mul3A_0 : i32 to vector<16xi32>
        %add3A_158 = arith.addi %get3A_156, %add3A_157 : vector<16xi32>
        %swap3A_159 = arith.constant 0 : index
        %swap3A_160 = tpu.vector_load %arg10[%swap3A_159] {strides = array<i32>} : memref<80xi32, #tpu.memory_space<vmem>>, vector<16xi32>,
        %swap3A_161 = vector.shape_cast %swap3A_160 : vector<16xi32> to vector<16xi32>
        %swap3A_162 = vector.shape_cast %add3A_158 : vector<16xi32> to vector<16xi32>
        tpu.vector_store %arg10[%swap3A_159], %swap3A_162 {strides = array<i32>} : memref<80xi32, #tpu.memory_space<vmem>>, vector<16xi32>,
        %mul3A_163 = arith.constant 80 : i32
        %mul3A_164 = arith.muli %add3A_149, %mul3A_163 : i32
        %add3A_165 = arith.constant 16 : i32
        %add3A_166 = arith.addi %mul3A_164, %add3A_165 : i32
        %get3A_167 = arith.index_cast %add3A_166 : i32 to index
        %get3A_168 = tpu.vector_load %arg8[%get3A_167] {strides = array<i32>} : memref<10080xi32, #tpu.memory_space<vmem>>, vector<16xi32>,
        %get3A_169 = vector.shape_cast %get3A_168 : vector<16xi32> to vector<16xi32>
        %add3A_170 = vector.broadcast %mul3A_0 : i32 to vector<16xi32>
        %add3A_171 = arith.addi %get3A_169, %add3A_170 : vector<16xi32>
        %swap3A_172 = arith.constant 16 : index
        %swap3A_173 = tpu.vector_load %arg10[%swap3A_172] {strides = array<i32>} : memref<80xi32, #tpu.memory_space<vmem>>, vector<16xi32>,
        %swap3A_174 = vector.shape_cast %swap3A_173 : vector<16xi32> to vector<16xi32>
        %swap3A_175 = vector.shape_cast %add3A_171 : vector<16xi32> to vector<16xi32>
        tpu.vector_store %arg10[%swap3A_172], %swap3A_175 {strides = array<i32>} : memref<80xi32, #tpu.memory_space<vmem>>, vector<16xi32>,
        %mul3A_176 = arith.constant 80 : i32
        %mul3A_177 = arith.muli %add3A_149, %mul3A_176 : i32
        %add3A_178 = arith.constant 32 : i32
        %add3A_179 = arith.addi %mul3A_177, %add3A_178 : i32
        %get3A_180 = arith.index_cast %add3A_179 : i32 to index
        %get3A_181 = tpu.vector_load %arg8[%get3A_180] {strides = array<i32>} : memref<10080xi32, #tpu.memory_space<vmem>>, vector<16xi32>,
        %get3A_182 = vector.shape_cast %get3A_181 : vector<16xi32> to vector<16xi32>
        %add3A_183 = vector.broadcast %mul3A_0 : i32 to vector<16xi32>
        %add3A_184 = arith.addi %get3A_182, %add3A_183 : vector<16xi32>
        %swap3A_185 = arith.constant 32 : index
        %swap3A_186 = tpu.vector_load %arg10[%swap3A_185] {strides = array<i32>} : memref<80xi32, #tpu.memory_space<vmem>>, vector<16xi32>,
        %swap3A_187 = vector.shape_cast %swap3A_186 : vector<16xi32> to vector<16xi32>
        %swap3A_188 = vector.shape_cast %add3A_184 : vector<16xi32> to vector<16xi32>
        tpu.vector_store %arg10[%swap3A_185], %swap3A_188 {strides = array<i32>} : memref<80xi32, #tpu.memory_space<vmem>>, vector<16xi32>,
        %mul3A_189 = arith.constant 80 : i32
        %mul3A_190 = arith.muli %add3A_149, %mul3A_189 : i32
        %add3A_191 = arith.constant 48 : i32
        %add3A_192 = arith.addi %mul3A_190, %add3A_191 : i32
        %get3A_193 = arith.index_cast %add3A_192 : i32 to index
        %get3A_194 = tpu.vector_load %arg8[%get3A_193] {strides = array<i32>} : memref<10080xi32, #tpu.memory_space<vmem>>, vector<16xi32>,
        %get3A_195 = vector.shape_cast %get3A_194 : vector<16xi32> to vector<16xi32>
        %add3A_196 = vector.broadcast %mul3A_0 : i32 to vector<16xi32>
        %add3A_197 = arith.addi %get3A_195, %add3A_196 : vector<16xi32>
        %swap3A_198 = arith.constant 48 : index
        %swap3A_199 = tpu.vector_load %arg10[%swap3A_198] {strides = array<i32>} : memref<80xi32, #tpu.memory_space<vmem>>, vector<16xi32>,
        %swap3A_200 = vector.shape_cast %swap3A_199 : vector<16xi32> to vector<16xi32>
        %swap3A_201 = vector.shape_cast %add3A_197 : vector<16xi32> to vector<16xi32>
        tpu.vector_store %arg10[%swap3A_198], %swap3A_201 {strides = array<i32>} : memref<80xi32, #tpu.memory_space<vmem>>, vector<16xi32>,
        %mul3A_202 = arith.constant 80 : i32
        %mul3A_203 = arith.muli %add3A_149, %mul3A_202 : i32
        %add3A_204 = arith.constant 64 : i32
        %add3A_205 = arith.addi %mul3A_203, %add3A_204 : i32
        %get3A_206 = arith.index_cast %add3A_205 : i32 to index
        %get3A_207 = tpu.vector_load %arg8[%get3A_206] {strides = array<i32>} : memref<10080xi32, #tpu.memory_space<vmem>>, vector<16xi32>,
        %get3A_208 = vector.shape_cast %get3A_207 : vector<16xi32> to vector<16xi32>
        %add3A_209 = vector.broadcast %mul3A_0 : i32 to vector<16xi32>
        %add3A_210 = arith.addi %get3A_208, %add3A_209 : vector<16xi32>
        %swap3A_211 = arith.constant 64 : index
        %swap3A_212 = tpu.vector_load %arg10[%swap3A_211] {strides = array<i32>} : memref<80xi32, #tpu.memory_space<vmem>>, vector<16xi32>,
        %swap3A_213 = vector.shape_cast %swap3A_212 : vector<16xi32> to vector<16xi32>
        %swap3A_214 = vector.shape_cast %add3A_210 : vector<16xi32> to vector<16xi32>
        tpu.vector_store %arg10[%swap3A_211], %swap3A_214 {strides = array<i32>} : memref<80xi32, #tpu.memory_space<vmem>>, vector<16xi32>,
        %dma_start3A_215 = arith.constant 0 : i32
        %dma_start3A_216 = arith.constant 0 : i32
        %dma_start3A_217 = tpu.memref_slice %arg2[%dma_start3A_215, %dma_start3A_216] : memref<20000x128xf32, #tpu.memory_space<hbm>> -> memref<20000x128xf32, #tpu.memory_space<hbm>>
        tpu.enqueue_indirect_dma source(%dma_start3A_217 : memref<20000x128xf32, #tpu.memory_space<hbm>>) target(%arg12 : memref<80x128xf32, #tpu.memory_space<vmem>>) offsets(%arg10 : memref<80xi32, #tpu.memory_space<vmem>>) semaphore(%arg14 : memref<!tpu.dma_semaphore, #tpu.memory_space<semaphore_mem>>)
      } else {
      }
      %dma_wait3A_143 = arith.constant 0 : i32
      %dma_wait3A_144 = arith.constant 0 : i32
      %dma_wait3A_145 = tpu.memref_slice %arg2[%dma_wait3A_143, %dma_wait3A_144] : memref<20000x128xf32, #tpu.memory_space<hbm>> -> memref<20000x128xf32, #tpu.memory_space<hbm>>
      tpu.wait_indirect_dma semaphore(%arg15 : memref<!tpu.dma_semaphore, #tpu.memory_space<semaphore_mem>>) src(%dma_wait3A_145 : memref<20000x128xf32, #tpu.memory_space<hbm>>) dst(%arg13 : memref<80x128xf32, #tpu.memory_space<vmem>>)
      %add3A_146 = arith.constant 1 : i32
      %add3A_147 = arith.addi %mul3A_64, %add3A_146 : i32
      "tpu.region"() ({
        %run_scoped3A = tpu.sem_alloc : memref<!tpu.dma_semaphore, #tpu.memory_space<semaphore_mem>>
        %dma_start3A_148 = arith.constant 0 : i32
        %dma_start3A_149 = tpu.memref_slice %arg9[%add3A_147, %dma_start3A_148] : memref<126x80xi32, #tpu.memory_space<vmem>> -> memref<1x80xi32, #tpu.memory_space<vmem>>
        %dma_start3A_150 = tpu.memref_squeeze %dma_start3A_149 : memref<1x80xi32, #tpu.memory_space<vmem>> -> memref<80xi32, #tpu.memory_space<vmem>>
        %dma_start3A_151 = arith.constant 0 : i32
        %dma_start3A_152 = arith.constant 0 : i32
        %dma_start3A_153 = tpu.memref_slice %arg7[%dma_start3A_151, %dma_start3A_152] : memref<10016x128xf32, #tpu.memory_space<vmem_shared>> -> memref<10016x128xf32, #tpu.memory_space<vmem_shared>>
        tpu.enqueue_indirect_dma source(%arg13 : memref<80x128xf32, #tpu.memory_space<vmem>>) target(%dma_start3A_153 : memref<10016x128xf32, #tpu.memory_space<vmem_shared>>) offsets(%dma_start3A_150 : memref<80xi32, #tpu.memory_space<vmem>>) semaphore(%run_scoped3A : memref<!tpu.dma_semaphore, #tpu.memory_space<semaphore_mem>>) {add = true}
        %dma_wait3A_154 = arith.constant 0 : i32
        %dma_wait3A_155 = tpu.memref_slice %arg9[%add3A_147, %dma_wait3A_154] : memref<126x80xi32, #tpu.memory_space<vmem>> -> memref<1x80xi32, #tpu.memory_space<vmem>>
        %dma_wait3A_156 = tpu.memref_squeeze %dma_wait3A_155 : memref<1x80xi32, #tpu.memory_space<vmem>> -> memref<80xi32, #tpu.memory_space<vmem>>
        %dma_wait3A_157 = arith.constant 0 : i32
        %dma_wait3A_158 = arith.constant 0 : i32
        %dma_wait3A_159 = tpu.memref_slice %arg7[%dma_wait3A_157, %dma_wait3A_158] : memref<10016x128xf32, #tpu.memory_space<vmem_shared>> -> memref<10016x128xf32, #tpu.memory_space<vmem_shared>>
        tpu.wait_indirect_dma semaphore(%run_scoped3A : memref<!tpu.dma_semaphore, #tpu.memory_space<semaphore_mem>>) src(%arg13 : memref<80x128xf32, #tpu.memory_space<vmem>>) dst(%dma_wait3A_159 : memref<10016x128xf32, #tpu.memory_space<vmem_shared>>)
        tpu.yield
      }) : () -> ()
    }
    %scan3A_54 = arith.constant 63 : i32
    %barrier3A_55 = arith.constant 0 : index
    tpu.barrier barrier_id(%barrier3A_55)
    %add3A_56 = arith.addi %mul3A_0, %mul3A_2 : i32
    "tpu.region"() ({
      %run_scoped3A = tpu.sem_alloc : memref<!tpu.dma_semaphore, #tpu.memory_space<semaphore_mem>>
      %dma_start3A_62 = arith.constant 0 : i32
      %dma_start3A_63 = tpu.memref_slice %arg6[%add3A_56, %dma_start3A_62] : memref<20000x128xf32, #tpu.memory_space<hbm>> -> memref<624x128xf32, #tpu.memory_space<hbm>>
      %dma_start3A_64 = arith.constant 0 : i32
      %dma_start3A_65 = tpu.memref_slice %arg7[%mul3A_2, %dma_start3A_64] : memref<10016x128xf32, #tpu.memory_space<vmem_shared>> -> memref<624x128xf32, #tpu.memory_space<vmem_shared>>
      tpu.enqueue_dma source(%dma_start3A_65 : memref<624x128xf32, #tpu.memory_space<vmem_shared>>) target(%dma_start3A_63 : memref<624x128xf32, #tpu.memory_space<hbm>>) target_semaphore(%run_scoped3A : memref<!tpu.dma_semaphore, #tpu.memory_space<semaphore_mem>>)
      %dma_wait3A = arith.constant 0 : i32
      %dma_wait3A_66 = tpu.memref_slice %arg6[%add3A_56, %dma_wait3A] : memref<20000x128xf32, #tpu.memory_space<hbm>> -> memref<624x128xf32, #tpu.memory_space<hbm>>
      %dma_wait3A_67 = arith.constant 0 : i32
      %dma_wait3A_68 = tpu.memref_slice %arg7[%mul3A_2, %dma_wait3A_67] : memref<10016x128xf32, #tpu.memory_space<vmem_shared>> -> memref<624x128xf32, #tpu.memory_space<vmem_shared>>
      tpu.wait_dma2 semaphore(%run_scoped3A : memref<!tpu.dma_semaphore, #tpu.memory_space<semaphore_mem>>) src(%dma_wait3A_68 : memref<624x128xf32, #tpu.memory_space<vmem_shared>>) dst(%dma_wait3A_66 : memref<624x128xf32, #tpu.memory_space<hbm>>)
      tpu.yield
    }) : () -> ()
    %eq3A_57 = arith.constant 15 : i32
    %eq3A_58 = arith.cmpi eq, %arg1, %eq3A_57 : i32
    %convert_element_type3A_59 = arith.extui %eq3A_58 : i1 to i32
    %cond3A_60 = arith.constant 0 : i32
    %cond3A_61 = arith.cmpi ne, %convert_element_type3A_59, %cond3A_60 : i32
    scf.if %cond3A_61 {
      %add3A_62 = arith.constant 9984 : i32
      %add3A_63 = arith.addi %mul3A_0, %add3A_62 : i32
      "tpu.region"() ({
        %run_scoped3A = tpu.sem_alloc : memref<!tpu.dma_semaphore, #tpu.memory_space<semaphore_mem>>
        %dma_start3A_64 = arith.constant 0 : i32
        %dma_start3A_65 = tpu.memref_slice %arg6[%add3A_63, %dma_start3A_64] : memref<20000x128xf32, #tpu.memory_space<hbm>> -> memref<16x128xf32, #tpu.memory_space<hbm>>
        %dma_start3A_66 = arith.constant 9984 : i32
        %dma_start3A_67 = arith.constant 0 : i32
        %dma_start3A_68 = tpu.memref_slice %arg7[%dma_start3A_66, %dma_start3A_67] : memref<10016x128xf32, #tpu.memory_space<vmem_shared>> -> memref<16x128xf32, #tpu.memory_space<vmem_shared>>
        tpu.enqueue_dma source(%dma_start3A_68 : memref<16x128xf32, #tpu.memory_space<vmem_shared>>) target(%dma_start3A_65 : memref<16x128xf32, #tpu.memory_space<hbm>>) target_semaphore(%run_scoped3A : memref<!tpu.dma_semaphore, #tpu.memory_space<semaphore_mem>>)
        %dma_wait3A = arith.constant 0 : i32
        %dma_wait3A_69 = tpu.memref_slice %arg6[%add3A_63, %dma_wait3A] : memref<20000x128xf32, #tpu.memory_space<hbm>> -> memref<16x128xf32, #tpu.memory_space<hbm>>
        %dma_wait3A_70 = arith.constant 9984 : i32
        %dma_wait3A_71 = arith.constant 0 : i32
        %dma_wait3A_72 = tpu.memref_slice %arg7[%dma_wait3A_70, %dma_wait3A_71] : memref<10016x128xf32, #tpu.memory_space<vmem_shared>> -> memref<16x128xf32, #tpu.memory_space<vmem_shared>>
        tpu.wait_dma2 semaphore(%run_scoped3A : memref<!tpu.dma_semaphore, #tpu.memory_space<semaphore_mem>>) src(%dma_wait3A_72 : memref<16x128xf32, #tpu.memory_space<vmem_shared>>) dst(%dma_wait3A_69 : memref<16x128xf32, #tpu.memory_space<hbm>>)
        tpu.yield
      }) : () -> ()
    } else {
    }
    return
  }
}

#map = affine_map<(d0, d1) -> (0, 0)>
#map1 = affine_map<(d0, d1) -> (0, 0, 0)>
module attributes {stable_mosaic.version = 14 : i64} {
  func.func @k(%arg0: i32, %arg1: i32, %arg2: memref<20000x128xf32, #tpu.memory_space<hbm>>, %arg3: memref<20000x128xf32, #tpu.memory_space<hbm>>, %arg4: memref<16x10080xi32, #tpu.memory_space<hbm>>, %arg5: memref<16x126x80xi32, #tpu.memory_space<hbm>>, %arg6: memref<20000x128xf32, #tpu.memory_space<hbm>>, %arg7: memref<10016x128xf32, #tpu.memory_space<vmem_shared>>, %arg8: memref<10080xi32, #tpu.memory_space<vmem>>, %arg9: memref<126x80xi32, #tpu.memory_space<vmem>>, %arg10: memref<80xi32, #tpu.memory_space<vmem>>, %arg11: memref<80xi32, #tpu.memory_space<vmem>>, %arg12: memref<80x128xf32, #tpu.memory_space<vmem>>, %arg13: memref<80x128xf32, #tpu.memory_space<vmem>>, %arg14: memref<!tpu.dma_semaphore, #tpu.memory_space<semaphore_mem>>, %arg15: memref<!tpu.dma_semaphore, #tpu.memory_space<semaphore_mem>>) attributes {dimension_semantics = [#tpu.dimension_semantics<core_parallel>, #tpu.dimension_semantics<subcore_parallel>], iteration_bounds = array<i64: 2, 16>, scalar_prefetch = 0 : i64, scratch_operands = 9 : i64, tpu.core_type = #tpu.core_type<sc_vector_subcore>, window_params = [{transform_indices = #map}, {transform_indices = #map}, {transform_indices = #map}, {transform_indices = #map1}, {transform_indices = #map}]} {
    %mul3A = arith.constant 10000 : i32
    %mul3A_0 = arith.muli %arg0, %mul3A : i32
    %mul3A_1 = arith.constant 624 : i32
    %mul3A_2 = arith.muli %arg1, %mul3A_1 : i32
    %add3A = arith.addi %mul3A_0, %mul3A_2 : i32
    "tpu.region"() ({
      %run_scoped3A = tpu.sem_alloc : memref<!tpu.dma_semaphore, #tpu.memory_space<semaphore_mem>>
      %dma_start3A_62 = arith.constant 0 : i32
      %dma_start3A_63 = tpu.memref_slice %arg7[%mul3A_2, %dma_start3A_62] : memref<10016x128xf32, #tpu.memory_space<vmem_shared>> -> memref<624x128xf32, #tpu.memory_space<vmem_shared>>
      %dma_start3A_64 = arith.constant 0 : i32
      %dma_start3A_65 = tpu.memref_slice %arg3[%add3A, %dma_start3A_64] : memref<20000x128xf32, #tpu.memory_space<hbm>> -> memref<624x128xf32, #tpu.memory_space<hbm>>
      tpu.enqueue_dma source(%dma_start3A_65 : memref<624x128xf32, #tpu.memory_space<hbm>>) target(%dma_start3A_63 : memref<624x128xf32, #tpu.memory_space<vmem_shared>>) target_semaphore(%run_scoped3A : memref<!tpu.dma_semaphore, #tpu.memory_space<semaphore_mem>>)
      %dma_wait3A = arith.constant 0 : i32
      %dma_wait3A_66 = tpu.memref_slice %arg7[%mul3A_2, %dma_wait3A] : memref<10016x128xf32, #tpu.memory_space<vmem_shared>> -> memref<624x128xf32, #tpu.memory_space<vmem_shared>>
      %dma_wait3A_67 = arith.constant 0 : i32
      %dma_wait3A_68 = tpu.memref_slice %arg3[%add3A, %dma_wait3A_67] : memref<20000x128xf32, #tpu.memory_space<hbm>> -> memref<624x128xf32, #tpu.memory_space<hbm>>
      tpu.wait_dma2 semaphore(%run_scoped3A : memref<!tpu.dma_semaphore, #tpu.memory_space<semaphore_mem>>) src(%dma_wait3A_68 : memref<624x128xf32, #tpu.memory_space<hbm>>) dst(%dma_wait3A_66 : memref<624x128xf32, #tpu.memory_space<vmem_shared>>)
      tpu.yield
    }) : () -> ()
    %eq3A = arith.constant 15 : i32
    %eq3A_3 = arith.cmpi eq, %arg1, %eq3A : i32
    %convert_element_type3A = arith.extui %eq3A_3 : i1 to i32
    %cond3A = arith.constant 0 : i32
    %cond3A_4 = arith.cmpi ne, %convert_element_type3A, %cond3A : i32
    scf.if %cond3A_4 {
      %add3A_62 = arith.constant 9984 : i32
      %add3A_63 = arith.addi %add3A_62, %mul3A_0 : i32
      "tpu.region"() ({
        %run_scoped3A = tpu.sem_alloc : memref<!tpu.dma_semaphore, #tpu.memory_space<semaphore_mem>>
        %dma_start3A_64 = arith.constant 9984 : i32
        %dma_start3A_65 = arith.constant 0 : i32
        %dma_start3A_66 = tpu.memref_slice %arg7[%dma_start3A_64, %dma_start3A_65] : memref<10016x128xf32, #tpu.memory_space<vmem_shared>> -> memref<16x128xf32, #tpu.memory_space<vmem_shared>>
        %dma_start3A_67 = arith.constant 0 : i32
        %dma_start3A_68 = tpu.memref_slice %arg3[%add3A_63, %dma_start3A_67] : memref<20000x128xf32, #tpu.memory_space<hbm>> -> memref<16x128xf32, #tpu.memory_space<hbm>>
        tpu.enqueue_dma source(%dma_start3A_68 : memref<16x128xf32, #tpu.memory_space<hbm>>) target(%dma_start3A_66 : memref<16x128xf32, #tpu.memory_space<vmem_shared>>) target_semaphore(%run_scoped3A : memref<!tpu.dma_semaphore, #tpu.memory_space<semaphore_mem>>)
        %dma_wait3A = arith.constant 9984 : i32
        %dma_wait3A_69 = arith.constant 0 : i32
        %dma_wait3A_70 = tpu.memref_slice %arg7[%dma_wait3A, %dma_wait3A_69] : memref<10016x128xf32, #tpu.memory_space<vmem_shared>> -> memref<16x128xf32, #tpu.memory_space<vmem_shared>>
        %dma_wait3A_71 = arith.constant 0 : i32
        %dma_wait3A_72 = tpu.memref_slice %arg3[%add3A_63, %dma_wait3A_71] : memref<20000x128xf32, #tpu.memory_space<hbm>> -> memref<16x128xf32, #tpu.memory_space<hbm>>
        tpu.wait_dma2 semaphore(%run_scoped3A : memref<!tpu.dma_semaphore, #tpu.memory_space<semaphore_mem>>) src(%dma_wait3A_72 : memref<16x128xf32, #tpu.memory_space<hbm>>) dst(%dma_wait3A_70 : memref<16x128xf32, #tpu.memory_space<vmem_shared>>)
        tpu.yield
      }) : () -> ()
    } else {
    }
    "tpu.region"() ({
      %run_scoped3A = tpu.sem_alloc : memref<!tpu.dma_semaphore, #tpu.memory_space<semaphore_mem>>
      %dma_start3A_62 = arith.constant 0 : i32
      %dma_start3A_63 = tpu.memref_slice %arg4[%arg1, %dma_start3A_62] : memref<16x10080xi32, #tpu.memory_space<hbm>> -> memref<1x10080xi32, #tpu.memory_space<hbm>>
      %dma_start3A_64 = tpu.memref_squeeze %dma_start3A_63 : memref<1x10080xi32, #tpu.memory_space<hbm>> -> memref<10080xi32, #tpu.memory_space<hbm>>
      %dma_start3A_65 = arith.constant 0 : i32
      %dma_start3A_66 = tpu.memref_slice %arg4[%arg1, %dma_start3A_65] : memref<16x10080xi32, #tpu.memory_space<hbm>> -> memref<1x10080xi32, #tpu.memory_space<hbm>>
      %dma_start3A_67 = tpu.memref_squeeze %dma_start3A_66 : memref<1x10080xi32, #tpu.memory_space<hbm>> -> memref<10080xi32, #tpu.memory_space<hbm>>
      tpu.enqueue_dma source(%dma_start3A_67 : memref<10080xi32, #tpu.memory_space<hbm>>) target(%arg8 : memref<10080xi32, #tpu.memory_space<vmem>>) target_semaphore(%run_scoped3A : memref<!tpu.dma_semaphore, #tpu.memory_space<semaphore_mem>>)
      %dma_wait3A = arith.constant 0 : i32
      %dma_wait3A_68 = tpu.memref_slice %arg4[%arg1, %dma_wait3A] : memref<16x10080xi32, #tpu.memory_space<hbm>> -> memref<1x10080xi32, #tpu.memory_space<hbm>>
      %dma_wait3A_69 = tpu.memref_squeeze %dma_wait3A_68 : memref<1x10080xi32, #tpu.memory_space<hbm>> -> memref<10080xi32, #tpu.memory_space<hbm>>
      %dma_wait3A_70 = arith.constant 0 : i32
      %dma_wait3A_71 = tpu.memref_slice %arg4[%arg1, %dma_wait3A_70] : memref<16x10080xi32, #tpu.memory_space<hbm>> -> memref<1x10080xi32, #tpu.memory_space<hbm>>
      %dma_wait3A_72 = tpu.memref_squeeze %dma_wait3A_71 : memref<1x10080xi32, #tpu.memory_space<hbm>> -> memref<10080xi32, #tpu.memory_space<hbm>>
      tpu.wait_dma2 semaphore(%run_scoped3A : memref<!tpu.dma_semaphore, #tpu.memory_space<semaphore_mem>>) src(%dma_wait3A_72 : memref<10080xi32, #tpu.memory_space<hbm>>) dst(%arg8 : memref<10080xi32, #tpu.memory_space<vmem>>)
      tpu.yield
    }) : () -> ()
    "tpu.region"() ({
      %run_scoped3A = tpu.sem_alloc : memref<!tpu.dma_semaphore, #tpu.memory_space<semaphore_mem>>
      %dma_start3A_62 = arith.constant 0 : i32
      %dma_start3A_63 = arith.constant 0 : i32
      %dma_start3A_64 = tpu.memref_slice %arg5[%arg1, %dma_start3A_62, %dma_start3A_63] : memref<16x126x80xi32, #tpu.memory_space<hbm>> -> memref<1x126x80xi32, #tpu.memory_space<hbm>>
      %dma_start3A_65 = tpu.memref_squeeze %dma_start3A_64 : memref<1x126x80xi32, #tpu.memory_space<hbm>> -> memref<126x80xi32, #tpu.memory_space<hbm>>
      %dma_start3A_66 = arith.constant 0 : i32
      %dma_start3A_67 = arith.constant 0 : i32
      %dma_start3A_68 = tpu.memref_slice %arg5[%arg1, %dma_start3A_66, %dma_start3A_67] : memref<16x126x80xi32, #tpu.memory_space<hbm>> -> memref<1x126x80xi32, #tpu.memory_space<hbm>>
      %dma_start3A_69 = tpu.memref_squeeze %dma_start3A_68 : memref<1x126x80xi32, #tpu.memory_space<hbm>> -> memref<126x80xi32, #tpu.memory_space<hbm>>
      tpu.enqueue_dma source(%dma_start3A_69 : memref<126x80xi32, #tpu.memory_space<hbm>>) target(%arg9 : memref<126x80xi32, #tpu.memory_space<vmem>>) target_semaphore(%run_scoped3A : memref<!tpu.dma_semaphore, #tpu.memory_space<semaphore_mem>>)
      %dma_wait3A = arith.constant 0 : i32
      %dma_wait3A_70 = arith.constant 0 : i32
      %dma_wait3A_71 = tpu.memref_slice %arg5[%arg1, %dma_wait3A, %dma_wait3A_70] : memref<16x126x80xi32, #tpu.memory_space<hbm>> -> memref<1x126x80xi32, #tpu.memory_space<hbm>>
      %dma_wait3A_72 = tpu.memref_squeeze %dma_wait3A_71 : memref<1x126x80xi32, #tpu.memory_space<hbm>> -> memref<126x80xi32, #tpu.memory_space<hbm>>
      %dma_wait3A_73 = arith.constant 0 : i32
      %dma_wait3A_74 = arith.constant 0 : i32
      %dma_wait3A_75 = tpu.memref_slice %arg5[%arg1, %dma_wait3A_73, %dma_wait3A_74] : memref<16x126x80xi32, #tpu.memory_space<hbm>> -> memref<1x126x80xi32, #tpu.memory_space<hbm>>
      %dma_wait3A_76 = tpu.memref_squeeze %dma_wait3A_75 : memref<1x126x80xi32, #tpu.memory_space<hbm>> -> memref<126x80xi32, #tpu.memory_space<hbm>>
      tpu.wait_dma2 semaphore(%run_scoped3A : memref<!tpu.dma_semaphore, #tpu.memory_space<semaphore_mem>>) src(%dma_wait3A_76 : memref<126x80xi32, #tpu.memory_space<hbm>>) dst(%arg9 : memref<126x80xi32, #tpu.memory_space<vmem>>)
      tpu.yield
    }) : () -> ()
    %barrier3A = arith.constant 0 : index
    tpu.barrier barrier_id(%barrier3A)
    %get3A = arith.constant 0 : index
    %get3A_5 = tpu.vector_load %arg8[%get3A] {strides = array<i32>} : memref<10080xi32, #tpu.memory_space<vmem>>, vector<16xi32>,
    %get3A_6 = vector.shape_cast %get3A_5 : vector<16xi32> to vector<16xi32>
    %add3A_7 = vector.broadcast %mul3A_0 : i32 to vector<16xi32>
    %add3A_8 = arith.addi %get3A_6, %add3A_7 : vector<16xi32>
    %swap3A = arith.constant 0 : index
    %swap3A_9 = tpu.vector_load %arg10[%swap3A] {strides = array<i32>} : memref<80xi32, #tpu.memory_space<vmem>>, vector<16xi32>,
    %swap3A_10 = vector.shape_cast %swap3A_9 : vector<16xi32> to vector<16xi32>
    %swap3A_11 = vector.shape_cast %add3A_8 : vector<16xi32> to vector<16xi32>
    tpu.vector_store %arg10[%swap3A], %swap3A_11 {strides = array<i32>} : memref<80xi32, #tpu.memory_space<vmem>>, vector<16xi32>,
    %get3A_12 = arith.constant 16 : index
    %get3A_13 = tpu.vector_load %arg8[%get3A_12] {strides = array<i32>} : memref<10080xi32, #tpu.memory_space<vmem>>, vector<16xi32>,
    %get3A_14 = vector.shape_cast %get3A_13 : vector<16xi32> to vector<16xi32>
    %add3A_15 = vector.broadcast %mul3A_0 : i32 to vector<16xi32>
    %add3A_16 = arith.addi %get3A_14, %add3A_15 : vector<16xi32>
    %swap3A_17 = arith.constant 16 : index
    %swap3A_18 = tpu.vector_load %arg10[%swap3A_17] {strides = array<i32>} : memref<80xi32, #tpu.memory_space<vmem>>, vector<16xi32>,
    %swap3A_19 = vector.shape_cast %swap3A_18 : vector<16xi32> to vector<16xi32>
    %swap3A_20 = vector.shape_cast %add3A_16 : vector<16xi32> to vector<16xi32>
    tpu.vector_store %arg10[%swap3A_17], %swap3A_20 {strides = array<i32>} : memref<80xi32, #tpu.memory_space<vmem>>, vector<16xi32>,
    %get3A_21 = arith.constant 32 : index
    %get3A_22 = tpu.vector_load %arg8[%get3A_21] {strides = array<i32>} : memref<10080xi32, #tpu.memory_space<vmem>>, vector<16xi32>,
    %get3A_23 = vector.shape_cast %get3A_22 : vector<16xi32> to vector<16xi32>
    %add3A_24 = vector.broadcast %mul3A_0 : i32 to vector<16xi32>
    %add3A_25 = arith.addi %get3A_23, %add3A_24 : vector<16xi32>
    %swap3A_26 = arith.constant 32 : index
    %swap3A_27 = tpu.vector_load %arg10[%swap3A_26] {strides = array<i32>} : memref<80xi32, #tpu.memory_space<vmem>>, vector<16xi32>,
    %swap3A_28 = vector.shape_cast %swap3A_27 : vector<16xi32> to vector<16xi32>
    %swap3A_29 = vector.shape_cast %add3A_25 : vector<16xi32> to vector<16xi32>
    tpu.vector_store %arg10[%swap3A_26], %swap3A_29 {strides = array<i32>} : memref<80xi32, #tpu.memory_space<vmem>>, vector<16xi32>,
    %get3A_30 = arith.constant 48 : index
    %get3A_31 = tpu.vector_load %arg8[%get3A_30] {strides = array<i32>} : memref<10080xi32, #tpu.memory_space<vmem>>, vector<16xi32>,
    %get3A_32 = vector.shape_cast %get3A_31 : vector<16xi32> to vector<16xi32>
    %add3A_33 = vector.broadcast %mul3A_0 : i32 to vector<16xi32>
    %add3A_34 = arith.addi %get3A_32, %add3A_33 : vector<16xi32>
    %swap3A_35 = arith.constant 48 : index
    %swap3A_36 = tpu.vector_load %arg10[%swap3A_35] {strides = array<i32>} : memref<80xi32, #tpu.memory_space<vmem>>, vector<16xi32>,
    %swap3A_37 = vector.shape_cast %swap3A_36 : vector<16xi32> to vector<16xi32>
    %swap3A_38 = vector.shape_cast %add3A_34 : vector<16xi32> to vector<16xi32>
    tpu.vector_store %arg10[%swap3A_35], %swap3A_38 {strides = array<i32>} : memref<80xi32, #tpu.memory_space<vmem>>, vector<16xi32>,
    %get3A_39 = arith.constant 64 : index
    %get3A_40 = tpu.vector_load %arg8[%get3A_39] {strides = array<i32>} : memref<10080xi32, #tpu.memory_space<vmem>>, vector<16xi32>,
    %get3A_41 = vector.shape_cast %get3A_40 : vector<16xi32> to vector<16xi32>
    %add3A_42 = vector.broadcast %mul3A_0 : i32 to vector<16xi32>
    %add3A_43 = arith.addi %get3A_41, %add3A_42 : vector<16xi32>
    %swap3A_44 = arith.constant 64 : index
    %swap3A_45 = tpu.vector_load %arg10[%swap3A_44] {strides = array<i32>} : memref<80xi32, #tpu.memory_space<vmem>>, vector<16xi32>,
    %swap3A_46 = vector.shape_cast %swap3A_45 : vector<16xi32> to vector<16xi32>
    %swap3A_47 = vector.shape_cast %add3A_43 : vector<16xi32> to vector<16xi32>
    tpu.vector_store %arg10[%swap3A_44], %swap3A_47 {strides = array<i32>} : memref<80xi32, #tpu.memory_space<vmem>>, vector<16xi32>,
    %dma_start3A = arith.constant 0 : i32
    %dma_start3A_48 = arith.constant 0 : i32
    %dma_start3A_49 = tpu.memref_slice %arg2[%dma_start3A, %dma_start3A_48] : memref<20000x128xf32, #tpu.memory_space<hbm>> -> memref<20000x128xf32, #tpu.memory_space<hbm>>
    tpu.enqueue_indirect_dma source(%dma_start3A_49 : memref<20000x128xf32, #tpu.memory_space<hbm>>) target(%arg12 : memref<80x128xf32, #tpu.memory_space<vmem>>) offsets(%arg10 : memref<80xi32, #tpu.memory_space<vmem>>) semaphore(%arg14 : memref<!tpu.dma_semaphore, #tpu.memory_space<semaphore_mem>>)
    %scan3A = arith.constant 0 : i32
    %scan3A_50 = arith.constant 0 : i32
    %scan3A_51 = arith.constant 63 : i32
    %scan3A_52 = arith.addi %scan3A_50, %scan3A_51 : i32
    %scan3A_53 = arith.constant 1 : i32
    scf.for %scan3A_62 = %scan3A_50 to %scan3A_52 step %scan3A_53  : i32 {
      %mul3A_63 = arith.constant 2 : i32
      %mul3A_64 = arith.muli %mul3A_63, %scan3A_62 : i32
      %add3A_65 = arith.constant 1 : i32
      %add3A_66 = arith.addi %mul3A_64, %add3A_65 : i32
      %mul3A_67 = arith.constant 80 : i32
      %mul3A_68 = arith.muli %add3A_66, %mul3A_67 : i32
      %add3A_69 = arith.constant 0 : i32
      %add3A_70 = arith.addi %mul3A_68, %add3A_69 : i32
      %get3A_71 = arith.index_cast %add3A_70 : i32 to index
      %get3A_72 = tpu.vector_load %arg8[%get3A_71] {strides = array<i32>} : memref<10080xi32, #tpu.memory_space<vmem>>, vector<16xi32>,
      %get3A_73 = vector.shape_cast %get3A_72 : vector<16xi32> to vector<16xi32>
      %add3A_74 = vector.broadcast %mul3A_0 : i32 to vector<16xi32>
      %add3A_75 = arith.addi %get3A_73, %add3A_74 : vector<16xi32>
      %swap3A_76 = arith.constant 0 : index
      %swap3A_77 = tpu.vector_load %arg11[%swap3A_76] {strides = array<i32>} : memref<80xi32, #tpu.memory_space<vmem>>, vector<16xi32>,
      %swap3A_78 = vector.shape_cast %swap3A_77 : vector<16xi32> to vector<16xi32>
      %swap3A_79 = vector.shape_cast %add3A_75 : vector<16xi32> to vector<16xi32>
      tpu.vector_store %arg11[%swap3A_76], %swap3A_79 {strides = array<i32>} : memref<80xi32, #tpu.memory_space<vmem>>, vector<16xi32>,
      %mul3A_80 = arith.constant 80 : i32
      %mul3A_81 = arith.muli %add3A_66, %mul3A_80 : i32
      %add3A_82 = arith.constant 16 : i32
      %add3A_83 = arith.addi %mul3A_81, %add3A_82 : i32
      %get3A_84 = arith.index_cast %add3A_83 : i32 to index
      %get3A_85 = tpu.vector_load %arg8[%get3A_84] {strides = array<i32>} : memref<10080xi32, #tpu.memory_space<vmem>>, vector<16xi32>,
      %get3A_86 = vector.shape_cast %get3A_85 : vector<16xi32> to vector<16xi32>
      %add3A_87 = vector.broadcast %mul3A_0 : i32 to vector<16xi32>
      %add3A_88 = arith.addi %get3A_86, %add3A_87 : vector<16xi32>
      %swap3A_89 = arith.constant 16 : index
      %swap3A_90 = tpu.vector_load %arg11[%swap3A_89] {strides = array<i32>} : memref<80xi32, #tpu.memory_space<vmem>>, vector<16xi32>,
      %swap3A_91 = vector.shape_cast %swap3A_90 : vector<16xi32> to vector<16xi32>
      %swap3A_92 = vector.shape_cast %add3A_88 : vector<16xi32> to vector<16xi32>
      tpu.vector_store %arg11[%swap3A_89], %swap3A_92 {strides = array<i32>} : memref<80xi32, #tpu.memory_space<vmem>>, vector<16xi32>,
      %mul3A_93 = arith.constant 80 : i32
      %mul3A_94 = arith.muli %add3A_66, %mul3A_93 : i32
      %add3A_95 = arith.constant 32 : i32
      %add3A_96 = arith.addi %mul3A_94, %add3A_95 : i32
      %get3A_97 = arith.index_cast %add3A_96 : i32 to index
      %get3A_98 = tpu.vector_load %arg8[%get3A_97] {strides = array<i32>} : memref<10080xi32, #tpu.memory_space<vmem>>, vector<16xi32>,
      %get3A_99 = vector.shape_cast %get3A_98 : vector<16xi32> to vector<16xi32>
      %add3A_100 = vector.broadcast %mul3A_0 : i32 to vector<16xi32>
      %add3A_101 = arith.addi %get3A_99, %add3A_100 : vector<16xi32>
      %swap3A_102 = arith.constant 32 : index
      %swap3A_103 = tpu.vector_load %arg11[%swap3A_102] {strides = array<i32>} : memref<80xi32, #tpu.memory_space<vmem>>, vector<16xi32>,
      %swap3A_104 = vector.shape_cast %swap3A_103 : vector<16xi32> to vector<16xi32>
      %swap3A_105 = vector.shape_cast %add3A_101 : vector<16xi32> to vector<16xi32>
      tpu.vector_store %arg11[%swap3A_102], %swap3A_105 {strides = array<i32>} : memref<80xi32, #tpu.memory_space<vmem>>, vector<16xi32>,
      %mul3A_106 = arith.constant 80 : i32
      %mul3A_107 = arith.muli %add3A_66, %mul3A_106 : i32
      %add3A_108 = arith.constant 48 : i32
      %add3A_109 = arith.addi %mul3A_107, %add3A_108 : i32
      %get3A_110 = arith.index_cast %add3A_109 : i32 to index
      %get3A_111 = tpu.vector_load %arg8[%get3A_110] {strides = array<i32>} : memref<10080xi32, #tpu.memory_space<vmem>>, vector<16xi32>,
      %get3A_112 = vector.shape_cast %get3A_111 : vector<16xi32> to vector<16xi32>
      %add3A_113 = vector.broadcast %mul3A_0 : i32 to vector<16xi32>
      %add3A_114 = arith.addi %get3A_112, %add3A_113 : vector<16xi32>
      %swap3A_115 = arith.constant 48 : index
      %swap3A_116 = tpu.vector_load %arg11[%swap3A_115] {strides = array<i32>} : memref<80xi32, #tpu.memory_space<vmem>>, vector<16xi32>,
      %swap3A_117 = vector.shape_cast %swap3A_116 : vector<16xi32> to vector<16xi32>
      %swap3A_118 = vector.shape_cast %add3A_114 : vector<16xi32> to vector<16xi32>
      tpu.vector_store %arg11[%swap3A_115], %swap3A_118 {strides = array<i32>} : memref<80xi32, #tpu.memory_space<vmem>>, vector<16xi32>,
      %mul3A_119 = arith.constant 80 : i32
      %mul3A_120 = arith.muli %add3A_66, %mul3A_119 : i32
      %add3A_121 = arith.constant 64 : i32
      %add3A_122 = arith.addi %mul3A_120, %add3A_121 : i32
      %get3A_123 = arith.index_cast %add3A_122 : i32 to index
      %get3A_124 = tpu.vector_load %arg8[%get3A_123] {strides = array<i32>} : memref<10080xi32, #tpu.memory_space<vmem>>, vector<16xi32>,
      %get3A_125 = vector.shape_cast %get3A_124 : vector<16xi32> to vector<16xi32>
      %add3A_126 = vector.broadcast %mul3A_0 : i32 to vector<16xi32>
      %add3A_127 = arith.addi %get3A_125, %add3A_126 : vector<16xi32>
      %swap3A_128 = arith.constant 64 : index
      %swap3A_129 = tpu.vector_load %arg11[%swap3A_128] {strides = array<i32>} : memref<80xi32, #tpu.memory_space<vmem>>, vector<16xi32>,
      %swap3A_130 = vector.shape_cast %swap3A_129 : vector<16xi32> to vector<16xi32>
      %swap3A_131 = vector.shape_cast %add3A_127 : vector<16xi32> to vector<16xi32>
      tpu.vector_store %arg11[%swap3A_128], %swap3A_131 {strides = array<i32>} : memref<80xi32, #tpu.memory_space<vmem>>, vector<16xi32>,
      %dma_start3A_132 = arith.constant 0 : i32
      %dma_start3A_133 = arith.constant 0 : i32
      %dma_start3A_134 = tpu.memref_slice %arg2[%dma_start3A_132, %dma_start3A_133] : memref<20000x128xf32, #tpu.memory_space<hbm>> -> memref<20000x128xf32, #tpu.memory_space<hbm>>
      tpu.enqueue_indirect_dma source(%dma_start3A_134 : memref<20000x128xf32, #tpu.memory_space<hbm>>) target(%arg13 : memref<80x128xf32, #tpu.memory_space<vmem>>) offsets(%arg11 : memref<80xi32, #tpu.memory_space<vmem>>) semaphore(%arg15 : memref<!tpu.dma_semaphore, #tpu.memory_space<semaphore_mem>>)
      %dma_wait3A = arith.constant 0 : i32
      %dma_wait3A_135 = arith.constant 0 : i32
      %dma_wait3A_136 = tpu.memref_slice %arg2[%dma_wait3A, %dma_wait3A_135] : memref<20000x128xf32, #tpu.memory_space<hbm>> -> memref<20000x128xf32, #tpu.memory_space<hbm>>
      tpu.wait_indirect_dma semaphore(%arg14 : memref<!tpu.dma_semaphore, #tpu.memory_space<semaphore_mem>>) src(%dma_wait3A_136 : memref<20000x128xf32, #tpu.memory_space<hbm>>) dst(%arg12 : memref<80x128xf32, #tpu.memory_space<vmem>>)
      "tpu.region"() ({
        %run_scoped3A = tpu.sem_alloc : memref<!tpu.dma_semaphore, #tpu.memory_space<semaphore_mem>>
        %dma_start3A_148 = arith.constant 0 : i32
        %dma_start3A_149 = tpu.memref_slice %arg9[%mul3A_64, %dma_start3A_148] : memref<126x80xi32, #tpu.memory_space<vmem>> -> memref<1x80xi32, #tpu.memory_space<vmem>>
        %dma_start3A_150 = tpu.memref_squeeze %dma_start3A_149 : memref<1x80xi32, #tpu.memory_space<vmem>> -> memref<80xi32, #tpu.memory_space<vmem>>
        %dma_start3A_151 = arith.constant 0 : i32
        %dma_start3A_152 = arith.constant 0 : i32
        %dma_start3A_153 = tpu.memref_slice %arg7[%dma_start3A_151, %dma_start3A_152] : memref<10016x128xf32, #tpu.memory_space<vmem_shared>> -> memref<10016x128xf32, #tpu.memory_space<vmem_shared>>
        tpu.enqueue_indirect_dma source(%arg12 : memref<80x128xf32, #tpu.memory_space<vmem>>) target(%dma_start3A_153 : memref<10016x128xf32, #tpu.memory_space<vmem_shared>>) offsets(%dma_start3A_150 : memref<80xi32, #tpu.memory_space<vmem>>) semaphore(%run_scoped3A : memref<!tpu.dma_semaphore, #tpu.memory_space<semaphore_mem>>) {add = true}
        %dma_wait3A_154 = arith.constant 0 : i32
        %dma_wait3A_155 = tpu.memref_slice %arg9[%mul3A_64, %dma_wait3A_154] : memref<126x80xi32, #tpu.memory_space<vmem>> -> memref<1x80xi32, #tpu.memory_space<vmem>>
        %dma_wait3A_156 = tpu.memref_squeeze %dma_wait3A_155 : memref<1x80xi32, #tpu.memory_space<vmem>> -> memref<80xi32, #tpu.memory_space<vmem>>
        %dma_wait3A_157 = arith.constant 0 : i32
        %dma_wait3A_158 = arith.constant 0 : i32
        %dma_wait3A_159 = tpu.memref_slice %arg7[%dma_wait3A_157, %dma_wait3A_158] : memref<10016x128xf32, #tpu.memory_space<vmem_shared>> -> memref<10016x128xf32, #tpu.memory_space<vmem_shared>>
        tpu.wait_indirect_dma semaphore(%run_scoped3A : memref<!tpu.dma_semaphore, #tpu.memory_space<semaphore_mem>>) src(%arg12 : memref<80x128xf32, #tpu.memory_space<vmem>>) dst(%dma_wait3A_159 : memref<10016x128xf32, #tpu.memory_space<vmem_shared>>)
        tpu.yield
      }) : () -> ()
      %add3A_137 = arith.constant 2 : i32
      %add3A_138 = arith.addi %mul3A_64, %add3A_137 : i32
      %lt3A = arith.constant 126 : i32
      %lt3A_139 = arith.cmpi slt, %add3A_138, %lt3A : i32
      %convert_element_type3A_140 = arith.extui %lt3A_139 : i1 to i32
      %cond3A_141 = arith.constant 0 : i32
      %cond3A_142 = arith.cmpi ne, %convert_element_type3A_140, %cond3A_141 : i32
      scf.if %cond3A_142 {
        %add3A_148 = arith.constant 2 : i32
        %add3A_149 = arith.addi %mul3A_64, %add3A_148 : i32
        %mul3A_150 = arith.constant 80 : i32
        %mul3A_151 = arith.muli %add3A_149, %mul3A_150 : i32
        %add3A_152 = arith.constant 0 : i32
        %add3A_153 = arith.addi %mul3A_151, %add3A_152 : i32
        %get3A_154 = arith.index_cast %add3A_153 : i32 to index
        %get3A_155 = tpu.vector_load %arg8[%get3A_154] {strides = array<i32>} : memref<10080xi32, #tpu.memory_space<vmem>>, vector<16xi32>,
        %get3A_156 = vector.shape_cast %get3A_155 : vector<16xi32> to vector<16xi32>
        %add3A_157 = vector.broadcast %mul3A_0 : i32 to vector<16xi32>
        %add3A_158 = arith.addi %get3A_156, %add3A_157 : vector<16xi32>
        %swap3A_159 = arith.constant 0 : index
        %swap3A_160 = tpu.vector_load %arg10[%swap3A_159] {strides = array<i32>} : memref<80xi32, #tpu.memory_space<vmem>>, vector<16xi32>,
        %swap3A_161 = vector.shape_cast %swap3A_160 : vector<16xi32> to vector<16xi32>
        %swap3A_162 = vector.shape_cast %add3A_158 : vector<16xi32> to vector<16xi32>
        tpu.vector_store %arg10[%swap3A_159], %swap3A_162 {strides = array<i32>} : memref<80xi32, #tpu.memory_space<vmem>>, vector<16xi32>,
        %mul3A_163 = arith.constant 80 : i32
        %mul3A_164 = arith.muli %add3A_149, %mul3A_163 : i32
        %add3A_165 = arith.constant 16 : i32
        %add3A_166 = arith.addi %mul3A_164, %add3A_165 : i32
        %get3A_167 = arith.index_cast %add3A_166 : i32 to index
        %get3A_168 = tpu.vector_load %arg8[%get3A_167] {strides = array<i32>} : memref<10080xi32, #tpu.memory_space<vmem>>, vector<16xi32>,
        %get3A_169 = vector.shape_cast %get3A_168 : vector<16xi32> to vector<16xi32>
        %add3A_170 = vector.broadcast %mul3A_0 : i32 to vector<16xi32>
        %add3A_171 = arith.addi %get3A_169, %add3A_170 : vector<16xi32>
        %swap3A_172 = arith.constant 16 : index
        %swap3A_173 = tpu.vector_load %arg10[%swap3A_172] {strides = array<i32>} : memref<80xi32, #tpu.memory_space<vmem>>, vector<16xi32>,
        %swap3A_174 = vector.shape_cast %swap3A_173 : vector<16xi32> to vector<16xi32>
        %swap3A_175 = vector.shape_cast %add3A_171 : vector<16xi32> to vector<16xi32>
        tpu.vector_store %arg10[%swap3A_172], %swap3A_175 {strides = array<i32>} : memref<80xi32, #tpu.memory_space<vmem>>, vector<16xi32>,
        %mul3A_176 = arith.constant 80 : i32
        %mul3A_177 = arith.muli %add3A_149, %mul3A_176 : i32
        %add3A_178 = arith.constant 32 : i32
        %add3A_179 = arith.addi %mul3A_177, %add3A_178 : i32
        %get3A_180 = arith.index_cast %add3A_179 : i32 to index
        %get3A_181 = tpu.vector_load %arg8[%get3A_180] {strides = array<i32>} : memref<10080xi32, #tpu.memory_space<vmem>>, vector<16xi32>,
        %get3A_182 = vector.shape_cast %get3A_181 : vector<16xi32> to vector<16xi32>
        %add3A_183 = vector.broadcast %mul3A_0 : i32 to vector<16xi32>
        %add3A_184 = arith.addi %get3A_182, %add3A_183 : vector<16xi32>
        %swap3A_185 = arith.constant 32 : index
        %swap3A_186 = tpu.vector_load %arg10[%swap3A_185] {strides = array<i32>} : memref<80xi32, #tpu.memory_space<vmem>>, vector<16xi32>,
        %swap3A_187 = vector.shape_cast %swap3A_186 : vector<16xi32> to vector<16xi32>
        %swap3A_188 = vector.shape_cast %add3A_184 : vector<16xi32> to vector<16xi32>
        tpu.vector_store %arg10[%swap3A_185], %swap3A_188 {strides = array<i32>} : memref<80xi32, #tpu.memory_space<vmem>>, vector<16xi32>,
        %mul3A_189 = arith.constant 80 : i32
        %mul3A_190 = arith.muli %add3A_149, %mul3A_189 : i32
        %add3A_191 = arith.constant 48 : i32
        %add3A_192 = arith.addi %mul3A_190, %add3A_191 : i32
        %get3A_193 = arith.index_cast %add3A_192 : i32 to index
        %get3A_194 = tpu.vector_load %arg8[%get3A_193] {strides = array<i32>} : memref<10080xi32, #tpu.memory_space<vmem>>, vector<16xi32>,
        %get3A_195 = vector.shape_cast %get3A_194 : vector<16xi32> to vector<16xi32>
        %add3A_196 = vector.broadcast %mul3A_0 : i32 to vector<16xi32>
        %add3A_197 = arith.addi %get3A_195, %add3A_196 : vector<16xi32>
        %swap3A_198 = arith.constant 48 : index
        %swap3A_199 = tpu.vector_load %arg10[%swap3A_198] {strides = array<i32>} : memref<80xi32, #tpu.memory_space<vmem>>, vector<16xi32>,
        %swap3A_200 = vector.shape_cast %swap3A_199 : vector<16xi32> to vector<16xi32>
        %swap3A_201 = vector.shape_cast %add3A_197 : vector<16xi32> to vector<16xi32>
        tpu.vector_store %arg10[%swap3A_198], %swap3A_201 {strides = array<i32>} : memref<80xi32, #tpu.memory_space<vmem>>, vector<16xi32>,
        %mul3A_202 = arith.constant 80 : i32
        %mul3A_203 = arith.muli %add3A_149, %mul3A_202 : i32
        %add3A_204 = arith.constant 64 : i32
        %add3A_205 = arith.addi %mul3A_203, %add3A_204 : i32
        %get3A_206 = arith.index_cast %add3A_205 : i32 to index
        %get3A_207 = tpu.vector_load %arg8[%get3A_206] {strides = array<i32>} : memref<10080xi32, #tpu.memory_space<vmem>>, vector<16xi32>,
        %get3A_208 = vector.shape_cast %get3A_207 : vector<16xi32> to vector<16xi32>
        %add3A_209 = vector.broadcast %mul3A_0 : i32 to vector<16xi32>
        %add3A_210 = arith.addi %get3A_208, %add3A_209 : vector<16xi32>
        %swap3A_211 = arith.constant 64 : index
        %swap3A_212 = tpu.vector_load %arg10[%swap3A_211] {strides = array<i32>} : memref<80xi32, #tpu.memory_space<vmem>>, vector<16xi32>,
        %swap3A_213 = vector.shape_cast %swap3A_212 : vector<16xi32> to vector<16xi32>
        %swap3A_214 = vector.shape_cast %add3A_210 : vector<16xi32> to vector<16xi32>
        tpu.vector_store %arg10[%swap3A_211], %swap3A_214 {strides = array<i32>} : memref<80xi32, #tpu.memory_space<vmem>>, vector<16xi32>,
        %dma_start3A_215 = arith.constant 0 : i32
        %dma_start3A_216 = arith.constant 0 : i32
        %dma_start3A_217 = tpu.memref_slice %arg2[%dma_start3A_215, %dma_start3A_216] : memref<20000x128xf32, #tpu.memory_space<hbm>> -> memref<20000x128xf32, #tpu.memory_space<hbm>>
        tpu.enqueue_indirect_dma source(%dma_start3A_217 : memref<20000x128xf32, #tpu.memory_space<hbm>>) target(%arg12 : memref<80x128xf32, #tpu.memory_space<vmem>>) offsets(%arg10 : memref<80xi32, #tpu.memory_space<vmem>>) semaphore(%arg14 : memref<!tpu.dma_semaphore, #tpu.memory_space<semaphore_mem>>)
      } else {
      }
      %dma_wait3A_143 = arith.constant 0 : i32
      %dma_wait3A_144 = arith.constant 0 : i32
      %dma_wait3A_145 = tpu.memref_slice %arg2[%dma_wait3A_143, %dma_wait3A_144] : memref<20000x128xf32, #tpu.memory_space<hbm>> -> memref<20000x128xf32, #tpu.memory_space<hbm>>
      tpu.wait_indirect_dma semaphore(%arg15 : memref<!tpu.dma_semaphore, #tpu.memory_space<semaphore_mem>>) src(%dma_wait3A_145 : memref<20000x128xf32, #tpu.memory_space<hbm>>) dst(%arg13 : memref<80x128xf32, #tpu.memory_space<vmem>>)
      %add3A_146 = arith.constant 1 : i32
      %add3A_147 = arith.addi %mul3A_64, %add3A_146 : i32
      "tpu.region"() ({
        %run_scoped3A = tpu.sem_alloc : memref<!tpu.dma_semaphore, #tpu.memory_space<semaphore_mem>>
        %dma_start3A_148 = arith.constant 0 : i32
        %dma_start3A_149 = tpu.memref_slice %arg9[%add3A_147, %dma_start3A_148] : memref<126x80xi32, #tpu.memory_space<vmem>> -> memref<1x80xi32, #tpu.memory_space<vmem>>
        %dma_start3A_150 = tpu.memref_squeeze %dma_start3A_149 : memref<1x80xi32, #tpu.memory_space<vmem>> -> memref<80xi32, #tpu.memory_space<vmem>>
        %dma_start3A_151 = arith.constant 0 : i32
        %dma_start3A_152 = arith.constant 0 : i32
        %dma_start3A_153 = tpu.memref_slice %arg7[%dma_start3A_151, %dma_start3A_152] : memref<10016x128xf32, #tpu.memory_space<vmem_shared>> -> memref<10016x128xf32, #tpu.memory_space<vmem_shared>>
        tpu.enqueue_indirect_dma source(%arg13 : memref<80x128xf32, #tpu.memory_space<vmem>>) target(%dma_start3A_153 : memref<10016x128xf32, #tpu.memory_space<vmem_shared>>) offsets(%dma_start3A_150 : memref<80xi32, #tpu.memory_space<vmem>>) semaphore(%run_scoped3A : memref<!tpu.dma_semaphore, #tpu.memory_space<semaphore_mem>>) {add = true}
        %dma_wait3A_154 = arith.constant 0 : i32
        %dma_wait3A_155 = tpu.memref_slice %arg9[%add3A_147, %dma_wait3A_154] : memref<126x80xi32, #tpu.memory_space<vmem>> -> memref<1x80xi32, #tpu.memory_space<vmem>>
        %dma_wait3A_156 = tpu.memref_squeeze %dma_wait3A_155 : memref<1x80xi32, #tpu.memory_space<vmem>> -> memref<80xi32, #tpu.memory_space<vmem>>
        %dma_wait3A_157 = arith.constant 0 : i32
        %dma_wait3A_158 = arith.constant 0 : i32
        %dma_wait3A_159 = tpu.memref_slice %arg7[%dma_wait3A_157, %dma_wait3A_158] : memref<10016x128xf32, #tpu.memory_space<vmem_shared>> -> memref<10016x128xf32, #tpu.memory_space<vmem_shared>>
        tpu.wait_indirect_dma semaphore(%run_scoped3A : memref<!tpu.dma_semaphore, #tpu.memory_space<semaphore_mem>>) src(%arg13 : memref<80x128xf32, #tpu.memory_space<vmem>>) dst(%dma_wait3A_159 : memref<10016x128xf32, #tpu.memory_space<vmem_shared>>)
        tpu.yield
      }) : () -> ()
    }
    %scan3A_54 = arith.constant 63 : i32
    %barrier3A_55 = arith.constant 0 : index
    tpu.barrier barrier_id(%barrier3A_55)
    %add3A_56 = arith.addi %mul3A_0, %mul3A_2 : i32
    "tpu.region"() ({
      %run_scoped3A = tpu.sem_alloc : memref<!tpu.dma_semaphore, #tpu.memory_space<semaphore_mem>>
      %dma_start3A_62 = arith.constant 0 : i32
      %dma_start3A_63 = tpu.memref_slice %arg6[%add3A_56, %dma_start3A_62] : memref<20000x128xf32, #tpu.memory_space<hbm>> -> memref<624x128xf32, #tpu.memory_space<hbm>>
      %dma_start3A_64 = arith.constant 0 : i32
      %dma_start3A_65 = tpu.memref_slice %arg7[%mul3A_2, %dma_start3A_64] : memref<10016x128xf32, #tpu.memory_space<vmem_shared>> -> memref<624x128xf32, #tpu.memory_space<vmem_shared>>
      tpu.enqueue_dma source(%dma_start3A_65 : memref<624x128xf32, #tpu.memory_space<vmem_shared>>) target(%dma_start3A_63 : memref<624x128xf32, #tpu.memory_space<hbm>>) target_semaphore(%run_scoped3A : memref<!tpu.dma_semaphore, #tpu.memory_space<semaphore_mem>>)
      %dma_wait3A = arith.constant 0 : i32
      %dma_wait3A_66 = tpu.memref_slice %arg6[%add3A_56, %dma_wait3A] : memref<20000x128xf32, #tpu.memory_space<hbm>> -> memref<624x128xf32, #tpu.memory_space<hbm>>
      %dma_wait3A_67 = arith.constant 0 : i32
      %dma_wait3A_68 = tpu.memref_slice %arg7[%mul3A_2, %dma_wait3A_67] : memref<10016x128xf32, #tpu.memory_space<vmem_shared>> -> memref<624x128xf32, #tpu.memory_space<vmem_shared>>
      tpu.wait_dma2 semaphore(%run_scoped3A : memref<!tpu.dma_semaphore, #tpu.memory_space<semaphore_mem>>) src(%dma_wait3A_68 : memref<624x128xf32, #tpu.memory_space<vmem_shared>>) dst(%dma_wait3A_66 : memref<624x128xf32, #tpu.memory_space<hbm>>)
      tpu.yield
    }) : () -> ()
    %eq3A_57 = arith.constant 15 : i32
    %eq3A_58 = arith.cmpi eq, %arg1, %eq3A_57 : i32
    %convert_element_type3A_59 = arith.extui %eq3A_58 : i1 to i32
    %cond3A_60 = arith.constant 0 : i32
    %cond3A_61 = arith.cmpi ne, %convert_element_type3A_59, %cond3A_60 : i32
    scf.if %cond3A_61 {
      %add3A_62 = arith.constant 9984 : i32
      %add3A_63 = arith.addi %mul3A_0, %add3A_62 : i32
      "tpu.region"() ({
        %run_scoped3A = tpu.sem_alloc : memref<!tpu.dma_semaphore, #tpu.memory_space<semaphore_mem>>
        %dma_start3A_64 = arith.constant 0 : i32
        %dma_start3A_65 = tpu.memref_slice %arg6[%add3A_63, %dma_start3A_64] : memref<20000x128xf32, #tpu.memory_space<hbm>> -> memref<16x128xf32, #tpu.memory_space<hbm>>
        %dma_start3A_66 = arith.constant 9984 : i32
        %dma_start3A_67 = arith.constant 0 : i32
        %dma_start3A_68 = tpu.memref_slice %arg7[%dma_start3A_66, %dma_start3A_67] : memref<10016x128xf32, #tpu.memory_space<vmem_shared>> -> memref<16x128xf32, #tpu.memory_space<vmem_shared>>
        tpu.enqueue_dma source(%dma_start3A_68 : memref<16x128xf32, #tpu.memory_space<vmem_shared>>) target(%dma_start3A_65 : memref<16x128xf32, #tpu.memory_space<hbm>>) target_semaphore(%run_scoped3A : memref<!tpu.dma_semaphore, #tpu.memory_space<semaphore_mem>>)
        %dma_wait3A = arith.constant 0 : i32
        %dma_wait3A_69 = tpu.memref_slice %arg6[%add3A_63, %dma_wait3A] : memref<20000x128xf32, #tpu.memory_space<hbm>> -> memref<16x128xf32, #tpu.memory_space<hbm>>
        %dma_wait3A_70 = arith.constant 9984 : i32
        %dma_wait3A_71 = arith.constant 0 : i32
        %dma_wait3A_72 = tpu.memref_slice %arg7[%dma_wait3A_70, %dma_wait3A_71] : memref<10016x128xf32, #tpu.memory_space<vmem_shared>> -> memref<16x128xf32, #tpu.memory_space<vmem_shared>>
        tpu.wait_dma2 semaphore(%run_scoped3A : memref<!tpu.dma_semaphore, #tpu.memory_space<semaphore_mem>>) src(%dma_wait3A_72 : memref<16x128xf32, #tpu.memory_space<vmem_shared>>) dst(%dma_wait3A_69 : memref<16x128xf32, #tpu.memory_space<hbm>>)
        tpu.yield
      }) : () -> ()
    } else {
    }
    return
  }
}

#map = affine_map<(d0, d1) -> (0, 0)>
#map1 = affine_map<(d0, d1) -> (0, 0, 0)>
module attributes {stable_mosaic.version = 14 : i64} {
  func.func @k(%arg0: i32, %arg1: i32, %arg2: memref<20000x128xf32, #tpu.memory_space<hbm>>, %arg3: memref<20000x128xf32, #tpu.memory_space<hbm>>, %arg4: memref<16x10080xi32, #tpu.memory_space<hbm>>, %arg5: memref<16x126x80xi32, #tpu.memory_space<hbm>>, %arg6: memref<20000x128xf32, #tpu.memory_space<hbm>>, %arg7: memref<10016x128xf32, #tpu.memory_space<vmem_shared>>, %arg8: memref<10080xi32, #tpu.memory_space<vmem>>, %arg9: memref<126x80xi32, #tpu.memory_space<vmem>>, %arg10: memref<80xi32, #tpu.memory_space<vmem>>, %arg11: memref<80xi32, #tpu.memory_space<vmem>>, %arg12: memref<80x128xf32, #tpu.memory_space<vmem>>, %arg13: memref<80x128xf32, #tpu.memory_space<vmem>>, %arg14: memref<!tpu.dma_semaphore, #tpu.memory_space<semaphore_mem>>, %arg15: memref<!tpu.dma_semaphore, #tpu.memory_space<semaphore_mem>>) attributes {dimension_semantics = [#tpu.dimension_semantics<core_parallel>, #tpu.dimension_semantics<subcore_parallel>], iteration_bounds = array<i64: 2, 16>, scalar_prefetch = 0 : i64, scratch_operands = 9 : i64, tpu.core_type = #tpu.core_type<sc_vector_subcore>, window_params = [{transform_indices = #map}, {transform_indices = #map}, {transform_indices = #map}, {transform_indices = #map1}, {transform_indices = #map}]} {
    %mul3A = arith.constant 10000 : i32
    %mul3A_0 = arith.muli %arg0, %mul3A : i32
    %mul3A_1 = arith.constant 624 : i32
    %mul3A_2 = arith.muli %arg1, %mul3A_1 : i32
    %add3A = arith.addi %mul3A_0, %mul3A_2 : i32
    "tpu.region"() ({
      %run_scoped3A = tpu.sem_alloc : memref<!tpu.dma_semaphore, #tpu.memory_space<semaphore_mem>>
      %dma_start3A_62 = arith.constant 0 : i32
      %dma_start3A_63 = tpu.memref_slice %arg7[%mul3A_2, %dma_start3A_62] : memref<10016x128xf32, #tpu.memory_space<vmem_shared>> -> memref<624x128xf32, #tpu.memory_space<vmem_shared>>
      %dma_start3A_64 = arith.constant 0 : i32
      %dma_start3A_65 = tpu.memref_slice %arg3[%add3A, %dma_start3A_64] : memref<20000x128xf32, #tpu.memory_space<hbm>> -> memref<624x128xf32, #tpu.memory_space<hbm>>
      tpu.enqueue_dma source(%dma_start3A_65 : memref<624x128xf32, #tpu.memory_space<hbm>>) target(%dma_start3A_63 : memref<624x128xf32, #tpu.memory_space<vmem_shared>>) target_semaphore(%run_scoped3A : memref<!tpu.dma_semaphore, #tpu.memory_space<semaphore_mem>>)
      %dma_wait3A = arith.constant 0 : i32
      %dma_wait3A_66 = tpu.memref_slice %arg7[%mul3A_2, %dma_wait3A] : memref<10016x128xf32, #tpu.memory_space<vmem_shared>> -> memref<624x128xf32, #tpu.memory_space<vmem_shared>>
      %dma_wait3A_67 = arith.constant 0 : i32
      %dma_wait3A_68 = tpu.memref_slice %arg3[%add3A, %dma_wait3A_67] : memref<20000x128xf32, #tpu.memory_space<hbm>> -> memref<624x128xf32, #tpu.memory_space<hbm>>
      tpu.wait_dma2 semaphore(%run_scoped3A : memref<!tpu.dma_semaphore, #tpu.memory_space<semaphore_mem>>) src(%dma_wait3A_68 : memref<624x128xf32, #tpu.memory_space<hbm>>) dst(%dma_wait3A_66 : memref<624x128xf32, #tpu.memory_space<vmem_shared>>)
      tpu.yield
    }) : () -> ()
    %eq3A = arith.constant 15 : i32
    %eq3A_3 = arith.cmpi eq, %arg1, %eq3A : i32
    %convert_element_type3A = arith.extui %eq3A_3 : i1 to i32
    %cond3A = arith.constant 0 : i32
    %cond3A_4 = arith.cmpi ne, %convert_element_type3A, %cond3A : i32
    scf.if %cond3A_4 {
      %add3A_62 = arith.constant 9984 : i32
      %add3A_63 = arith.addi %add3A_62, %mul3A_0 : i32
      "tpu.region"() ({
        %run_scoped3A = tpu.sem_alloc : memref<!tpu.dma_semaphore, #tpu.memory_space<semaphore_mem>>
        %dma_start3A_64 = arith.constant 9984 : i32
        %dma_start3A_65 = arith.constant 0 : i32
        %dma_start3A_66 = tpu.memref_slice %arg7[%dma_start3A_64, %dma_start3A_65] : memref<10016x128xf32, #tpu.memory_space<vmem_shared>> -> memref<16x128xf32, #tpu.memory_space<vmem_shared>>
        %dma_start3A_67 = arith.constant 0 : i32
        %dma_start3A_68 = tpu.memref_slice %arg3[%add3A_63, %dma_start3A_67] : memref<20000x128xf32, #tpu.memory_space<hbm>> -> memref<16x128xf32, #tpu.memory_space<hbm>>
        tpu.enqueue_dma source(%dma_start3A_68 : memref<16x128xf32, #tpu.memory_space<hbm>>) target(%dma_start3A_66 : memref<16x128xf32, #tpu.memory_space<vmem_shared>>) target_semaphore(%run_scoped3A : memref<!tpu.dma_semaphore, #tpu.memory_space<semaphore_mem>>)
        %dma_wait3A = arith.constant 9984 : i32
        %dma_wait3A_69 = arith.constant 0 : i32
        %dma_wait3A_70 = tpu.memref_slice %arg7[%dma_wait3A, %dma_wait3A_69] : memref<10016x128xf32, #tpu.memory_space<vmem_shared>> -> memref<16x128xf32, #tpu.memory_space<vmem_shared>>
        %dma_wait3A_71 = arith.constant 0 : i32
        %dma_wait3A_72 = tpu.memref_slice %arg3[%add3A_63, %dma_wait3A_71] : memref<20000x128xf32, #tpu.memory_space<hbm>> -> memref<16x128xf32, #tpu.memory_space<hbm>>
        tpu.wait_dma2 semaphore(%run_scoped3A : memref<!tpu.dma_semaphore, #tpu.memory_space<semaphore_mem>>) src(%dma_wait3A_72 : memref<16x128xf32, #tpu.memory_space<hbm>>) dst(%dma_wait3A_70 : memref<16x128xf32, #tpu.memory_space<vmem_shared>>)
        tpu.yield
      }) : () -> ()
    } else {
    }
    "tpu.region"() ({
      %run_scoped3A = tpu.sem_alloc : memref<!tpu.dma_semaphore, #tpu.memory_space<semaphore_mem>>
      %dma_start3A_62 = arith.constant 0 : i32
      %dma_start3A_63 = tpu.memref_slice %arg4[%arg1, %dma_start3A_62] : memref<16x10080xi32, #tpu.memory_space<hbm>> -> memref<1x10080xi32, #tpu.memory_space<hbm>>
      %dma_start3A_64 = tpu.memref_squeeze %dma_start3A_63 : memref<1x10080xi32, #tpu.memory_space<hbm>> -> memref<10080xi32, #tpu.memory_space<hbm>>
      %dma_start3A_65 = arith.constant 0 : i32
      %dma_start3A_66 = tpu.memref_slice %arg4[%arg1, %dma_start3A_65] : memref<16x10080xi32, #tpu.memory_space<hbm>> -> memref<1x10080xi32, #tpu.memory_space<hbm>>
      %dma_start3A_67 = tpu.memref_squeeze %dma_start3A_66 : memref<1x10080xi32, #tpu.memory_space<hbm>> -> memref<10080xi32, #tpu.memory_space<hbm>>
      tpu.enqueue_dma source(%dma_start3A_67 : memref<10080xi32, #tpu.memory_space<hbm>>) target(%arg8 : memref<10080xi32, #tpu.memory_space<vmem>>) target_semaphore(%run_scoped3A : memref<!tpu.dma_semaphore, #tpu.memory_space<semaphore_mem>>)
      %dma_wait3A = arith.constant 0 : i32
      %dma_wait3A_68 = tpu.memref_slice %arg4[%arg1, %dma_wait3A] : memref<16x10080xi32, #tpu.memory_space<hbm>> -> memref<1x10080xi32, #tpu.memory_space<hbm>>
      %dma_wait3A_69 = tpu.memref_squeeze %dma_wait3A_68 : memref<1x10080xi32, #tpu.memory_space<hbm>> -> memref<10080xi32, #tpu.memory_space<hbm>>
      %dma_wait3A_70 = arith.constant 0 : i32
      %dma_wait3A_71 = tpu.memref_slice %arg4[%arg1, %dma_wait3A_70] : memref<16x10080xi32, #tpu.memory_space<hbm>> -> memref<1x10080xi32, #tpu.memory_space<hbm>>
      %dma_wait3A_72 = tpu.memref_squeeze %dma_wait3A_71 : memref<1x10080xi32, #tpu.memory_space<hbm>> -> memref<10080xi32, #tpu.memory_space<hbm>>
      tpu.wait_dma2 semaphore(%run_scoped3A : memref<!tpu.dma_semaphore, #tpu.memory_space<semaphore_mem>>) src(%dma_wait3A_72 : memref<10080xi32, #tpu.memory_space<hbm>>) dst(%arg8 : memref<10080xi32, #tpu.memory_space<vmem>>)
      tpu.yield
    }) : () -> ()
    "tpu.region"() ({
      %run_scoped3A = tpu.sem_alloc : memref<!tpu.dma_semaphore, #tpu.memory_space<semaphore_mem>>
      %dma_start3A_62 = arith.constant 0 : i32
      %dma_start3A_63 = arith.constant 0 : i32
      %dma_start3A_64 = tpu.memref_slice %arg5[%arg1, %dma_start3A_62, %dma_start3A_63] : memref<16x126x80xi32, #tpu.memory_space<hbm>> -> memref<1x126x80xi32, #tpu.memory_space<hbm>>
      %dma_start3A_65 = tpu.memref_squeeze %dma_start3A_64 : memref<1x126x80xi32, #tpu.memory_space<hbm>> -> memref<126x80xi32, #tpu.memory_space<hbm>>
      %dma_start3A_66 = arith.constant 0 : i32
      %dma_start3A_67 = arith.constant 0 : i32
      %dma_start3A_68 = tpu.memref_slice %arg5[%arg1, %dma_start3A_66, %dma_start3A_67] : memref<16x126x80xi32, #tpu.memory_space<hbm>> -> memref<1x126x80xi32, #tpu.memory_space<hbm>>
      %dma_start3A_69 = tpu.memref_squeeze %dma_start3A_68 : memref<1x126x80xi32, #tpu.memory_space<hbm>> -> memref<126x80xi32, #tpu.memory_space<hbm>>
      tpu.enqueue_dma source(%dma_start3A_69 : memref<126x80xi32, #tpu.memory_space<hbm>>) target(%arg9 : memref<126x80xi32, #tpu.memory_space<vmem>>) target_semaphore(%run_scoped3A : memref<!tpu.dma_semaphore, #tpu.memory_space<semaphore_mem>>)
      %dma_wait3A = arith.constant 0 : i32
      %dma_wait3A_70 = arith.constant 0 : i32
      %dma_wait3A_71 = tpu.memref_slice %arg5[%arg1, %dma_wait3A, %dma_wait3A_70] : memref<16x126x80xi32, #tpu.memory_space<hbm>> -> memref<1x126x80xi32, #tpu.memory_space<hbm>>
      %dma_wait3A_72 = tpu.memref_squeeze %dma_wait3A_71 : memref<1x126x80xi32, #tpu.memory_space<hbm>> -> memref<126x80xi32, #tpu.memory_space<hbm>>
      %dma_wait3A_73 = arith.constant 0 : i32
      %dma_wait3A_74 = arith.constant 0 : i32
      %dma_wait3A_75 = tpu.memref_slice %arg5[%arg1, %dma_wait3A_73, %dma_wait3A_74] : memref<16x126x80xi32, #tpu.memory_space<hbm>> -> memref<1x126x80xi32, #tpu.memory_space<hbm>>
      %dma_wait3A_76 = tpu.memref_squeeze %dma_wait3A_75 : memref<1x126x80xi32, #tpu.memory_space<hbm>> -> memref<126x80xi32, #tpu.memory_space<hbm>>
      tpu.wait_dma2 semaphore(%run_scoped3A : memref<!tpu.dma_semaphore, #tpu.memory_space<semaphore_mem>>) src(%dma_wait3A_76 : memref<126x80xi32, #tpu.memory_space<hbm>>) dst(%arg9 : memref<126x80xi32, #tpu.memory_space<vmem>>)
      tpu.yield
    }) : () -> ()
    %barrier3A = arith.constant 0 : index
    tpu.barrier barrier_id(%barrier3A)
    %get3A = arith.constant 0 : index
    %get3A_5 = tpu.vector_load %arg8[%get3A] {strides = array<i32>} : memref<10080xi32, #tpu.memory_space<vmem>>, vector<16xi32>,
    %get3A_6 = vector.shape_cast %get3A_5 : vector<16xi32> to vector<16xi32>
    %add3A_7 = vector.broadcast %mul3A_0 : i32 to vector<16xi32>
    %add3A_8 = arith.addi %get3A_6, %add3A_7 : vector<16xi32>
    %swap3A = arith.constant 0 : index
    %swap3A_9 = tpu.vector_load %arg10[%swap3A] {strides = array<i32>} : memref<80xi32, #tpu.memory_space<vmem>>, vector<16xi32>,
    %swap3A_10 = vector.shape_cast %swap3A_9 : vector<16xi32> to vector<16xi32>
    %swap3A_11 = vector.shape_cast %add3A_8 : vector<16xi32> to vector<16xi32>
    tpu.vector_store %arg10[%swap3A], %swap3A_11 {strides = array<i32>} : memref<80xi32, #tpu.memory_space<vmem>>, vector<16xi32>,
    %get3A_12 = arith.constant 16 : index
    %get3A_13 = tpu.vector_load %arg8[%get3A_12] {strides = array<i32>} : memref<10080xi32, #tpu.memory_space<vmem>>, vector<16xi32>,
    %get3A_14 = vector.shape_cast %get3A_13 : vector<16xi32> to vector<16xi32>
    %add3A_15 = vector.broadcast %mul3A_0 : i32 to vector<16xi32>
    %add3A_16 = arith.addi %get3A_14, %add3A_15 : vector<16xi32>
    %swap3A_17 = arith.constant 16 : index
    %swap3A_18 = tpu.vector_load %arg10[%swap3A_17] {strides = array<i32>} : memref<80xi32, #tpu.memory_space<vmem>>, vector<16xi32>,
    %swap3A_19 = vector.shape_cast %swap3A_18 : vector<16xi32> to vector<16xi32>
    %swap3A_20 = vector.shape_cast %add3A_16 : vector<16xi32> to vector<16xi32>
    tpu.vector_store %arg10[%swap3A_17], %swap3A_20 {strides = array<i32>} : memref<80xi32, #tpu.memory_space<vmem>>, vector<16xi32>,
    %get3A_21 = arith.constant 32 : index
    %get3A_22 = tpu.vector_load %arg8[%get3A_21] {strides = array<i32>} : memref<10080xi32, #tpu.memory_space<vmem>>, vector<16xi32>,
    %get3A_23 = vector.shape_cast %get3A_22 : vector<16xi32> to vector<16xi32>
    %add3A_24 = vector.broadcast %mul3A_0 : i32 to vector<16xi32>
    %add3A_25 = arith.addi %get3A_23, %add3A_24 : vector<16xi32>
    %swap3A_26 = arith.constant 32 : index
    %swap3A_27 = tpu.vector_load %arg10[%swap3A_26] {strides = array<i32>} : memref<80xi32, #tpu.memory_space<vmem>>, vector<16xi32>,
    %swap3A_28 = vector.shape_cast %swap3A_27 : vector<16xi32> to vector<16xi32>
    %swap3A_29 = vector.shape_cast %add3A_25 : vector<16xi32> to vector<16xi32>
    tpu.vector_store %arg10[%swap3A_26], %swap3A_29 {strides = array<i32>} : memref<80xi32, #tpu.memory_space<vmem>>, vector<16xi32>,
    %get3A_30 = arith.constant 48 : index
    %get3A_31 = tpu.vector_load %arg8[%get3A_30] {strides = array<i32>} : memref<10080xi32, #tpu.memory_space<vmem>>, vector<16xi32>,
    %get3A_32 = vector.shape_cast %get3A_31 : vector<16xi32> to vector<16xi32>
    %add3A_33 = vector.broadcast %mul3A_0 : i32 to vector<16xi32>
    %add3A_34 = arith.addi %get3A_32, %add3A_33 : vector<16xi32>
    %swap3A_35 = arith.constant 48 : index
    %swap3A_36 = tpu.vector_load %arg10[%swap3A_35] {strides = array<i32>} : memref<80xi32, #tpu.memory_space<vmem>>, vector<16xi32>,
    %swap3A_37 = vector.shape_cast %swap3A_36 : vector<16xi32> to vector<16xi32>
    %swap3A_38 = vector.shape_cast %add3A_34 : vector<16xi32> to vector<16xi32>
    tpu.vector_store %arg10[%swap3A_35], %swap3A_38 {strides = array<i32>} : memref<80xi32, #tpu.memory_space<vmem>>, vector<16xi32>,
    %get3A_39 = arith.constant 64 : index
    %get3A_40 = tpu.vector_load %arg8[%get3A_39] {strides = array<i32>} : memref<10080xi32, #tpu.memory_space<vmem>>, vector<16xi32>,
    %get3A_41 = vector.shape_cast %get3A_40 : vector<16xi32> to vector<16xi32>
    %add3A_42 = vector.broadcast %mul3A_0 : i32 to vector<16xi32>
    %add3A_43 = arith.addi %get3A_41, %add3A_42 : vector<16xi32>
    %swap3A_44 = arith.constant 64 : index
    %swap3A_45 = tpu.vector_load %arg10[%swap3A_44] {strides = array<i32>} : memref<80xi32, #tpu.memory_space<vmem>>, vector<16xi32>,
    %swap3A_46 = vector.shape_cast %swap3A_45 : vector<16xi32> to vector<16xi32>
    %swap3A_47 = vector.shape_cast %add3A_43 : vector<16xi32> to vector<16xi32>
    tpu.vector_store %arg10[%swap3A_44], %swap3A_47 {strides = array<i32>} : memref<80xi32, #tpu.memory_space<vmem>>, vector<16xi32>,
    %dma_start3A = arith.constant 0 : i32
    %dma_start3A_48 = arith.constant 0 : i32
    %dma_start3A_49 = tpu.memref_slice %arg2[%dma_start3A, %dma_start3A_48] : memref<20000x128xf32, #tpu.memory_space<hbm>> -> memref<20000x128xf32, #tpu.memory_space<hbm>>
    tpu.enqueue_indirect_dma source(%dma_start3A_49 : memref<20000x128xf32, #tpu.memory_space<hbm>>) target(%arg12 : memref<80x128xf32, #tpu.memory_space<vmem>>) offsets(%arg10 : memref<80xi32, #tpu.memory_space<vmem>>) semaphore(%arg14 : memref<!tpu.dma_semaphore, #tpu.memory_space<semaphore_mem>>)
    %scan3A = arith.constant 0 : i32
    %scan3A_50 = arith.constant 0 : i32
    %scan3A_51 = arith.constant 63 : i32
    %scan3A_52 = arith.addi %scan3A_50, %scan3A_51 : i32
    %scan3A_53 = arith.constant 1 : i32
    scf.for %scan3A_62 = %scan3A_50 to %scan3A_52 step %scan3A_53  : i32 {
      %mul3A_63 = arith.constant 2 : i32
      %mul3A_64 = arith.muli %mul3A_63, %scan3A_62 : i32
      %add3A_65 = arith.constant 1 : i32
      %add3A_66 = arith.addi %mul3A_64, %add3A_65 : i32
      %mul3A_67 = arith.constant 80 : i32
      %mul3A_68 = arith.muli %add3A_66, %mul3A_67 : i32
      %add3A_69 = arith.constant 0 : i32
      %add3A_70 = arith.addi %mul3A_68, %add3A_69 : i32
      %get3A_71 = arith.index_cast %add3A_70 : i32 to index
      %get3A_72 = tpu.vector_load %arg8[%get3A_71] {strides = array<i32>} : memref<10080xi32, #tpu.memory_space<vmem>>, vector<16xi32>,
      %get3A_73 = vector.shape_cast %get3A_72 : vector<16xi32> to vector<16xi32>
      %add3A_74 = vector.broadcast %mul3A_0 : i32 to vector<16xi32>
      %add3A_75 = arith.addi %get3A_73, %add3A_74 : vector<16xi32>
      %swap3A_76 = arith.constant 0 : index
      %swap3A_77 = tpu.vector_load %arg11[%swap3A_76] {strides = array<i32>} : memref<80xi32, #tpu.memory_space<vmem>>, vector<16xi32>,
      %swap3A_78 = vector.shape_cast %swap3A_77 : vector<16xi32> to vector<16xi32>
      %swap3A_79 = vector.shape_cast %add3A_75 : vector<16xi32> to vector<16xi32>
      tpu.vector_store %arg11[%swap3A_76], %swap3A_79 {strides = array<i32>} : memref<80xi32, #tpu.memory_space<vmem>>, vector<16xi32>,
      %mul3A_80 = arith.constant 80 : i32
      %mul3A_81 = arith.muli %add3A_66, %mul3A_80 : i32
      %add3A_82 = arith.constant 16 : i32
      %add3A_83 = arith.addi %mul3A_81, %add3A_82 : i32
      %get3A_84 = arith.index_cast %add3A_83 : i32 to index
      %get3A_85 = tpu.vector_load %arg8[%get3A_84] {strides = array<i32>} : memref<10080xi32, #tpu.memory_space<vmem>>, vector<16xi32>,
      %get3A_86 = vector.shape_cast %get3A_85 : vector<16xi32> to vector<16xi32>
      %add3A_87 = vector.broadcast %mul3A_0 : i32 to vector<16xi32>
      %add3A_88 = arith.addi %get3A_86, %add3A_87 : vector<16xi32>
      %swap3A_89 = arith.constant 16 : index
      %swap3A_90 = tpu.vector_load %arg11[%swap3A_89] {strides = array<i32>} : memref<80xi32, #tpu.memory_space<vmem>>, vector<16xi32>,
      %swap3A_91 = vector.shape_cast %swap3A_90 : vector<16xi32> to vector<16xi32>
      %swap3A_92 = vector.shape_cast %add3A_88 : vector<16xi32> to vector<16xi32>
      tpu.vector_store %arg11[%swap3A_89], %swap3A_92 {strides = array<i32>} : memref<80xi32, #tpu.memory_space<vmem>>, vector<16xi32>,
      %mul3A_93 = arith.constant 80 : i32
      %mul3A_94 = arith.muli %add3A_66, %mul3A_93 : i32
      %add3A_95 = arith.constant 32 : i32
      %add3A_96 = arith.addi %mul3A_94, %add3A_95 : i32
      %get3A_97 = arith.index_cast %add3A_96 : i32 to index
      %get3A_98 = tpu.vector_load %arg8[%get3A_97] {strides = array<i32>} : memref<10080xi32, #tpu.memory_space<vmem>>, vector<16xi32>,
      %get3A_99 = vector.shape_cast %get3A_98 : vector<16xi32> to vector<16xi32>
      %add3A_100 = vector.broadcast %mul3A_0 : i32 to vector<16xi32>
      %add3A_101 = arith.addi %get3A_99, %add3A_100 : vector<16xi32>
      %swap3A_102 = arith.constant 32 : index
      %swap3A_103 = tpu.vector_load %arg11[%swap3A_102] {strides = array<i32>} : memref<80xi32, #tpu.memory_space<vmem>>, vector<16xi32>,
      %swap3A_104 = vector.shape_cast %swap3A_103 : vector<16xi32> to vector<16xi32>
      %swap3A_105 = vector.shape_cast %add3A_101 : vector<16xi32> to vector<16xi32>
      tpu.vector_store %arg11[%swap3A_102], %swap3A_105 {strides = array<i32>} : memref<80xi32, #tpu.memory_space<vmem>>, vector<16xi32>,
      %mul3A_106 = arith.constant 80 : i32
      %mul3A_107 = arith.muli %add3A_66, %mul3A_106 : i32
      %add3A_108 = arith.constant 48 : i32
      %add3A_109 = arith.addi %mul3A_107, %add3A_108 : i32
      %get3A_110 = arith.index_cast %add3A_109 : i32 to index
      %get3A_111 = tpu.vector_load %arg8[%get3A_110] {strides = array<i32>} : memref<10080xi32, #tpu.memory_space<vmem>>, vector<16xi32>,
      %get3A_112 = vector.shape_cast %get3A_111 : vector<16xi32> to vector<16xi32>
      %add3A_113 = vector.broadcast %mul3A_0 : i32 to vector<16xi32>
      %add3A_114 = arith.addi %get3A_112, %add3A_113 : vector<16xi32>
      %swap3A_115 = arith.constant 48 : index
      %swap3A_116 = tpu.vector_load %arg11[%swap3A_115] {strides = array<i32>} : memref<80xi32, #tpu.memory_space<vmem>>, vector<16xi32>,
      %swap3A_117 = vector.shape_cast %swap3A_116 : vector<16xi32> to vector<16xi32>
      %swap3A_118 = vector.shape_cast %add3A_114 : vector<16xi32> to vector<16xi32>
      tpu.vector_store %arg11[%swap3A_115], %swap3A_118 {strides = array<i32>} : memref<80xi32, #tpu.memory_space<vmem>>, vector<16xi32>,
      %mul3A_119 = arith.constant 80 : i32
      %mul3A_120 = arith.muli %add3A_66, %mul3A_119 : i32
      %add3A_121 = arith.constant 64 : i32
      %add3A_122 = arith.addi %mul3A_120, %add3A_121 : i32
      %get3A_123 = arith.index_cast %add3A_122 : i32 to index
      %get3A_124 = tpu.vector_load %arg8[%get3A_123] {strides = array<i32>} : memref<10080xi32, #tpu.memory_space<vmem>>, vector<16xi32>,
      %get3A_125 = vector.shape_cast %get3A_124 : vector<16xi32> to vector<16xi32>
      %add3A_126 = vector.broadcast %mul3A_0 : i32 to vector<16xi32>
      %add3A_127 = arith.addi %get3A_125, %add3A_126 : vector<16xi32>
      %swap3A_128 = arith.constant 64 : index
      %swap3A_129 = tpu.vector_load %arg11[%swap3A_128] {strides = array<i32>} : memref<80xi32, #tpu.memory_space<vmem>>, vector<16xi32>,
      %swap3A_130 = vector.shape_cast %swap3A_129 : vector<16xi32> to vector<16xi32>
      %swap3A_131 = vector.shape_cast %add3A_127 : vector<16xi32> to vector<16xi32>
      tpu.vector_store %arg11[%swap3A_128], %swap3A_131 {strides = array<i32>} : memref<80xi32, #tpu.memory_space<vmem>>, vector<16xi32>,
      %dma_start3A_132 = arith.constant 0 : i32
      %dma_start3A_133 = arith.constant 0 : i32
      %dma_start3A_134 = tpu.memref_slice %arg2[%dma_start3A_132, %dma_start3A_133] : memref<20000x128xf32, #tpu.memory_space<hbm>> -> memref<20000x128xf32, #tpu.memory_space<hbm>>
      tpu.enqueue_indirect_dma source(%dma_start3A_134 : memref<20000x128xf32, #tpu.memory_space<hbm>>) target(%arg13 : memref<80x128xf32, #tpu.memory_space<vmem>>) offsets(%arg11 : memref<80xi32, #tpu.memory_space<vmem>>) semaphore(%arg15 : memref<!tpu.dma_semaphore, #tpu.memory_space<semaphore_mem>>)
      %dma_wait3A = arith.constant 0 : i32
      %dma_wait3A_135 = arith.constant 0 : i32
      %dma_wait3A_136 = tpu.memref_slice %arg2[%dma_wait3A, %dma_wait3A_135] : memref<20000x128xf32, #tpu.memory_space<hbm>> -> memref<20000x128xf32, #tpu.memory_space<hbm>>
      tpu.wait_indirect_dma semaphore(%arg14 : memref<!tpu.dma_semaphore, #tpu.memory_space<semaphore_mem>>) src(%dma_wait3A_136 : memref<20000x128xf32, #tpu.memory_space<hbm>>) dst(%arg12 : memref<80x128xf32, #tpu.memory_space<vmem>>)
      "tpu.region"() ({
        %run_scoped3A = tpu.sem_alloc : memref<!tpu.dma_semaphore, #tpu.memory_space<semaphore_mem>>
        %dma_start3A_148 = arith.constant 0 : i32
        %dma_start3A_149 = tpu.memref_slice %arg9[%mul3A_64, %dma_start3A_148] : memref<126x80xi32, #tpu.memory_space<vmem>> -> memref<1x80xi32, #tpu.memory_space<vmem>>
        %dma_start3A_150 = tpu.memref_squeeze %dma_start3A_149 : memref<1x80xi32, #tpu.memory_space<vmem>> -> memref<80xi32, #tpu.memory_space<vmem>>
        %dma_start3A_151 = arith.constant 0 : i32
        %dma_start3A_152 = arith.constant 0 : i32
        %dma_start3A_153 = tpu.memref_slice %arg7[%dma_start3A_151, %dma_start3A_152] : memref<10016x128xf32, #tpu.memory_space<vmem_shared>> -> memref<10016x128xf32, #tpu.memory_space<vmem_shared>>
        tpu.enqueue_indirect_dma source(%arg12 : memref<80x128xf32, #tpu.memory_space<vmem>>) target(%dma_start3A_153 : memref<10016x128xf32, #tpu.memory_space<vmem_shared>>) offsets(%dma_start3A_150 : memref<80xi32, #tpu.memory_space<vmem>>) semaphore(%run_scoped3A : memref<!tpu.dma_semaphore, #tpu.memory_space<semaphore_mem>>) {add = true}
        %dma_wait3A_154 = arith.constant 0 : i32
        %dma_wait3A_155 = tpu.memref_slice %arg9[%mul3A_64, %dma_wait3A_154] : memref<126x80xi32, #tpu.memory_space<vmem>> -> memref<1x80xi32, #tpu.memory_space<vmem>>
        %dma_wait3A_156 = tpu.memref_squeeze %dma_wait3A_155 : memref<1x80xi32, #tpu.memory_space<vmem>> -> memref<80xi32, #tpu.memory_space<vmem>>
        %dma_wait3A_157 = arith.constant 0 : i32
        %dma_wait3A_158 = arith.constant 0 : i32
        %dma_wait3A_159 = tpu.memref_slice %arg7[%dma_wait3A_157, %dma_wait3A_158] : memref<10016x128xf32, #tpu.memory_space<vmem_shared>> -> memref<10016x128xf32, #tpu.memory_space<vmem_shared>>
        tpu.wait_indirect_dma semaphore(%run_scoped3A : memref<!tpu.dma_semaphore, #tpu.memory_space<semaphore_mem>>) src(%arg12 : memref<80x128xf32, #tpu.memory_space<vmem>>) dst(%dma_wait3A_159 : memref<10016x128xf32, #tpu.memory_space<vmem_shared>>)
        tpu.yield
      }) : () -> ()
      %add3A_137 = arith.constant 2 : i32
      %add3A_138 = arith.addi %mul3A_64, %add3A_137 : i32
      %lt3A = arith.constant 126 : i32
      %lt3A_139 = arith.cmpi slt, %add3A_138, %lt3A : i32
      %convert_element_type3A_140 = arith.extui %lt3A_139 : i1 to i32
      %cond3A_141 = arith.constant 0 : i32
      %cond3A_142 = arith.cmpi ne, %convert_element_type3A_140, %cond3A_141 : i32
      scf.if %cond3A_142 {
        %add3A_148 = arith.constant 2 : i32
        %add3A_149 = arith.addi %mul3A_64, %add3A_148 : i32
        %mul3A_150 = arith.constant 80 : i32
        %mul3A_151 = arith.muli %add3A_149, %mul3A_150 : i32
        %add3A_152 = arith.constant 0 : i32
        %add3A_153 = arith.addi %mul3A_151, %add3A_152 : i32
        %get3A_154 = arith.index_cast %add3A_153 : i32 to index
        %get3A_155 = tpu.vector_load %arg8[%get3A_154] {strides = array<i32>} : memref<10080xi32, #tpu.memory_space<vmem>>, vector<16xi32>,
        %get3A_156 = vector.shape_cast %get3A_155 : vector<16xi32> to vector<16xi32>
        %add3A_157 = vector.broadcast %mul3A_0 : i32 to vector<16xi32>
        %add3A_158 = arith.addi %get3A_156, %add3A_157 : vector<16xi32>
        %swap3A_159 = arith.constant 0 : index
        %swap3A_160 = tpu.vector_load %arg10[%swap3A_159] {strides = array<i32>} : memref<80xi32, #tpu.memory_space<vmem>>, vector<16xi32>,
        %swap3A_161 = vector.shape_cast %swap3A_160 : vector<16xi32> to vector<16xi32>
        %swap3A_162 = vector.shape_cast %add3A_158 : vector<16xi32> to vector<16xi32>
        tpu.vector_store %arg10[%swap3A_159], %swap3A_162 {strides = array<i32>} : memref<80xi32, #tpu.memory_space<vmem>>, vector<16xi32>,
        %mul3A_163 = arith.constant 80 : i32
        %mul3A_164 = arith.muli %add3A_149, %mul3A_163 : i32
        %add3A_165 = arith.constant 16 : i32
        %add3A_166 = arith.addi %mul3A_164, %add3A_165 : i32
        %get3A_167 = arith.index_cast %add3A_166 : i32 to index
        %get3A_168 = tpu.vector_load %arg8[%get3A_167] {strides = array<i32>} : memref<10080xi32, #tpu.memory_space<vmem>>, vector<16xi32>,
        %get3A_169 = vector.shape_cast %get3A_168 : vector<16xi32> to vector<16xi32>
        %add3A_170 = vector.broadcast %mul3A_0 : i32 to vector<16xi32>
        %add3A_171 = arith.addi %get3A_169, %add3A_170 : vector<16xi32>
        %swap3A_172 = arith.constant 16 : index
        %swap3A_173 = tpu.vector_load %arg10[%swap3A_172] {strides = array<i32>} : memref<80xi32, #tpu.memory_space<vmem>>, vector<16xi32>,
        %swap3A_174 = vector.shape_cast %swap3A_173 : vector<16xi32> to vector<16xi32>
        %swap3A_175 = vector.shape_cast %add3A_171 : vector<16xi32> to vector<16xi32>
        tpu.vector_store %arg10[%swap3A_172], %swap3A_175 {strides = array<i32>} : memref<80xi32, #tpu.memory_space<vmem>>, vector<16xi32>,
        %mul3A_176 = arith.constant 80 : i32
        %mul3A_177 = arith.muli %add3A_149, %mul3A_176 : i32
        %add3A_178 = arith.constant 32 : i32
        %add3A_179 = arith.addi %mul3A_177, %add3A_178 : i32
        %get3A_180 = arith.index_cast %add3A_179 : i32 to index
        %get3A_181 = tpu.vector_load %arg8[%get3A_180] {strides = array<i32>} : memref<10080xi32, #tpu.memory_space<vmem>>, vector<16xi32>,
        %get3A_182 = vector.shape_cast %get3A_181 : vector<16xi32> to vector<16xi32>
        %add3A_183 = vector.broadcast %mul3A_0 : i32 to vector<16xi32>
        %add3A_184 = arith.addi %get3A_182, %add3A_183 : vector<16xi32>
        %swap3A_185 = arith.constant 32 : index
        %swap3A_186 = tpu.vector_load %arg10[%swap3A_185] {strides = array<i32>} : memref<80xi32, #tpu.memory_space<vmem>>, vector<16xi32>,
        %swap3A_187 = vector.shape_cast %swap3A_186 : vector<16xi32> to vector<16xi32>
        %swap3A_188 = vector.shape_cast %add3A_184 : vector<16xi32> to vector<16xi32>
        tpu.vector_store %arg10[%swap3A_185], %swap3A_188 {strides = array<i32>} : memref<80xi32, #tpu.memory_space<vmem>>, vector<16xi32>,
        %mul3A_189 = arith.constant 80 : i32
        %mul3A_190 = arith.muli %add3A_149, %mul3A_189 : i32
        %add3A_191 = arith.constant 48 : i32
        %add3A_192 = arith.addi %mul3A_190, %add3A_191 : i32
        %get3A_193 = arith.index_cast %add3A_192 : i32 to index
        %get3A_194 = tpu.vector_load %arg8[%get3A_193] {strides = array<i32>} : memref<10080xi32, #tpu.memory_space<vmem>>, vector<16xi32>,
        %get3A_195 = vector.shape_cast %get3A_194 : vector<16xi32> to vector<16xi32>
        %add3A_196 = vector.broadcast %mul3A_0 : i32 to vector<16xi32>
        %add3A_197 = arith.addi %get3A_195, %add3A_196 : vector<16xi32>
        %swap3A_198 = arith.constant 48 : index
        %swap3A_199 = tpu.vector_load %arg10[%swap3A_198] {strides = array<i32>} : memref<80xi32, #tpu.memory_space<vmem>>, vector<16xi32>,
        %swap3A_200 = vector.shape_cast %swap3A_199 : vector<16xi32> to vector<16xi32>
        %swap3A_201 = vector.shape_cast %add3A_197 : vector<16xi32> to vector<16xi32>
        tpu.vector_store %arg10[%swap3A_198], %swap3A_201 {strides = array<i32>} : memref<80xi32, #tpu.memory_space<vmem>>, vector<16xi32>,
        %mul3A_202 = arith.constant 80 : i32
        %mul3A_203 = arith.muli %add3A_149, %mul3A_202 : i32
        %add3A_204 = arith.constant 64 : i32
        %add3A_205 = arith.addi %mul3A_203, %add3A_204 : i32
        %get3A_206 = arith.index_cast %add3A_205 : i32 to index
        %get3A_207 = tpu.vector_load %arg8[%get3A_206] {strides = array<i32>} : memref<10080xi32, #tpu.memory_space<vmem>>, vector<16xi32>,
        %get3A_208 = vector.shape_cast %get3A_207 : vector<16xi32> to vector<16xi32>
        %add3A_209 = vector.broadcast %mul3A_0 : i32 to vector<16xi32>
        %add3A_210 = arith.addi %get3A_208, %add3A_209 : vector<16xi32>
        %swap3A_211 = arith.constant 64 : index
        %swap3A_212 = tpu.vector_load %arg10[%swap3A_211] {strides = array<i32>} : memref<80xi32, #tpu.memory_space<vmem>>, vector<16xi32>,
        %swap3A_213 = vector.shape_cast %swap3A_212 : vector<16xi32> to vector<16xi32>
        %swap3A_214 = vector.shape_cast %add3A_210 : vector<16xi32> to vector<16xi32>
        tpu.vector_store %arg10[%swap3A_211], %swap3A_214 {strides = array<i32>} : memref<80xi32, #tpu.memory_space<vmem>>, vector<16xi32>,
        %dma_start3A_215 = arith.constant 0 : i32
        %dma_start3A_216 = arith.constant 0 : i32
        %dma_start3A_217 = tpu.memref_slice %arg2[%dma_start3A_215, %dma_start3A_216] : memref<20000x128xf32, #tpu.memory_space<hbm>> -> memref<20000x128xf32, #tpu.memory_space<hbm>>
        tpu.enqueue_indirect_dma source(%dma_start3A_217 : memref<20000x128xf32, #tpu.memory_space<hbm>>) target(%arg12 : memref<80x128xf32, #tpu.memory_space<vmem>>) offsets(%arg10 : memref<80xi32, #tpu.memory_space<vmem>>) semaphore(%arg14 : memref<!tpu.dma_semaphore, #tpu.memory_space<semaphore_mem>>)
      } else {
      }
      %dma_wait3A_143 = arith.constant 0 : i32
      %dma_wait3A_144 = arith.constant 0 : i32
      %dma_wait3A_145 = tpu.memref_slice %arg2[%dma_wait3A_143, %dma_wait3A_144] : memref<20000x128xf32, #tpu.memory_space<hbm>> -> memref<20000x128xf32, #tpu.memory_space<hbm>>
      tpu.wait_indirect_dma semaphore(%arg15 : memref<!tpu.dma_semaphore, #tpu.memory_space<semaphore_mem>>) src(%dma_wait3A_145 : memref<20000x128xf32, #tpu.memory_space<hbm>>) dst(%arg13 : memref<80x128xf32, #tpu.memory_space<vmem>>)
      %add3A_146 = arith.constant 1 : i32
      %add3A_147 = arith.addi %mul3A_64, %add3A_146 : i32
      "tpu.region"() ({
        %run_scoped3A = tpu.sem_alloc : memref<!tpu.dma_semaphore, #tpu.memory_space<semaphore_mem>>
        %dma_start3A_148 = arith.constant 0 : i32
        %dma_start3A_149 = tpu.memref_slice %arg9[%add3A_147, %dma_start3A_148] : memref<126x80xi32, #tpu.memory_space<vmem>> -> memref<1x80xi32, #tpu.memory_space<vmem>>
        %dma_start3A_150 = tpu.memref_squeeze %dma_start3A_149 : memref<1x80xi32, #tpu.memory_space<vmem>> -> memref<80xi32, #tpu.memory_space<vmem>>
        %dma_start3A_151 = arith.constant 0 : i32
        %dma_start3A_152 = arith.constant 0 : i32
        %dma_start3A_153 = tpu.memref_slice %arg7[%dma_start3A_151, %dma_start3A_152] : memref<10016x128xf32, #tpu.memory_space<vmem_shared>> -> memref<10016x128xf32, #tpu.memory_space<vmem_shared>>
        tpu.enqueue_indirect_dma source(%arg13 : memref<80x128xf32, #tpu.memory_space<vmem>>) target(%dma_start3A_153 : memref<10016x128xf32, #tpu.memory_space<vmem_shared>>) offsets(%dma_start3A_150 : memref<80xi32, #tpu.memory_space<vmem>>) semaphore(%run_scoped3A : memref<!tpu.dma_semaphore, #tpu.memory_space<semaphore_mem>>) {add = true}
        %dma_wait3A_154 = arith.constant 0 : i32
        %dma_wait3A_155 = tpu.memref_slice %arg9[%add3A_147, %dma_wait3A_154] : memref<126x80xi32, #tpu.memory_space<vmem>> -> memref<1x80xi32, #tpu.memory_space<vmem>>
        %dma_wait3A_156 = tpu.memref_squeeze %dma_wait3A_155 : memref<1x80xi32, #tpu.memory_space<vmem>> -> memref<80xi32, #tpu.memory_space<vmem>>
        %dma_wait3A_157 = arith.constant 0 : i32
        %dma_wait3A_158 = arith.constant 0 : i32
        %dma_wait3A_159 = tpu.memref_slice %arg7[%dma_wait3A_157, %dma_wait3A_158] : memref<10016x128xf32, #tpu.memory_space<vmem_shared>> -> memref<10016x128xf32, #tpu.memory_space<vmem_shared>>
        tpu.wait_indirect_dma semaphore(%run_scoped3A : memref<!tpu.dma_semaphore, #tpu.memory_space<semaphore_mem>>) src(%arg13 : memref<80x128xf32, #tpu.memory_space<vmem>>) dst(%dma_wait3A_159 : memref<10016x128xf32, #tpu.memory_space<vmem_shared>>)
        tpu.yield
      }) : () -> ()
    }
    %scan3A_54 = arith.constant 63 : i32
    %barrier3A_55 = arith.constant 0 : index
    tpu.barrier barrier_id(%barrier3A_55)
    %add3A_56 = arith.addi %mul3A_0, %mul3A_2 : i32
    "tpu.region"() ({
      %run_scoped3A = tpu.sem_alloc : memref<!tpu.dma_semaphore, #tpu.memory_space<semaphore_mem>>
      %dma_start3A_62 = arith.constant 0 : i32
      %dma_start3A_63 = tpu.memref_slice %arg6[%add3A_56, %dma_start3A_62] : memref<20000x128xf32, #tpu.memory_space<hbm>> -> memref<624x128xf32, #tpu.memory_space<hbm>>
      %dma_start3A_64 = arith.constant 0 : i32
      %dma_start3A_65 = tpu.memref_slice %arg7[%mul3A_2, %dma_start3A_64] : memref<10016x128xf32, #tpu.memory_space<vmem_shared>> -> memref<624x128xf32, #tpu.memory_space<vmem_shared>>
      tpu.enqueue_dma source(%dma_start3A_65 : memref<624x128xf32, #tpu.memory_space<vmem_shared>>) target(%dma_start3A_63 : memref<624x128xf32, #tpu.memory_space<hbm>>) target_semaphore(%run_scoped3A : memref<!tpu.dma_semaphore, #tpu.memory_space<semaphore_mem>>)
      %dma_wait3A = arith.constant 0 : i32
      %dma_wait3A_66 = tpu.memref_slice %arg6[%add3A_56, %dma_wait3A] : memref<20000x128xf32, #tpu.memory_space<hbm>> -> memref<624x128xf32, #tpu.memory_space<hbm>>
      %dma_wait3A_67 = arith.constant 0 : i32
      %dma_wait3A_68 = tpu.memref_slice %arg7[%mul3A_2, %dma_wait3A_67] : memref<10016x128xf32, #tpu.memory_space<vmem_shared>> -> memref<624x128xf32, #tpu.memory_space<vmem_shared>>
      tpu.wait_dma2 semaphore(%run_scoped3A : memref<!tpu.dma_semaphore, #tpu.memory_space<semaphore_mem>>) src(%dma_wait3A_68 : memref<624x128xf32, #tpu.memory_space<vmem_shared>>) dst(%dma_wait3A_66 : memref<624x128xf32, #tpu.memory_space<hbm>>)
      tpu.yield
    }) : () -> ()
    %eq3A_57 = arith.constant 15 : i32
    %eq3A_58 = arith.cmpi eq, %arg1, %eq3A_57 : i32
    %convert_element_type3A_59 = arith.extui %eq3A_58 : i1 to i32
    %cond3A_60 = arith.constant 0 : i32
    %cond3A_61 = arith.cmpi ne, %convert_element_type3A_59, %cond3A_60 : i32
    scf.if %cond3A_61 {
      %add3A_62 = arith.constant 9984 : i32
      %add3A_63 = arith.addi %mul3A_0, %add3A_62 : i32
      "tpu.region"() ({
        %run_scoped3A = tpu.sem_alloc : memref<!tpu.dma_semaphore, #tpu.memory_space<semaphore_mem>>
        %dma_start3A_64 = arith.constant 0 : i32
        %dma_start3A_65 = tpu.memref_slice %arg6[%add3A_63, %dma_start3A_64] : memref<20000x128xf32, #tpu.memory_space<hbm>> -> memref<16x128xf32, #tpu.memory_space<hbm>>
        %dma_start3A_66 = arith.constant 9984 : i32
        %dma_start3A_67 = arith.constant 0 : i32
        %dma_start3A_68 = tpu.memref_slice %arg7[%dma_start3A_66, %dma_start3A_67] : memref<10016x128xf32, #tpu.memory_space<vmem_shared>> -> memref<16x128xf32, #tpu.memory_space<vmem_shared>>
        tpu.enqueue_dma source(%dma_start3A_68 : memref<16x128xf32, #tpu.memory_space<vmem_shared>>) target(%dma_start3A_65 : memref<16x128xf32, #tpu.memory_space<hbm>>) target_semaphore(%run_scoped3A : memref<!tpu.dma_semaphore, #tpu.memory_space<semaphore_mem>>)
        %dma_wait3A = arith.constant 0 : i32
        %dma_wait3A_69 = tpu.memref_slice %arg6[%add3A_63, %dma_wait3A] : memref<20000x128xf32, #tpu.memory_space<hbm>> -> memref<16x128xf32, #tpu.memory_space<hbm>>
        %dma_wait3A_70 = arith.constant 9984 : i32
        %dma_wait3A_71 = arith.constant 0 : i32
        %dma_wait3A_72 = tpu.memref_slice %arg7[%dma_wait3A_70, %dma_wait3A_71] : memref<10016x128xf32, #tpu.memory_space<vmem_shared>> -> memref<16x128xf32, #tpu.memory_space<vmem_shared>>
        tpu.wait_dma2 semaphore(%run_scoped3A : memref<!tpu.dma_semaphore, #tpu.memory_space<semaphore_mem>>) src(%dma_wait3A_72 : memref<16x128xf32, #tpu.memory_space<vmem_shared>>) dst(%dma_wait3A_69 : memref<16x128xf32, #tpu.memory_space<hbm>>)
        tpu.yield
      }) : () -> ()
    } else {
    }
    return
  }
}

module attributes {stable_mosaic.version = 14 : i64} {
  func.func @body(%arg0: memref<20000x128xf32, #tpu.memory_space<vmem>>, %arg1: memref<2x128xf32, #tpu.memory_space<vmem>>, %arg2: memref<2x128xf32, #tpu.memory_space<vmem>>, %arg3: memref<2x128xf32, #tpu.memory_space<vmem>>, %arg4: memref<2x128xf32, #tpu.memory_space<vmem>>) attributes {dimension_semantics = [], scalar_prefetch = 0 : i64, scratch_operands = 0 : i64, tpu.core_type = #tpu.core_type<tc>} {
    %get3A = arith.constant 0 : index
    %get3A_0 = arith.constant 0 : index
    %get3A_1 = vector.load %arg0[%get3A, %get3A_0] : memref<20000x128xf32, #tpu.memory_space<vmem>>, vector<10000x128xf32>
    %reduce_sum3A = arith.constant dense<0.000000e+00> : vector<128xf32>
    %reduce_sum3A_2 = vector.multi_reduction <add>, %get3A_1, %reduce_sum3A [0] : vector<10000x128xf32> to vector<128xf32>
    %broadcast_in_dim3A = vector.shape_cast %reduce_sum3A_2 : vector<128xf32> to vector<1x128xf32>
    %div3A = arith.constant 1.000000e+04 : f32
    %div3A_3 = vector.broadcast %div3A : f32 to vector<1x128xf32>
    %div3A_4 = arith.divf %broadcast_in_dim3A, %div3A_3 : vector<1x128xf32>
    %sub3A = vector.broadcast %div3A_4 : vector<1x128xf32> to vector<10000x128xf32>
    %sub3A_5 = arith.subf %get3A_1, %sub3A : vector<10000x128xf32>
    %mul3A = arith.mulf %sub3A_5, %sub3A_5 : vector<10000x128xf32>
    %reduce_sum3A_6 = arith.constant dense<0.000000e+00> : vector<128xf32>
    %reduce_sum3A_7 = vector.multi_reduction <add>, %mul3A, %reduce_sum3A_6 [0] : vector<10000x128xf32> to vector<128xf32>
    %broadcast_in_dim3A_8 = vector.shape_cast %reduce_sum3A_7 : vector<128xf32> to vector<1x128xf32>
    %div3A_9 = arith.constant 1.000000e+04 : f32
    %div3A_10 = vector.broadcast %div3A_9 : f32 to vector<1x128xf32>
    %div3A_11 = arith.divf %broadcast_in_dim3A_8, %div3A_10 : vector<1x128xf32>
    %add3A = arith.constant 9.99999974E-6 : f32
    %add3A_12 = vector.broadcast %add3A : f32 to vector<1x128xf32>
    %add3A_13 = arith.addf %div3A_11, %add3A_12 : vector<1x128xf32>
    %rsqrt3A = math.rsqrt %add3A_13 : vector<1x128xf32>
    %get3A_14 = arith.constant 0 : index
    %get3A_15 = arith.constant 0 : index
    %get3A_16 = vector.load %arg1[%get3A_14, %get3A_15] : memref<2x128xf32, #tpu.memory_space<vmem>>, vector<1x128xf32>
    %mul3A_17 = arith.mulf %get3A_16, %rsqrt3A : vector<1x128xf32>
    %swap3A = arith.constant 0 : index
    %swap3A_18 = arith.constant 0 : index
    %swap3A_19 = vector.load %arg3[%swap3A, %swap3A_18] : memref<2x128xf32, #tpu.memory_space<vmem>>, vector<1x128xf32>
    tpu.vector_store %arg3[%swap3A, %swap3A_18], %mul3A_17 {strides = array<i32>} : memref<2x128xf32, #tpu.memory_space<vmem>>, vector<1x128xf32>,
    %get3A_20 = arith.constant 0 : index
    %get3A_21 = arith.constant 0 : index
    %get3A_22 = vector.load %arg2[%get3A_20, %get3A_21] : memref<2x128xf32, #tpu.memory_space<vmem>>, vector<1x128xf32>
    %mul3A_23 = arith.mulf %div3A_4, %mul3A_17 : vector<1x128xf32>
    %sub3A_24 = arith.subf %get3A_22, %mul3A_23 : vector<1x128xf32>
    %swap3A_25 = arith.constant 0 : index
    %swap3A_26 = arith.constant 0 : index
    %swap3A_27 = vector.load %arg4[%swap3A_25, %swap3A_26] : memref<2x128xf32, #tpu.memory_space<vmem>>, vector<1x128xf32>
    tpu.vector_store %arg4[%swap3A_25, %swap3A_26], %sub3A_24 {strides = array<i32>} : memref<2x128xf32, #tpu.memory_space<vmem>>, vector<1x128xf32>,
    %get3A_28 = arith.constant 10000 : index
    %get3A_29 = arith.constant 0 : index
    %get3A_30 = vector.load %arg0[%get3A_28, %get3A_29] : memref<20000x128xf32, #tpu.memory_space<vmem>>, vector<10000x128xf32>
    %reduce_sum3A_31 = arith.constant dense<0.000000e+00> : vector<128xf32>
    %reduce_sum3A_32 = vector.multi_reduction <add>, %get3A_30, %reduce_sum3A_31 [0] : vector<10000x128xf32> to vector<128xf32>
    %broadcast_in_dim3A_33 = vector.shape_cast %reduce_sum3A_32 : vector<128xf32> to vector<1x128xf32>
    %div3A_34 = arith.constant 1.000000e+04 : f32
    %div3A_35 = vector.broadcast %div3A_34 : f32 to vector<1x128xf32>
    %div3A_36 = arith.divf %broadcast_in_dim3A_33, %div3A_35 : vector<1x128xf32>
    %sub3A_37 = vector.broadcast %div3A_36 : vector<1x128xf32> to vector<10000x128xf32>
    %sub3A_38 = arith.subf %get3A_30, %sub3A_37 : vector<10000x128xf32>
    %mul3A_39 = arith.mulf %sub3A_38, %sub3A_38 : vector<10000x128xf32>
    %reduce_sum3A_40 = arith.constant dense<0.000000e+00> : vector<128xf32>
    %reduce_sum3A_41 = vector.multi_reduction <add>, %mul3A_39, %reduce_sum3A_40 [0] : vector<10000x128xf32> to vector<128xf32>
    %broadcast_in_dim3A_42 = vector.shape_cast %reduce_sum3A_41 : vector<128xf32> to vector<1x128xf32>
    %div3A_43 = arith.constant 1.000000e+04 : f32
    %div3A_44 = vector.broadcast %div3A_43 : f32 to vector<1x128xf32>
    %div3A_45 = arith.divf %broadcast_in_dim3A_42, %div3A_44 : vector<1x128xf32>
    %add3A_46 = arith.constant 9.99999974E-6 : f32
    %add3A_47 = vector.broadcast %add3A_46 : f32 to vector<1x128xf32>
    %add3A_48 = arith.addf %div3A_45, %add3A_47 : vector<1x128xf32>
    %rsqrt3A_49 = math.rsqrt %add3A_48 : vector<1x128xf32>
    %get3A_50 = arith.constant 1 : index
    %get3A_51 = arith.constant 0 : index
    %get3A_52 = vector.load %arg1[%get3A_50, %get3A_51] : memref<2x128xf32, #tpu.memory_space<vmem>>, vector<1x128xf32>
    %mul3A_53 = arith.mulf %get3A_52, %rsqrt3A_49 : vector<1x128xf32>
    %swap3A_54 = arith.constant 1 : index
    %swap3A_55 = arith.constant 0 : index
    %swap3A_56 = vector.load %arg3[%swap3A_54, %swap3A_55] : memref<2x128xf32, #tpu.memory_space<vmem>>, vector<1x128xf32>
    tpu.vector_store %arg3[%swap3A_54, %swap3A_55], %mul3A_53 {strides = array<i32>} : memref<2x128xf32, #tpu.memory_space<vmem>>, vector<1x128xf32>,
    %get3A_57 = arith.constant 1 : index
    %get3A_58 = arith.constant 0 : index
    %get3A_59 = vector.load %arg2[%get3A_57, %get3A_58] : memref<2x128xf32, #tpu.memory_space<vmem>>, vector<1x128xf32>
    %mul3A_60 = arith.mulf %div3A_36, %mul3A_53 : vector<1x128xf32>
    %sub3A_61 = arith.subf %get3A_59, %mul3A_60 : vector<1x128xf32>
    %swap3A_62 = arith.constant 1 : index
    %swap3A_63 = arith.constant 0 : index
    %swap3A_64 = vector.load %arg4[%swap3A_62, %swap3A_63] : memref<2x128xf32, #tpu.memory_space<vmem>>, vector<1x128xf32>
    tpu.vector_store %arg4[%swap3A_62, %swap3A_63], %sub3A_61 {strides = array<i32>} : memref<2x128xf32, #tpu.memory_space<vmem>>, vector<1x128xf32>,
    return
  }
}

module attributes {stable_mosaic.version = 14 : i64} {
  func.func @body(%arg0: i32, %arg1: i32, %arg2: memref<1000x128xf32, #tpu.memory_space<vmem>>, %arg3: memref<1000x128xf32, #tpu.memory_space<vmem>>, %arg4: memref<1000x128xf32, #tpu.memory_space<vmem>>, %arg5: memref<2x128x128xf32, #tpu.memory_space<vmem>>, %arg6: memref<1x128xf32, #tpu.memory_space<vmem>>, %arg7: memref<2x128x128xf32, #tpu.memory_space<vmem>>, %arg8: memref<2x128x128xf32, #tpu.memory_space<vmem>>, %arg9: memref<1x128xf32, #tpu.memory_space<vmem>>, %arg10: memref<1000x128xf32, #tpu.memory_space<vmem>>, %arg11: memref<1000x128xf32, #tpu.memory_space<vmem>>) attributes {dimension_semantics = [#tpu.dimension_semantics<arbitrary>, #tpu.dimension_semantics<arbitrary>], iteration_bounds = array<i64: 10, 2>, scalar_prefetch = 0 : i64, scratch_operands = 0 : i64, tpu.core_type = #tpu.core_type<tc>, window_params = [{transform_indices = @transform_0, window_bounds = array<i64: 1000, 128>}, {transform_indices = @transform_1, window_bounds = array<i64: 1000, 128>}, {transform_indices = @transform_2, window_bounds = array<i64: 1000, 128>}, {transform_indices = @transform_3, window_bounds = array<i64: 2, 128, 128>}, {transform_indices = @transform_4, window_bounds = array<i64: 1, 128>}, {transform_indices = @transform_5, window_bounds = array<i64: 2, 128, 128>}, {transform_indices = @transform_6, window_bounds = array<i64: 2, 128, 128>}, {transform_indices = @transform_7, window_bounds = array<i64: 1, 128>}, {transform_indices = @transform_8, window_bounds = array<i64: 1000, 128>}, {transform_indices = @transform_9, window_bounds = array<i64: 1000, 128>}]} {
    %get3A = arith.constant 0 : index
    %get3A_0 = arith.constant 0 : index
    %get3A_1 = vector.load %arg2[%get3A, %get3A_0] : memref<1000x128xf32, #tpu.memory_space<vmem>>, vector<1000x128xf32>
    %get3A_2 = arith.constant 0 : index
    %get3A_3 = arith.constant 0 : index
    %get3A_4 = vector.load %arg3[%get3A_2, %get3A_3] : memref<1000x128xf32, #tpu.memory_space<vmem>>, vector<1000x128xf32>
    %get3A_5 = arith.constant 0 : index
    %get3A_6 = arith.constant 0 : index
    %get3A_7 = arith.constant 0 : index
    %get3A_8 = vector.load %arg5[%get3A_5, %get3A_6, %get3A_7] : memref<2x128x128xf32, #tpu.memory_space<vmem>>, vector<1x128x128xf32>
    %get3A_9 = vector.shape_cast %get3A_8 : vector<1x128x128xf32> to vector<128x128xf32>
    %dot_general3A = arith.constant dense<0.000000e+00> : vector<1000x128xf32>
    %dot_general3A_10 = tpu.matmul %get3A_1, %get3A_9, %dot_general3A {dimension_numbers = #tpu.dot_dimension_numbers<[1], [0], [0], [1], [0, 0, 1, 1], [], []>, precision = #tpu.contract_precision<fp32>, transpose_lhs_hint = false} : vector<1000x128xf32>, vector<128x128xf32>, vector<1000x128xf32> -> vector<1000x128xf32>
    %get3A_11 = arith.constant 1 : index
    %get3A_12 = arith.constant 0 : index
    %get3A_13 = arith.constant 0 : index
    %get3A_14 = vector.load %arg5[%get3A_11, %get3A_12, %get3A_13] : memref<2x128x128xf32, #tpu.memory_space<vmem>>, vector<1x128x128xf32>
    %get3A_15 = vector.shape_cast %get3A_14 : vector<1x128x128xf32> to vector<128x128xf32>
    %dot_general3A_16 = arith.constant dense<0.000000e+00> : vector<1000x128xf32>
    %dot_general3A_17 = tpu.matmul %get3A_4, %get3A_15, %dot_general3A_16 {dimension_numbers = #tpu.dot_dimension_numbers<[1], [0], [0], [1], [0, 0, 1, 1], [], []>, precision = #tpu.contract_precision<fp32>, transpose_lhs_hint = false} : vector<1000x128xf32>, vector<128x128xf32>, vector<1000x128xf32> -> vector<1000x128xf32>
    %add3A = arith.addf %dot_general3A_10, %dot_general3A_17 : vector<1000x128xf32>
    %get3A_18 = arith.constant 0 : index
    %get3A_19 = arith.constant 0 : index
    %get3A_20 = vector.load %arg6[%get3A_18, %get3A_19] : memref<1x128xf32, #tpu.memory_space<vmem>>, vector<1x128xf32>
    %add3A_21 = vector.broadcast %get3A_20 : vector<1x128xf32> to vector<1000x128xf32>
    %add3A_22 = arith.addf %add3A, %add3A_21 : vector<1000x128xf32>
    %get3A_23 = arith.constant 0 : index
    %get3A_24 = arith.constant 0 : index
    %get3A_25 = arith.constant 0 : index
    %get3A_26 = vector.load %arg7[%get3A_23, %get3A_24, %get3A_25] : memref<2x128x128xf32, #tpu.memory_space<vmem>>, vector<1x128x128xf32>
    %get3A_27 = vector.shape_cast %get3A_26 : vector<1x128x128xf32> to vector<128x128xf32>
    %dot_general3A_28 = arith.constant dense<0.000000e+00> : vector<1000x128xf32>
    %dot_general3A_29 = tpu.matmul %get3A_1, %get3A_27, %dot_general3A_28 {dimension_numbers = #tpu.dot_dimension_numbers<[1], [0], [0], [1], [0, 0, 1, 1], [], []>, precision = #tpu.contract_precision<fp32>, transpose_lhs_hint = false} : vector<1000x128xf32>, vector<128x128xf32>, vector<1000x128xf32> -> vector<1000x128xf32>
    %get3A_30 = arith.constant 1 : index
    %get3A_31 = arith.constant 0 : index
    %get3A_32 = arith.constant 0 : index
    %get3A_33 = vector.load %arg7[%get3A_30, %get3A_31, %get3A_32] : memref<2x128x128xf32, #tpu.memory_space<vmem>>, vector<1x128x128xf32>
    %get3A_34 = vector.shape_cast %get3A_33 : vector<1x128x128xf32> to vector<128x128xf32>
    %dot_general3A_35 = arith.constant dense<0.000000e+00> : vector<1000x128xf32>
    %dot_general3A_36 = tpu.matmul %get3A_4, %get3A_34, %dot_general3A_35 {dimension_numbers = #tpu.dot_dimension_numbers<[1], [0], [0], [1], [0, 0, 1, 1], [], []>, precision = #tpu.contract_precision<fp32>, transpose_lhs_hint = false} : vector<1000x128xf32>, vector<128x128xf32>, vector<1000x128xf32> -> vector<1000x128xf32>
    %add3A_37 = arith.addf %dot_general3A_29, %dot_general3A_36 : vector<1000x128xf32>
    %get3A_38 = arith.constant 0 : index
    %get3A_39 = arith.constant 0 : index
    %get3A_40 = arith.constant 0 : index
    %get3A_41 = vector.load %arg8[%get3A_38, %get3A_39, %get3A_40] : memref<2x128x128xf32, #tpu.memory_space<vmem>>, vector<1x128x128xf32>
    %get3A_42 = vector.shape_cast %get3A_41 : vector<1x128x128xf32> to vector<128x128xf32>
    %dot_general3A_43 = arith.constant dense<0.000000e+00> : vector<1000x128xf32>
    %dot_general3A_44 = tpu.matmul %get3A_1, %get3A_42, %dot_general3A_43 {dimension_numbers = #tpu.dot_dimension_numbers<[1], [0], [0], [1], [0, 0, 1, 1], [], []>, precision = #tpu.contract_precision<fp32>, transpose_lhs_hint = false} : vector<1000x128xf32>, vector<128x128xf32>, vector<1000x128xf32> -> vector<1000x128xf32>
    %get3A_45 = arith.constant 1 : index
    %get3A_46 = arith.constant 0 : index
    %get3A_47 = arith.constant 0 : index
    %get3A_48 = vector.load %arg8[%get3A_45, %get3A_46, %get3A_47] : memref<2x128x128xf32, #tpu.memory_space<vmem>>, vector<1x128x128xf32>
    %get3A_49 = vector.shape_cast %get3A_48 : vector<1x128x128xf32> to vector<128x128xf32>
    %dot_general3A_50 = arith.constant dense<0.000000e+00> : vector<1000x128xf32>
    %dot_general3A_51 = tpu.matmul %get3A_4, %get3A_49, %dot_general3A_50 {dimension_numbers = #tpu.dot_dimension_numbers<[1], [0], [0], [1], [0, 0, 1, 1], [], []>, precision = #tpu.contract_precision<fp32>, transpose_lhs_hint = false} : vector<1000x128xf32>, vector<128x128xf32>, vector<1000x128xf32> -> vector<1000x128xf32>
    %add3A_52 = arith.addf %dot_general3A_44, %dot_general3A_51 : vector<1000x128xf32>
    %get3A_53 = arith.constant 0 : index
    %get3A_54 = arith.constant 0 : index
    %get3A_55 = vector.load %arg9[%get3A_53, %get3A_54] : memref<1x128xf32, #tpu.memory_space<vmem>>, vector<1x128xf32>
    %add3A_56 = vector.broadcast %get3A_55 : vector<1x128xf32> to vector<1000x128xf32>
    %add3A_57 = arith.addf %add3A_52, %add3A_56 : vector<1000x128xf32>
    %get3A_58 = arith.constant 0 : index
    %get3A_59 = arith.constant 0 : index
    %get3A_60 = vector.load %arg4[%get3A_58, %get3A_59] : memref<1000x128xf32, #tpu.memory_space<vmem>>, vector<1000x1xf32>
    %swap3A = arith.constant 0 : index
    %swap3A_61 = arith.constant 0 : index
    %swap3A_62 = vector.load %arg10[%swap3A, %swap3A_61] : memref<1000x128xf32, #tpu.memory_space<vmem>>, vector<1000x128xf32>
    tpu.vector_store %arg10[%swap3A, %swap3A_61], %add3A_22 {strides = array<i32>} : memref<1000x128xf32, #tpu.memory_space<vmem>>, vector<1000x128xf32>,
    %mul3A = vector.broadcast %get3A_60 : vector<1000x1xf32> to vector<1000x128xf32>
    %mul3A_63 = arith.mulf %mul3A, %add3A_37 : vector<1000x128xf32>
    %sub3A = arith.subf %add3A_57, %mul3A_63 : vector<1000x128xf32>
    %swap3A_64 = arith.constant 0 : index
    %swap3A_65 = arith.constant 0 : index
    %swap3A_66 = vector.load %arg11[%swap3A_64, %swap3A_65] : memref<1000x128xf32, #tpu.memory_space<vmem>>, vector<1000x128xf32>
    tpu.vector_store %arg11[%swap3A_64, %swap3A_65], %sub3A {strides = array<i32>} : memref<1000x128xf32, #tpu.memory_space<vmem>>, vector<1000x128xf32>,
    return
  }
  func.func @transform_0(%arg0: i32, %arg1: i32) -> (i32, i32) {
    %c0_i32 = arith.constant 0 : i32
    %c0_i32_0 = arith.constant 0 : i32
    return %arg0, %c0_i32 : i32, i32
  }
  func.func @transform_1(%arg0: i32, %arg1: i32) -> (i32, i32) {
    %c0_i32 = arith.constant 0 : i32
    %c0_i32_0 = arith.constant 0 : i32
    return %arg0, %c0_i32 : i32, i32
  }
  func.func @transform_2(%arg0: i32, %arg1: i32) -> (i32, i32) {
    %c0_i32 = arith.constant 0 : i32
    %c0_i32_0 = arith.constant 0 : i32
    return %arg0, %c0_i32 : i32, i32
  }
  func.func @transform_3(%arg0: i32, %arg1: i32) -> (i32, i32, i32) {
    %c0_i32 = arith.constant 0 : i32
    %c0_i32_0 = arith.constant 0 : i32
    %c0_i32_1 = arith.constant 0 : i32
    return %c0_i32, %c0_i32_0, %arg1 : i32, i32, i32
  }
  func.func @transform_4(%arg0: i32, %arg1: i32) -> (i32, i32) {
    %c0_i32 = arith.constant 0 : i32
    %c0_i32_0 = arith.constant 0 : i32
    return %c0_i32, %arg1 : i32, i32
  }
  func.func @transform_5(%arg0: i32, %arg1: i32) -> (i32, i32, i32) {
    %c0_i32 = arith.constant 0 : i32
    %c0_i32_0 = arith.constant 0 : i32
    %c0_i32_1 = arith.constant 0 : i32
    return %c0_i32, %c0_i32_0, %arg1 : i32, i32, i32
  }
  func.func @transform_6(%arg0: i32, %arg1: i32) -> (i32, i32, i32) {
    %c0_i32 = arith.constant 0 : i32
    %c0_i32_0 = arith.constant 0 : i32
    %c0_i32_1 = arith.constant 0 : i32
    return %c0_i32, %c0_i32_0, %arg1 : i32, i32, i32
  }
  func.func @transform_7(%arg0: i32, %arg1: i32) -> (i32, i32) {
    %c0_i32 = arith.constant 0 : i32
    %c0_i32_0 = arith.constant 0 : i32
    return %c0_i32, %arg1 : i32, i32
  }
  func.func @transform_8(%arg0: i32, %arg1: i32) -> (i32, i32) {
    %mul3A = arith.constant 10 : i32
    %mul3A_0 = arith.muli %arg1, %mul3A : i32
    %add3A = arith.addi %mul3A_0, %arg0 : i32
    %c0_i32 = arith.constant 0 : i32
    %c0_i32_1 = arith.constant 0 : i32
    return %add3A, %c0_i32 : i32, i32
  }
  func.func @transform_9(%arg0: i32, %arg1: i32) -> (i32, i32) {
    %mul3A = arith.constant 10 : i32
    %mul3A_0 = arith.muli %arg1, %mul3A : i32
    %add3A = arith.addi %mul3A_0, %arg0 : i32
    %c0_i32 = arith.constant 0 : i32
    %c0_i32_1 = arith.constant 0 : i32
    return %add3A, %c0_i32 : i32, i32
  }
}

module attributes {stable_mosaic.version = 14 : i64} {
  func.func @body(%arg0: i32, %arg1: i32, %arg2: memref<1000x128xf32, #tpu.memory_space<vmem>>, %arg3: memref<1000x128xf32, #tpu.memory_space<vmem>>, %arg4: memref<2x128xf32, #tpu.memory_space<vmem>>, %arg5: memref<2x128xf32, #tpu.memory_space<vmem>>, %arg6: memref<1000x128xf32, #tpu.memory_space<vmem>>, %arg7: memref<2x128x128xf32, #tpu.memory_space<vmem>>, %arg8: memref<1x128xf32, #tpu.memory_space<vmem>>, %arg9: memref<2x128x128xf32, #tpu.memory_space<vmem>>, %arg10: memref<2x128x128xf32, #tpu.memory_space<vmem>>, %arg11: memref<1x128xf32, #tpu.memory_space<vmem>>, %arg12: memref<1000x128xf32, #tpu.memory_space<vmem>>, %arg13: memref<1000x128xf32, #tpu.memory_space<vmem>>) attributes {dimension_semantics = [#tpu.dimension_semantics<arbitrary>, #tpu.dimension_semantics<arbitrary>], iteration_bounds = array<i64: 10, 2>, scalar_prefetch = 0 : i64, scratch_operands = 0 : i64, tpu.core_type = #tpu.core_type<tc>, window_params = [{transform_indices = @transform_0, window_bounds = array<i64: 1000, 128>}, {transform_indices = @transform_1, window_bounds = array<i64: 1000, 128>}, {pipeline_mode = #tpu.pipeline_mode<synchronous>, transform_indices = @transform_2, window_bounds = array<i64: 2, 128>}, {pipeline_mode = #tpu.pipeline_mode<synchronous>, transform_indices = @transform_3, window_bounds = array<i64: 2, 128>}, {transform_indices = @transform_4, window_bounds = array<i64: 1000, 128>}, {transform_indices = @transform_5, window_bounds = array<i64: 2, 128, 128>}, {transform_indices = @transform_6, window_bounds = array<i64: 1, 128>}, {transform_indices = @transform_7, window_bounds = array<i64: 2, 128, 128>}, {transform_indices = @transform_8, window_bounds = array<i64: 2, 128, 128>}, {transform_indices = @transform_9, window_bounds = array<i64: 1, 128>}, {transform_indices = @transform_10, window_bounds = array<i64: 1000, 128>}, {transform_indices = @transform_11, window_bounds = array<i64: 1000, 128>}]} {
    %get3A = arith.constant 0 : index
    %get3A_0 = arith.constant 0 : index
    %get3A_1 = vector.load %arg2[%get3A, %get3A_0] : memref<1000x128xf32, #tpu.memory_space<vmem>>, vector<1000x128xf32>
    %get3A_2 = arith.constant 0 : index
    %get3A_3 = arith.constant 0 : index
    %get3A_4 = vector.load %arg3[%get3A_2, %get3A_3] : memref<1000x128xf32, #tpu.memory_space<vmem>>, vector<1000x128xf32>
    %get3A_5 = arith.constant 0 : index
    %get3A_6 = arith.constant 0 : index
    %get3A_7 = vector.load %arg4[%get3A_5, %get3A_6] : memref<2x128xf32, #tpu.memory_space<vmem>>, vector<1x128xf32>
    %mul3A = vector.broadcast %get3A_7 : vector<1x128xf32> to vector<1000x128xf32>
    %mul3A_8 = arith.mulf %get3A_1, %mul3A : vector<1000x128xf32>
    %get3A_9 = arith.constant 0 : index
    %get3A_10 = arith.constant 0 : index
    %get3A_11 = vector.load %arg5[%get3A_9, %get3A_10] : memref<2x128xf32, #tpu.memory_space<vmem>>, vector<1x128xf32>
    %add3A = vector.broadcast %get3A_11 : vector<1x128xf32> to vector<1000x128xf32>
    %add3A_12 = arith.addf %mul3A_8, %add3A : vector<1000x128xf32>
    %max3A = arith.constant 0.000000e+00 : f32
    %max3A_13 = vector.broadcast %max3A : f32 to vector<1000x128xf32>
    %max3A_14 = arith.maximumf %add3A_12, %max3A_13 : vector<1000x128xf32>
    %get3A_15 = arith.constant 1 : index
    %get3A_16 = arith.constant 0 : index
    %get3A_17 = vector.load %arg4[%get3A_15, %get3A_16] : memref<2x128xf32, #tpu.memory_space<vmem>>, vector<1x128xf32>
    %mul3A_18 = vector.broadcast %get3A_17 : vector<1x128xf32> to vector<1000x128xf32>
    %mul3A_19 = arith.mulf %get3A_4, %mul3A_18 : vector<1000x128xf32>
    %get3A_20 = arith.constant 1 : index
    %get3A_21 = arith.constant 0 : index
    %get3A_22 = vector.load %arg5[%get3A_20, %get3A_21] : memref<2x128xf32, #tpu.memory_space<vmem>>, vector<1x128xf32>
    %add3A_23 = vector.broadcast %get3A_22 : vector<1x128xf32> to vector<1000x128xf32>
    %add3A_24 = arith.addf %mul3A_19, %add3A_23 : vector<1000x128xf32>
    %max3A_25 = arith.constant 0.000000e+00 : f32
    %max3A_26 = vector.broadcast %max3A_25 : f32 to vector<1000x128xf32>
    %max3A_27 = arith.maximumf %add3A_24, %max3A_26 : vector<1000x128xf32>
    %get3A_28 = arith.constant 0 : index
    %get3A_29 = arith.constant 0 : index
    %get3A_30 = arith.constant 0 : index
    %get3A_31 = vector.load %arg7[%get3A_28, %get3A_29, %get3A_30] : memref<2x128x128xf32, #tpu.memory_space<vmem>>, vector<1x128x128xf32>
    %get3A_32 = vector.shape_cast %get3A_31 : vector<1x128x128xf32> to vector<128x128xf32>
    %dot_general3A = arith.constant dense<0.000000e+00> : vector<1000x128xf32>
    %dot_general3A_33 = tpu.matmul %max3A_14, %get3A_32, %dot_general3A {dimension_numbers = #tpu.dot_dimension_numbers<[1], [0], [0], [1], [0, 0, 1, 1], [], []>, precision = #tpu.contract_precision<fp32>, transpose_lhs_hint = false} : vector<1000x128xf32>, vector<128x128xf32>, vector<1000x128xf32> -> vector<1000x128xf32>
    %get3A_34 = arith.constant 1 : index
    %get3A_35 = arith.constant 0 : index
    %get3A_36 = arith.constant 0 : index
    %get3A_37 = vector.load %arg7[%get3A_34, %get3A_35, %get3A_36] : memref<2x128x128xf32, #tpu.memory_space<vmem>>, vector<1x128x128xf32>
    %get3A_38 = vector.shape_cast %get3A_37 : vector<1x128x128xf32> to vector<128x128xf32>
    %dot_general3A_39 = arith.constant dense<0.000000e+00> : vector<1000x128xf32>
    %dot_general3A_40 = tpu.matmul %max3A_27, %get3A_38, %dot_general3A_39 {dimension_numbers = #tpu.dot_dimension_numbers<[1], [0], [0], [1], [0, 0, 1, 1], [], []>, precision = #tpu.contract_precision<fp32>, transpose_lhs_hint = false} : vector<1000x128xf32>, vector<128x128xf32>, vector<1000x128xf32> -> vector<1000x128xf32>
    %add3A_41 = arith.addf %dot_general3A_33, %dot_general3A_40 : vector<1000x128xf32>
    %get3A_42 = arith.constant 0 : index
    %get3A_43 = arith.constant 0 : index
    %get3A_44 = vector.load %arg8[%get3A_42, %get3A_43] : memref<1x128xf32, #tpu.memory_space<vmem>>, vector<1x128xf32>
    %add3A_45 = vector.broadcast %get3A_44 : vector<1x128xf32> to vector<1000x128xf32>
    %add3A_46 = arith.addf %add3A_41, %add3A_45 : vector<1000x128xf32>
    %get3A_47 = arith.constant 0 : index
    %get3A_48 = arith.constant 0 : index
    %get3A_49 = arith.constant 0 : index
    %get3A_50 = vector.load %arg9[%get3A_47, %get3A_48, %get3A_49] : memref<2x128x128xf32, #tpu.memory_space<vmem>>, vector<1x128x128xf32>
    %get3A_51 = vector.shape_cast %get3A_50 : vector<1x128x128xf32> to vector<128x128xf32>
    %dot_general3A_52 = arith.constant dense<0.000000e+00> : vector<1000x128xf32>
    %dot_general3A_53 = tpu.matmul %max3A_14, %get3A_51, %dot_general3A_52 {dimension_numbers = #tpu.dot_dimension_numbers<[1], [0], [0], [1], [0, 0, 1, 1], [], []>, precision = #tpu.contract_precision<fp32>, transpose_lhs_hint = false} : vector<1000x128xf32>, vector<128x128xf32>, vector<1000x128xf32> -> vector<1000x128xf32>
    %get3A_54 = arith.constant 1 : index
    %get3A_55 = arith.constant 0 : index
    %get3A_56 = arith.constant 0 : index
    %get3A_57 = vector.load %arg9[%get3A_54, %get3A_55, %get3A_56] : memref<2x128x128xf32, #tpu.memory_space<vmem>>, vector<1x128x128xf32>
    %get3A_58 = vector.shape_cast %get3A_57 : vector<1x128x128xf32> to vector<128x128xf32>
    %dot_general3A_59 = arith.constant dense<0.000000e+00> : vector<1000x128xf32>
    %dot_general3A_60 = tpu.matmul %max3A_27, %get3A_58, %dot_general3A_59 {dimension_numbers = #tpu.dot_dimension_numbers<[1], [0], [0], [1], [0, 0, 1, 1], [], []>, precision = #tpu.contract_precision<fp32>, transpose_lhs_hint = false} : vector<1000x128xf32>, vector<128x128xf32>, vector<1000x128xf32> -> vector<1000x128xf32>
    %add3A_61 = arith.addf %dot_general3A_53, %dot_general3A_60 : vector<1000x128xf32>
    %get3A_62 = arith.constant 0 : index
    %get3A_63 = arith.constant 0 : index
    %get3A_64 = arith.constant 0 : index
    %get3A_65 = vector.load %arg10[%get3A_62, %get3A_63, %get3A_64] : memref<2x128x128xf32, #tpu.memory_space<vmem>>, vector<1x128x128xf32>
    %get3A_66 = vector.shape_cast %get3A_65 : vector<1x128x128xf32> to vector<128x128xf32>
    %dot_general3A_67 = arith.constant dense<0.000000e+00> : vector<1000x128xf32>
    %dot_general3A_68 = tpu.matmul %max3A_14, %get3A_66, %dot_general3A_67 {dimension_numbers = #tpu.dot_dimension_numbers<[1], [0], [0], [1], [0, 0, 1, 1], [], []>, precision = #tpu.contract_precision<fp32>, transpose_lhs_hint = false} : vector<1000x128xf32>, vector<128x128xf32>, vector<1000x128xf32> -> vector<1000x128xf32>
    %get3A_69 = arith.constant 1 : index
    %get3A_70 = arith.constant 0 : index
    %get3A_71 = arith.constant 0 : index
    %get3A_72 = vector.load %arg10[%get3A_69, %get3A_70, %get3A_71] : memref<2x128x128xf32, #tpu.memory_space<vmem>>, vector<1x128x128xf32>
    %get3A_73 = vector.shape_cast %get3A_72 : vector<1x128x128xf32> to vector<128x128xf32>
    %dot_general3A_74 = arith.constant dense<0.000000e+00> : vector<1000x128xf32>
    %dot_general3A_75 = tpu.matmul %max3A_27, %get3A_73, %dot_general3A_74 {dimension_numbers = #tpu.dot_dimension_numbers<[1], [0], [0], [1], [0, 0, 1, 1], [], []>, precision = #tpu.contract_precision<fp32>, transpose_lhs_hint = false} : vector<1000x128xf32>, vector<128x128xf32>, vector<1000x128xf32> -> vector<1000x128xf32>
    %add3A_76 = arith.addf %dot_general3A_68, %dot_general3A_75 : vector<1000x128xf32>
    %get3A_77 = arith.constant 0 : index
    %get3A_78 = arith.constant 0 : index
    %get3A_79 = vector.load %arg11[%get3A_77, %get3A_78] : memref<1x128xf32, #tpu.memory_space<vmem>>, vector<1x128xf32>
    %add3A_80 = vector.broadcast %get3A_79 : vector<1x128xf32> to vector<1000x128xf32>
    %add3A_81 = arith.addf %add3A_76, %add3A_80 : vector<1000x128xf32>
    %get3A_82 = arith.constant 0 : index
    %get3A_83 = arith.constant 0 : index
    %get3A_84 = vector.load %arg6[%get3A_82, %get3A_83] : memref<1000x128xf32, #tpu.memory_space<vmem>>, vector<1000x1xf32>
    %swap3A = arith.constant 0 : index
    %swap3A_85 = arith.constant 0 : index
    %swap3A_86 = vector.load %arg12[%swap3A, %swap3A_85] : memref<1000x128xf32, #tpu.memory_space<vmem>>, vector<1000x128xf32>
    tpu.vector_store %arg12[%swap3A, %swap3A_85], %add3A_46 {strides = array<i32>} : memref<1000x128xf32, #tpu.memory_space<vmem>>, vector<1000x128xf32>,
    %mul3A_87 = vector.broadcast %get3A_84 : vector<1000x1xf32> to vector<1000x128xf32>
    %mul3A_88 = arith.mulf %mul3A_87, %add3A_61 : vector<1000x128xf32>
    %sub3A = arith.subf %add3A_81, %mul3A_88 : vector<1000x128xf32>
    %swap3A_89 = arith.constant 0 : index
    %swap3A_90 = arith.constant 0 : index
    %swap3A_91 = vector.load %arg13[%swap3A_89, %swap3A_90] : memref<1000x128xf32, #tpu.memory_space<vmem>>, vector<1000x128xf32>
    tpu.vector_store %arg13[%swap3A_89, %swap3A_90], %sub3A {strides = array<i32>} : memref<1000x128xf32, #tpu.memory_space<vmem>>, vector<1000x128xf32>,
    return
  }
  func.func @transform_0(%arg0: i32, %arg1: i32) -> (i32, i32) {
    %c0_i32 = arith.constant 0 : i32
    %c0_i32_0 = arith.constant 0 : i32
    return %arg0, %c0_i32 : i32, i32
  }
  func.func @transform_1(%arg0: i32, %arg1: i32) -> (i32, i32) {
    %add3A = arith.constant 10 : i32
    %add3A_0 = arith.addi %arg0, %add3A : i32
    %c0_i32 = arith.constant 0 : i32
    %c0_i32_1 = arith.constant 0 : i32
    return %add3A_0, %c0_i32 : i32, i32
  }
  func.func @transform_2(%arg0: i32, %arg1: i32) -> (i32, i32) {
    %c0_i32 = arith.constant 0 : i32
    %c0_i32_0 = arith.constant 0 : i32
    %c0_i32_1 = arith.constant 0 : i32
    return %c0_i32, %c0_i32_0 : i32, i32
  }
  func.func @transform_3(%arg0: i32, %arg1: i32) -> (i32, i32) {
    %c0_i32 = arith.constant 0 : i32
    %c0_i32_0 = arith.constant 0 : i32
    %c0_i32_1 = arith.constant 0 : i32
    return %c0_i32, %c0_i32_0 : i32, i32
  }
  func.func @transform_4(%arg0: i32, %arg1: i32) -> (i32, i32) {
    %c0_i32 = arith.constant 0 : i32
    %c0_i32_0 = arith.constant 0 : i32
    return %arg0, %c0_i32 : i32, i32
  }
  func.func @transform_5(%arg0: i32, %arg1: i32) -> (i32, i32, i32) {
    %c0_i32 = arith.constant 0 : i32
    %c0_i32_0 = arith.constant 0 : i32
    %c0_i32_1 = arith.constant 0 : i32
    return %c0_i32, %c0_i32_0, %arg1 : i32, i32, i32
  }
  func.func @transform_6(%arg0: i32, %arg1: i32) -> (i32, i32) {
    %c0_i32 = arith.constant 0 : i32
    %c0_i32_0 = arith.constant 0 : i32
    return %c0_i32, %arg1 : i32, i32
  }
  func.func @transform_7(%arg0: i32, %arg1: i32) -> (i32, i32, i32) {
    %c0_i32 = arith.constant 0 : i32
    %c0_i32_0 = arith.constant 0 : i32
    %c0_i32_1 = arith.constant 0 : i32
    return %c0_i32, %c0_i32_0, %arg1 : i32, i32, i32
  }
  func.func @transform_8(%arg0: i32, %arg1: i32) -> (i32, i32, i32) {
    %c0_i32 = arith.constant 0 : i32
    %c0_i32_0 = arith.constant 0 : i32
    %c0_i32_1 = arith.constant 0 : i32
    return %c0_i32, %c0_i32_0, %arg1 : i32, i32, i32
  }
  func.func @transform_9(%arg0: i32, %arg1: i32) -> (i32, i32) {
    %c0_i32 = arith.constant 0 : i32
    %c0_i32_0 = arith.constant 0 : i32
    return %c0_i32, %arg1 : i32, i32
  }
  func.func @transform_10(%arg0: i32, %arg1: i32) -> (i32, i32) {
    %mul3A = arith.constant 10 : i32
    %mul3A_0 = arith.muli %arg1, %mul3A : i32
    %add3A = arith.addi %mul3A_0, %arg0 : i32
    %c0_i32 = arith.constant 0 : i32
    %c0_i32_1 = arith.constant 0 : i32
    return %add3A, %c0_i32 : i32, i32
  }
  func.func @transform_11(%arg0: i32, %arg1: i32) -> (i32, i32) {
    %mul3A = arith.constant 10 : i32
    %mul3A_0 = arith.muli %arg1, %mul3A : i32
    %add3A = arith.addi %mul3A_0, %arg0 : i32
    %c0_i32 = arith.constant 0 : i32
    %c0_i32_1 = arith.constant 0 : i32
    return %add3A, %c0_i32 : i32, i32
  }
}

module attributes {stable_mosaic.version = 14 : i64} {
  func.func @body(%arg0: memref<20000x128xf32, #tpu.memory_space<vmem>>, %arg1: memref<2x128xf32, #tpu.memory_space<vmem>>, %arg2: memref<2x128xf32, #tpu.memory_space<vmem>>, %arg3: memref<2x128x64xf32, #tpu.memory_space<vmem>>, %arg4: memref<1x64xf32, #tpu.memory_space<vmem>>, %arg5: memref<1x64xf32, #tpu.memory_space<vmem>>, %arg6: memref<1x1xf32, #tpu.memory_space<vmem>>, %arg7: memref<10000x1xi32, #tpu.memory_space<vmem>>, %arg8: memref<64x256xf32, #tpu.memory_space<vmem>>) attributes {dimension_semantics = [], scalar_prefetch = 0 : i64, scratch_operands = 0 : i64, tpu.core_type = #tpu.core_type<tc>} {
    %get3A = arith.constant 0 : index
    %get3A_0 = arith.constant 0 : index
    %get3A_1 = vector.load %arg0[%get3A, %get3A_0] : memref<20000x128xf32, #tpu.memory_space<vmem>>, vector<10000x128xf32>
    %get3A_2 = arith.constant 0 : index
    %get3A_3 = arith.constant 0 : index
    %get3A_4 = vector.load %arg1[%get3A_2, %get3A_3] : memref<2x128xf32, #tpu.memory_space<vmem>>, vector<1x128xf32>
    %mul3A = vector.broadcast %get3A_4 : vector<1x128xf32> to vector<10000x128xf32>
    %mul3A_5 = arith.mulf %get3A_1, %mul3A : vector<10000x128xf32>
    %get3A_6 = arith.constant 0 : index
    %get3A_7 = arith.constant 0 : index
    %get3A_8 = vector.load %arg2[%get3A_6, %get3A_7] : memref<2x128xf32, #tpu.memory_space<vmem>>, vector<1x128xf32>
    %add3A = vector.broadcast %get3A_8 : vector<1x128xf32> to vector<10000x128xf32>
    %add3A_9 = arith.addf %mul3A_5, %add3A : vector<10000x128xf32>
    %max3A = arith.constant 0.000000e+00 : f32
    %max3A_10 = vector.broadcast %max3A : f32 to vector<10000x128xf32>
    %max3A_11 = arith.maximumf %add3A_9, %max3A_10 : vector<10000x128xf32>
    %get3A_12 = arith.constant 10000 : index
    %get3A_13 = arith.constant 0 : index
    %get3A_14 = vector.load %arg0[%get3A_12, %get3A_13] : memref<20000x128xf32, #tpu.memory_space<vmem>>, vector<10000x128xf32>
    %get3A_15 = arith.constant 1 : index
    %get3A_16 = arith.constant 0 : index
    %get3A_17 = vector.load %arg1[%get3A_15, %get3A_16] : memref<2x128xf32, #tpu.memory_space<vmem>>, vector<1x128xf32>
    %mul3A_18 = vector.broadcast %get3A_17 : vector<1x128xf32> to vector<10000x128xf32>
    %mul3A_19 = arith.mulf %get3A_14, %mul3A_18 : vector<10000x128xf32>
    %get3A_20 = arith.constant 1 : index
    %get3A_21 = arith.constant 0 : index
    %get3A_22 = vector.load %arg2[%get3A_20, %get3A_21] : memref<2x128xf32, #tpu.memory_space<vmem>>, vector<1x128xf32>
    %add3A_23 = vector.broadcast %get3A_22 : vector<1x128xf32> to vector<10000x128xf32>
    %add3A_24 = arith.addf %mul3A_19, %add3A_23 : vector<10000x128xf32>
    %max3A_25 = arith.constant 0.000000e+00 : f32
    %max3A_26 = vector.broadcast %max3A_25 : f32 to vector<10000x128xf32>
    %max3A_27 = arith.maximumf %add3A_24, %max3A_26 : vector<10000x128xf32>
    %get3A_28 = arith.constant 0 : index
    %get3A_29 = arith.constant 0 : index
    %get3A_30 = arith.constant 0 : index
    %get3A_31 = vector.load %arg3[%get3A_28, %get3A_29, %get3A_30] : memref<2x128x64xf32, #tpu.memory_space<vmem>>, vector<1x128x64xf32>
    %get3A_32 = vector.shape_cast %get3A_31 : vector<1x128x64xf32> to vector<128x64xf32>
    %dot_general3A = arith.constant dense<0.000000e+00> : vector<10000x64xf32>
    %dot_general3A_33 = tpu.matmul %max3A_11, %get3A_32, %dot_general3A {dimension_numbers = #tpu.dot_dimension_numbers<[1], [0], [0], [1], [0, 0, 1, 1], [], []>, precision = #tpu.contract_precision<fp32>, transpose_lhs_hint = false} : vector<10000x128xf32>, vector<128x64xf32>, vector<10000x64xf32> -> vector<10000x64xf32>
    %get3A_34 = arith.constant 1 : index
    %get3A_35 = arith.constant 0 : index
    %get3A_36 = arith.constant 0 : index
    %get3A_37 = vector.load %arg3[%get3A_34, %get3A_35, %get3A_36] : memref<2x128x64xf32, #tpu.memory_space<vmem>>, vector<1x128x64xf32>
    %get3A_38 = vector.shape_cast %get3A_37 : vector<1x128x64xf32> to vector<128x64xf32>
    %dot_general3A_39 = arith.constant dense<0.000000e+00> : vector<10000x64xf32>
    %dot_general3A_40 = tpu.matmul %max3A_27, %get3A_38, %dot_general3A_39 {dimension_numbers = #tpu.dot_dimension_numbers<[1], [0], [0], [1], [0, 0, 1, 1], [], []>, precision = #tpu.contract_precision<fp32>, transpose_lhs_hint = false} : vector<10000x128xf32>, vector<128x64xf32>, vector<10000x64xf32> -> vector<10000x64xf32>
    %add3A_41 = arith.addf %dot_general3A_33, %dot_general3A_40 : vector<10000x64xf32>
    %get3A_42 = arith.constant 0 : index
    %get3A_43 = arith.constant 0 : index
    %get3A_44 = vector.load %arg4[%get3A_42, %get3A_43] : memref<1x64xf32, #tpu.memory_space<vmem>>, vector<1x64xf32>
    %add3A_45 = vector.broadcast %get3A_44 : vector<1x64xf32> to vector<10000x64xf32>
    %add3A_46 = arith.addf %add3A_41, %add3A_45 : vector<10000x64xf32>
    %max3A_47 = arith.constant 0.000000e+00 : f32
    %max3A_48 = vector.broadcast %max3A_47 : f32 to vector<10000x64xf32>
    %max3A_49 = arith.maximumf %add3A_46, %max3A_48 : vector<10000x64xf32>
    %get3A_50 = arith.constant 0 : index
    %get3A_51 = arith.constant 0 : index
    %get3A_52 = vector.load %arg5[%get3A_50, %get3A_51] : memref<1x64xf32, #tpu.memory_space<vmem>>, vector<1x64xf32>
    %mul3A_53 = vector.broadcast %get3A_52 : vector<1x64xf32> to vector<10000x64xf32>
    %mul3A_54 = arith.mulf %max3A_49, %mul3A_53 : vector<10000x64xf32>
    %reduce_sum3A = arith.constant dense<0.000000e+00> : vector<10000xf32>
    %reduce_sum3A_55 = vector.multi_reduction <add>, %mul3A_54, %reduce_sum3A [1] : vector<10000x64xf32> to vector<10000xf32>
    %broadcast_in_dim3A = vector.shape_cast %reduce_sum3A_55 : vector<10000xf32> to vector<10000x1xf32>
    %get3A_56 = arith.constant 0 : index
    %get3A_57 = arith.constant 0 : index
    %get3A_58 = vector.load %arg6[%get3A_56, %get3A_57] : memref<1x1xf32, #tpu.memory_space<vmem>>, vector<1x1xf32>
    %get3A_59 = vector.extract %get3A_58[0, 0] : f32 from vector<1x1xf32>
    %add3A_60 = vector.broadcast %get3A_59 : f32 to vector<10000x1xf32>
    %add3A_61 = arith.addf %broadcast_in_dim3A, %add3A_60 : vector<10000x1xf32>
    %max3A_62 = arith.constant 0.000000e+00 : f32
    %max3A_63 = vector.broadcast %max3A_62 : f32 to vector<10000x1xf32>
    %max3A_64 = arith.maximumf %add3A_61, %max3A_63 : vector<10000x1xf32>
    %get3A_65 = arith.constant 0 : index
    %get3A_66 = arith.constant 0 : index
    %get3A_67 = vector.load %arg7[%get3A_65, %get3A_66] : memref<10000x1xi32, #tpu.memory_space<vmem>>, vector<10000x1xi32>
    %iota3A = tpu.iota {dimensions = array<i32: 1>} : vector<10000x64xi32>
    %eq3A = vector.broadcast %get3A_67 : vector<10000x1xi32> to vector<10000x64xi32>
    %eq3A_68 = arith.cmpi eq, %eq3A, %iota3A : vector<10000x64xi32>
    %jit3A = arith.constant 0xFF800000 : f32
    %broadcast_in_dim3A_69 = vector.shape_cast %max3A_64 : vector<10000x1xf32> to vector<10000x1xf32>
    %broadcast_in_dim3A_70 = vector.broadcast %broadcast_in_dim3A_69 : vector<10000x1xf32> to vector<10000x64xf32>
    %broadcast_in_dim3A_71 = vector.broadcast %jit3A : f32 to vector<10000x64xf32>
    %select_n3A = arith.select %eq3A_68, %broadcast_in_dim3A_70, %broadcast_in_dim3A_71 : vector<10000x64xi1>, vector<10000x64xf32>
    %reduce_max3A = arith.constant dense<0xFF800000> : vector<64xf32>
    %reduce_max3A_72 = vector.multi_reduction <maximumf>, %select_n3A, %reduce_max3A [0] : vector<10000x64xf32> to vector<64xf32>
    %broadcast_in_dim3A_73 = vector.shape_cast %reduce_max3A_72 : vector<64xf32> to vector<1x64xf32>
    %jit3A_74 = arith.constant 0.000000e+00 : f32
    %broadcast_in_dim3A_75 = vector.shape_cast %broadcast_in_dim3A_73 : vector<1x64xf32> to vector<1x64xf32>
    %broadcast_in_dim3A_76 = vector.broadcast %broadcast_in_dim3A_75 : vector<1x64xf32> to vector<10000x64xf32>
    %broadcast_in_dim3A_77 = vector.broadcast %jit3A_74 : f32 to vector<10000x64xf32>
    %select_n3A_78 = arith.select %eq3A_68, %broadcast_in_dim3A_76, %broadcast_in_dim3A_77 : vector<10000x64xi1>, vector<10000x64xf32>
    %reduce_sum3A_79 = arith.constant dense<0.000000e+00> : vector<10000xf32>
    %reduce_sum3A_80 = vector.multi_reduction <add>, %select_n3A_78, %reduce_sum3A_79 [1] : vector<10000x64xf32> to vector<10000xf32>
    %broadcast_in_dim3A_81 = vector.shape_cast %reduce_sum3A_80 : vector<10000xf32> to vector<10000x1xf32>
    %sub3A = arith.subf %max3A_64, %broadcast_in_dim3A_81 : vector<10000x1xf32>
    %exp3A = math.exp %sub3A : vector<10000x1xf32>
    %convert_element_type3A = arith.extui %eq3A_68 : vector<10000x64xi1> to vector<10000x64xi32>
    %convert_element_type3A_82 = arith.sitofp %convert_element_type3A : vector<10000x64xi32> to vector<10000x64xf32>
    %mul3A_83 = vector.broadcast %exp3A : vector<10000x1xf32> to vector<10000x64xf32>
    %mul3A_84 = arith.mulf %convert_element_type3A_82, %mul3A_83 : vector<10000x64xf32>
    %reduce_sum3A_85 = arith.constant dense<0.000000e+00> : vector<64xf32>
    %reduce_sum3A_86 = vector.multi_reduction <add>, %mul3A_84, %reduce_sum3A_85 [0] : vector<10000x64xf32> to vector<64xf32>
    %broadcast_in_dim3A_87 = vector.shape_cast %reduce_sum3A_86 : vector<64xf32> to vector<1x64xf32>
    %mul3A_88 = vector.broadcast %broadcast_in_dim3A_87 : vector<1x64xf32> to vector<10000x64xf32>
    %mul3A_89 = arith.mulf %convert_element_type3A_82, %mul3A_88 : vector<10000x64xf32>
    %reduce_sum3A_90 = arith.constant dense<0.000000e+00> : vector<10000xf32>
    %reduce_sum3A_91 = vector.multi_reduction <add>, %mul3A_89, %reduce_sum3A_90 [1] : vector<10000x64xf32> to vector<10000xf32>
    %broadcast_in_dim3A_92 = vector.shape_cast %reduce_sum3A_91 : vector<10000xf32> to vector<10000x1xf32>
    %add3A_93 = arith.constant 1.000000e-16 : f32
    %add3A_94 = vector.broadcast %add3A_93 : f32 to vector<10000x1xf32>
    %add3A_95 = arith.addf %broadcast_in_dim3A_92, %add3A_94 : vector<10000x1xf32>
    %div3A = arith.divf %exp3A, %add3A_95 : vector<10000x1xf32>
    %mul3A_96 = vector.broadcast %div3A : vector<10000x1xf32> to vector<10000x128xf32>
    %mul3A_97 = arith.mulf %mul3A_96, %max3A_11 : vector<10000x128xf32>
    %dot_general3A_98 = arith.constant dense<0.000000e+00> : vector<64x128xf32>
    %dot_general3A_99 = tpu.matmul %convert_element_type3A_82, %mul3A_97, %dot_general3A_98 {dimension_numbers = #tpu.dot_dimension_numbers<[0], [0], [1], [1], [0, 1, 1, 1], [], []>, precision = #tpu.contract_precision<fp32>, transpose_lhs_hint = false} : vector<10000x64xf32>, vector<10000x128xf32>, vector<64x128xf32> -> vector<64x128xf32>
    %swap3A = arith.constant 0 : index
    %swap3A_100 = arith.constant 0 : index
    %swap3A_101 = vector.load %arg8[%swap3A, %swap3A_100] : memref<64x256xf32, #tpu.memory_space<vmem>>, vector<64x128xf32>
    tpu.vector_store %arg8[%swap3A, %swap3A_100], %dot_general3A_99 {strides = array<i32>} : memref<64x256xf32, #tpu.memory_space<vmem>>, vector<64x128xf32>,
    %mul3A_102 = vector.broadcast %div3A : vector<10000x1xf32> to vector<10000x128xf32>
    %mul3A_103 = arith.mulf %mul3A_102, %max3A_27 : vector<10000x128xf32>
    %dot_general3A_104 = arith.constant dense<0.000000e+00> : vector<64x128xf32>
    %dot_general3A_105 = tpu.matmul %convert_element_type3A_82, %mul3A_103, %dot_general3A_104 {dimension_numbers = #tpu.dot_dimension_numbers<[0], [0], [1], [1], [0, 1, 1, 1], [], []>, precision = #tpu.contract_precision<fp32>, transpose_lhs_hint = false} : vector<10000x64xf32>, vector<10000x128xf32>, vector<64x128xf32> -> vector<64x128xf32>
    %swap3A_106 = arith.constant 0 : index
    %swap3A_107 = arith.constant 128 : index
    %swap3A_108 = vector.load %arg8[%swap3A_106, %swap3A_107] : memref<64x256xf32, #tpu.memory_space<vmem>>, vector<64x128xf32>
    tpu.vector_store %arg8[%swap3A_106, %swap3A_107], %dot_general3A_105 {strides = array<i32>} : memref<64x256xf32, #tpu.memory_space<vmem>>, vector<64x128xf32>,
    return
  }
}

</mosaic_0001>

<sc_bundles>
// kernel: kernel.22.cloned.1.call-start
scs
__scs_entry_jumppad:
0x0: {  	(pc) =	sbr.rel $0x88, $3  }
0x1: {  	(tag) =	ssettag $0x0;
	lr =	simm.s32 $0x1  }
0x2: {  	[smem:$0x3F70] =	sst lr;
	_ =	strace $0xD0000000  }
0x3: {  	_ = 	snop  }
0x4: {  	_ = 	snop  }
0x5: {  	_ = 	snop  }
0x6: {  	_ = 	snop  }
0x7: {  	_ = 	snop  }
__scs_overlays_trampoline_lowered:
0x8: {  	[smem:$0x3F7F] =	sst s0  }
0x9: {  	[smem:$0x3F80] =	sst s1  }
0xa: {  	[smem:$0x3F81] =	sst s2  }
0xb: {  	[smem:$0x3F82] =	sst s3  }
0xc: {  	[smem:$0x3F83] =	sst s4  }
0xd: {  	[smem:$0x3F84] =	sst s5  }
0xe: {  	[smem:$0x3F85] =	sst s6  }
0xf: {  	[smem:$0x3F86] =	sst s7  }
0x10: {  	[smem:$0x3F87] =	sst s8  }
0x11: {  	[smem:$0x3F88] =	sst s9;
	s0 =	simm.s32 @!p0 $0x0  }
0x12: {  	s1 =	sld [smem:$0x3F6E];
	s0 =	simm.s32 @p0 $0x1  }
0x13: {  	[smem:$0x3F89] =	sst s0;
	s0 =	simm.s32 @!p1 $0x0  }
0x14: {  	s2 =	sld [smem:$0x3F6D];
	s0 =	simm.s32 @p1 $0x1  }
0x15: {  	[smem:$0x3F8A] =	sst s0;
	s0 =	simm.s32 @!p2 $0x0  }
0x16: {  	s3 =	sld [smem:$0x3FDB];
	s0 =	simm.s32 @p2 $0x1  }
0x17: {  	s4 =	simm.s32 $0x1BF5;
	[smem:$0x3F8C] =	sst s0  }
0x18: {  	s0 =	sld [smem:$0x3F6F];
	_ =	swait.ge [sflag:s4], $0x0  }
0x19: {  	s7 =	sld [smem:$0x3F70]  }
0x1a: {  	s8 =	sadd.s32 $0xFFFFE003, lr  }
0x1b: {  	s9 =	sadd.s32 $0xFFFFFEF7, lr;
	s5 =	simm.s32 $0xFFFFFFFF;
	p2 =	slt.u32 s8, $0xFFFFF086  }
0x1c: {  	p1 =	slt.u32 s9, $0xF7A;
	s5 =	simm.s32 @!p2 $0x0  }
0x1d: {  	s5 =	simm.s32 @p1 $0x1;
	p0 =	seq.s32 s7, s2  }
0x1e: {  	s7 =	smul.u32 @!p0 $0xF7A, s2;
	p2 =	seq.s32 @!p0 s5, $0x0  }
0x1f: {  	s9 =	smul.u32 $0xF7A, s1;
	s8 =	simm.s32 @!p0 $0x1BF5;
	p2 =	por !p2, p0  }
0x20: {  	[sflag:s8] =	ssyncset.s32 @!p0 $0xFFFFF086;
	s6 =	sadd.s32 @!p0 s3, s7;
	s7 =	simm.s32 @!p0 $0x108  }
0x21: {  	s3 =	sadd.s32 s3, s9;
	s6 =	sadd.s32 @!p0 $0x88, s6;
	s7 =	simm.s32 @p2 $0x1082  }
0x22: {  	[simem:s7], [sflag:s8] =	dma.local @!p0 [hbm:s6], $0xF7A  }
0x23: {  	s9 =	sor.u32 $0xD0000000, s2;
	s6 =	simm.s32 $0x108;
	_ =	swait.ge @!p0 [sflag:s8], $0x0  }
0x24: {  	s3 =	sadd.s32 $0x88, s3;
	s6 =	simm.s32 @!p1 $0x1082;
	[sflag:s4] =	ssyncset.s32 $0xFFFFF086  }
0x25: {  	[simem:s6], [sflag:s4] =	dma.local [hbm:s3], $0xF7A  }
0x26: {  	[smem:$0x3F70] =	sst s1;
	(tag) =	ssettag s2;
	_ =	strace s9  }
0x27: {  	s1 =	sld [smem:$0x3F80]  }
0x28: {  	s2 =	sld [smem:$0x3F81]  }
0x29: {  	s4 =	sld [smem:$0x3F83]  }
0x2a: {  	p0 =	seq.s32 s5, $0x0;
	s5 =	sld [smem:$0x3F84]  }
0x2b: {  	s6 =	sld [smem:$0x3F85]  }
0x2c: {  	s7 =	sld [smem:$0x3F86]  }
0x2d: {  	s3 =	simm.s32 $0x108;
	s8 =	sld [smem:$0x3F87]  }
0x2e: {  	s3 =	simm.s32 @!p0 $0x1082;
	s9 =	sld [smem:$0x3F88]  }
0x2f: {  	lr =	sadd.s32 s0, s3;
	s0 =	sld [smem:$0x3F7F]  }
0x30: {  	s3 =	sld [smem:$0x3F82]  }
0x31: {  	[smem:$0x3F8B] =	sst s10  }
0x32: {  	s10 =	sld [smem:$0x3F89];
	_ =	sdelay $0x3  }
0x33: {  	p0 =	seq.s32 s10, $0x1;
	s10 =	sld [smem:$0x3F8B];
	_ =	sdelay $0x3  }
0x34: {  	[smem:$0x3F8B] =	sst s10  }
0x35: {  	s10 =	sld [smem:$0x3F8A];
	_ =	sdelay $0x3  }
0x36: {  	p1 =	seq.s32 s10, $0x1;
	s10 =	sld [smem:$0x3F8B];
	_ =	sdelay $0x3  }
0x37: {  	[smem:$0x3F8B] =	sst s10  }
0x38: {  	s10 =	sld [smem:$0x3F8C]  }
0x39: {  	_ = 	snop;
	(pc) =	sbr.ind lr, $3  }
0x3a: {  	_ = 	snop  }
0x3b: {  	_ = 	snop  }
0x3c: {  	p2 =	seq.s32 s10, $0x1;
	s10 =	sld [smem:$0x3F8B]  }
0x3d: {  	_ =	shalt  }
0x3e: {  	_ =	shalt  }
0x3f: {  	_ =	shalt  }
0x40: {  	_ =	shalt  }
0x41: {  	_ =	shalt  }
0x42: {  	_ =	shalt  }
0x43: {  	_ =	shalt  }
0x44: {  	_ =	shalt  }
0x45: {  	_ =	shalt  }
0x46: {  	_ =	shalt  }
0x47: {  	_ =	shalt  }
0x48: {  	_ =	shalt  }
0x49: {  	_ =	shalt  }
0x4a: {  	_ =	shalt  }
0x4b: {  	_ =	shalt  }
0x4c: {  	_ =	shalt  }
0x4d: {  	_ =	shalt  }
0x4e: {  	_ =	shalt  }
0x4f: {  	_ =	shalt  }
0x50: {  	_ =	shalt  }
0x51: {  	_ =	shalt  }
0x52: {  	_ =	shalt  }
0x53: {  	_ =	shalt  }
0x54: {  	_ =	shalt  }
0x55: {  	_ =	shalt  }
0x56: {  	_ =	shalt  }
0x57: {  	_ =	shalt  }
0x58: {  	_ =	shalt  }
0x59: {  	_ =	shalt  }
0x5a: {  	_ =	shalt  }
0x5b: {  	_ =	shalt  }
0x5c: {  	_ =	shalt  }
0x5d: {  	_ =	shalt  }
0x5e: {  	_ =	shalt  }
0x5f: {  	_ =	shalt  }
0x60: {  	_ =	shalt  }
0x61: {  	_ =	shalt  }
0x62: {  	_ =	shalt  }
0x63: {  	_ =	shalt  }
0x64: {  	_ =	shalt  }
0x65: {  	_ =	shalt  }
0x66: {  	_ =	shalt  }
0x67: {  	_ =	shalt  }
0x68: {  	_ =	shalt  }
0x69: {  	_ =	shalt  }
0x6a: {  	_ =	shalt  }
0x6b: {  	_ =	shalt  }
0x6c: {  	_ =	shalt  }
0x6d: {  	_ =	shalt  }
0x6e: {  	_ =	shalt  }
0x6f: {  	_ =	shalt  }
0x70: {  	_ =	shalt  }
0x71: {  	_ =	shalt  }
0x72: {  	_ =	shalt  }
0x73: {  	_ =	shalt  }
0x74: {  	_ =	shalt  }
0x75: {  	_ =	shalt  }
0x76: {  	_ =	shalt  }
0x77: {  	_ =	shalt  }
0x78: {  	_ =	shalt  }
0x79: {  	_ =	shalt  }
0x7a: {  	_ =	shalt  }
0x7b: {  	_ =	shalt  }
0x7c: {  	_ =	shalt  }
0x7d: {  	_ =	shalt  }
0x7e: {  	_ =	shalt  }
0x7f: {  	_ =	shalt  }
0x80: {  	_ =	shalt  }
0x81: {  	_ =	shalt  }
0x82: {  	_ =	shalt  }
0x83: {  	_ =	shalt  }
0x84: {  	_ =	shalt  }
0x85: {  	_ =	shalt  }
0x86: {  	_ =	shalt  }
0x87: {  	_ =	shalt  }
.Lfunc_end0:
.L_simem_size_0:
called_computation_lowered:
.L_overlay_start_0:
0x88: {  	s2 =	sld [smem:$0x3FD9]  }
0x89: {  	s3 =	sld [smem:$0x3FFE];
	_ =	sdelay $0x1  }
0x8a: {  	s1 =	srdreg.scid  }
0x8b: {  	s0 =	sand.u32 $0x1, s1  }
0x8c: {  	s16 =	sshll.u32 s0, $0xA;
	s2 =	sadd.s32 s3, s2  }
0x8d: {  	s2 =	sadd.s32 s2, s16  }
0x8e: {  	[smem:$0x3F97] =	sst s2  }
0x8f: {  	_ = 	snop  }
0x90: {  	(tm) =	ssettm $0x1  }
0x91: {  	s17 =	sld [smem:$0x3FFB];
	_ =	sdelay $0x3  }
0x92: {  	_ =	strace s17  }
0x93: {  	s2 =	sld [smem:$0x3FFC];
	_ =	sdelay $0x3  }
0x94: {  	_ =	strace s2  }
0x95: {  	s2 =	sld [smem:$0x3FFD];
	_ =	sdelay $0x3  }
0x96: {  	_ =	strace s2  }
0x97: {  	_ =	strace $0x8FFFFFFF  }
0x98: {  	s18 =	sld [smem:$0x3FDB];
	_ =	sdelay $0x1  }
0x99: {  	s19 =	simm.s32 $_scs_section_size  }
0x9a: {  	s4 =	simm.s32 $_size__tile_overlayer_lowered;
	s5 =	simm.s32 $_tile_overlayer_lowered  }
0x9b: {  	s22 =	simm.s32 $0x1BFF;
	s21 =	sshll.u32 s5, $0x1;
	s2 =	sadd.s32 s19, s18  }
0x9c: {  	s6 =	simm.s32 $0x0;
	s20 =	sshll.u32 s4, $0x1;
	s4 =	sadd.s32 s21, s2  }
0x9d: {  	[timem:s6], [sflag:s22] =	dma.local [hbm:s4], s20  }
0x9e: {  	_ =	swait.ge [sflag:s22], s20  }
0x9f: {  	s3 =	ssub.s32 $0x0, s20;
	[sflag:s22] =	ssyncset.done $0x0  }
0xa0: {  	[sflag:s22] =	ssyncadd.s32 s3;
	_ =	sdelay $0x1  }
0xa1: {  	s23 =	simm.s32 $0x1B8B  }
0xa2: {  	_ =	swait.ge [sflag:s23], $0x1  }
0xa3: {  	[sflag:s23] =	ssyncset.done $0x0  }
0xa4: {  	s25 =	simm.s32 $0x1B8E;
	s24 =	sld [smem:$0x3FFE];
	[sflag:s23] =	ssyncadd.s32 $0xFFFFFFFF  }
0xa5: {  	s26 =	simm.s32 $execute0_lowered;
	[smem:$0x3FD2] =	sst s25  }
0xa6: {  	s4 =	sshll.u32 s26, $0x1;
	_ =	strace $0x80000046;
	[dreg:$0x1] =	wrdreg $0xFFFFFFFF  }
0xa7: {  	s28 =	simm.s32 $_size_execute0_lowered;
	s2 =	sadd.s32 s2, s4;
	[dreg:$0x0] =	wrdreg $0x0  }
0xa8: {  	s4 =	sshll.u32 s28, $0x1;
	[dreg:$0x2] =	wrdreg s2  }
0xa9: {  	[dreg:$0x3] =	wrdreg s4  }
0xaa: {  	[dreg:$0x4] =	wrdreg $0xC0  }
0xab: {  	_ =	task [dreg:s6], $0x5FFFF  }
0xac: {  	[dreg:$0x1] =	wrdreg $0xFFFFFFFF  }
0xad: {  	[dreg:$0x0] =	wrdreg $0x60  }
0xae: {  	[dreg:$0x2] =	wrdreg s24  }
0xaf: {  	[dreg:$0x3] =	wrdreg $0x0  }
0xb0: {  	[dreg:$0x4] =	wrdreg $0x9  }
0xb1: {  	_ =	task.clear_ibuf [dreg:s6], $0x5FFFF;
	_ =	strace $0x90000046  }
0xb2: {  	s29 =	simm.s32 $0x9;
	_ =	strace $0x80000048  }
0xb3: {  	_ =	swait.ge [sflag:s29], $0x1  }
0xb4: {  	[sflag:s29] =	ssyncadd.s32 $0xFFFFFFFF  }
0xb5: {  	_ =	strace $0x90000048  }
0xb6: {  	_ =	sfence  }
0xb7: {  	s30 =	sld [smem:$0x0];
	_ =	sdelay $0x2  }
0xb8: {  	s31 =	sshll.u32 s1, $0xD;
	s1 =	sshrl.u32 s1, $0x2  }
0xb9: {  	s3 =	sand.u32 $0x4000, s31;
	s1 =	sadd.s32 s1, s30  }
0xba: {  	s0 =	sor.u32 s3, s0;
	s1 =	sshll.u32 s1, $0x11  }
0xbb: {  	s0 =	sor.u32 s1, s0  }
0xbc: {  	s0 =	sadd.s32 $0x8F2B, s0  }
0xbd: {  	[sflag:s0] =	ssyncadd.remote.s32 $0x1  }
0xbe: {  	_ =	sfence.sel $0xFFFF  }
0xbf: {  	[dreg:$0x0] =	wrdreg $0xFFFFFFFF;
	(pc) =	sbr.abs _section_cstart, $3  }
0xc0: {  	[dreg:$0x1] =	wrdreg $0xFFFFFFFF  }
0xc1: {  	_ =	task.clear_ibuf [dreg:s6], $0x2FFFF;
	_ =	strace $0x9FFFFFFF  }
0xc2: {  	(tm) =	ssettm $0x7FFFFFFF  }
0xc3: {  	_ =	shalt  }
tec
execute0_lowered:
.L_overlay_start_1:
0x0: {  	(tag) =	ssettag $0x1  }
0x1: {  	s0 =	rddreg [dreg:$0x0]  }
0x2: {  	s2 =	rddreg [dreg:$0x1];
	s3 =	stileid.u32;
	s5 =	simm.s32 $0x0  }
0x3: {  	s24 =	srdreg.scid;
	s16 =	simm.s32 $0x80;
	s17 =	simm.s32 $0x400  }
0x4: {  	s18 =	simm.s32 $0x13900;
	s19 =	simm.s32 $0x16080;
	s20 =	simm.s32 $0x50  }
0x5: {  	s21 =	simm.s32 $0x1A080;
	s22 =	simm.s32 $0x1A180;
	s23 =	simm.s32 $0x1A100  }
0x6: {  	s29 =	simm.s32 $0x19F00;
	s30 =	simm.s32 $0x0;
	s1 =	sshrl.u32 s3, $0x3  }
0x7: {  	s4 =	sshll.u32 s3, $0x7;
	[smem:$0x7FF] =	sst s5;
	s5 =	sand.u32 $0x1, s24  }
0x8: {  	s7 =	sadd.s32 $0x18800, s0;
	s6 =	smul.u32 $0x4E000, s3;
	s8 =	sshll.u32 s3, $0xB  }
0x9: {  	s10 =	smul.u32 $0x270, s3;
	s26 =	sshll.u32 s3, $0x6;
	s15 =	sadd.s32 $0x138000, s2  }
0xa: {  	p0 =	sne.s32 s3, $0xF;
	s24 =	simm.s32 $0x1C980;
	s1 =	smul.u32 $0x13C00, s1  }
0xb: {  	s4 =	sand.u32 $0x380, s4;
	_ =	strace $0x80000047;
	s28 =	smul.u32 $0x2710, s5  }
0xc: {  	s9 =	ssub.s32 $0x2, s5;
	s11 =	sadd.s32 s8, s0;
	s12 =	smul.u32 $0x138800, s5  }
0xd: {  	s15 =	sshrl.u32 @!p0 s15, $0x3;
	s25 =	sshrl.u32 s9, $0x1;
	s6 =	sshrl.u32 s6, $0x2  }
0xe: {  	s1 =	sor.u32 s4, s1;
	s4 =	sadd.s32 $0x66A00, s0;
	s10 =	sadd.s32 s10, s28  }
0xf: {  	s13 =	ssub.s32 s9, s25;
	s14 =	sadd.s32 s6, s2;
	s31 =	sshrl.u32 s12, $0x3  }
0x10: {  	s6 =	sor.u32 $0x1C03, s26;
	s9 =	sadd.s32 $0xB800, s11;
	s25 =	simm.s32 $0x1  }
0x11: {  	s26 =	simm.s32 $0x2;
	v0 =	vmov s28;
	s28 =	simm.s32 $0x19E80;
	s1 =	sshrl.u32 s1, $0x3  }
0x12: {  	s10 =	sshll.u32 s10, $0x4;
	s12 =	sadd.s32 $0x27000, s31;
	s1 =	sadd.s32 s1, s0  }
0x13: {  	s0 =	sadd.s32 $0xB4C00, s0;
	s5 =	sadd.s32 s7, s10;
	s7 =	sadd.s32 s7, s12  }
0x14: {  	s8 =	sadd.s32 $0x13800, s1;
	s10 =	sadd.s32 s0, s10;
	s11 =	sadd.s32 s0, s12  }
0x15: {  	s12 =	smax.u32 s13, $0x1;
	s13 =	sshrl.u32 s14, $0x3;
	s14 =	simm.s32 $0x3  }
.LBB2_1:
0x16: {  	[spmem:s13], [sflag:s6] =	dma.local [hbm:s5], $0x2700  }
0x17: {  	_ =	swait.ge [sflag:s14], $0x2700  }
0x18: {  	[sflag:s14] =	ssyncset.done $0x0  }
0x19: {  	s0 =	simm.s32 @!p0 $0x3;
	[sflag:s14] =	ssyncadd.s32 $0xFFFFD900  }
0x1a: {  	[spmem:s15], [sflag:s6] =	dma.local @!p0 [hbm:s7], $0x100  }
0x1b: {  	_ =	swait.ge @!p0 [sflag:s0], $0x100  }
0x1c: {  	[sflag:s0] =	ssyncset.done @!p0 $0x0  }
0x1d: {  	[sflag:s0] =	ssyncadd.s32 @!p0 $0xFFFFFF00  }
0x1e: {  	[tilespmem:s18], [sflag:$0x3] =	stream.strided.gather [hbm4b:s8+s16], $0x2780, s17, s16, $0x38;
	[tilespmem:$0x1F180] =	vst v63  }
0x1f: {  	_ =	swait.ge [sflag:s14], $0x2780  }
0x20: {  	[sflag:s14] =	ssyncset.done $0x0  }
0x21: {  	s3 =	simm.s32 $0x0;
	[sflag:s14] =	ssyncadd.s32 $0xFFFFD880  }
0x22: {  	[tilespmem:s19], [sflag:$0x3] =	stream.linear.gather [hbm4b:s9+s3], $0x3F00, $0x38;
	[tilespmem:$0x1F180] =	vst v63  }
0x23: {  	_ =	swait.ge [sflag:s14], $0x3F00  }
0x24: {  	[sflag:s14] =	ssyncset.done $0x0  }
0x25: {  	[sflag:s14] =	ssyncadd.s32 $0xFFFFC100  }
0x26: {  	[bflag:$0x0] =	sbarrier.arrive $0xFFFF  }
0x27: {  	v1 =	vld [tilespmem:$0x13900]  }
0x28: {  	v2 =	vld [tilespmem:$0x13910]  }
0x29: {  	v3 =	vld [tilespmem:$0x13920]  }
0x2a: {  	v4 =	vld [tilespmem:$0x13930]  }
0x2b: {  	v5 =	vld [tilespmem:$0x13940]  }
0x2c: {  	v1 =	vadd.s32 v0, v1  }
0x2d: {  	[tilespmem:$0x1A080] =	vst v1;
	v1 =	vadd.s32 v0, v2  }
0x2e: {  	[tilespmem:$0x1A090] =	vst v1;
	v1 =	vadd.s32 v0, v3  }
0x2f: {  	[tilespmem:$0x1A0A0] =	vst v1;
	v1 =	vadd.s32 v0, v4  }
0x30: {  	[tilespmem:$0x1A0B0] =	vst v1;
	v1 =	vadd.s32 v0, v5  }
0x31: {  	s31 =	simm.s32 $0x13970;
	[tilespmem:$0x1A0C0] =	vst v1  }
0x32: {  	[tilespmem:s22], [sflag:$0x1] =	stream.indirect.gather [hbm4b:s4+s20], $0x80, s21, s20, $0xb8;
	[tilespmem:$0x1F180] =	vst v63  }
0x33: {  	v1 =	vld [tilespmem:s31+$0xFFFFFFE0];
	_ =	sdelay $0x4  }
0x34: {  	v1 =	vadd.s32 v0, v1  }
0x35: {  	[tilespmem:$0x1A100] =	vst v1  }
0x36: {  	v1 =	vld [tilespmem:s31+$0xFFFFFFF0];
	_ =	sdelay $0x4  }
0x37: {  	v1 =	vadd.s32 v0, v1  }
0x38: {  	[tilespmem:$0x1A110] =	vst v1  }
0x39: {  	v1 =	vld [tilespmem:s31+$0x0];
	_ =	sdelay $0x4  }
0x3a: {  	v1 =	vadd.s32 v0, v1  }
0x3b: {  	[tilespmem:$0x1A120] =	vst v1  }
0x3c: {  	v1 =	vld [tilespmem:s31+$0x10];
	_ =	sdelay $0x4  }
0x3d: {  	v1 =	vadd.s32 v0, v1  }
0x3e: {  	[tilespmem:$0x1A130] =	vst v1  }
0x3f: {  	v1 =	vld [tilespmem:s31+$0x20];
	_ =	sdelay $0x4  }
0x40: {  	v1 =	vadd.s32 v0, v1  }
0x41: {  	[tilespmem:$0x1A140] =	vst v1  }
0x42: {  	[tilespmem:s24], [sflag:$0x2] =	stream.indirect.gather [hbm4b:s4+s20], $0x80, s23, s20, $0xb8;
	[tilespmem:$0x1F180] =	vst v63  }
0x43: {  	_ =	swait.ge [sflag:s25], $0x2800  }
0x44: {  	[sflag:s25] =	ssyncset.done $0x0  }
0x45: {  	s1 =	simm.s32 $0x16080;
	[sflag:s25] =	ssyncadd.s32 $0xFFFFD800  }
0x46: {  	[spmem:s2] =	stream.indirect.scatter.add.f32 [tilespmem:s22], [sflag:$0x3], $0x80, s1, s20, $0xb8;
	[tilespmem:$0x1F180] =	vst v63  }
0x47: {  	_ =	swait.ge [sflag:s14], $0x2800  }
0x48: {  	[sflag:s14] =	ssyncset.done $0x0  }
0x49: {  	[sflag:s14] =	ssyncadd.s32 $0xFFFFD800  }
0x4a: {  	v1 =	vld [tilespmem:s31+$0x30];
	_ =	sdelay $0x4  }
0x4b: {  	v1 =	vadd.s32 v0, v1  }
0x4c: {  	[tilespmem:$0x1A080] =	vst v1  }
0x4d: {  	v1 =	vld [tilespmem:s31+$0x40];
	_ =	sdelay $0x4  }
0x4e: {  	v1 =	vadd.s32 v0, v1  }
0x4f: {  	[tilespmem:$0x1A090] =	vst v1  }
0x50: {  	v1 =	vld [tilespmem:s31+$0x50];
	_ =	sdelay $0x4  }
0x51: {  	v1 =	vadd.s32 v0, v1  }
0x52: {  	[tilespmem:$0x1A0A0] =	vst v1  }
0x53: {  	v1 =	vld [tilespmem:s31+$0x60];
	_ =	sdelay $0x4  }
0x54: {  	v1 =	vadd.s32 v0, v1  }
0x55: {  	[tilespmem:$0x1A0B0] =	vst v1  }
0x56: {  	v1 =	vld [tilespmem:s31+$0x70];
	_ =	sdelay $0x4  }
0x57: {  	v1 =	vadd.s32 v0, v1  }
0x58: {  	[tilespmem:$0x1A0C0] =	vst v1  }
0x59: {  	[tilespmem:s22], [sflag:$0x1] =	stream.indirect.gather [hbm4b:s4+s20], $0x80, s21, s20, $0xb8;
	[tilespmem:$0x1F180] =	vst v63  }
0x5a: {  	_ =	swait.ge [sflag:s26], $0x2800  }
0x5b: {  	[sflag:s26] =	ssyncset.done $0x0  }
0x5c: {  	s3 =	simm.s32 $0x16100;
	[sflag:s26] =	ssyncadd.s32 $0xFFFFD800  }
0x5d: {  	[spmem:s2] =	stream.indirect.scatter.add.f32 [tilespmem:s24], [sflag:$0x3], $0x80, s3, s20, $0xb8;
	[tilespmem:$0x1F180] =	vst v63  }
0x5e: {  	_ =	swait.ge [sflag:s14], $0x2800  }
0x5f: {  	s0 =	simm.s32 $0x400;
	[sflag:s14] =	ssyncset.done $0x0  }
.LBB2_2:
0x60: {  	p1 =	sne.s32 s0, $0xF400;
	[sflag:s14] =	ssyncadd.s32 $0xFFFFD800;
	s31 =	sadd.s32 $0xA0, s31  }
0x61: {  	s1 =	smov.u32 s0;
	s0 =	sadd.s32 $0x400, s0;
	v1 =	vld [tilespmem:s31+$0xFFFFFFE0];
	_ =	sdelay $0x4  }
0x62: {  	v1 =	vadd.s32 v0, v1  }
0x63: {  	[tilespmem:$0x1A100] =	vst v1  }
0x64: {  	v1 =	vld [tilespmem:s31+$0xFFFFFFF0];
	_ =	sdelay $0x4  }
0x65: {  	v1 =	vadd.s32 v0, v1  }
0x66: {  	[tilespmem:$0x1A110] =	vst v1  }
0x67: {  	v1 =	vld [tilespmem:s31+$0x0];
	_ =	sdelay $0x4  }
0x68: {  	v1 =	vadd.s32 v0, v1  }
0x69: {  	[tilespmem:$0x1A120] =	vst v1  }
0x6a: {  	v1 =	vld [tilespmem:s31+$0x10];
	_ =	sdelay $0x4  }
0x6b: {  	v1 =	vadd.s32 v0, v1  }
0x6c: {  	[tilespmem:$0x1A130] =	vst v1  }
0x6d: {  	v1 =	vld [tilespmem:s31+$0x20];
	_ =	sdelay $0x4  }
0x6e: {  	v1 =	vadd.s32 v0, v1  }
0x6f: {  	[tilespmem:$0x1A140] =	vst v1  }
0x70: {  	[tilespmem:s24], [sflag:$0x2] =	stream.indirect.gather [hbm4b:s4+s20], $0x80, s23, s20, $0xb8;
	[tilespmem:$0x1F180] =	vst v63  }
0x71: {  	_ =	swait.ge [sflag:s25], $0x2800  }
0x72: {  	s1 =	sshra.s32 s1, $0x2;
	[sflag:s25] =	ssyncset.done $0x0  }
0x73: {  	s3 =	sadd.s32 $0x16080, s1;
	[sflag:s25] =	ssyncadd.s32 $0xFFFFD800  }
0x74: {  	[spmem:s2] =	stream.indirect.scatter.add.f32 [tilespmem:s22], [sflag:$0x3], $0x80, s3, s20, $0xb8;
	[tilespmem:$0x1F180] =	vst v63  }
0x75: {  	_ =	swait.ge [sflag:s14], $0x2800  }
0x76: {  	[sflag:s14] =	ssyncset.done $0x0  }
0x77: {  	[sflag:s14] =	ssyncadd.s32 $0xFFFFD800  }
0x78: {  	v1 =	vld [tilespmem:s31+$0x30];
	_ =	sdelay $0x4  }
0x79: {  	v1 =	vadd.s32 v0, v1  }
0x7a: {  	[tilespmem:$0x1A080] =	vst v1  }
0x7b: {  	v1 =	vld [tilespmem:s31+$0x40];
	_ =	sdelay $0x4  }
0x7c: {  	v1 =	vadd.s32 v0, v1  }
0x7d: {  	[tilespmem:$0x1A090] =	vst v1  }
0x7e: {  	v1 =	vld [tilespmem:s31+$0x50];
	_ =	sdelay $0x4  }
0x7f: {  	v1 =	vadd.s32 v0, v1  }
0x80: {  	[tilespmem:$0x1A0A0] =	vst v1  }
0x81: {  	v1 =	vld [tilespmem:s31+$0x60];
	_ =	sdelay $0x4  }
0x82: {  	v1 =	vadd.s32 v0, v1  }
0x83: {  	[tilespmem:$0x1A0B0] =	vst v1  }
0x84: {  	v1 =	vld [tilespmem:s31+$0x70];
	_ =	sdelay $0x4  }
0x85: {  	v1 =	vadd.s32 v0, v1  }
0x86: {  	[tilespmem:$0x1A0C0] =	vst v1  }
0x87: {  	[tilespmem:s22], [sflag:$0x1] =	stream.indirect.gather [hbm4b:s4+s20], $0x80, s21, s20, $0xb8;
	[tilespmem:$0x1F180] =	vst v63  }
0x88: {  	_ =	swait.ge [sflag:s26], $0x2800  }
.Ltmp0:
0x89: {  	[sflag:s26] =	ssyncset.done $0x0;
	(pc) =	sbr.rel @p1 .LBB2_2-.Ltmp0, $4  }
0x8a: {  	s1 =	sadd.s32 $0x16100, s1;
	[sflag:s26] =	ssyncadd.s32 $0xFFFFD800  }
0x8b: {  	[spmem:s2] =	stream.indirect.scatter.add.f32 [tilespmem:s24], [sflag:$0x3], $0x80, s1, s20, $0xb8;
	[tilespmem:$0x1F180] =	vst v63  }
0x8c: {  	_ =	swait.ge [sflag:s14], $0x2800  }
0x8d: {  	[sflag:s14] =	ssyncset.done $0x0  }
0x8e: {  	[sflag:s14] =	ssyncadd.s32 $0xFFFFD800  }
0x8f: {  	v1 =	vld [tilespmem:$0x16010]  }
0x90: {  	v2 =	vld [tilespmem:$0x16020]  }
0x91: {  	v3 =	vld [tilespmem:$0x16030]  }
0x92: {  	v4 =	vld [tilespmem:$0x16040]  }
0x93: {  	v5 =	vld [tilespmem:$0x16050]  }
0x94: {  	v1 =	vadd.s32 v0, v1  }
0x95: {  	[tilespmem:$0x1A100] =	vst v1;
	v1 =	vadd.s32 v0, v2  }
0x96: {  	[tilespmem:$0x1A110] =	vst v1;
	v1 =	vadd.s32 v0, v3  }
0x97: {  	[tilespmem:$0x1A120] =	vst v1;
	v1 =	vadd.s32 v0, v4  }
0x98: {  	[tilespmem:$0x1A130] =	vst v1;
	v1 =	vadd.s32 v0, v5  }
0x99: {  	[tilespmem:$0x1A140] =	vst v1  }
0x9a: {  	[tilespmem:s24], [sflag:$0x2] =	stream.indirect.gather [hbm4b:s4+s20], $0x80, s23, s20, $0xb8;
	[tilespmem:$0x1F180] =	vst v63  }
0x9b: {  	_ =	swait.ge [sflag:s25], $0x2800  }
0x9c: {  	[sflag:s25] =	ssyncset.done $0x0  }
0x9d: {  	[sflag:s25] =	ssyncadd.s32 $0xFFFFD800  }
0x9e: {  	[spmem:s2] =	stream.indirect.scatter.add.f32 [tilespmem:s22], [sflag:$0x3], $0x80, s28, s20, $0xb8;
	[tilespmem:$0x1F180] =	vst v63  }
0x9f: {  	_ =	swait.ge [sflag:s14], $0x2800  }
0xa0: {  	[sflag:s14] =	ssyncset.done $0x0  }
0xa1: {  	[sflag:s14] =	ssyncadd.s32 $0xFFFFD800  }
0xa2: {  	_ =	swait.ge [sflag:s26], $0x2800  }
0xa3: {  	[sflag:s26] =	ssyncset.done $0x0  }
0xa4: {  	[sflag:s26] =	ssyncadd.s32 $0xFFFFD800  }
0xa5: {  	[spmem:s2] =	stream.indirect.scatter.add.f32 [tilespmem:s24], [sflag:$0x3], $0x80, s29, s20, $0xb8;
	[tilespmem:$0x1F180] =	vst v63  }
0xa6: {  	_ =	swait.ge [sflag:s14], $0x2800  }
0xa7: {  	[sflag:s14] =	ssyncset.done $0x0  }
0xa8: {  	[sflag:s14] =	ssyncadd.s32 $0xFFFFD800  }
0xa9: {  	[bflag:$0x0] =	sbarrier.arrive $0xFFFF  }
0xaa: {  	[hbm:s10], [sflag:s6] =	dma.local [spmem:s13], $0x2700  }
0xab: {  	s30 =	sadd.s32 $0x1, s30;
	_ =	swait.ge [sflag:s14], $0x2700  }
0xac: {  	p1 =	sne.s32 s30, s12;
	[sflag:s14] =	ssyncset.done $0x0  }
.Ltmp1:
0xad: {  	s0 =	simm.s32 @!p0 $0x3;
	[sflag:s14] =	ssyncadd.s32 $0xFFFFD900;
	(pc) =	sbr.rel @p1 .LBB2_1-.Ltmp1, $4  }
0xae: {  	[hbm:s11], [sflag:s6] =	dma.local @!p0 [spmem:s15], $0x100  }
0xaf: {  	_ =	swait.ge @!p0 [sflag:s0], $0x100  }
0xb0: {  	[sflag:s0] =	ssyncset.done @!p0 $0x0  }
0xb1: {  	[sflag:s0] =	ssyncadd.s32 @!p0 $0xFFFFFF00  }
0xb2: {  	_ =	sfence.sel $0x180000  }
0xb3: {  	[bflag:$0x0] =	sbarrier.arrive $0xFFFF  }
0xb4: {  	_ =	strace $0x90000047  }
0xb5: {  	s0 =	stileid.u32;
	[bflag:$0x2] =	sbarrier.arrive $0xFFFF  }
0xb6: {  	p0 =	sne.s32 s0, $0x0;
	s0 =	rddreg [dreg:$0x2]  }
0xb7: {  	s0 =	sadd.s32 @!p0 $0x100000, s0  }
0xb8: {  	[sflag:s0] =	ssyncadd.tile.s32 @!p0 $0x1;
	_ =	shalt  }
.Lfunc_end2:
_tile_overlayer_lowered:
.L_overlay_start_2:
0xb9: {  	(tag) =	ssettag $0x2  }
0xba: {  	s0 =	rddreg [dreg:$0x0];
	s2 =	stileid.u32  }
0xbb: {  	s1 =	rddreg [dreg:$0x1];
	p0 =	sne.s32 s2, $0x0  }
0xbc: {  	s3 =	rddreg [dreg:$0x2];
	[bflag:$0x3] =	sbarrier.arrive $0xFFFF;
	s2 =	simm.s32 @!p0 $0x1C03  }
0xbd: {  	[timem:s3], [sflag:s2] =	dma.local @!p0 [hbm:s0], s1  }
0xbe: {  	s0 =	simm.s32 @!p0 $0x3  }
0xbf: {  	_ =	swait.ge @!p0 [sflag:s0], s1  }
0xc0: {  	s1 =	ssub.s32 @!p0 $0x0, s1;
	[sflag:s0] =	ssyncset.done @!p0 $0x0  }
0xc1: {  	[sflag:s0] =	ssyncadd.s32 @!p0 s1  }
0xc2: {  	[bflag:$0x3] =	sbarrier.arrive $0xFFFF  }
0xc3: {  	_ =	shalt  }

// kernel: kernel.25.cloned.1.call-start
scs
__scs_entry_jumppad:
0x0: {  	(pc) =	sbr.rel $0x88, $3  }
0x1: {  	(tag) =	ssettag $0x0;
	lr =	simm.s32 $0x1  }
0x2: {  	[smem:$0x3F70] =	sst lr;
	_ =	strace $0xD0000000  }
0x3: {  	_ = 	snop  }
0x4: {  	_ = 	snop  }
0x5: {  	_ = 	snop  }
0x6: {  	_ = 	snop  }
0x7: {  	_ = 	snop  }
__scs_overlays_trampoline_lowered:
0x8: {  	[smem:$0x3F7F] =	sst s0  }
0x9: {  	[smem:$0x3F80] =	sst s1  }
0xa: {  	[smem:$0x3F81] =	sst s2  }
0xb: {  	[smem:$0x3F82] =	sst s3  }
0xc: {  	[smem:$0x3F83] =	sst s4  }
0xd: {  	[smem:$0x3F84] =	sst s5  }
0xe: {  	[smem:$0x3F85] =	sst s6  }
0xf: {  	[smem:$0x3F86] =	sst s7  }
0x10: {  	[smem:$0x3F87] =	sst s8  }
0x11: {  	[smem:$0x3F88] =	sst s9;
	s0 =	simm.s32 @!p0 $0x0  }
0x12: {  	s1 =	sld [smem:$0x3F6E];
	s0 =	simm.s32 @p0 $0x1  }
0x13: {  	[smem:$0x3F89] =	sst s0;
	s0 =	simm.s32 @!p1 $0x0  }
0x14: {  	s2 =	sld [smem:$0x3F6D];
	s0 =	simm.s32 @p1 $0x1  }
0x15: {  	[smem:$0x3F8A] =	sst s0;
	s0 =	simm.s32 @!p2 $0x0  }
0x16: {  	s3 =	sld [smem:$0x3FDB];
	s0 =	simm.s32 @p2 $0x1  }
0x17: {  	s4 =	simm.s32 $0x1BF5;
	[smem:$0x3F8C] =	sst s0  }
0x18: {  	s0 =	sld [smem:$0x3F6F];
	_ =	swait.ge [sflag:s4], $0x0  }
0x19: {  	s7 =	sld [smem:$0x3F70]  }
0x1a: {  	s8 =	sadd.s32 $0xFFFFE003, lr  }
0x1b: {  	s9 =	sadd.s32 $0xFFFFFEF7, lr;
	s5 =	simm.s32 $0xFFFFFFFF;
	p2 =	slt.u32 s8, $0xFFFFF086  }
0x1c: {  	p1 =	slt.u32 s9, $0xF7A;
	s5 =	simm.s32 @!p2 $0x0  }
0x1d: {  	s5 =	simm.s32 @p1 $0x1;
	p0 =	seq.s32 s7, s2  }
0x1e: {  	s7 =	smul.u32 @!p0 $0xF7A, s2;
	p2 =	seq.s32 @!p0 s5, $0x0  }
0x1f: {  	s9 =	smul.u32 $0xF7A, s1;
	s8 =	simm.s32 @!p0 $0x1BF5;
	p2 =	por !p2, p0  }
0x20: {  	[sflag:s8] =	ssyncset.s32 @!p0 $0xFFFFF086;
	s6 =	sadd.s32 @!p0 s3, s7;
	s7 =	simm.s32 @!p0 $0x108  }
0x21: {  	s3 =	sadd.s32 s3, s9;
	s6 =	sadd.s32 @!p0 $0x88, s6;
	s7 =	simm.s32 @p2 $0x1082  }
0x22: {  	[simem:s7], [sflag:s8] =	dma.local @!p0 [hbm:s6], $0xF7A  }
0x23: {  	s9 =	sor.u32 $0xD0000000, s2;
	s6 =	simm.s32 $0x108;
	_ =	swait.ge @!p0 [sflag:s8], $0x0  }
0x24: {  	s3 =	sadd.s32 $0x88, s3;
	s6 =	simm.s32 @!p1 $0x1082;
	[sflag:s4] =	ssyncset.s32 $0xFFFFF086  }
0x25: {  	[simem:s6], [sflag:s4] =	dma.local [hbm:s3], $0xF7A  }
0x26: {  	[smem:$0x3F70] =	sst s1;
	(tag) =	ssettag s2;
	_ =	strace s9  }
0x27: {  	s1 =	sld [smem:$0x3F80]  }
0x28: {  	s2 =	sld [smem:$0x3F81]  }
0x29: {  	s4 =	sld [smem:$0x3F83]  }
0x2a: {  	p0 =	seq.s32 s5, $0x0;
	s5 =	sld [smem:$0x3F84]  }
0x2b: {  	s6 =	sld [smem:$0x3F85]  }
0x2c: {  	s7 =	sld [smem:$0x3F86]  }
0x2d: {  	s3 =	simm.s32 $0x108;
	s8 =	sld [smem:$0x3F87]  }
0x2e: {  	s3 =	simm.s32 @!p0 $0x1082;
	s9 =	sld [smem:$0x3F88]  }
0x2f: {  	lr =	sadd.s32 s0, s3;
	s0 =	sld [smem:$0x3F7F]  }
0x30: {  	s3 =	sld [smem:$0x3F82]  }
0x31: {  	[smem:$0x3F8B] =	sst s10  }
0x32: {  	s10 =	sld [smem:$0x3F89];
	_ =	sdelay $0x3  }
0x33: {  	p0 =	seq.s32 s10, $0x1;
	s10 =	sld [smem:$0x3F8B];
	_ =	sdelay $0x3  }
0x34: {  	[smem:$0x3F8B] =	sst s10  }
0x35: {  	s10 =	sld [smem:$0x3F8A];
	_ =	sdelay $0x3  }
0x36: {  	p1 =	seq.s32 s10, $0x1;
	s10 =	sld [smem:$0x3F8B];
	_ =	sdelay $0x3  }
0x37: {  	[smem:$0x3F8B] =	sst s10  }
0x38: {  	s10 =	sld [smem:$0x3F8C]  }
0x39: {  	_ = 	snop;
	(pc) =	sbr.ind lr, $3  }
0x3a: {  	_ = 	snop  }
0x3b: {  	_ = 	snop  }
0x3c: {  	p2 =	seq.s32 s10, $0x1;
	s10 =	sld [smem:$0x3F8B]  }
0x3d: {  	_ =	shalt  }
0x3e: {  	_ =	shalt  }
0x3f: {  	_ =	shalt  }
0x40: {  	_ =	shalt  }
0x41: {  	_ =	shalt  }
0x42: {  	_ =	shalt  }
0x43: {  	_ =	shalt  }
0x44: {  	_ =	shalt  }
0x45: {  	_ =	shalt  }
0x46: {  	_ =	shalt  }
0x47: {  	_ =	shalt  }
0x48: {  	_ =	shalt  }
0x49: {  	_ =	shalt  }
0x4a: {  	_ =	shalt  }
0x4b: {  	_ =	shalt  }
0x4c: {  	_ =	shalt  }
0x4d: {  	_ =	shalt  }
0x4e: {  	_ =	shalt  }
0x4f: {  	_ =	shalt  }
0x50: {  	_ =	shalt  }
0x51: {  	_ =	shalt  }
0x52: {  	_ =	shalt  }
0x53: {  	_ =	shalt  }
0x54: {  	_ =	shalt  }
0x55: {  	_ =	shalt  }
0x56: {  	_ =	shalt  }
0x57: {  	_ =	shalt  }
0x58: {  	_ =	shalt  }
0x59: {  	_ =	shalt  }
0x5a: {  	_ =	shalt  }
0x5b: {  	_ =	shalt  }
0x5c: {  	_ =	shalt  }
0x5d: {  	_ =	shalt  }
0x5e: {  	_ =	shalt  }
0x5f: {  	_ =	shalt  }
0x60: {  	_ =	shalt  }
0x61: {  	_ =	shalt  }
0x62: {  	_ =	shalt  }
0x63: {  	_ =	shalt  }
0x64: {  	_ =	shalt  }
0x65: {  	_ =	shalt  }
0x66: {  	_ =	shalt  }
0x67: {  	_ =	shalt  }
0x68: {  	_ =	shalt  }
0x69: {  	_ =	shalt  }
0x6a: {  	_ =	shalt  }
0x6b: {  	_ =	shalt  }
0x6c: {  	_ =	shalt  }
0x6d: {  	_ =	shalt  }
0x6e: {  	_ =	shalt  }
0x6f: {  	_ =	shalt  }
0x70: {  	_ =	shalt  }
0x71: {  	_ =	shalt  }
0x72: {  	_ =	shalt  }
0x73: {  	_ =	shalt  }
0x74: {  	_ =	shalt  }
0x75: {  	_ =	shalt  }
0x76: {  	_ =	shalt  }
0x77: {  	_ =	shalt  }
0x78: {  	_ =	shalt  }
0x79: {  	_ =	shalt  }
0x7a: {  	_ =	shalt  }
0x7b: {  	_ =	shalt  }
0x7c: {  	_ =	shalt  }
0x7d: {  	_ =	shalt  }
0x7e: {  	_ =	shalt  }
0x7f: {  	_ =	shalt  }
0x80: {  	_ =	shalt  }
0x81: {  	_ =	shalt  }
0x82: {  	_ =	shalt  }
0x83: {  	_ =	shalt  }
0x84: {  	_ =	shalt  }
0x85: {  	_ =	shalt  }
0x86: {  	_ =	shalt  }
0x87: {  	_ =	shalt  }
.Lfunc_end0:
.L_simem_size_0:
called_computation.1_lowered:
.L_overlay_start_0:
0x88: {  	s2 =	sld [smem:$0x3FD9]  }
0x89: {  	s3 =	sld [smem:$0x3FFE];
	_ =	sdelay $0x1  }
0x8a: {  	s1 =	srdreg.scid  }
0x8b: {  	s0 =	sand.u32 $0x1, s1  }
0x8c: {  	s16 =	sshll.u32 s0, $0xA;
	s2 =	sadd.s32 s3, s2  }
0x8d: {  	s2 =	sadd.s32 s2, s16  }
0x8e: {  	[smem:$0x3F97] =	sst s2  }
0x8f: {  	_ = 	snop  }
0x90: {  	(tm) =	ssettm $0x1  }
0x91: {  	s17 =	sld [smem:$0x3FFB];
	_ =	sdelay $0x3  }
0x92: {  	_ =	strace s17  }
0x93: {  	s2 =	sld [smem:$0x3FFC];
	_ =	sdelay $0x3  }
0x94: {  	_ =	strace s2  }
0x95: {  	s2 =	sld [smem:$0x3FFD];
	_ =	sdelay $0x3  }
0x96: {  	_ =	strace s2  }
0x97: {  	_ =	strace $0x8FFFFFFF  }
0x98: {  	s18 =	sld [smem:$0x3FDB];
	_ =	sdelay $0x1  }
0x99: {  	s19 =	simm.s32 $_scs_section_size  }
0x9a: {  	s4 =	simm.s32 $_size__tile_overlayer_lowered;
	s5 =	simm.s32 $_tile_overlayer_lowered  }
0x9b: {  	s22 =	simm.s32 $0x1BFF;
	s21 =	sshll.u32 s5, $0x1;
	s2 =	sadd.s32 s19, s18  }
0x9c: {  	s6 =	simm.s32 $0x0;
	s20 =	sshll.u32 s4, $0x1;
	s4 =	sadd.s32 s21, s2  }
0x9d: {  	[timem:s6], [sflag:s22] =	dma.local [hbm:s4], s20  }
0x9e: {  	_ =	swait.ge [sflag:s22], s20  }
0x9f: {  	s3 =	ssub.s32 $0x0, s20;
	[sflag:s22] =	ssyncset.done $0x0  }
0xa0: {  	[sflag:s22] =	ssyncadd.s32 s3;
	_ =	sdelay $0x1  }
0xa1: {  	s23 =	simm.s32 $0x1B8B  }
0xa2: {  	_ =	swait.ge [sflag:s23], $0x1  }
0xa3: {  	[sflag:s23] =	ssyncset.done $0x0  }
0xa4: {  	s25 =	simm.s32 $0x1B8E;
	s24 =	sld [smem:$0x3FFE];
	[sflag:s23] =	ssyncadd.s32 $0xFFFFFFFF  }
0xa5: {  	s26 =	simm.s32 $execute0_lowered;
	[smem:$0x3FD2] =	sst s25  }
0xa6: {  	s4 =	sshll.u32 s26, $0x1;
	_ =	strace $0x80000049;
	[dreg:$0x1] =	wrdreg $0xFFFFFFFF  }
0xa7: {  	s28 =	simm.s32 $_size_execute0_lowered;
	s2 =	sadd.s32 s2, s4;
	[dreg:$0x0] =	wrdreg $0x0  }
0xa8: {  	s4 =	sshll.u32 s28, $0x1;
	[dreg:$0x2] =	wrdreg s2  }
0xa9: {  	[dreg:$0x3] =	wrdreg s4  }
0xaa: {  	[dreg:$0x4] =	wrdreg $0xC0  }
0xab: {  	_ =	task [dreg:s6], $0x5FFFF  }
0xac: {  	[dreg:$0x1] =	wrdreg $0xFFFFFFFF  }
0xad: {  	[dreg:$0x0] =	wrdreg $0x60  }
0xae: {  	[dreg:$0x2] =	wrdreg s24  }
0xaf: {  	[dreg:$0x3] =	wrdreg $0x0  }
0xb0: {  	[dreg:$0x4] =	wrdreg $0x9  }
0xb1: {  	_ =	task.clear_ibuf [dreg:s6], $0x5FFFF;
	_ =	strace $0x90000049  }
0xb2: {  	s29 =	simm.s32 $0x9;
	_ =	strace $0x8000004B  }
0xb3: {  	_ =	swait.ge [sflag:s29], $0x1  }
0xb4: {  	[sflag:s29] =	ssyncadd.s32 $0xFFFFFFFF  }
0xb5: {  	_ =	strace $0x9000004B  }
0xb6: {  	_ =	sfence  }
0xb7: {  	s30 =	sld [smem:$0x0];
	_ =	sdelay $0x2  }
0xb8: {  	s31 =	sshll.u32 s1, $0xD;
	s1 =	sshrl.u32 s1, $0x2  }
0xb9: {  	s3 =	sand.u32 $0x4000, s31;
	s1 =	sadd.s32 s1, s30  }
0xba: {  	s0 =	sor.u32 s3, s0;
	s1 =	sshll.u32 s1, $0x11  }
0xbb: {  	s0 =	sor.u32 s1, s0  }
0xbc: {  	s0 =	sadd.s32 $0x8F2B, s0  }
0xbd: {  	[sflag:s0] =	ssyncadd.remote.s32 $0x1  }
0xbe: {  	_ =	sfence.sel $0xFFFF  }
0xbf: {  	[dreg:$0x0] =	wrdreg $0xFFFFFFFF;
	(pc) =	sbr.abs _section_cstart, $3  }
0xc0: {  	[dreg:$0x1] =	wrdreg $0xFFFFFFFF  }
0xc1: {  	_ =	task.clear_ibuf [dreg:s6], $0x2FFFF;
	_ =	strace $0x9FFFFFFF  }
0xc2: {  	(tm) =	ssettm $0x7FFFFFFF  }
0xc3: {  	_ =	shalt  }
tec
execute0_lowered:
.L_overlay_start_1:
0x0: {  	(tag) =	ssettag $0x1  }
0x1: {  	s0 =	rddreg [dreg:$0x0]  }
0x2: {  	s2 =	rddreg [dreg:$0x1];
	s3 =	stileid.u32;
	s5 =	simm.s32 $0x0  }
0x3: {  	s24 =	srdreg.scid;
	s16 =	simm.s32 $0x80;
	s17 =	simm.s32 $0x400  }
0x4: {  	s18 =	simm.s32 $0x13900;
	s19 =	simm.s32 $0x16080;
	s20 =	simm.s32 $0x50  }
0x5: {  	s21 =	simm.s32 $0x1A080;
	s22 =	simm.s32 $0x1A180;
	s23 =	simm.s32 $0x1A100  }
0x6: {  	s29 =	simm.s32 $0x19F00;
	s30 =	simm.s32 $0x0;
	s1 =	sshrl.u32 s3, $0x3  }
0x7: {  	s4 =	sshll.u32 s3, $0x7;
	[smem:$0x7FF] =	sst s5;
	s5 =	sand.u32 $0x1, s24  }
0x8: {  	s7 =	sadd.s32 $0x18800, s0;
	s6 =	smul.u32 $0x4E000, s3;
	s8 =	sshll.u32 s3, $0xB  }
0x9: {  	s10 =	smul.u32 $0x270, s3;
	s26 =	sshll.u32 s3, $0x6;
	s15 =	sadd.s32 $0x138000, s2  }
0xa: {  	p0 =	sne.s32 s3, $0xF;
	s24 =	simm.s32 $0x1C980;
	s1 =	smul.u32 $0x13C00, s1  }
0xb: {  	s4 =	sand.u32 $0x380, s4;
	_ =	strace $0x8000004A;
	s28 =	smul.u32 $0x2710, s5  }
0xc: {  	s9 =	ssub.s32 $0x2, s5;
	s11 =	sadd.s32 s8, s0;
	s12 =	smul.u32 $0x138800, s5  }
0xd: {  	s15 =	sshrl.u32 @!p0 s15, $0x3;
	s25 =	sshrl.u32 s9, $0x1;
	s6 =	sshrl.u32 s6, $0x2  }
0xe: {  	s1 =	sor.u32 s4, s1;
	s4 =	sadd.s32 $0x66A00, s0;
	s10 =	sadd.s32 s10, s28  }
0xf: {  	s13 =	ssub.s32 s9, s25;
	s14 =	sadd.s32 s6, s2;
	s31 =	sshrl.u32 s12, $0x3  }
0x10: {  	s6 =	sor.u32 $0x1C03, s26;
	s9 =	sadd.s32 $0xB800, s11;
	s25 =	simm.s32 $0x1  }
0x11: {  	s26 =	simm.s32 $0x2;
	v0 =	vmov s28;
	s28 =	simm.s32 $0x19E80;
	s1 =	sshrl.u32 s1, $0x3  }
0x12: {  	s10 =	sshll.u32 s10, $0x4;
	s12 =	sadd.s32 $0x27000, s31;
	s1 =	sadd.s32 s1, s0  }
0x13: {  	s0 =	sadd.s32 $0x102E00, s0;
	s5 =	sadd.s32 s7, s10;
	s7 =	sadd.s32 s7, s12  }
0x14: {  	s8 =	sadd.s32 $0x13800, s1;
	s10 =	sadd.s32 s0, s10;
	s11 =	sadd.s32 s0, s12  }
0x15: {  	s12 =	smax.u32 s13, $0x1;
	s13 =	sshrl.u32 s14, $0x3;
	s14 =	simm.s32 $0x3  }
.LBB2_1:
0x16: {  	[spmem:s13], [sflag:s6] =	dma.local [hbm:s5], $0x2700  }
0x17: {  	_ =	swait.ge [sflag:s14], $0x2700  }
0x18: {  	[sflag:s14] =	ssyncset.done $0x0  }
0x19: {  	s0 =	simm.s32 @!p0 $0x3;
	[sflag:s14] =	ssyncadd.s32 $0xFFFFD900  }
0x1a: {  	[spmem:s15], [sflag:s6] =	dma.local @!p0 [hbm:s7], $0x100  }
0x1b: {  	_ =	swait.ge @!p0 [sflag:s0], $0x100  }
0x1c: {  	[sflag:s0] =	ssyncset.done @!p0 $0x0  }
0x1d: {  	[sflag:s0] =	ssyncadd.s32 @!p0 $0xFFFFFF00  }
0x1e: {  	[tilespmem:s18], [sflag:$0x3] =	stream.strided.gather [hbm4b:s8+s16], $0x2780, s17, s16, $0x38;
	[tilespmem:$0x1F180] =	vst v63  }
0x1f: {  	_ =	swait.ge [sflag:s14], $0x2780  }
0x20: {  	[sflag:s14] =	ssyncset.done $0x0  }
0x21: {  	s3 =	simm.s32 $0x0;
	[sflag:s14] =	ssyncadd.s32 $0xFFFFD880  }
0x22: {  	[tilespmem:s19], [sflag:$0x3] =	stream.linear.gather [hbm4b:s9+s3], $0x3F00, $0x38;
	[tilespmem:$0x1F180] =	vst v63  }
0x23: {  	_ =	swait.ge [sflag:s14], $0x3F00  }
0x24: {  	[sflag:s14] =	ssyncset.done $0x0  }
0x25: {  	[sflag:s14] =	ssyncadd.s32 $0xFFFFC100  }
0x26: {  	[bflag:$0x0] =	sbarrier.arrive $0xFFFF  }
0x27: {  	v1 =	vld [tilespmem:$0x13900]  }
0x28: {  	v2 =	vld [tilespmem:$0x13910]  }
0x29: {  	v3 =	vld [tilespmem:$0x13920]  }
0x2a: {  	v4 =	vld [tilespmem:$0x13930]  }
0x2b: {  	v5 =	vld [tilespmem:$0x13940]  }
0x2c: {  	v1 =	vadd.s32 v0, v1  }
0x2d: {  	[tilespmem:$0x1A080] =	vst v1;
	v1 =	vadd.s32 v0, v2  }
0x2e: {  	[tilespmem:$0x1A090] =	vst v1;
	v1 =	vadd.s32 v0, v3  }
0x2f: {  	[tilespmem:$0x1A0A0] =	vst v1;
	v1 =	vadd.s32 v0, v4  }
0x30: {  	[tilespmem:$0x1A0B0] =	vst v1;
	v1 =	vadd.s32 v0, v5  }
0x31: {  	s31 =	simm.s32 $0x13970;
	[tilespmem:$0x1A0C0] =	vst v1  }
0x32: {  	[tilespmem:s22], [sflag:$0x1] =	stream.indirect.gather [hbm4b:s4+s20], $0x80, s21, s20, $0xb8;
	[tilespmem:$0x1F180] =	vst v63  }
0x33: {  	v1 =	vld [tilespmem:s31+$0xFFFFFFE0];
	_ =	sdelay $0x4  }
0x34: {  	v1 =	vadd.s32 v0, v1  }
0x35: {  	[tilespmem:$0x1A100] =	vst v1  }
0x36: {  	v1 =	vld [tilespmem:s31+$0xFFFFFFF0];
	_ =	sdelay $0x4  }
0x37: {  	v1 =	vadd.s32 v0, v1  }
0x38: {  	[tilespmem:$0x1A110] =	vst v1  }
0x39: {  	v1 =	vld [tilespmem:s31+$0x0];
	_ =	sdelay $0x4  }
0x3a: {  	v1 =	vadd.s32 v0, v1  }
0x3b: {  	[tilespmem:$0x1A120] =	vst v1  }
0x3c: {  	v1 =	vld [tilespmem:s31+$0x10];
	_ =	sdelay $0x4  }
0x3d: {  	v1 =	vadd.s32 v0, v1  }
0x3e: {  	[tilespmem:$0x1A130] =	vst v1  }
0x3f: {  	v1 =	vld [tilespmem:s31+$0x20];
	_ =	sdelay $0x4  }
0x40: {  	v1 =	vadd.s32 v0, v1  }
0x41: {  	[tilespmem:$0x1A140] =	vst v1  }
0x42: {  	[tilespmem:s24], [sflag:$0x2] =	stream.indirect.gather [hbm4b:s4+s20], $0x80, s23, s20, $0xb8;
	[tilespmem:$0x1F180] =	vst v63  }
0x43: {  	_ =	swait.ge [sflag:s25], $0x2800  }
0x44: {  	[sflag:s25] =	ssyncset.done $0x0  }
0x45: {  	s1 =	simm.s32 $0x16080;
	[sflag:s25] =	ssyncadd.s32 $0xFFFFD800  }
0x46: {  	[spmem:s2] =	stream.indirect.scatter.add.f32 [tilespmem:s22], [sflag:$0x3], $0x80, s1, s20, $0xb8;
	[tilespmem:$0x1F180] =	vst v63  }
0x47: {  	_ =	swait.ge [sflag:s14], $0x2800  }
0x48: {  	[sflag:s14] =	ssyncset.done $0x0  }
0x49: {  	[sflag:s14] =	ssyncadd.s32 $0xFFFFD800  }
0x4a: {  	v1 =	vld [tilespmem:s31+$0x30];
	_ =	sdelay $0x4  }
0x4b: {  	v1 =	vadd.s32 v0, v1  }
0x4c: {  	[tilespmem:$0x1A080] =	vst v1  }
0x4d: {  	v1 =	vld [tilespmem:s31+$0x40];
	_ =	sdelay $0x4  }
0x4e: {  	v1 =	vadd.s32 v0, v1  }
0x4f: {  	[tilespmem:$0x1A090] =	vst v1  }
0x50: {  	v1 =	vld [tilespmem:s31+$0x50];
	_ =	sdelay $0x4  }
0x51: {  	v1 =	vadd.s32 v0, v1  }
0x52: {  	[tilespmem:$0x1A0A0] =	vst v1  }
0x53: {  	v1 =	vld [tilespmem:s31+$0x60];
	_ =	sdelay $0x4  }
0x54: {  	v1 =	vadd.s32 v0, v1  }
0x55: {  	[tilespmem:$0x1A0B0] =	vst v1  }
0x56: {  	v1 =	vld [tilespmem:s31+$0x70];
	_ =	sdelay $0x4  }
0x57: {  	v1 =	vadd.s32 v0, v1  }
0x58: {  	[tilespmem:$0x1A0C0] =	vst v1  }
0x59: {  	[tilespmem:s22], [sflag:$0x1] =	stream.indirect.gather [hbm4b:s4+s20], $0x80, s21, s20, $0xb8;
	[tilespmem:$0x1F180] =	vst v63  }
0x5a: {  	_ =	swait.ge [sflag:s26], $0x2800  }
0x5b: {  	[sflag:s26] =	ssyncset.done $0x0  }
0x5c: {  	s3 =	simm.s32 $0x16100;
	[sflag:s26] =	ssyncadd.s32 $0xFFFFD800  }
0x5d: {  	[spmem:s2] =	stream.indirect.scatter.add.f32 [tilespmem:s24], [sflag:$0x3], $0x80, s3, s20, $0xb8;
	[tilespmem:$0x1F180] =	vst v63  }
0x5e: {  	_ =	swait.ge [sflag:s14], $0x2800  }
0x5f: {  	s0 =	simm.s32 $0x400;
	[sflag:s14] =	ssyncset.done $0x0  }
.LBB2_2:
0x60: {  	p1 =	sne.s32 s0, $0xF400;
	[sflag:s14] =	ssyncadd.s32 $0xFFFFD800;
	s31 =	sadd.s32 $0xA0, s31  }
0x61: {  	s1 =	smov.u32 s0;
	s0 =	sadd.s32 $0x400, s0;
	v1 =	vld [tilespmem:s31+$0xFFFFFFE0];
	_ =	sdelay $0x4  }
0x62: {  	v1 =	vadd.s32 v0, v1  }
0x63: {  	[tilespmem:$0x1A100] =	vst v1  }
0x64: {  	v1 =	vld [tilespmem:s31+$0xFFFFFFF0];
	_ =	sdelay $0x4  }
0x65: {  	v1 =	vadd.s32 v0, v1  }
0x66: {  	[tilespmem:$0x1A110] =	vst v1  }
0x67: {  	v1 =	vld [tilespmem:s31+$0x0];
	_ =	sdelay $0x4  }
0x68: {  	v1 =	vadd.s32 v0, v1  }
0x69: {  	[tilespmem:$0x1A120] =	vst v1  }
0x6a: {  	v1 =	vld [tilespmem:s31+$0x10];
	_ =	sdelay $0x4  }
0x6b: {  	v1 =	vadd.s32 v0, v1  }
0x6c: {  	[tilespmem:$0x1A130] =	vst v1  }
0x6d: {  	v1 =	vld [tilespmem:s31+$0x20];
	_ =	sdelay $0x4  }
0x6e: {  	v1 =	vadd.s32 v0, v1  }
0x6f: {  	[tilespmem:$0x1A140] =	vst v1  }
0x70: {  	[tilespmem:s24], [sflag:$0x2] =	stream.indirect.gather [hbm4b:s4+s20], $0x80, s23, s20, $0xb8;
	[tilespmem:$0x1F180] =	vst v63  }
0x71: {  	_ =	swait.ge [sflag:s25], $0x2800  }
0x72: {  	s1 =	sshra.s32 s1, $0x2;
	[sflag:s25] =	ssyncset.done $0x0  }
0x73: {  	s3 =	sadd.s32 $0x16080, s1;
	[sflag:s25] =	ssyncadd.s32 $0xFFFFD800  }
0x74: {  	[spmem:s2] =	stream.indirect.scatter.add.f32 [tilespmem:s22], [sflag:$0x3], $0x80, s3, s20, $0xb8;
	[tilespmem:$0x1F180] =	vst v63  }
0x75: {  	_ =	swait.ge [sflag:s14], $0x2800  }
0x76: {  	[sflag:s14] =	ssyncset.done $0x0  }
0x77: {  	[sflag:s14] =	ssyncadd.s32 $0xFFFFD800  }
0x78: {  	v1 =	vld [tilespmem:s31+$0x30];
	_ =	sdelay $0x4  }
0x79: {  	v1 =	vadd.s32 v0, v1  }
0x7a: {  	[tilespmem:$0x1A080] =	vst v1  }
0x7b: {  	v1 =	vld [tilespmem:s31+$0x40];
	_ =	sdelay $0x4  }
0x7c: {  	v1 =	vadd.s32 v0, v1  }
0x7d: {  	[tilespmem:$0x1A090] =	vst v1  }
0x7e: {  	v1 =	vld [tilespmem:s31+$0x50];
	_ =	sdelay $0x4  }
0x7f: {  	v1 =	vadd.s32 v0, v1  }
0x80: {  	[tilespmem:$0x1A0A0] =	vst v1  }
0x81: {  	v1 =	vld [tilespmem:s31+$0x60];
	_ =	sdelay $0x4  }
0x82: {  	v1 =	vadd.s32 v0, v1  }
0x83: {  	[tilespmem:$0x1A0B0] =	vst v1  }
0x84: {  	v1 =	vld [tilespmem:s31+$0x70];
	_ =	sdelay $0x4  }
0x85: {  	v1 =	vadd.s32 v0, v1  }
0x86: {  	[tilespmem:$0x1A0C0] =	vst v1  }
0x87: {  	[tilespmem:s22], [sflag:$0x1] =	stream.indirect.gather [hbm4b:s4+s20], $0x80, s21, s20, $0xb8;
	[tilespmem:$0x1F180] =	vst v63  }
0x88: {  	_ =	swait.ge [sflag:s26], $0x2800  }
.Ltmp0:
0x89: {  	[sflag:s26] =	ssyncset.done $0x0;
	(pc) =	sbr.rel @p1 .LBB2_2-.Ltmp0, $4  }
0x8a: {  	s1 =	sadd.s32 $0x16100, s1;
	[sflag:s26] =	ssyncadd.s32 $0xFFFFD800  }
0x8b: {  	[spmem:s2] =	stream.indirect.scatter.add.f32 [tilespmem:s24], [sflag:$0x3], $0x80, s1, s20, $0xb8;
	[tilespmem:$0x1F180] =	vst v63  }
0x8c: {  	_ =	swait.ge [sflag:s14], $0x2800  }
0x8d: {  	[sflag:s14] =	ssyncset.done $0x0  }
0x8e: {  	[sflag:s14] =	ssyncadd.s32 $0xFFFFD800  }
0x8f: {  	v1 =	vld [tilespmem:$0x16010]  }
0x90: {  	v2 =	vld [tilespmem:$0x16020]  }
0x91: {  	v3 =	vld [tilespmem:$0x16030]  }
0x92: {  	v4 =	vld [tilespmem:$0x16040]  }
0x93: {  	v5 =	vld [tilespmem:$0x16050]  }
0x94: {  	v1 =	vadd.s32 v0, v1  }
0x95: {  	[tilespmem:$0x1A100] =	vst v1;
	v1 =	vadd.s32 v0, v2  }
0x96: {  	[tilespmem:$0x1A110] =	vst v1;
	v1 =	vadd.s32 v0, v3  }
0x97: {  	[tilespmem:$0x1A120] =	vst v1;
	v1 =	vadd.s32 v0, v4  }
0x98: {  	[tilespmem:$0x1A130] =	vst v1;
	v1 =	vadd.s32 v0, v5  }
0x99: {  	[tilespmem:$0x1A140] =	vst v1  }
0x9a: {  	[tilespmem:s24], [sflag:$0x2] =	stream.indirect.gather [hbm4b:s4+s20], $0x80, s23, s20, $0xb8;
	[tilespmem:$0x1F180] =	vst v63  }
0x9b: {  	_ =	swait.ge [sflag:s25], $0x2800  }
0x9c: {  	[sflag:s25] =	ssyncset.done $0x0  }
0x9d: {  	[sflag:s25] =	ssyncadd.s32 $0xFFFFD800  }
0x9e: {  	[spmem:s2] =	stream.indirect.scatter.add.f32 [tilespmem:s22], [sflag:$0x3], $0x80, s28, s20, $0xb8;
	[tilespmem:$0x1F180] =	vst v63  }
0x9f: {  	_ =	swait.ge [sflag:s14], $0x2800  }
0xa0: {  	[sflag:s14] =	ssyncset.done $0x0  }
0xa1: {  	[sflag:s14] =	ssyncadd.s32 $0xFFFFD800  }
0xa2: {  	_ =	swait.ge [sflag:s26], $0x2800  }
0xa3: {  	[sflag:s26] =	ssyncset.done $0x0  }
0xa4: {  	[sflag:s26] =	ssyncadd.s32 $0xFFFFD800  }
0xa5: {  	[spmem:s2] =	stream.indirect.scatter.add.f32 [tilespmem:s24], [sflag:$0x3], $0x80, s29, s20, $0xb8;
	[tilespmem:$0x1F180] =	vst v63  }
0xa6: {  	_ =	swait.ge [sflag:s14], $0x2800  }
0xa7: {  	[sflag:s14] =	ssyncset.done $0x0  }
0xa8: {  	[sflag:s14] =	ssyncadd.s32 $0xFFFFD800  }
0xa9: {  	[bflag:$0x0] =	sbarrier.arrive $0xFFFF  }
0xaa: {  	[hbm:s10], [sflag:s6] =	dma.local [spmem:s13], $0x2700  }
0xab: {  	s30 =	sadd.s32 $0x1, s30;
	_ =	swait.ge [sflag:s14], $0x2700  }
0xac: {  	p1 =	sne.s32 s30, s12;
	[sflag:s14] =	ssyncset.done $0x0  }
.Ltmp1:
0xad: {  	s0 =	simm.s32 @!p0 $0x3;
	[sflag:s14] =	ssyncadd.s32 $0xFFFFD900;
	(pc) =	sbr.rel @p1 .LBB2_1-.Ltmp1, $4  }
0xae: {  	[hbm:s11], [sflag:s6] =	dma.local @!p0 [spmem:s15], $0x100  }
0xaf: {  	_ =	swait.ge @!p0 [sflag:s0], $0x100  }
0xb0: {  	[sflag:s0] =	ssyncset.done @!p0 $0x0  }
0xb1: {  	[sflag:s0] =	ssyncadd.s32 @!p0 $0xFFFFFF00  }
0xb2: {  	_ =	sfence.sel $0x180000  }
0xb3: {  	[bflag:$0x0] =	sbarrier.arrive $0xFFFF  }
0xb4: {  	_ =	strace $0x9000004A  }
0xb5: {  	s0 =	stileid.u32;
	[bflag:$0x2] =	sbarrier.arrive $0xFFFF  }
0xb6: {  	p0 =	sne.s32 s0, $0x0;
	s0 =	rddreg [dreg:$0x2]  }
0xb7: {  	s0 =	sadd.s32 @!p0 $0x100000, s0  }
0xb8: {  	[sflag:s0] =	ssyncadd.tile.s32 @!p0 $0x1;
	_ =	shalt  }
.Lfunc_end2:
_tile_overlayer_lowered:
.L_overlay_start_2:
0xb9: {  	(tag) =	ssettag $0x2  }
0xba: {  	s0 =	rddreg [dreg:$0x0];
	s2 =	stileid.u32  }
0xbb: {  	s1 =	rddreg [dreg:$0x1];
	p0 =	sne.s32 s2, $0x0  }
0xbc: {  	s3 =	rddreg [dreg:$0x2];
	[bflag:$0x3] =	sbarrier.arrive $0xFFFF;
	s2 =	simm.s32 @!p0 $0x1C03  }
0xbd: {  	[timem:s3], [sflag:s2] =	dma.local @!p0 [hbm:s0], s1  }
0xbe: {  	s0 =	simm.s32 @!p0 $0x3  }
0xbf: {  	_ =	swait.ge @!p0 [sflag:s0], s1  }
0xc0: {  	s1 =	ssub.s32 @!p0 $0x0, s1;
	[sflag:s0] =	ssyncset.done @!p0 $0x0  }
0xc1: {  	[sflag:s0] =	ssyncadd.s32 @!p0 s1  }
0xc2: {  	[bflag:$0x3] =	sbarrier.arrive $0xFFFF  }
0xc3: {  	_ =	shalt  }

// kernel: kernel.28.cloned.1.call-start
scs
__scs_entry_jumppad:
0x0: {  	(pc) =	sbr.rel $0x88, $3  }
0x1: {  	(tag) =	ssettag $0x0;
	lr =	simm.s32 $0x1  }
0x2: {  	[smem:$0x3F70] =	sst lr;
	_ =	strace $0xD0000000  }
0x3: {  	_ = 	snop  }
0x4: {  	_ = 	snop  }
0x5: {  	_ = 	snop  }
0x6: {  	_ = 	snop  }
0x7: {  	_ = 	snop  }
__scs_overlays_trampoline_lowered:
0x8: {  	[smem:$0x3F7F] =	sst s0  }
0x9: {  	[smem:$0x3F80] =	sst s1  }
0xa: {  	[smem:$0x3F81] =	sst s2  }
0xb: {  	[smem:$0x3F82] =	sst s3  }
0xc: {  	[smem:$0x3F83] =	sst s4  }
0xd: {  	[smem:$0x3F84] =	sst s5  }
0xe: {  	[smem:$0x3F85] =	sst s6  }
0xf: {  	[smem:$0x3F86] =	sst s7  }
0x10: {  	[smem:$0x3F87] =	sst s8  }
0x11: {  	[smem:$0x3F88] =	sst s9;
	s0 =	simm.s32 @!p0 $0x0  }
0x12: {  	s1 =	sld [smem:$0x3F6E];
	s0 =	simm.s32 @p0 $0x1  }
0x13: {  	[smem:$0x3F89] =	sst s0;
	s0 =	simm.s32 @!p1 $0x0  }
0x14: {  	s2 =	sld [smem:$0x3F6D];
	s0 =	simm.s32 @p1 $0x1  }
0x15: {  	[smem:$0x3F8A] =	sst s0;
	s0 =	simm.s32 @!p2 $0x0  }
0x16: {  	s3 =	sld [smem:$0x3FDB];
	s0 =	simm.s32 @p2 $0x1  }
0x17: {  	s4 =	simm.s32 $0x1BF5;
	[smem:$0x3F8C] =	sst s0  }
0x18: {  	s0 =	sld [smem:$0x3F6F];
	_ =	swait.ge [sflag:s4], $0x0  }
0x19: {  	s7 =	sld [smem:$0x3F70]  }
0x1a: {  	s8 =	sadd.s32 $0xFFFFE003, lr  }
0x1b: {  	s9 =	sadd.s32 $0xFFFFFEF7, lr;
	s5 =	simm.s32 $0xFFFFFFFF;
	p2 =	slt.u32 s8, $0xFFFFF086  }
0x1c: {  	p1 =	slt.u32 s9, $0xF7A;
	s5 =	simm.s32 @!p2 $0x0  }
0x1d: {  	s5 =	simm.s32 @p1 $0x1;
	p0 =	seq.s32 s7, s2  }
0x1e: {  	s7 =	smul.u32 @!p0 $0xF7A, s2;
	p2 =	seq.s32 @!p0 s5, $0x0  }
0x1f: {  	s9 =	smul.u32 $0xF7A, s1;
	s8 =	simm.s32 @!p0 $0x1BF5;
	p2 =	por !p2, p0  }
0x20: {  	[sflag:s8] =	ssyncset.s32 @!p0 $0xFFFFF086;
	s6 =	sadd.s32 @!p0 s3, s7;
	s7 =	simm.s32 @!p0 $0x108  }
0x21: {  	s3 =	sadd.s32 s3, s9;
	s6 =	sadd.s32 @!p0 $0x88, s6;
	s7 =	simm.s32 @p2 $0x1082  }
0x22: {  	[simem:s7], [sflag:s8] =	dma.local @!p0 [hbm:s6], $0xF7A  }
0x23: {  	s9 =	sor.u32 $0xD0000000, s2;
	s6 =	simm.s32 $0x108;
	_ =	swait.ge @!p0 [sflag:s8], $0x0  }
0x24: {  	s3 =	sadd.s32 $0x88, s3;
	s6 =	simm.s32 @!p1 $0x1082;
	[sflag:s4] =	ssyncset.s32 $0xFFFFF086  }
0x25: {  	[simem:s6], [sflag:s4] =	dma.local [hbm:s3], $0xF7A  }
0x26: {  	[smem:$0x3F70] =	sst s1;
	(tag) =	ssettag s2;
	_ =	strace s9  }
0x27: {  	s1 =	sld [smem:$0x3F80]  }
0x28: {  	s2 =	sld [smem:$0x3F81]  }
0x29: {  	s4 =	sld [smem:$0x3F83]  }
0x2a: {  	p0 =	seq.s32 s5, $0x0;
	s5 =	sld [smem:$0x3F84]  }
0x2b: {  	s6 =	sld [smem:$0x3F85]  }
0x2c: {  	s7 =	sld [smem:$0x3F86]  }
0x2d: {  	s3 =	simm.s32 $0x108;
	s8 =	sld [smem:$0x3F87]  }
0x2e: {  	s3 =	simm.s32 @!p0 $0x1082;
	s9 =	sld [smem:$0x3F88]  }
0x2f: {  	lr =	sadd.s32 s0, s3;
	s0 =	sld [smem:$0x3F7F]  }
0x30: {  	s3 =	sld [smem:$0x3F82]  }
0x31: {  	[smem:$0x3F8B] =	sst s10  }
0x32: {  	s10 =	sld [smem:$0x3F89];
	_ =	sdelay $0x3  }
0x33: {  	p0 =	seq.s32 s10, $0x1;
	s10 =	sld [smem:$0x3F8B];
	_ =	sdelay $0x3  }
0x34: {  	[smem:$0x3F8B] =	sst s10  }
0x35: {  	s10 =	sld [smem:$0x3F8A];
	_ =	sdelay $0x3  }
0x36: {  	p1 =	seq.s32 s10, $0x1;
	s10 =	sld [smem:$0x3F8B];
	_ =	sdelay $0x3  }
0x37: {  	[smem:$0x3F8B] =	sst s10  }
0x38: {  	s10 =	sld [smem:$0x3F8C]  }
0x39: {  	_ = 	snop;
	(pc) =	sbr.ind lr, $3  }
0x3a: {  	_ = 	snop  }
0x3b: {  	_ = 	snop  }
0x3c: {  	p2 =	seq.s32 s10, $0x1;
	s10 =	sld [smem:$0x3F8B]  }
0x3d: {  	_ =	shalt  }
0x3e: {  	_ =	shalt  }
0x3f: {  	_ =	shalt  }
0x40: {  	_ =	shalt  }
0x41: {  	_ =	shalt  }
0x42: {  	_ =	shalt  }
0x43: {  	_ =	shalt  }
0x44: {  	_ =	shalt  }
0x45: {  	_ =	shalt  }
0x46: {  	_ =	shalt  }
0x47: {  	_ =	shalt  }
0x48: {  	_ =	shalt  }
0x49: {  	_ =	shalt  }
0x4a: {  	_ =	shalt  }
0x4b: {  	_ =	shalt  }
0x4c: {  	_ =	shalt  }
0x4d: {  	_ =	shalt  }
0x4e: {  	_ =	shalt  }
0x4f: {  	_ =	shalt  }
0x50: {  	_ =	shalt  }
0x51: {  	_ =	shalt  }
0x52: {  	_ =	shalt  }
0x53: {  	_ =	shalt  }
0x54: {  	_ =	shalt  }
0x55: {  	_ =	shalt  }
0x56: {  	_ =	shalt  }
0x57: {  	_ =	shalt  }
0x58: {  	_ =	shalt  }
0x59: {  	_ =	shalt  }
0x5a: {  	_ =	shalt  }
0x5b: {  	_ =	shalt  }
0x5c: {  	_ =	shalt  }
0x5d: {  	_ =	shalt  }
0x5e: {  	_ =	shalt  }
0x5f: {  	_ =	shalt  }
0x60: {  	_ =	shalt  }
0x61: {  	_ =	shalt  }
0x62: {  	_ =	shalt  }
0x63: {  	_ =	shalt  }
0x64: {  	_ =	shalt  }
0x65: {  	_ =	shalt  }
0x66: {  	_ =	shalt  }
0x67: {  	_ =	shalt  }
0x68: {  	_ =	shalt  }
0x69: {  	_ =	shalt  }
0x6a: {  	_ =	shalt  }
0x6b: {  	_ =	shalt  }
0x6c: {  	_ =	shalt  }
0x6d: {  	_ =	shalt  }
0x6e: {  	_ =	shalt  }
0x6f: {  	_ =	shalt  }
0x70: {  	_ =	shalt  }
0x71: {  	_ =	shalt  }
0x72: {  	_ =	shalt  }
0x73: {  	_ =	shalt  }
0x74: {  	_ =	shalt  }
0x75: {  	_ =	shalt  }
0x76: {  	_ =	shalt  }
0x77: {  	_ =	shalt  }
0x78: {  	_ =	shalt  }
0x79: {  	_ =	shalt  }
0x7a: {  	_ =	shalt  }
0x7b: {  	_ =	shalt  }
0x7c: {  	_ =	shalt  }
0x7d: {  	_ =	shalt  }
0x7e: {  	_ =	shalt  }
0x7f: {  	_ =	shalt  }
0x80: {  	_ =	shalt  }
0x81: {  	_ =	shalt  }
0x82: {  	_ =	shalt  }
0x83: {  	_ =	shalt  }
0x84: {  	_ =	shalt  }
0x85: {  	_ =	shalt  }
0x86: {  	_ =	shalt  }
0x87: {  	_ =	shalt  }
.Lfunc_end0:
.L_simem_size_0:
called_computation.2_lowered:
.L_overlay_start_0:
0x88: {  	s2 =	sld [smem:$0x3FD9]  }
0x89: {  	s3 =	sld [smem:$0x3FFE];
	_ =	sdelay $0x1  }
0x8a: {  	s1 =	srdreg.scid  }
0x8b: {  	s0 =	sand.u32 $0x1, s1  }
0x8c: {  	s16 =	sshll.u32 s0, $0xA;
	s2 =	sadd.s32 s3, s2  }
0x8d: {  	s2 =	sadd.s32 s2, s16  }
0x8e: {  	[smem:$0x3F97] =	sst s2  }
0x8f: {  	_ = 	snop  }
0x90: {  	(tm) =	ssettm $0x1  }
0x91: {  	s17 =	sld [smem:$0x3FFB];
	_ =	sdelay $0x3  }
0x92: {  	_ =	strace s17  }
0x93: {  	s2 =	sld [smem:$0x3FFC];
	_ =	sdelay $0x3  }
0x94: {  	_ =	strace s2  }
0x95: {  	s2 =	sld [smem:$0x3FFD];
	_ =	sdelay $0x3  }
0x96: {  	_ =	strace s2  }
0x97: {  	_ =	strace $0x8FFFFFFF  }
0x98: {  	s18 =	sld [smem:$0x3FDB];
	_ =	sdelay $0x1  }
0x99: {  	s19 =	simm.s32 $_scs_section_size  }
0x9a: {  	s4 =	simm.s32 $_size__tile_overlayer_lowered;
	s5 =	simm.s32 $_tile_overlayer_lowered  }
0x9b: {  	s22 =	simm.s32 $0x1BFF;
	s21 =	sshll.u32 s5, $0x1;
	s2 =	sadd.s32 s19, s18  }
0x9c: {  	s6 =	simm.s32 $0x0;
	s20 =	sshll.u32 s4, $0x1;
	s4 =	sadd.s32 s21, s2  }
0x9d: {  	[timem:s6], [sflag:s22] =	dma.local [hbm:s4], s20  }
0x9e: {  	_ =	swait.ge [sflag:s22], s20  }
0x9f: {  	s3 =	ssub.s32 $0x0, s20;
	[sflag:s22] =	ssyncset.done $0x0  }
0xa0: {  	[sflag:s22] =	ssyncadd.s32 s3;
	_ =	sdelay $0x1  }
0xa1: {  	s23 =	simm.s32 $0x1B8B  }
0xa2: {  	_ =	swait.ge [sflag:s23], $0x1  }
0xa3: {  	[sflag:s23] =	ssyncset.done $0x0  }
0xa4: {  	s25 =	simm.s32 $0x1B8E;
	s24 =	sld [smem:$0x3FFE];
	[sflag:s23] =	ssyncadd.s32 $0xFFFFFFFF  }
0xa5: {  	s26 =	simm.s32 $execute0_lowered;
	[smem:$0x3FD2] =	sst s25  }
0xa6: {  	s4 =	sshll.u32 s26, $0x1;
	_ =	strace $0x8000004C;
	[dreg:$0x1] =	wrdreg $0xFFFFFFFF  }
0xa7: {  	s28 =	simm.s32 $_size_execute0_lowered;
	s2 =	sadd.s32 s2, s4;
	[dreg:$0x0] =	wrdreg $0x0  }
0xa8: {  	s4 =	sshll.u32 s28, $0x1;
	[dreg:$0x2] =	wrdreg s2  }
0xa9: {  	[dreg:$0x3] =	wrdreg s4  }
0xaa: {  	[dreg:$0x4] =	wrdreg $0xC0  }
0xab: {  	_ =	task [dreg:s6], $0x5FFFF  }
0xac: {  	[dreg:$0x1] =	wrdreg $0xFFFFFFFF  }
0xad: {  	[dreg:$0x0] =	wrdreg $0x60  }
0xae: {  	[dreg:$0x2] =	wrdreg s24  }
0xaf: {  	[dreg:$0x3] =	wrdreg $0x0  }
0xb0: {  	[dreg:$0x4] =	wrdreg $0x9  }
0xb1: {  	_ =	task.clear_ibuf [dreg:s6], $0x5FFFF;
	_ =	strace $0x9000004C  }
0xb2: {  	s29 =	simm.s32 $0x9;
	_ =	strace $0x8000004E  }
0xb3: {  	_ =	swait.ge [sflag:s29], $0x1  }
0xb4: {  	[sflag:s29] =	ssyncadd.s32 $0xFFFFFFFF  }
0xb5: {  	_ =	strace $0x9000004E  }
0xb6: {  	_ =	sfence  }
0xb7: {  	s30 =	sld [smem:$0x0];
	_ =	sdelay $0x2  }
0xb8: {  	s31 =	sshll.u32 s1, $0xD;
	s1 =	sshrl.u32 s1, $0x2  }
0xb9: {  	s3 =	sand.u32 $0x4000, s31;
	s1 =	sadd.s32 s1, s30  }
0xba: {  	s0 =	sor.u32 s3, s0;
	s1 =	sshll.u32 s1, $0x11  }
0xbb: {  	s0 =	sor.u32 s1, s0  }
0xbc: {  	s0 =	sadd.s32 $0x8F2B, s0  }
0xbd: {  	[sflag:s0] =	ssyncadd.remote.s32 $0x1  }
0xbe: {  	_ =	sfence.sel $0xFFFF  }
0xbf: {  	[dreg:$0x0] =	wrdreg $0xFFFFFFFF;
	(pc) =	sbr.abs _section_cstart, $3  }
0xc0: {  	[dreg:$0x1] =	wrdreg $0xFFFFFFFF  }
0xc1: {  	_ =	task.clear_ibuf [dreg:s6], $0x2FFFF;
	_ =	strace $0x9FFFFFFF  }
0xc2: {  	(tm) =	ssettm $0x7FFFFFFF  }
0xc3: {  	_ =	shalt  }
tec
execute0_lowered:
.L_overlay_start_1:
0x0: {  	(tag) =	ssettag $0x1  }
0x1: {  	s0 =	rddreg [dreg:$0x0]  }
0x2: {  	s2 =	rddreg [dreg:$0x1];
	s3 =	stileid.u32;
	s5 =	simm.s32 $0x0  }
0x3: {  	s24 =	srdreg.scid;
	s16 =	simm.s32 $0x80;
	s17 =	simm.s32 $0x400  }
0x4: {  	s18 =	simm.s32 $0x13900;
	s19 =	simm.s32 $0x16080;
	s20 =	simm.s32 $0x50  }
0x5: {  	s21 =	simm.s32 $0x1A080;
	s22 =	simm.s32 $0x1A180;
	s23 =	simm.s32 $0x1A100  }
0x6: {  	s29 =	simm.s32 $0x19F00;
	s30 =	simm.s32 $0x0;
	s1 =	sshrl.u32 s3, $0x3  }
0x7: {  	s4 =	sshll.u32 s3, $0x7;
	[smem:$0x7FF] =	sst s5;
	s5 =	sand.u32 $0x1, s24  }
0x8: {  	s7 =	sadd.s32 $0x66A00, s0;
	s6 =	smul.u32 $0x4E000, s3;
	s8 =	sshll.u32 s3, $0xB  }
0x9: {  	s10 =	smul.u32 $0x270, s3;
	s26 =	sshll.u32 s3, $0x6;
	s15 =	sadd.s32 $0x138000, s2  }
0xa: {  	p0 =	sne.s32 s3, $0xF;
	s24 =	simm.s32 $0x1C980;
	s1 =	smul.u32 $0x13C00, s1  }
0xb: {  	s4 =	sand.u32 $0x380, s4;
	_ =	strace $0x8000004D;
	s28 =	smul.u32 $0x2710, s5  }
0xc: {  	s9 =	ssub.s32 $0x2, s5;
	s11 =	sadd.s32 s8, s0;
	s12 =	smul.u32 $0x138800, s5  }
0xd: {  	s15 =	sshrl.u32 @!p0 s15, $0x3;
	s25 =	sshrl.u32 s9, $0x1;
	s6 =	sshrl.u32 s6, $0x2  }
0xe: {  	s1 =	sor.u32 s4, s1;
	s4 =	sadd.s32 $0x18800, s0;
	s10 =	sadd.s32 s10, s28  }
0xf: {  	s13 =	ssub.s32 s9, s25;
	s14 =	sadd.s32 s6, s2;
	s31 =	sshrl.u32 s12, $0x3  }
0x10: {  	s6 =	sor.u32 $0x1C03, s26;
	s9 =	sadd.s32 $0xB800, s11;
	s25 =	simm.s32 $0x1  }
0x11: {  	s26 =	simm.s32 $0x2;
	v0 =	vmov s28;
	s28 =	simm.s32 $0x19E80;
	s1 =	sshrl.u32 s1, $0x3  }
0x12: {  	s10 =	sshll.u32 s10, $0x4;
	s12 =	sadd.s32 $0x27000, s31;
	s1 =	sadd.s32 s1, s0  }
0x13: {  	s0 =	sadd.s32 $0x102E00, s0;
	s5 =	sadd.s32 s7, s10;
	s7 =	sadd.s32 s7, s12  }
0x14: {  	s8 =	sadd.s32 $0x13800, s1;
	s10 =	sadd.s32 s0, s10;
	s11 =	sadd.s32 s0, s12  }
0x15: {  	s12 =	smax.u32 s13, $0x1;
	s13 =	sshrl.u32 s14, $0x3;
	s14 =	simm.s32 $0x3  }
.LBB2_1:
0x16: {  	[spmem:s13], [sflag:s6] =	dma.local [hbm:s5], $0x2700  }
0x17: {  	_ =	swait.ge [sflag:s14], $0x2700  }
0x18: {  	[sflag:s14] =	ssyncset.done $0x0  }
0x19: {  	s0 =	simm.s32 @!p0 $0x3;
	[sflag:s14] =	ssyncadd.s32 $0xFFFFD900  }
0x1a: {  	[spmem:s15], [sflag:s6] =	dma.local @!p0 [hbm:s7], $0x100  }
0x1b: {  	_ =	swait.ge @!p0 [sflag:s0], $0x100  }
0x1c: {  	[sflag:s0] =	ssyncset.done @!p0 $0x0  }
0x1d: {  	[sflag:s0] =	ssyncadd.s32 @!p0 $0xFFFFFF00  }
0x1e: {  	[tilespmem:s18], [sflag:$0x3] =	stream.strided.gather [hbm4b:s8+s16], $0x2780, s17, s16, $0x38;
	[tilespmem:$0x1F180] =	vst v63  }
0x1f: {  	_ =	swait.ge [sflag:s14], $0x2780  }
0x20: {  	[sflag:s14] =	ssyncset.done $0x0  }
0x21: {  	s3 =	simm.s32 $0x0;
	[sflag:s14] =	ssyncadd.s32 $0xFFFFD880  }
0x22: {  	[tilespmem:s19], [sflag:$0x3] =	stream.linear.gather [hbm4b:s9+s3], $0x3F00, $0x38;
	[tilespmem:$0x1F180] =	vst v63  }
0x23: {  	_ =	swait.ge [sflag:s14], $0x3F00  }
0x24: {  	[sflag:s14] =	ssyncset.done $0x0  }
0x25: {  	[sflag:s14] =	ssyncadd.s32 $0xFFFFC100  }
0x26: {  	[bflag:$0x0] =	sbarrier.arrive $0xFFFF  }
0x27: {  	v1 =	vld [tilespmem:$0x13900]  }
0x28: {  	v2 =	vld [tilespmem:$0x13910]  }
0x29: {  	v3 =	vld [tilespmem:$0x13920]  }
0x2a: {  	v4 =	vld [tilespmem:$0x13930]  }
0x2b: {  	v5 =	vld [tilespmem:$0x13940]  }
0x2c: {  	v1 =	vadd.s32 v0, v1  }
0x2d: {  	[tilespmem:$0x1A080] =	vst v1;
	v1 =	vadd.s32 v0, v2  }
0x2e: {  	[tilespmem:$0x1A090] =	vst v1;
	v1 =	vadd.s32 v0, v3  }
0x2f: {  	[tilespmem:$0x1A0A0] =	vst v1;
	v1 =	vadd.s32 v0, v4  }
0x30: {  	[tilespmem:$0x1A0B0] =	vst v1;
	v1 =	vadd.s32 v0, v5  }
0x31: {  	s31 =	simm.s32 $0x13970;
	[tilespmem:$0x1A0C0] =	vst v1  }
0x32: {  	[tilespmem:s22], [sflag:$0x1] =	stream.indirect.gather [hbm4b:s4+s20], $0x80, s21, s20, $0xb8;
	[tilespmem:$0x1F180] =	vst v63  }
0x33: {  	v1 =	vld [tilespmem:s31+$0xFFFFFFE0];
	_ =	sdelay $0x4  }
0x34: {  	v1 =	vadd.s32 v0, v1  }
0x35: {  	[tilespmem:$0x1A100] =	vst v1  }
0x36: {  	v1 =	vld [tilespmem:s31+$0xFFFFFFF0];
	_ =	sdelay $0x4  }
0x37: {  	v1 =	vadd.s32 v0, v1  }
0x38: {  	[tilespmem:$0x1A110] =	vst v1  }
0x39: {  	v1 =	vld [tilespmem:s31+$0x0];
	_ =	sdelay $0x4  }
0x3a: {  	v1 =	vadd.s32 v0, v1  }
0x3b: {  	[tilespmem:$0x1A120] =	vst v1  }
0x3c: {  	v1 =	vld [tilespmem:s31+$0x10];
	_ =	sdelay $0x4  }
0x3d: {  	v1 =	vadd.s32 v0, v1  }
0x3e: {  	[tilespmem:$0x1A130] =	vst v1  }
0x3f: {  	v1 =	vld [tilespmem:s31+$0x20];
	_ =	sdelay $0x4  }
0x40: {  	v1 =	vadd.s32 v0, v1  }
0x41: {  	[tilespmem:$0x1A140] =	vst v1  }
0x42: {  	[tilespmem:s24], [sflag:$0x2] =	stream.indirect.gather [hbm4b:s4+s20], $0x80, s23, s20, $0xb8;
	[tilespmem:$0x1F180] =	vst v63  }
0x43: {  	_ =	swait.ge [sflag:s25], $0x2800  }
0x44: {  	[sflag:s25] =	ssyncset.done $0x0  }
0x45: {  	s1 =	simm.s32 $0x16080;
	[sflag:s25] =	ssyncadd.s32 $0xFFFFD800  }
0x46: {  	[spmem:s2] =	stream.indirect.scatter.add.f32 [tilespmem:s22], [sflag:$0x3], $0x80, s1, s20, $0xb8;
	[tilespmem:$0x1F180] =	vst v63  }
0x47: {  	_ =	swait.ge [sflag:s14], $0x2800  }
0x48: {  	[sflag:s14] =	ssyncset.done $0x0  }
0x49: {  	[sflag:s14] =	ssyncadd.s32 $0xFFFFD800  }
0x4a: {  	v1 =	vld [tilespmem:s31+$0x30];
	_ =	sdelay $0x4  }
0x4b: {  	v1 =	vadd.s32 v0, v1  }
0x4c: {  	[tilespmem:$0x1A080] =	vst v1  }
0x4d: {  	v1 =	vld [tilespmem:s31+$0x40];
	_ =	sdelay $0x4  }
0x4e: {  	v1 =	vadd.s32 v0, v1  }
0x4f: {  	[tilespmem:$0x1A090] =	vst v1  }
0x50: {  	v1 =	vld [tilespmem:s31+$0x50];
	_ =	sdelay $0x4  }
0x51: {  	v1 =	vadd.s32 v0, v1  }
0x52: {  	[tilespmem:$0x1A0A0] =	vst v1  }
0x53: {  	v1 =	vld [tilespmem:s31+$0x60];
	_ =	sdelay $0x4  }
0x54: {  	v1 =	vadd.s32 v0, v1  }
0x55: {  	[tilespmem:$0x1A0B0] =	vst v1  }
0x56: {  	v1 =	vld [tilespmem:s31+$0x70];
	_ =	sdelay $0x4  }
0x57: {  	v1 =	vadd.s32 v0, v1  }
0x58: {  	[tilespmem:$0x1A0C0] =	vst v1  }
0x59: {  	[tilespmem:s22], [sflag:$0x1] =	stream.indirect.gather [hbm4b:s4+s20], $0x80, s21, s20, $0xb8;
	[tilespmem:$0x1F180] =	vst v63  }
0x5a: {  	_ =	swait.ge [sflag:s26], $0x2800  }
0x5b: {  	[sflag:s26] =	ssyncset.done $0x0  }
0x5c: {  	s3 =	simm.s32 $0x16100;
	[sflag:s26] =	ssyncadd.s32 $0xFFFFD800  }
0x5d: {  	[spmem:s2] =	stream.indirect.scatter.add.f32 [tilespmem:s24], [sflag:$0x3], $0x80, s3, s20, $0xb8;
	[tilespmem:$0x1F180] =	vst v63  }
0x5e: {  	_ =	swait.ge [sflag:s14], $0x2800  }
0x5f: {  	s0 =	simm.s32 $0x400;
	[sflag:s14] =	ssyncset.done $0x0  }
.LBB2_2:
0x60: {  	p1 =	sne.s32 s0, $0xF400;
	[sflag:s14] =	ssyncadd.s32 $0xFFFFD800;
	s31 =	sadd.s32 $0xA0, s31  }
0x61: {  	s1 =	smov.u32 s0;
	s0 =	sadd.s32 $0x400, s0;
	v1 =	vld [tilespmem:s31+$0xFFFFFFE0];
	_ =	sdelay $0x4  }
0x62: {  	v1 =	vadd.s32 v0, v1  }
0x63: {  	[tilespmem:$0x1A100] =	vst v1  }
0x64: {  	v1 =	vld [tilespmem:s31+$0xFFFFFFF0];
	_ =	sdelay $0x4  }
0x65: {  	v1 =	vadd.s32 v0, v1  }
0x66: {  	[tilespmem:$0x1A110] =	vst v1  }
0x67: {  	v1 =	vld [tilespmem:s31+$0x0];
	_ =	sdelay $0x4  }
0x68: {  	v1 =	vadd.s32 v0, v1  }
0x69: {  	[tilespmem:$0x1A120] =	vst v1  }
0x6a: {  	v1 =	vld [tilespmem:s31+$0x10];
	_ =	sdelay $0x4  }
0x6b: {  	v1 =	vadd.s32 v0, v1  }
0x6c: {  	[tilespmem:$0x1A130] =	vst v1  }
0x6d: {  	v1 =	vld [tilespmem:s31+$0x20];
	_ =	sdelay $0x4  }
0x6e: {  	v1 =	vadd.s32 v0, v1  }
0x6f: {  	[tilespmem:$0x1A140] =	vst v1  }
0x70: {  	[tilespmem:s24], [sflag:$0x2] =	stream.indirect.gather [hbm4b:s4+s20], $0x80, s23, s20, $0xb8;
	[tilespmem:$0x1F180] =	vst v63  }
0x71: {  	_ =	swait.ge [sflag:s25], $0x2800  }
0x72: {  	s1 =	sshra.s32 s1, $0x2;
	[sflag:s25] =	ssyncset.done $0x0  }
0x73: {  	s3 =	sadd.s32 $0x16080, s1;
	[sflag:s25] =	ssyncadd.s32 $0xFFFFD800  }
0x74: {  	[spmem:s2] =	stream.indirect.scatter.add.f32 [tilespmem:s22], [sflag:$0x3], $0x80, s3, s20, $0xb8;
	[tilespmem:$0x1F180] =	vst v63  }
0x75: {  	_ =	swait.ge [sflag:s14], $0x2800  }
0x76: {  	[sflag:s14] =	ssyncset.done $0x0  }
0x77: {  	[sflag:s14] =	ssyncadd.s32 $0xFFFFD800  }
0x78: {  	v1 =	vld [tilespmem:s31+$0x30];
	_ =	sdelay $0x4  }
0x79: {  	v1 =	vadd.s32 v0, v1  }
0x7a: {  	[tilespmem:$0x1A080] =	vst v1  }
0x7b: {  	v1 =	vld [tilespmem:s31+$0x40];
	_ =	sdelay $0x4  }
0x7c: {  	v1 =	vadd.s32 v0, v1  }
0x7d: {  	[tilespmem:$0x1A090] =	vst v1  }
0x7e: {  	v1 =	vld [tilespmem:s31+$0x50];
	_ =	sdelay $0x4  }
0x7f: {  	v1 =	vadd.s32 v0, v1  }
0x80: {  	[tilespmem:$0x1A0A0] =	vst v1  }
0x81: {  	v1 =	vld [tilespmem:s31+$0x60];
	_ =	sdelay $0x4  }
0x82: {  	v1 =	vadd.s32 v0, v1  }
0x83: {  	[tilespmem:$0x1A0B0] =	vst v1  }
0x84: {  	v1 =	vld [tilespmem:s31+$0x70];
	_ =	sdelay $0x4  }
0x85: {  	v1 =	vadd.s32 v0, v1  }
0x86: {  	[tilespmem:$0x1A0C0] =	vst v1  }
0x87: {  	[tilespmem:s22], [sflag:$0x1] =	stream.indirect.gather [hbm4b:s4+s20], $0x80, s21, s20, $0xb8;
	[tilespmem:$0x1F180] =	vst v63  }
0x88: {  	_ =	swait.ge [sflag:s26], $0x2800  }
.Ltmp0:
0x89: {  	[sflag:s26] =	ssyncset.done $0x0;
	(pc) =	sbr.rel @p1 .LBB2_2-.Ltmp0, $4  }
0x8a: {  	s1 =	sadd.s32 $0x16100, s1;
	[sflag:s26] =	ssyncadd.s32 $0xFFFFD800  }
0x8b: {  	[spmem:s2] =	stream.indirect.scatter.add.f32 [tilespmem:s24], [sflag:$0x3], $0x80, s1, s20, $0xb8;
	[tilespmem:$0x1F180] =	vst v63  }
0x8c: {  	_ =	swait.ge [sflag:s14], $0x2800  }
0x8d: {  	[sflag:s14] =	ssyncset.done $0x0  }
0x8e: {  	[sflag:s14] =	ssyncadd.s32 $0xFFFFD800  }
0x8f: {  	v1 =	vld [tilespmem:$0x16010]  }
0x90: {  	v2 =	vld [tilespmem:$0x16020]  }
0x91: {  	v3 =	vld [tilespmem:$0x16030]  }
0x92: {  	v4 =	vld [tilespmem:$0x16040]  }
0x93: {  	v5 =	vld [tilespmem:$0x16050]  }
0x94: {  	v1 =	vadd.s32 v0, v1  }
0x95: {  	[tilespmem:$0x1A100] =	vst v1;
	v1 =	vadd.s32 v0, v2  }
0x96: {  	[tilespmem:$0x1A110] =	vst v1;
	v1 =	vadd.s32 v0, v3  }
0x97: {  	[tilespmem:$0x1A120] =	vst v1;
	v1 =	vadd.s32 v0, v4  }
0x98: {  	[tilespmem:$0x1A130] =	vst v1;
	v1 =	vadd.s32 v0, v5  }
0x99: {  	[tilespmem:$0x1A140] =	vst v1  }
0x9a: {  	[tilespmem:s24], [sflag:$0x2] =	stream.indirect.gather [hbm4b:s4+s20], $0x80, s23, s20, $0xb8;
	[tilespmem:$0x1F180] =	vst v63  }
0x9b: {  	_ =	swait.ge [sflag:s25], $0x2800  }
0x9c: {  	[sflag:s25] =	ssyncset.done $0x0  }
0x9d: {  	[sflag:s25] =	ssyncadd.s32 $0xFFFFD800  }
0x9e: {  	[spmem:s2] =	stream.indirect.scatter.add.f32 [tilespmem:s22], [sflag:$0x3], $0x80, s28, s20, $0xb8;
	[tilespmem:$0x1F180] =	vst v63  }
0x9f: {  	_ =	swait.ge [sflag:s14], $0x2800  }
0xa0: {  	[sflag:s14] =	ssyncset.done $0x0  }
0xa1: {  	[sflag:s14] =	ssyncadd.s32 $0xFFFFD800  }
0xa2: {  	_ =	swait.ge [sflag:s26], $0x2800  }
0xa3: {  	[sflag:s26] =	ssyncset.done $0x0  }
0xa4: {  	[sflag:s26] =	ssyncadd.s32 $0xFFFFD800  }
0xa5: {  	[spmem:s2] =	stream.indirect.scatter.add.f32 [tilespmem:s24], [sflag:$0x3], $0x80, s29, s20, $0xb8;
	[tilespmem:$0x1F180] =	vst v63  }
0xa6: {  	_ =	swait.ge [sflag:s14], $0x2800  }
0xa7: {  	[sflag:s14] =	ssyncset.done $0x0  }
0xa8: {  	[sflag:s14] =	ssyncadd.s32 $0xFFFFD800  }
0xa9: {  	[bflag:$0x0] =	sbarrier.arrive $0xFFFF  }
0xaa: {  	[hbm:s10], [sflag:s6] =	dma.local [spmem:s13], $0x2700  }
0xab: {  	s30 =	sadd.s32 $0x1, s30;
	_ =	swait.ge [sflag:s14], $0x2700  }
0xac: {  	p1 =	sne.s32 s30, s12;
	[sflag:s14] =	ssyncset.done $0x0  }
.Ltmp1:
0xad: {  	s0 =	simm.s32 @!p0 $0x3;
	[sflag:s14] =	ssyncadd.s32 $0xFFFFD900;
	(pc) =	sbr.rel @p1 .LBB2_1-.Ltmp1, $4  }
0xae: {  	[hbm:s11], [sflag:s6] =	dma.local @!p0 [spmem:s15], $0x100  }
0xaf: {  	_ =	swait.ge @!p0 [sflag:s0], $0x100  }
0xb0: {  	[sflag:s0] =	ssyncset.done @!p0 $0x0  }
0xb1: {  	[sflag:s0] =	ssyncadd.s32 @!p0 $0xFFFFFF00  }
0xb2: {  	_ =	sfence.sel $0x180000  }
0xb3: {  	[bflag:$0x0] =	sbarrier.arrive $0xFFFF  }
0xb4: {  	_ =	strace $0x9000004D  }
0xb5: {  	s0 =	stileid.u32;
	[bflag:$0x2] =	sbarrier.arrive $0xFFFF  }
0xb6: {  	p0 =	sne.s32 s0, $0x0;
	s0 =	rddreg [dreg:$0x2]  }
0xb7: {  	s0 =	sadd.s32 @!p0 $0x100000, s0  }
0xb8: {  	[sflag:s0] =	ssyncadd.tile.s32 @!p0 $0x1;
	_ =	shalt  }
.Lfunc_end2:
_tile_overlayer_lowered:
.L_overlay_start_2:
0xb9: {  	(tag) =	ssettag $0x2  }
0xba: {  	s0 =	rddreg [dreg:$0x0];
	s2 =	stileid.u32  }
0xbb: {  	s1 =	rddreg [dreg:$0x1];
	p0 =	sne.s32 s2, $0x0  }
0xbc: {  	s3 =	rddreg [dreg:$0x2];
	[bflag:$0x3] =	sbarrier.arrive $0xFFFF;
	s2 =	simm.s32 @!p0 $0x1C03  }
0xbd: {  	[timem:s3], [sflag:s2] =	dma.local @!p0 [hbm:s0], s1  }
0xbe: {  	s0 =	simm.s32 @!p0 $0x3  }
0xbf: {  	_ =	swait.ge @!p0 [sflag:s0], s1  }
0xc0: {  	s1 =	ssub.s32 @!p0 $0x0, s1;
	[sflag:s0] =	ssyncset.done @!p0 $0x0  }
0xc1: {  	[sflag:s0] =	ssyncadd.s32 @!p0 s1  }
0xc2: {  	[bflag:$0x3] =	sbarrier.arrive $0xFFFF  }
0xc3: {  	_ =	shalt  }

// kernel: kernel.31.cloned.1.call-start
scs
__scs_entry_jumppad:
0x0: {  	(pc) =	sbr.rel $0x88, $3  }
0x1: {  	(tag) =	ssettag $0x0;
	lr =	simm.s32 $0x1  }
0x2: {  	[smem:$0x3F70] =	sst lr;
	_ =	strace $0xD0000000  }
0x3: {  	_ = 	snop  }
0x4: {  	_ = 	snop  }
0x5: {  	_ = 	snop  }
0x6: {  	_ = 	snop  }
0x7: {  	_ = 	snop  }
__scs_overlays_trampoline_lowered:
0x8: {  	[smem:$0x3F7F] =	sst s0  }
0x9: {  	[smem:$0x3F80] =	sst s1  }
0xa: {  	[smem:$0x3F81] =	sst s2  }
0xb: {  	[smem:$0x3F82] =	sst s3  }
0xc: {  	[smem:$0x3F83] =	sst s4  }
0xd: {  	[smem:$0x3F84] =	sst s5  }
0xe: {  	[smem:$0x3F85] =	sst s6  }
0xf: {  	[smem:$0x3F86] =	sst s7  }
0x10: {  	[smem:$0x3F87] =	sst s8  }
0x11: {  	[smem:$0x3F88] =	sst s9;
	s0 =	simm.s32 @!p0 $0x0  }
0x12: {  	s1 =	sld [smem:$0x3F6E];
	s0 =	simm.s32 @p0 $0x1  }
0x13: {  	[smem:$0x3F89] =	sst s0;
	s0 =	simm.s32 @!p1 $0x0  }
0x14: {  	s2 =	sld [smem:$0x3F6D];
	s0 =	simm.s32 @p1 $0x1  }
0x15: {  	[smem:$0x3F8A] =	sst s0;
	s0 =	simm.s32 @!p2 $0x0  }
0x16: {  	s3 =	sld [smem:$0x3FDB];
	s0 =	simm.s32 @p2 $0x1  }
0x17: {  	s4 =	simm.s32 $0x1BF5;
	[smem:$0x3F8C] =	sst s0  }
0x18: {  	s0 =	sld [smem:$0x3F6F];
	_ =	swait.ge [sflag:s4], $0x0  }
0x19: {  	s7 =	sld [smem:$0x3F70]  }
0x1a: {  	s8 =	sadd.s32 $0xFFFFE003, lr  }
0x1b: {  	s9 =	sadd.s32 $0xFFFFFEF7, lr;
	s5 =	simm.s32 $0xFFFFFFFF;
	p2 =	slt.u32 s8, $0xFFFFF086  }
0x1c: {  	p1 =	slt.u32 s9, $0xF7A;
	s5 =	simm.s32 @!p2 $0x0  }
0x1d: {  	s5 =	simm.s32 @p1 $0x1;
	p0 =	seq.s32 s7, s2  }
0x1e: {  	s7 =	smul.u32 @!p0 $0xF7A, s2;
	p2 =	seq.s32 @!p0 s5, $0x0  }
0x1f: {  	s9 =	smul.u32 $0xF7A, s1;
	s8 =	simm.s32 @!p0 $0x1BF5;
	p2 =	por !p2, p0  }
0x20: {  	[sflag:s8] =	ssyncset.s32 @!p0 $0xFFFFF086;
	s6 =	sadd.s32 @!p0 s3, s7;
	s7 =	simm.s32 @!p0 $0x108  }
0x21: {  	s3 =	sadd.s32 s3, s9;
	s6 =	sadd.s32 @!p0 $0x88, s6;
	s7 =	simm.s32 @p2 $0x1082  }
0x22: {  	[simem:s7], [sflag:s8] =	dma.local @!p0 [hbm:s6], $0xF7A  }
0x23: {  	s9 =	sor.u32 $0xD0000000, s2;
	s6 =	simm.s32 $0x108;
	_ =	swait.ge @!p0 [sflag:s8], $0x0  }
0x24: {  	s3 =	sadd.s32 $0x88, s3;
	s6 =	simm.s32 @!p1 $0x1082;
	[sflag:s4] =	ssyncset.s32 $0xFFFFF086  }
0x25: {  	[simem:s6], [sflag:s4] =	dma.local [hbm:s3], $0xF7A  }
0x26: {  	[smem:$0x3F70] =	sst s1;
	(tag) =	ssettag s2;
	_ =	strace s9  }
0x27: {  	s1 =	sld [smem:$0x3F80]  }
0x28: {  	s2 =	sld [smem:$0x3F81]  }
0x29: {  	s4 =	sld [smem:$0x3F83]  }
0x2a: {  	p0 =	seq.s32 s5, $0x0;
	s5 =	sld [smem:$0x3F84]  }
0x2b: {  	s6 =	sld [smem:$0x3F85]  }
0x2c: {  	s7 =	sld [smem:$0x3F86]  }
0x2d: {  	s3 =	simm.s32 $0x108;
	s8 =	sld [smem:$0x3F87]  }
0x2e: {  	s3 =	simm.s32 @!p0 $0x1082;
	s9 =	sld [smem:$0x3F88]  }
0x2f: {  	lr =	sadd.s32 s0, s3;
	s0 =	sld [smem:$0x3F7F]  }
0x30: {  	s3 =	sld [smem:$0x3F82]  }
0x31: {  	[smem:$0x3F8B] =	sst s10  }
0x32: {  	s10 =	sld [smem:$0x3F89];
	_ =	sdelay $0x3  }
0x33: {  	p0 =	seq.s32 s10, $0x1;
	s10 =	sld [smem:$0x3F8B];
	_ =	sdelay $0x3  }
0x34: {  	[smem:$0x3F8B] =	sst s10  }
0x35: {  	s10 =	sld [smem:$0x3F8A];
	_ =	sdelay $0x3  }
0x36: {  	p1 =	seq.s32 s10, $0x1;
	s10 =	sld [smem:$0x3F8B];
	_ =	sdelay $0x3  }
0x37: {  	[smem:$0x3F8B] =	sst s10  }
0x38: {  	s10 =	sld [smem:$0x3F8C]  }
0x39: {  	_ = 	snop;
	(pc) =	sbr.ind lr, $3  }
0x3a: {  	_ = 	snop  }
0x3b: {  	_ = 	snop  }
0x3c: {  	p2 =	seq.s32 s10, $0x1;
	s10 =	sld [smem:$0x3F8B]  }
0x3d: {  	_ =	shalt  }
0x3e: {  	_ =	shalt  }
0x3f: {  	_ =	shalt  }
0x40: {  	_ =	shalt  }
0x41: {  	_ =	shalt  }
0x42: {  	_ =	shalt  }
0x43: {  	_ =	shalt  }
0x44: {  	_ =	shalt  }
0x45: {  	_ =	shalt  }
0x46: {  	_ =	shalt  }
0x47: {  	_ =	shalt  }
0x48: {  	_ =	shalt  }
0x49: {  	_ =	shalt  }
0x4a: {  	_ =	shalt  }
0x4b: {  	_ =	shalt  }
0x4c: {  	_ =	shalt  }
0x4d: {  	_ =	shalt  }
0x4e: {  	_ =	shalt  }
0x4f: {  	_ =	shalt  }
0x50: {  	_ =	shalt  }
0x51: {  	_ =	shalt  }
0x52: {  	_ =	shalt  }
0x53: {  	_ =	shalt  }
0x54: {  	_ =	shalt  }
0x55: {  	_ =	shalt  }
0x56: {  	_ =	shalt  }
0x57: {  	_ =	shalt  }
0x58: {  	_ =	shalt  }
0x59: {  	_ =	shalt  }
0x5a: {  	_ =	shalt  }
0x5b: {  	_ =	shalt  }
0x5c: {  	_ =	shalt  }
0x5d: {  	_ =	shalt  }
0x5e: {  	_ =	shalt  }
0x5f: {  	_ =	shalt  }
0x60: {  	_ =	shalt  }
0x61: {  	_ =	shalt  }
0x62: {  	_ =	shalt  }
0x63: {  	_ =	shalt  }
0x64: {  	_ =	shalt  }
0x65: {  	_ =	shalt  }
0x66: {  	_ =	shalt  }
0x67: {  	_ =	shalt  }
0x68: {  	_ =	shalt  }
0x69: {  	_ =	shalt  }
0x6a: {  	_ =	shalt  }
0x6b: {  	_ =	shalt  }
0x6c: {  	_ =	shalt  }
0x6d: {  	_ =	shalt  }
0x6e: {  	_ =	shalt  }
0x6f: {  	_ =	shalt  }
0x70: {  	_ =	shalt  }
0x71: {  	_ =	shalt  }
0x72: {  	_ =	shalt  }
0x73: {  	_ =	shalt  }
0x74: {  	_ =	shalt  }
0x75: {  	_ =	shalt  }
0x76: {  	_ =	shalt  }
0x77: {  	_ =	shalt  }
0x78: {  	_ =	shalt  }
0x79: {  	_ =	shalt  }
0x7a: {  	_ =	shalt  }
0x7b: {  	_ =	shalt  }
0x7c: {  	_ =	shalt  }
0x7d: {  	_ =	shalt  }
0x7e: {  	_ =	shalt  }
0x7f: {  	_ =	shalt  }
0x80: {  	_ =	shalt  }
0x81: {  	_ =	shalt  }
0x82: {  	_ =	shalt  }
0x83: {  	_ =	shalt  }
0x84: {  	_ =	shalt  }
0x85: {  	_ =	shalt  }
0x86: {  	_ =	shalt  }
0x87: {  	_ =	shalt  }
.Lfunc_end0:
.L_simem_size_0:
called_computation.3_lowered:
.L_overlay_start_0:
0x88: {  	s2 =	sld [smem:$0x3FD9]  }
0x89: {  	s3 =	sld [smem:$0x3FFE];
	_ =	sdelay $0x1  }
0x8a: {  	s1 =	srdreg.scid  }
0x8b: {  	s0 =	sand.u32 $0x1, s1  }
0x8c: {  	s16 =	sshll.u32 s0, $0xA;
	s2 =	sadd.s32 s3, s2  }
0x8d: {  	s2 =	sadd.s32 s2, s16  }
0x8e: {  	[smem:$0x3F97] =	sst s2  }
0x8f: {  	_ = 	snop  }
0x90: {  	(tm) =	ssettm $0x1  }
0x91: {  	s17 =	sld [smem:$0x3FFB];
	_ =	sdelay $0x3  }
0x92: {  	_ =	strace s17  }
0x93: {  	s2 =	sld [smem:$0x3FFC];
	_ =	sdelay $0x3  }
0x94: {  	_ =	strace s2  }
0x95: {  	s2 =	sld [smem:$0x3FFD];
	_ =	sdelay $0x3  }
0x96: {  	_ =	strace s2  }
0x97: {  	_ =	strace $0x8FFFFFFF  }
0x98: {  	s18 =	sld [smem:$0x3FDB];
	_ =	sdelay $0x1  }
0x99: {  	s19 =	simm.s32 $_scs_section_size  }
0x9a: {  	s4 =	simm.s32 $_size__tile_overlayer_lowered;
	s5 =	simm.s32 $_tile_overlayer_lowered  }
0x9b: {  	s22 =	simm.s32 $0x1BFF;
	s21 =	sshll.u32 s5, $0x1;
	s2 =	sadd.s32 s19, s18  }
0x9c: {  	s6 =	simm.s32 $0x0;
	s20 =	sshll.u32 s4, $0x1;
	s4 =	sadd.s32 s21, s2  }
0x9d: {  	[timem:s6], [sflag:s22] =	dma.local [hbm:s4], s20  }
0x9e: {  	_ =	swait.ge [sflag:s22], s20  }
0x9f: {  	s3 =	ssub.s32 $0x0, s20;
	[sflag:s22] =	ssyncset.done $0x0  }
0xa0: {  	[sflag:s22] =	ssyncadd.s32 s3;
	_ =	sdelay $0x1  }
0xa1: {  	s23 =	simm.s32 $0x1B8B  }
0xa2: {  	_ =	swait.ge [sflag:s23], $0x1  }
0xa3: {  	[sflag:s23] =	ssyncset.done $0x0  }
0xa4: {  	s25 =	simm.s32 $0x1B8E;
	s24 =	sld [smem:$0x3FFE];
	[sflag:s23] =	ssyncadd.s32 $0xFFFFFFFF  }
0xa5: {  	s26 =	simm.s32 $execute0_lowered;
	[smem:$0x3FD2] =	sst s25  }
0xa6: {  	s4 =	sshll.u32 s26, $0x1;
	_ =	strace $0x8000004F;
	[dreg:$0x1] =	wrdreg $0xFFFFFFFF  }
0xa7: {  	s28 =	simm.s32 $_size_execute0_lowered;
	s2 =	sadd.s32 s2, s4;
	[dreg:$0x0] =	wrdreg $0x0  }
0xa8: {  	s4 =	sshll.u32 s28, $0x1;
	[dreg:$0x2] =	wrdreg s2  }
0xa9: {  	[dreg:$0x3] =	wrdreg s4  }
0xaa: {  	[dreg:$0x4] =	wrdreg $0xC0  }
0xab: {  	_ =	task [dreg:s6], $0x5FFFF  }
0xac: {  	[dreg:$0x1] =	wrdreg $0xFFFFFFFF  }
0xad: {  	[dreg:$0x0] =	wrdreg $0x60  }
0xae: {  	[dreg:$0x2] =	wrdreg s24  }
0xaf: {  	[dreg:$0x3] =	wrdreg $0x0  }
0xb0: {  	[dreg:$0x4] =	wrdreg $0x9  }
0xb1: {  	_ =	task.clear_ibuf [dreg:s6], $0x5FFFF;
	_ =	strace $0x9000004F  }
0xb2: {  	s29 =	simm.s32 $0x9;
	_ =	strace $0x80000051  }
0xb3: {  	_ =	swait.ge [sflag:s29], $0x1  }
0xb4: {  	[sflag:s29] =	ssyncadd.s32 $0xFFFFFFFF  }
0xb5: {  	_ =	strace $0x90000051  }
0xb6: {  	_ =	sfence  }
0xb7: {  	s30 =	sld [smem:$0x0];
	_ =	sdelay $0x2  }
0xb8: {  	s31 =	sshll.u32 s1, $0xD;
	s1 =	sshrl.u32 s1, $0x2  }
0xb9: {  	s3 =	sand.u32 $0x4000, s31;
	s1 =	sadd.s32 s1, s30  }
0xba: {  	s0 =	sor.u32 s3, s0;
	s1 =	sshll.u32 s1, $0x11  }
0xbb: {  	s0 =	sor.u32 s1, s0  }
0xbc: {  	s0 =	sadd.s32 $0x8F2B, s0  }
0xbd: {  	[sflag:s0] =	ssyncadd.remote.s32 $0x1  }
0xbe: {  	_ =	sfence.sel $0xFFFF  }
0xbf: {  	[dreg:$0x0] =	wrdreg $0xFFFFFFFF;
	(pc) =	sbr.abs _section_cstart, $3  }
0xc0: {  	[dreg:$0x1] =	wrdreg $0xFFFFFFFF  }
0xc1: {  	_ =	task.clear_ibuf [dreg:s6], $0x2FFFF;
	_ =	strace $0x9FFFFFFF  }
0xc2: {  	(tm) =	ssettm $0x7FFFFFFF  }
0xc3: {  	_ =	shalt  }
tec
execute0_lowered:
.L_overlay_start_1:
0x0: {  	(tag) =	ssettag $0x1  }
0x1: {  	s0 =	rddreg [dreg:$0x0]  }
0x2: {  	s2 =	rddreg [dreg:$0x1];
	s3 =	stileid.u32;
	s5 =	simm.s32 $0x0  }
0x3: {  	s24 =	srdreg.scid;
	s16 =	simm.s32 $0x80;
	s17 =	simm.s32 $0x400  }
0x4: {  	s18 =	simm.s32 $0x13900;
	s19 =	simm.s32 $0x16080;
	s20 =	simm.s32 $0x50  }
0x5: {  	s21 =	simm.s32 $0x1A080;
	s22 =	simm.s32 $0x1A180;
	s23 =	simm.s32 $0x1A100  }
0x6: {  	s29 =	simm.s32 $0x19F00;
	s30 =	simm.s32 $0x0;
	s1 =	sshrl.u32 s3, $0x3  }
0x7: {  	s4 =	sshll.u32 s3, $0x7;
	[smem:$0x7FF] =	sst s5;
	s5 =	sand.u32 $0x1, s24  }
0x8: {  	s7 =	sadd.s32 $0x66A00, s0;
	s6 =	smul.u32 $0x4E000, s3;
	s8 =	sshll.u32 s3, $0xB  }
0x9: {  	s10 =	smul.u32 $0x270, s3;
	s26 =	sshll.u32 s3, $0x6;
	s15 =	sadd.s32 $0x138000, s2  }
0xa: {  	p0 =	sne.s32 s3, $0xF;
	s24 =	simm.s32 $0x1C980;
	s1 =	smul.u32 $0x13C00, s1  }
0xb: {  	s4 =	sand.u32 $0x380, s4;
	_ =	strace $0x80000050;
	s28 =	smul.u32 $0x2710, s5  }
0xc: {  	s9 =	ssub.s32 $0x2, s5;
	s11 =	sadd.s32 s8, s0;
	s12 =	smul.u32 $0x138800, s5  }
0xd: {  	s15 =	sshrl.u32 @!p0 s15, $0x3;
	s25 =	sshrl.u32 s9, $0x1;
	s6 =	sshrl.u32 s6, $0x2  }
0xe: {  	s1 =	sor.u32 s4, s1;
	s4 =	sadd.s32 $0x18800, s0;
	s10 =	sadd.s32 s10, s28  }
0xf: {  	s13 =	ssub.s32 s9, s25;
	s14 =	sadd.s32 s6, s2;
	s31 =	sshrl.u32 s12, $0x3  }
0x10: {  	s6 =	sor.u32 $0x1C03, s26;
	s9 =	sadd.s32 $0xB800, s11;
	s25 =	simm.s32 $0x1  }
0x11: {  	s26 =	simm.s32 $0x2;
	v0 =	vmov s28;
	s28 =	simm.s32 $0x19E80;
	s1 =	sshrl.u32 s1, $0x3  }
0x12: {  	s10 =	sshll.u32 s10, $0x4;
	s12 =	sadd.s32 $0x27000, s31;
	s1 =	sadd.s32 s1, s0  }
0x13: {  	s0 =	sadd.s32 $0x102E00, s0;
	s5 =	sadd.s32 s7, s10;
	s7 =	sadd.s32 s7, s12  }
0x14: {  	s8 =	sadd.s32 $0x13800, s1;
	s10 =	sadd.s32 s0, s10;
	s11 =	sadd.s32 s0, s12  }
0x15: {  	s12 =	smax.u32 s13, $0x1;
	s13 =	sshrl.u32 s14, $0x3;
	s14 =	simm.s32 $0x3  }
.LBB2_1:
0x16: {  	[spmem:s13], [sflag:s6] =	dma.local [hbm:s5], $0x2700  }
0x17: {  	_ =	swait.ge [sflag:s14], $0x2700  }
0x18: {  	[sflag:s14] =	ssyncset.done $0x0  }
0x19: {  	s0 =	simm.s32 @!p0 $0x3;
	[sflag:s14] =	ssyncadd.s32 $0xFFFFD900  }
0x1a: {  	[spmem:s15], [sflag:s6] =	dma.local @!p0 [hbm:s7], $0x100  }
0x1b: {  	_ =	swait.ge @!p0 [sflag:s0], $0x100  }
0x1c: {  	[sflag:s0] =	ssyncset.done @!p0 $0x0  }
0x1d: {  	[sflag:s0] =	ssyncadd.s32 @!p0 $0xFFFFFF00  }
0x1e: {  	[tilespmem:s18], [sflag:$0x3] =	stream.strided.gather [hbm4b:s8+s16], $0x2780, s17, s16, $0x38;
	[tilespmem:$0x1F180] =	vst v63  }
0x1f: {  	_ =	swait.ge [sflag:s14], $0x2780  }
0x20: {  	[sflag:s14] =	ssyncset.done $0x0  }
0x21: {  	s3 =	simm.s32 $0x0;
	[sflag:s14] =	ssyncadd.s32 $0xFFFFD880  }
0x22: {  	[tilespmem:s19], [sflag:$0x3] =	stream.linear.gather [hbm4b:s9+s3], $0x3F00, $0x38;
	[tilespmem:$0x1F180] =	vst v63  }
0x23: {  	_ =	swait.ge [sflag:s14], $0x3F00  }
0x24: {  	[sflag:s14] =	ssyncset.done $0x0  }
0x25: {  	[sflag:s14] =	ssyncadd.s32 $0xFFFFC100  }
0x26: {  	[bflag:$0x0] =	sbarrier.arrive $0xFFFF  }
0x27: {  	v1 =	vld [tilespmem:$0x13900]  }
0x28: {  	v2 =	vld [tilespmem:$0x13910]  }
0x29: {  	v3 =	vld [tilespmem:$0x13920]  }
0x2a: {  	v4 =	vld [tilespmem:$0x13930]  }
0x2b: {  	v5 =	vld [tilespmem:$0x13940]  }
0x2c: {  	v1 =	vadd.s32 v0, v1  }
0x2d: {  	[tilespmem:$0x1A080] =	vst v1;
	v1 =	vadd.s32 v0, v2  }
0x2e: {  	[tilespmem:$0x1A090] =	vst v1;
	v1 =	vadd.s32 v0, v3  }
0x2f: {  	[tilespmem:$0x1A0A0] =	vst v1;
	v1 =	vadd.s32 v0, v4  }
0x30: {  	[tilespmem:$0x1A0B0] =	vst v1;
	v1 =	vadd.s32 v0, v5  }
0x31: {  	s31 =	simm.s32 $0x13970;
	[tilespmem:$0x1A0C0] =	vst v1  }
0x32: {  	[tilespmem:s22], [sflag:$0x1] =	stream.indirect.gather [hbm4b:s4+s20], $0x80, s21, s20, $0xb8;
	[tilespmem:$0x1F180] =	vst v63  }
0x33: {  	v1 =	vld [tilespmem:s31+$0xFFFFFFE0];
	_ =	sdelay $0x4  }
0x34: {  	v1 =	vadd.s32 v0, v1  }
0x35: {  	[tilespmem:$0x1A100] =	vst v1  }
0x36: {  	v1 =	vld [tilespmem:s31+$0xFFFFFFF0];
	_ =	sdelay $0x4  }
0x37: {  	v1 =	vadd.s32 v0, v1  }
0x38: {  	[tilespmem:$0x1A110] =	vst v1  }
0x39: {  	v1 =	vld [tilespmem:s31+$0x0];
	_ =	sdelay $0x4  }
0x3a: {  	v1 =	vadd.s32 v0, v1  }
0x3b: {  	[tilespmem:$0x1A120] =	vst v1  }
0x3c: {  	v1 =	vld [tilespmem:s31+$0x10];
	_ =	sdelay $0x4  }
0x3d: {  	v1 =	vadd.s32 v0, v1  }
0x3e: {  	[tilespmem:$0x1A130] =	vst v1  }
0x3f: {  	v1 =	vld [tilespmem:s31+$0x20];
	_ =	sdelay $0x4  }
0x40: {  	v1 =	vadd.s32 v0, v1  }
0x41: {  	[tilespmem:$0x1A140] =	vst v1  }
0x42: {  	[tilespmem:s24], [sflag:$0x2] =	stream.indirect.gather [hbm4b:s4+s20], $0x80, s23, s20, $0xb8;
	[tilespmem:$0x1F180] =	vst v63  }
0x43: {  	_ =	swait.ge [sflag:s25], $0x2800  }
0x44: {  	[sflag:s25] =	ssyncset.done $0x0  }
0x45: {  	s1 =	simm.s32 $0x16080;
	[sflag:s25] =	ssyncadd.s32 $0xFFFFD800  }
0x46: {  	[spmem:s2] =	stream.indirect.scatter.add.f32 [tilespmem:s22], [sflag:$0x3], $0x80, s1, s20, $0xb8;
	[tilespmem:$0x1F180] =	vst v63  }
0x47: {  	_ =	swait.ge [sflag:s14], $0x2800  }
0x48: {  	[sflag:s14] =	ssyncset.done $0x0  }
0x49: {  	[sflag:s14] =	ssyncadd.s32 $0xFFFFD800  }
0x4a: {  	v1 =	vld [tilespmem:s31+$0x30];
	_ =	sdelay $0x4  }
0x4b: {  	v1 =	vadd.s32 v0, v1  }
0x4c: {  	[tilespmem:$0x1A080] =	vst v1  }
0x4d: {  	v1 =	vld [tilespmem:s31+$0x40];
	_ =	sdelay $0x4  }
0x4e: {  	v1 =	vadd.s32 v0, v1  }
0x4f: {  	[tilespmem:$0x1A090] =	vst v1  }
0x50: {  	v1 =	vld [tilespmem:s31+$0x50];
	_ =	sdelay $0x4  }
0x51: {  	v1 =	vadd.s32 v0, v1  }
0x52: {  	[tilespmem:$0x1A0A0] =	vst v1  }
0x53: {  	v1 =	vld [tilespmem:s31+$0x60];
	_ =	sdelay $0x4  }
0x54: {  	v1 =	vadd.s32 v0, v1  }
0x55: {  	[tilespmem:$0x1A0B0] =	vst v1  }
0x56: {  	v1 =	vld [tilespmem:s31+$0x70];
	_ =	sdelay $0x4  }
0x57: {  	v1 =	vadd.s32 v0, v1  }
0x58: {  	[tilespmem:$0x1A0C0] =	vst v1  }
0x59: {  	[tilespmem:s22], [sflag:$0x1] =	stream.indirect.gather [hbm4b:s4+s20], $0x80, s21, s20, $0xb8;
	[tilespmem:$0x1F180] =	vst v63  }
0x5a: {  	_ =	swait.ge [sflag:s26], $0x2800  }
0x5b: {  	[sflag:s26] =	ssyncset.done $0x0  }
0x5c: {  	s3 =	simm.s32 $0x16100;
	[sflag:s26] =	ssyncadd.s32 $0xFFFFD800  }
0x5d: {  	[spmem:s2] =	stream.indirect.scatter.add.f32 [tilespmem:s24], [sflag:$0x3], $0x80, s3, s20, $0xb8;
	[tilespmem:$0x1F180] =	vst v63  }
0x5e: {  	_ =	swait.ge [sflag:s14], $0x2800  }
0x5f: {  	s0 =	simm.s32 $0x400;
	[sflag:s14] =	ssyncset.done $0x0  }
.LBB2_2:
0x60: {  	p1 =	sne.s32 s0, $0xF400;
	[sflag:s14] =	ssyncadd.s32 $0xFFFFD800;
	s31 =	sadd.s32 $0xA0, s31  }
0x61: {  	s1 =	smov.u32 s0;
	s0 =	sadd.s32 $0x400, s0;
	v1 =	vld [tilespmem:s31+$0xFFFFFFE0];
	_ =	sdelay $0x4  }
0x62: {  	v1 =	vadd.s32 v0, v1  }
0x63: {  	[tilespmem:$0x1A100] =	vst v1  }
0x64: {  	v1 =	vld [tilespmem:s31+$0xFFFFFFF0];
	_ =	sdelay $0x4  }
0x65: {  	v1 =	vadd.s32 v0, v1  }
0x66: {  	[tilespmem:$0x1A110] =	vst v1  }
0x67: {  	v1 =	vld [tilespmem:s31+$0x0];
	_ =	sdelay $0x4  }
0x68: {  	v1 =	vadd.s32 v0, v1  }
0x69: {  	[tilespmem:$0x1A120] =	vst v1  }
0x6a: {  	v1 =	vld [tilespmem:s31+$0x10];
	_ =	sdelay $0x4  }
0x6b: {  	v1 =	vadd.s32 v0, v1  }
0x6c: {  	[tilespmem:$0x1A130] =	vst v1  }
0x6d: {  	v1 =	vld [tilespmem:s31+$0x20];
	_ =	sdelay $0x4  }
0x6e: {  	v1 =	vadd.s32 v0, v1  }
0x6f: {  	[tilespmem:$0x1A140] =	vst v1  }
0x70: {  	[tilespmem:s24], [sflag:$0x2] =	stream.indirect.gather [hbm4b:s4+s20], $0x80, s23, s20, $0xb8;
	[tilespmem:$0x1F180] =	vst v63  }
0x71: {  	_ =	swait.ge [sflag:s25], $0x2800  }
0x72: {  	s1 =	sshra.s32 s1, $0x2;
	[sflag:s25] =	ssyncset.done $0x0  }
0x73: {  	s3 =	sadd.s32 $0x16080, s1;
	[sflag:s25] =	ssyncadd.s32 $0xFFFFD800  }
0x74: {  	[spmem:s2] =	stream.indirect.scatter.add.f32 [tilespmem:s22], [sflag:$0x3], $0x80, s3, s20, $0xb8;
	[tilespmem:$0x1F180] =	vst v63  }
0x75: {  	_ =	swait.ge [sflag:s14], $0x2800  }
0x76: {  	[sflag:s14] =	ssyncset.done $0x0  }
0x77: {  	[sflag:s14] =	ssyncadd.s32 $0xFFFFD800  }
0x78: {  	v1 =	vld [tilespmem:s31+$0x30];
	_ =	sdelay $0x4  }
0x79: {  	v1 =	vadd.s32 v0, v1  }
0x7a: {  	[tilespmem:$0x1A080] =	vst v1  }
0x7b: {  	v1 =	vld [tilespmem:s31+$0x40];
	_ =	sdelay $0x4  }
0x7c: {  	v1 =	vadd.s32 v0, v1  }
0x7d: {  	[tilespmem:$0x1A090] =	vst v1  }
0x7e: {  	v1 =	vld [tilespmem:s31+$0x50];
	_ =	sdelay $0x4  }
0x7f: {  	v1 =	vadd.s32 v0, v1  }
0x80: {  	[tilespmem:$0x1A0A0] =	vst v1  }
0x81: {  	v1 =	vld [tilespmem:s31+$0x60];
	_ =	sdelay $0x4  }
0x82: {  	v1 =	vadd.s32 v0, v1  }
0x83: {  	[tilespmem:$0x1A0B0] =	vst v1  }
0x84: {  	v1 =	vld [tilespmem:s31+$0x70];
	_ =	sdelay $0x4  }
0x85: {  	v1 =	vadd.s32 v0, v1  }
0x86: {  	[tilespmem:$0x1A0C0] =	vst v1  }
0x87: {  	[tilespmem:s22], [sflag:$0x1] =	stream.indirect.gather [hbm4b:s4+s20], $0x80, s21, s20, $0xb8;
	[tilespmem:$0x1F180] =	vst v63  }
0x88: {  	_ =	swait.ge [sflag:s26], $0x2800  }
.Ltmp0:
0x89: {  	[sflag:s26] =	ssyncset.done $0x0;
	(pc) =	sbr.rel @p1 .LBB2_2-.Ltmp0, $4  }
0x8a: {  	s1 =	sadd.s32 $0x16100, s1;
	[sflag:s26] =	ssyncadd.s32 $0xFFFFD800  }
0x8b: {  	[spmem:s2] =	stream.indirect.scatter.add.f32 [tilespmem:s24], [sflag:$0x3], $0x80, s1, s20, $0xb8;
	[tilespmem:$0x1F180] =	vst v63  }
0x8c: {  	_ =	swait.ge [sflag:s14], $0x2800  }
0x8d: {  	[sflag:s14] =	ssyncset.done $0x0  }
0x8e: {  	[sflag:s14] =	ssyncadd.s32 $0xFFFFD800  }
0x8f: {  	v1 =	vld [tilespmem:$0x16010]  }
0x90: {  	v2 =	vld [tilespmem:$0x16020]  }
0x91: {  	v3 =	vld [tilespmem:$0x16030]  }
0x92: {  	v4 =	vld [tilespmem:$0x16040]  }
0x93: {  	v5 =	vld [tilespmem:$0x16050]  }
0x94: {  	v1 =	vadd.s32 v0, v1  }
0x95: {  	[tilespmem:$0x1A100] =	vst v1;
	v1 =	vadd.s32 v0, v2  }
0x96: {  	[tilespmem:$0x1A110] =	vst v1;
	v1 =	vadd.s32 v0, v3  }
0x97: {  	[tilespmem:$0x1A120] =	vst v1;
	v1 =	vadd.s32 v0, v4  }
0x98: {  	[tilespmem:$0x1A130] =	vst v1;
	v1 =	vadd.s32 v0, v5  }
0x99: {  	[tilespmem:$0x1A140] =	vst v1  }
0x9a: {  	[tilespmem:s24], [sflag:$0x2] =	stream.indirect.gather [hbm4b:s4+s20], $0x80, s23, s20, $0xb8;
	[tilespmem:$0x1F180] =	vst v63  }
0x9b: {  	_ =	swait.ge [sflag:s25], $0x2800  }
0x9c: {  	[sflag:s25] =	ssyncset.done $0x0  }
0x9d: {  	[sflag:s25] =	ssyncadd.s32 $0xFFFFD800  }
0x9e: {  	[spmem:s2] =	stream.indirect.scatter.add.f32 [tilespmem:s22], [sflag:$0x3], $0x80, s28, s20, $0xb8;
	[tilespmem:$0x1F180] =	vst v63  }
0x9f: {  	_ =	swait.ge [sflag:s14], $0x2800  }
0xa0: {  	[sflag:s14] =	ssyncset.done $0x0  }
0xa1: {  	[sflag:s14] =	ssyncadd.s32 $0xFFFFD800  }
0xa2: {  	_ =	swait.ge [sflag:s26], $0x2800  }
0xa3: {  	[sflag:s26] =	ssyncset.done $0x0  }
0xa4: {  	[sflag:s26] =	ssyncadd.s32 $0xFFFFD800  }
0xa5: {  	[spmem:s2] =	stream.indirect.scatter.add.f32 [tilespmem:s24], [sflag:$0x3], $0x80, s29, s20, $0xb8;
	[tilespmem:$0x1F180] =	vst v63  }
0xa6: {  	_ =	swait.ge [sflag:s14], $0x2800  }
0xa7: {  	[sflag:s14] =	ssyncset.done $0x0  }
0xa8: {  	[sflag:s14] =	ssyncadd.s32 $0xFFFFD800  }
0xa9: {  	[bflag:$0x0] =	sbarrier.arrive $0xFFFF  }
0xaa: {  	[hbm:s10], [sflag:s6] =	dma.local [spmem:s13], $0x2700  }
0xab: {  	s30 =	sadd.s32 $0x1, s30;
	_ =	swait.ge [sflag:s14], $0x2700  }
0xac: {  	p1 =	sne.s32 s30, s12;
	[sflag:s14] =	ssyncset.done $0x0  }
.Ltmp1:
0xad: {  	s0 =	simm.s32 @!p0 $0x3;
	[sflag:s14] =	ssyncadd.s32 $0xFFFFD900;
	(pc) =	sbr.rel @p1 .LBB2_1-.Ltmp1, $4  }
0xae: {  	[hbm:s11], [sflag:s6] =	dma.local @!p0 [spmem:s15], $0x100  }
0xaf: {  	_ =	swait.ge @!p0 [sflag:s0], $0x100  }
0xb0: {  	[sflag:s0] =	ssyncset.done @!p0 $0x0  }
0xb1: {  	[sflag:s0] =	ssyncadd.s32 @!p0 $0xFFFFFF00  }
0xb2: {  	_ =	sfence.sel $0x180000  }
0xb3: {  	[bflag:$0x0] =	sbarrier.arrive $0xFFFF  }
0xb4: {  	_ =	strace $0x90000050  }
0xb5: {  	s0 =	stileid.u32;
	[bflag:$0x2] =	sbarrier.arrive $0xFFFF  }
0xb6: {  	p0 =	sne.s32 s0, $0x0;
	s0 =	rddreg [dreg:$0x2]  }
0xb7: {  	s0 =	sadd.s32 @!p0 $0x100000, s0  }
0xb8: {  	[sflag:s0] =	ssyncadd.tile.s32 @!p0 $0x1;
	_ =	shalt  }
.Lfunc_end2:
_tile_overlayer_lowered:
.L_overlay_start_2:
0xb9: {  	(tag) =	ssettag $0x2  }
0xba: {  	s0 =	rddreg [dreg:$0x0];
	s2 =	stileid.u32  }
0xbb: {  	s1 =	rddreg [dreg:$0x1];
	p0 =	sne.s32 s2, $0x0  }
0xbc: {  	s3 =	rddreg [dreg:$0x2];
	[bflag:$0x3] =	sbarrier.arrive $0xFFFF;
	s2 =	simm.s32 @!p0 $0x1C03  }
0xbd: {  	[timem:s3], [sflag:s2] =	dma.local @!p0 [hbm:s0], s1  }
0xbe: {  	s0 =	simm.s32 @!p0 $0x3  }
0xbf: {  	_ =	swait.ge @!p0 [sflag:s0], s1  }
0xc0: {  	s1 =	ssub.s32 @!p0 $0x0, s1;
	[sflag:s0] =	ssyncset.done @!p0 $0x0  }
0xc1: {  	[sflag:s0] =	ssyncadd.s32 @!p0 s1  }
0xc2: {  	[bflag:$0x3] =	sbarrier.arrive $0xFFFF  }
0xc3: {  	_ =	shalt  }

// kernel: kernel.34.cloned.1.call-start
scs
__scs_entry_jumppad:
0x0: {  	(pc) =	sbr.rel $0x88, $3  }
0x1: {  	(tag) =	ssettag $0x0;
	lr =	simm.s32 $0x1  }
0x2: {  	[smem:$0x3F70] =	sst lr;
	_ =	strace $0xD0000000  }
0x3: {  	_ = 	snop  }
0x4: {  	_ = 	snop  }
0x5: {  	_ = 	snop  }
0x6: {  	_ = 	snop  }
0x7: {  	_ = 	snop  }
__scs_overlays_trampoline_lowered:
0x8: {  	[smem:$0x3F7F] =	sst s0  }
0x9: {  	[smem:$0x3F80] =	sst s1  }
0xa: {  	[smem:$0x3F81] =	sst s2  }
0xb: {  	[smem:$0x3F82] =	sst s3  }
0xc: {  	[smem:$0x3F83] =	sst s4  }
0xd: {  	[smem:$0x3F84] =	sst s5  }
0xe: {  	[smem:$0x3F85] =	sst s6  }
0xf: {  	[smem:$0x3F86] =	sst s7  }
0x10: {  	[smem:$0x3F87] =	sst s8  }
0x11: {  	[smem:$0x3F88] =	sst s9;
	s0 =	simm.s32 @!p0 $0x0  }
0x12: {  	s1 =	sld [smem:$0x3F6E];
	s0 =	simm.s32 @p0 $0x1  }
0x13: {  	[smem:$0x3F89] =	sst s0;
	s0 =	simm.s32 @!p1 $0x0  }
0x14: {  	s2 =	sld [smem:$0x3F6D];
	s0 =	simm.s32 @p1 $0x1  }
0x15: {  	[smem:$0x3F8A] =	sst s0;
	s0 =	simm.s32 @!p2 $0x0  }
0x16: {  	s3 =	sld [smem:$0x3FDB];
	s0 =	simm.s32 @p2 $0x1  }
0x17: {  	s4 =	simm.s32 $0x1BF5;
	[smem:$0x3F8C] =	sst s0  }
0x18: {  	s0 =	sld [smem:$0x3F6F];
	_ =	swait.ge [sflag:s4], $0x0  }
0x19: {  	s7 =	sld [smem:$0x3F70]  }
0x1a: {  	s8 =	sadd.s32 $0xFFFFE003, lr  }
0x1b: {  	s9 =	sadd.s32 $0xFFFFFEF7, lr;
	s5 =	simm.s32 $0xFFFFFFFF;
	p2 =	slt.u32 s8, $0xFFFFF086  }
0x1c: {  	p1 =	slt.u32 s9, $0xF7A;
	s5 =	simm.s32 @!p2 $0x0  }
0x1d: {  	s5 =	simm.s32 @p1 $0x1;
	p0 =	seq.s32 s7, s2  }
0x1e: {  	s7 =	smul.u32 @!p0 $0xF7A, s2;
	p2 =	seq.s32 @!p0 s5, $0x0  }
0x1f: {  	s9 =	smul.u32 $0xF7A, s1;
	s8 =	simm.s32 @!p0 $0x1BF5;
	p2 =	por !p2, p0  }
0x20: {  	[sflag:s8] =	ssyncset.s32 @!p0 $0xFFFFF086;
	s6 =	sadd.s32 @!p0 s3, s7;
	s7 =	simm.s32 @!p0 $0x108  }
0x21: {  	s3 =	sadd.s32 s3, s9;
	s6 =	sadd.s32 @!p0 $0x88, s6;
	s7 =	simm.s32 @p2 $0x1082  }
0x22: {  	[simem:s7], [sflag:s8] =	dma.local @!p0 [hbm:s6], $0xF7A  }
0x23: {  	s9 =	sor.u32 $0xD0000000, s2;
	s6 =	simm.s32 $0x108;
	_ =	swait.ge @!p0 [sflag:s8], $0x0  }
0x24: {  	s3 =	sadd.s32 $0x88, s3;
	s6 =	simm.s32 @!p1 $0x1082;
	[sflag:s4] =	ssyncset.s32 $0xFFFFF086  }
0x25: {  	[simem:s6], [sflag:s4] =	dma.local [hbm:s3], $0xF7A  }
0x26: {  	[smem:$0x3F70] =	sst s1;
	(tag) =	ssettag s2;
	_ =	strace s9  }
0x27: {  	s1 =	sld [smem:$0x3F80]  }
0x28: {  	s2 =	sld [smem:$0x3F81]  }
0x29: {  	s4 =	sld [smem:$0x3F83]  }
0x2a: {  	p0 =	seq.s32 s5, $0x0;
	s5 =	sld [smem:$0x3F84]  }
0x2b: {  	s6 =	sld [smem:$0x3F85]  }
0x2c: {  	s7 =	sld [smem:$0x3F86]  }
0x2d: {  	s3 =	simm.s32 $0x108;
	s8 =	sld [smem:$0x3F87]  }
0x2e: {  	s3 =	simm.s32 @!p0 $0x1082;
	s9 =	sld [smem:$0x3F88]  }
0x2f: {  	lr =	sadd.s32 s0, s3;
	s0 =	sld [smem:$0x3F7F]  }
0x30: {  	s3 =	sld [smem:$0x3F82]  }
0x31: {  	[smem:$0x3F8B] =	sst s10  }
0x32: {  	s10 =	sld [smem:$0x3F89];
	_ =	sdelay $0x3  }
0x33: {  	p0 =	seq.s32 s10, $0x1;
	s10 =	sld [smem:$0x3F8B];
	_ =	sdelay $0x3  }
0x34: {  	[smem:$0x3F8B] =	sst s10  }
0x35: {  	s10 =	sld [smem:$0x3F8A];
	_ =	sdelay $0x3  }
0x36: {  	p1 =	seq.s32 s10, $0x1;
	s10 =	sld [smem:$0x3F8B];
	_ =	sdelay $0x3  }
0x37: {  	[smem:$0x3F8B] =	sst s10  }
0x38: {  	s10 =	sld [smem:$0x3F8C]  }
0x39: {  	_ = 	snop;
	(pc) =	sbr.ind lr, $3  }
0x3a: {  	_ = 	snop  }
0x3b: {  	_ = 	snop  }
0x3c: {  	p2 =	seq.s32 s10, $0x1;
	s10 =	sld [smem:$0x3F8B]  }
0x3d: {  	_ =	shalt  }
0x3e: {  	_ =	shalt  }
0x3f: {  	_ =	shalt  }
0x40: {  	_ =	shalt  }
0x41: {  	_ =	shalt  }
0x42: {  	_ =	shalt  }
0x43: {  	_ =	shalt  }
0x44: {  	_ =	shalt  }
0x45: {  	_ =	shalt  }
0x46: {  	_ =	shalt  }
0x47: {  	_ =	shalt  }
0x48: {  	_ =	shalt  }
0x49: {  	_ =	shalt  }
0x4a: {  	_ =	shalt  }
0x4b: {  	_ =	shalt  }
0x4c: {  	_ =	shalt  }
0x4d: {  	_ =	shalt  }
0x4e: {  	_ =	shalt  }
0x4f: {  	_ =	shalt  }
0x50: {  	_ =	shalt  }
0x51: {  	_ =	shalt  }
0x52: {  	_ =	shalt  }
0x53: {  	_ =	shalt  }
0x54: {  	_ =	shalt  }
0x55: {  	_ =	shalt  }
0x56: {  	_ =	shalt  }
0x57: {  	_ =	shalt  }
0x58: {  	_ =	shalt  }
0x59: {  	_ =	shalt  }
0x5a: {  	_ =	shalt  }
0x5b: {  	_ =	shalt  }
0x5c: {  	_ =	shalt  }
0x5d: {  	_ =	shalt  }
0x5e: {  	_ =	shalt  }
0x5f: {  	_ =	shalt  }
0x60: {  	_ =	shalt  }
0x61: {  	_ =	shalt  }
0x62: {  	_ =	shalt  }
0x63: {  	_ =	shalt  }
0x64: {  	_ =	shalt  }
0x65: {  	_ =	shalt  }
0x66: {  	_ =	shalt  }
0x67: {  	_ =	shalt  }
0x68: {  	_ =	shalt  }
0x69: {  	_ =	shalt  }
0x6a: {  	_ =	shalt  }
0x6b: {  	_ =	shalt  }
0x6c: {  	_ =	shalt  }
0x6d: {  	_ =	shalt  }
0x6e: {  	_ =	shalt  }
0x6f: {  	_ =	shalt  }
0x70: {  	_ =	shalt  }
0x71: {  	_ =	shalt  }
0x72: {  	_ =	shalt  }
0x73: {  	_ =	shalt  }
0x74: {  	_ =	shalt  }
0x75: {  	_ =	shalt  }
0x76: {  	_ =	shalt  }
0x77: {  	_ =	shalt  }
0x78: {  	_ =	shalt  }
0x79: {  	_ =	shalt  }
0x7a: {  	_ =	shalt  }
0x7b: {  	_ =	shalt  }
0x7c: {  	_ =	shalt  }
0x7d: {  	_ =	shalt  }
0x7e: {  	_ =	shalt  }
0x7f: {  	_ =	shalt  }
0x80: {  	_ =	shalt  }
0x81: {  	_ =	shalt  }
0x82: {  	_ =	shalt  }
0x83: {  	_ =	shalt  }
0x84: {  	_ =	shalt  }
0x85: {  	_ =	shalt  }
0x86: {  	_ =	shalt  }
0x87: {  	_ =	shalt  }
.Lfunc_end0:
.L_simem_size_0:
called_computation.4_lowered:
.L_overlay_start_0:
0x88: {  	s2 =	sld [smem:$0x3FD9]  }
0x89: {  	s3 =	sld [smem:$0x3FFE];
	_ =	sdelay $0x1  }
0x8a: {  	s1 =	srdreg.scid  }
0x8b: {  	s0 =	sand.u32 $0x1, s1  }
0x8c: {  	s16 =	sshll.u32 s0, $0xA;
	s2 =	sadd.s32 s3, s2  }
0x8d: {  	s2 =	sadd.s32 s2, s16  }
0x8e: {  	[smem:$0x3F97] =	sst s2  }
0x8f: {  	_ = 	snop  }
0x90: {  	(tm) =	ssettm $0x1  }
0x91: {  	s17 =	sld [smem:$0x3FFB];
	_ =	sdelay $0x3  }
0x92: {  	_ =	strace s17  }
0x93: {  	s2 =	sld [smem:$0x3FFC];
	_ =	sdelay $0x3  }
0x94: {  	_ =	strace s2  }
0x95: {  	s2 =	sld [smem:$0x3FFD];
	_ =	sdelay $0x3  }
0x96: {  	_ =	strace s2  }
0x97: {  	_ =	strace $0x8FFFFFFF  }
0x98: {  	s18 =	sld [smem:$0x3FDB];
	_ =	sdelay $0x1  }
0x99: {  	s19 =	simm.s32 $_scs_section_size  }
0x9a: {  	s4 =	simm.s32 $_size__tile_overlayer_lowered;
	s5 =	simm.s32 $_tile_overlayer_lowered  }
0x9b: {  	s22 =	simm.s32 $0x1BFF;
	s21 =	sshll.u32 s5, $0x1;
	s2 =	sadd.s32 s19, s18  }
0x9c: {  	s6 =	simm.s32 $0x0;
	s20 =	sshll.u32 s4, $0x1;
	s4 =	sadd.s32 s21, s2  }
0x9d: {  	[timem:s6], [sflag:s22] =	dma.local [hbm:s4], s20  }
0x9e: {  	_ =	swait.ge [sflag:s22], s20  }
0x9f: {  	s3 =	ssub.s32 $0x0, s20;
	[sflag:s22] =	ssyncset.done $0x0  }
0xa0: {  	[sflag:s22] =	ssyncadd.s32 s3;
	_ =	sdelay $0x1  }
0xa1: {  	s23 =	simm.s32 $0x1B8B  }
0xa2: {  	_ =	swait.ge [sflag:s23], $0x1  }
0xa3: {  	[sflag:s23] =	ssyncset.done $0x0  }
0xa4: {  	s25 =	simm.s32 $0x1B8E;
	s24 =	sld [smem:$0x3FFE];
	[sflag:s23] =	ssyncadd.s32 $0xFFFFFFFF  }
0xa5: {  	s26 =	simm.s32 $execute0_lowered;
	[smem:$0x3FD2] =	sst s25  }
0xa6: {  	s4 =	sshll.u32 s26, $0x1;
	_ =	strace $0x80000052;
	[dreg:$0x1] =	wrdreg $0xFFFFFFFF  }
0xa7: {  	s28 =	simm.s32 $_size_execute0_lowered;
	s2 =	sadd.s32 s2, s4;
	[dreg:$0x0] =	wrdreg $0x0  }
0xa8: {  	s4 =	sshll.u32 s28, $0x1;
	[dreg:$0x2] =	wrdreg s2  }
0xa9: {  	[dreg:$0x3] =	wrdreg s4  }
0xaa: {  	[dreg:$0x4] =	wrdreg $0xC0  }
0xab: {  	_ =	task [dreg:s6], $0x5FFFF  }
0xac: {  	[dreg:$0x1] =	wrdreg $0xFFFFFFFF  }
0xad: {  	[dreg:$0x0] =	wrdreg $0x60  }
0xae: {  	[dreg:$0x2] =	wrdreg s24  }
0xaf: {  	[dreg:$0x3] =	wrdreg $0x0  }
0xb0: {  	[dreg:$0x4] =	wrdreg $0x9  }
0xb1: {  	_ =	task.clear_ibuf [dreg:s6], $0x5FFFF;
	_ =	strace $0x90000052  }
0xb2: {  	s29 =	simm.s32 $0x9;
	_ =	strace $0x80000054  }
0xb3: {  	_ =	swait.ge [sflag:s29], $0x1  }
0xb4: {  	[sflag:s29] =	ssyncadd.s32 $0xFFFFFFFF  }
0xb5: {  	_ =	strace $0x90000054  }
0xb6: {  	_ =	sfence  }
0xb7: {  	s30 =	sld [smem:$0x0];
	_ =	sdelay $0x2  }
0xb8: {  	s31 =	sshll.u32 s1, $0xD;
	s1 =	sshrl.u32 s1, $0x2  }
0xb9: {  	s3 =	sand.u32 $0x4000, s31;
	s1 =	sadd.s32 s1, s30  }
0xba: {  	s0 =	sor.u32 s3, s0;
	s1 =	sshll.u32 s1, $0x11  }
0xbb: {  	s0 =	sor.u32 s1, s0  }
0xbc: {  	s0 =	sadd.s32 $0x8F2B, s0  }
0xbd: {  	[sflag:s0] =	ssyncadd.remote.s32 $0x1  }
0xbe: {  	_ =	sfence.sel $0xFFFF  }
0xbf: {  	[dreg:$0x0] =	wrdreg $0xFFFFFFFF;
	(pc) =	sbr.abs _section_cstart, $3  }
0xc0: {  	[dreg:$0x1] =	wrdreg $0xFFFFFFFF  }
0xc1: {  	_ =	task.clear_ibuf [dreg:s6], $0x2FFFF;
	_ =	strace $0x9FFFFFFF  }
0xc2: {  	(tm) =	ssettm $0x7FFFFFFF  }
0xc3: {  	_ =	shalt  }
tec
execute0_lowered:
.L_overlay_start_1:
0x0: {  	(tag) =	ssettag $0x1  }
0x1: {  	s0 =	rddreg [dreg:$0x0]  }
0x2: {  	s2 =	rddreg [dreg:$0x1];
	s3 =	stileid.u32;
	s5 =	simm.s32 $0x0  }
0x3: {  	s24 =	srdreg.scid;
	s16 =	simm.s32 $0x80;
	s17 =	simm.s32 $0x400  }
0x4: {  	s18 =	simm.s32 $0x13900;
	s19 =	simm.s32 $0x16080;
	s20 =	simm.s32 $0x50  }
0x5: {  	s21 =	simm.s32 $0x1A080;
	s22 =	simm.s32 $0x1A180;
	s23 =	simm.s32 $0x1A100  }
0x6: {  	s29 =	simm.s32 $0x19F00;
	s30 =	simm.s32 $0x0;
	s1 =	sshrl.u32 s3, $0x3  }
0x7: {  	s4 =	sshll.u32 s3, $0x7;
	[smem:$0x7FF] =	sst s5;
	s5 =	sand.u32 $0x1, s24  }
0x8: {  	s7 =	sadd.s32 $0x66A00, s0;
	s6 =	smul.u32 $0x4E000, s3;
	s8 =	sshll.u32 s3, $0xB  }
0x9: {  	s10 =	smul.u32 $0x270, s3;
	s26 =	sshll.u32 s3, $0x6;
	s15 =	sadd.s32 $0x138000, s2  }
0xa: {  	p0 =	sne.s32 s3, $0xF;
	s24 =	simm.s32 $0x1C980;
	s1 =	smul.u32 $0x13C00, s1  }
0xb: {  	s4 =	sand.u32 $0x380, s4;
	_ =	strace $0x80000053;
	s28 =	smul.u32 $0x2710, s5  }
0xc: {  	s9 =	ssub.s32 $0x2, s5;
	s11 =	sadd.s32 s8, s0;
	s12 =	smul.u32 $0x138800, s5  }
0xd: {  	s15 =	sshrl.u32 @!p0 s15, $0x3;
	s25 =	sshrl.u32 s9, $0x1;
	s6 =	sshrl.u32 s6, $0x2  }
0xe: {  	s1 =	sor.u32 s4, s1;
	s4 =	sadd.s32 $0x18800, s0;
	s10 =	sadd.s32 s10, s28  }
0xf: {  	s13 =	ssub.s32 s9, s25;
	s14 =	sadd.s32 s6, s2;
	s31 =	sshrl.u32 s12, $0x3  }
0x10: {  	s6 =	sor.u32 $0x1C03, s26;
	s9 =	sadd.s32 $0xB800, s11;
	s25 =	simm.s32 $0x1  }
0x11: {  	s26 =	simm.s32 $0x2;
	v0 =	vmov s28;
	s28 =	simm.s32 $0x19E80;
	s1 =	sshrl.u32 s1, $0x3  }
0x12: {  	s10 =	sshll.u32 s10, $0x4;
	s12 =	sadd.s32 $0x27000, s31;
	s1 =	sadd.s32 s1, s0  }
0x13: {  	s0 =	sadd.s32 $0x102E00, s0;
	s5 =	sadd.s32 s7, s10;
	s7 =	sadd.s32 s7, s12  }
0x14: {  	s8 =	sadd.s32 $0x13800, s1;
	s10 =	sadd.s32 s0, s10;
	s11 =	sadd.s32 s0, s12  }
0x15: {  	s12 =	smax.u32 s13, $0x1;
	s13 =	sshrl.u32 s14, $0x3;
	s14 =	simm.s32 $0x3  }
.LBB2_1:
0x16: {  	[spmem:s13], [sflag:s6] =	dma.local [hbm:s5], $0x2700  }
0x17: {  	_ =	swait.ge [sflag:s14], $0x2700  }
0x18: {  	[sflag:s14] =	ssyncset.done $0x0  }
0x19: {  	s0 =	simm.s32 @!p0 $0x3;
	[sflag:s14] =	ssyncadd.s32 $0xFFFFD900  }
0x1a: {  	[spmem:s15], [sflag:s6] =	dma.local @!p0 [hbm:s7], $0x100  }
0x1b: {  	_ =	swait.ge @!p0 [sflag:s0], $0x100  }
0x1c: {  	[sflag:s0] =	ssyncset.done @!p0 $0x0  }
0x1d: {  	[sflag:s0] =	ssyncadd.s32 @!p0 $0xFFFFFF00  }
0x1e: {  	[tilespmem:s18], [sflag:$0x3] =	stream.strided.gather [hbm4b:s8+s16], $0x2780, s17, s16, $0x38;
	[tilespmem:$0x1F180] =	vst v63  }
0x1f: {  	_ =	swait.ge [sflag:s14], $0x2780  }
0x20: {  	[sflag:s14] =	ssyncset.done $0x0  }
0x21: {  	s3 =	simm.s32 $0x0;
	[sflag:s14] =	ssyncadd.s32 $0xFFFFD880  }
0x22: {  	[tilespmem:s19], [sflag:$0x3] =	stream.linear.gather [hbm4b:s9+s3], $0x3F00, $0x38;
	[tilespmem:$0x1F180] =	vst v63  }
0x23: {  	_ =	swait.ge [sflag:s14], $0x3F00  }
0x24: {  	[sflag:s14] =	ssyncset.done $0x0  }
0x25: {  	[sflag:s14] =	ssyncadd.s32 $0xFFFFC100  }
0x26: {  	[bflag:$0x0] =	sbarrier.arrive $0xFFFF  }
0x27: {  	v1 =	vld [tilespmem:$0x13900]  }
0x28: {  	v2 =	vld [tilespmem:$0x13910]  }
0x29: {  	v3 =	vld [tilespmem:$0x13920]  }
0x2a: {  	v4 =	vld [tilespmem:$0x13930]  }
0x2b: {  	v5 =	vld [tilespmem:$0x13940]  }
0x2c: {  	v1 =	vadd.s32 v0, v1  }
0x2d: {  	[tilespmem:$0x1A080] =	vst v1;
	v1 =	vadd.s32 v0, v2  }
0x2e: {  	[tilespmem:$0x1A090] =	vst v1;
	v1 =	vadd.s32 v0, v3  }
0x2f: {  	[tilespmem:$0x1A0A0] =	vst v1;
	v1 =	vadd.s32 v0, v4  }
0x30: {  	[tilespmem:$0x1A0B0] =	vst v1;
	v1 =	vadd.s32 v0, v5  }
0x31: {  	s31 =	simm.s32 $0x13970;
	[tilespmem:$0x1A0C0] =	vst v1  }
0x32: {  	[tilespmem:s22], [sflag:$0x1] =	stream.indirect.gather [hbm4b:s4+s20], $0x80, s21, s20, $0xb8;
	[tilespmem:$0x1F180] =	vst v63  }
0x33: {  	v1 =	vld [tilespmem:s31+$0xFFFFFFE0];
	_ =	sdelay $0x4  }
0x34: {  	v1 =	vadd.s32 v0, v1  }
0x35: {  	[tilespmem:$0x1A100] =	vst v1  }
0x36: {  	v1 =	vld [tilespmem:s31+$0xFFFFFFF0];
	_ =	sdelay $0x4  }
0x37: {  	v1 =	vadd.s32 v0, v1  }
0x38: {  	[tilespmem:$0x1A110] =	vst v1  }
0x39: {  	v1 =	vld [tilespmem:s31+$0x0];
	_ =	sdelay $0x4  }
0x3a: {  	v1 =	vadd.s32 v0, v1  }
0x3b: {  	[tilespmem:$0x1A120] =	vst v1  }
0x3c: {  	v1 =	vld [tilespmem:s31+$0x10];
	_ =	sdelay $0x4  }
0x3d: {  	v1 =	vadd.s32 v0, v1  }
0x3e: {  	[tilespmem:$0x1A130] =	vst v1  }
0x3f: {  	v1 =	vld [tilespmem:s31+$0x20];
	_ =	sdelay $0x4  }
0x40: {  	v1 =	vadd.s32 v0, v1  }
0x41: {  	[tilespmem:$0x1A140] =	vst v1  }
0x42: {  	[tilespmem:s24], [sflag:$0x2] =	stream.indirect.gather [hbm4b:s4+s20], $0x80, s23, s20, $0xb8;
	[tilespmem:$0x1F180] =	vst v63  }
0x43: {  	_ =	swait.ge [sflag:s25], $0x2800  }
0x44: {  	[sflag:s25] =	ssyncset.done $0x0  }
0x45: {  	s1 =	simm.s32 $0x16080;
	[sflag:s25] =	ssyncadd.s32 $0xFFFFD800  }
0x46: {  	[spmem:s2] =	stream.indirect.scatter.add.f32 [tilespmem:s22], [sflag:$0x3], $0x80, s1, s20, $0xb8;
	[tilespmem:$0x1F180] =	vst v63  }
0x47: {  	_ =	swait.ge [sflag:s14], $0x2800  }
0x48: {  	[sflag:s14] =	ssyncset.done $0x0  }
0x49: {  	[sflag:s14] =	ssyncadd.s32 $0xFFFFD800  }
0x4a: {  	v1 =	vld [tilespmem:s31+$0x30];
	_ =	sdelay $0x4  }
0x4b: {  	v1 =	vadd.s32 v0, v1  }
0x4c: {  	[tilespmem:$0x1A080] =	vst v1  }
0x4d: {  	v1 =	vld [tilespmem:s31+$0x40];
	_ =	sdelay $0x4  }
0x4e: {  	v1 =	vadd.s32 v0, v1  }
0x4f: {  	[tilespmem:$0x1A090] =	vst v1  }
0x50: {  	v1 =	vld [tilespmem:s31+$0x50];
	_ =	sdelay $0x4  }
0x51: {  	v1 =	vadd.s32 v0, v1  }
0x52: {  	[tilespmem:$0x1A0A0] =	vst v1  }
0x53: {  	v1 =	vld [tilespmem:s31+$0x60];
	_ =	sdelay $0x4  }
0x54: {  	v1 =	vadd.s32 v0, v1  }
0x55: {  	[tilespmem:$0x1A0B0] =	vst v1  }
0x56: {  	v1 =	vld [tilespmem:s31+$0x70];
	_ =	sdelay $0x4  }
0x57: {  	v1 =	vadd.s32 v0, v1  }
0x58: {  	[tilespmem:$0x1A0C0] =	vst v1  }
0x59: {  	[tilespmem:s22], [sflag:$0x1] =	stream.indirect.gather [hbm4b:s4+s20], $0x80, s21, s20, $0xb8;
	[tilespmem:$0x1F180] =	vst v63  }
0x5a: {  	_ =	swait.ge [sflag:s26], $0x2800  }
0x5b: {  	[sflag:s26] =	ssyncset.done $0x0  }
0x5c: {  	s3 =	simm.s32 $0x16100;
	[sflag:s26] =	ssyncadd.s32 $0xFFFFD800  }
0x5d: {  	[spmem:s2] =	stream.indirect.scatter.add.f32 [tilespmem:s24], [sflag:$0x3], $0x80, s3, s20, $0xb8;
	[tilespmem:$0x1F180] =	vst v63  }
0x5e: {  	_ =	swait.ge [sflag:s14], $0x2800  }
0x5f: {  	s0 =	simm.s32 $0x400;
	[sflag:s14] =	ssyncset.done $0x0  }
.LBB2_2:
0x60: {  	p1 =	sne.s32 s0, $0xF400;
	[sflag:s14] =	ssyncadd.s32 $0xFFFFD800;
	s31 =	sadd.s32 $0xA0, s31  }
0x61: {  	s1 =	smov.u32 s0;
	s0 =	sadd.s32 $0x400, s0;
	v1 =	vld [tilespmem:s31+$0xFFFFFFE0];
	_ =	sdelay $0x4  }
0x62: {  	v1 =	vadd.s32 v0, v1  }
0x63: {  	[tilespmem:$0x1A100] =	vst v1  }
0x64: {  	v1 =	vld [tilespmem:s31+$0xFFFFFFF0];
	_ =	sdelay $0x4  }
0x65: {  	v1 =	vadd.s32 v0, v1  }
0x66: {  	[tilespmem:$0x1A110] =	vst v1  }
0x67: {  	v1 =	vld [tilespmem:s31+$0x0];
	_ =	sdelay $0x4  }
0x68: {  	v1 =	vadd.s32 v0, v1  }
0x69: {  	[tilespmem:$0x1A120] =	vst v1  }
0x6a: {  	v1 =	vld [tilespmem:s31+$0x10];
	_ =	sdelay $0x4  }
0x6b: {  	v1 =	vadd.s32 v0, v1  }
0x6c: {  	[tilespmem:$0x1A130] =	vst v1  }
0x6d: {  	v1 =	vld [tilespmem:s31+$0x20];
	_ =	sdelay $0x4  }
0x6e: {  	v1 =	vadd.s32 v0, v1  }
0x6f: {  	[tilespmem:$0x1A140] =	vst v1  }
0x70: {  	[tilespmem:s24], [sflag:$0x2] =	stream.indirect.gather [hbm4b:s4+s20], $0x80, s23, s20, $0xb8;
	[tilespmem:$0x1F180] =	vst v63  }
0x71: {  	_ =	swait.ge [sflag:s25], $0x2800  }
0x72: {  	s1 =	sshra.s32 s1, $0x2;
	[sflag:s25] =	ssyncset.done $0x0  }
0x73: {  	s3 =	sadd.s32 $0x16080, s1;
	[sflag:s25] =	ssyncadd.s32 $0xFFFFD800  }
0x74: {  	[spmem:s2] =	stream.indirect.scatter.add.f32 [tilespmem:s22], [sflag:$0x3], $0x80, s3, s20, $0xb8;
	[tilespmem:$0x1F180] =	vst v63  }
0x75: {  	_ =	swait.ge [sflag:s14], $0x2800  }
0x76: {  	[sflag:s14] =	ssyncset.done $0x0  }
0x77: {  	[sflag:s14] =	ssyncadd.s32 $0xFFFFD800  }
0x78: {  	v1 =	vld [tilespmem:s31+$0x30];
	_ =	sdelay $0x4  }
0x79: {  	v1 =	vadd.s32 v0, v1  }
0x7a: {  	[tilespmem:$0x1A080] =	vst v1  }
0x7b: {  	v1 =	vld [tilespmem:s31+$0x40];
	_ =	sdelay $0x4  }
0x7c: {  	v1 =	vadd.s32 v0, v1  }
0x7d: {  	[tilespmem:$0x1A090] =	vst v1  }
0x7e: {  	v1 =	vld [tilespmem:s31+$0x50];
	_ =	sdelay $0x4  }
0x7f: {  	v1 =	vadd.s32 v0, v1  }
0x80: {  	[tilespmem:$0x1A0A0] =	vst v1  }
0x81: {  	v1 =	vld [tilespmem:s31+$0x60];
	_ =	sdelay $0x4  }
0x82: {  	v1 =	vadd.s32 v0, v1  }
0x83: {  	[tilespmem:$0x1A0B0] =	vst v1  }
0x84: {  	v1 =	vld [tilespmem:s31+$0x70];
	_ =	sdelay $0x4  }
0x85: {  	v1 =	vadd.s32 v0, v1  }
0x86: {  	[tilespmem:$0x1A0C0] =	vst v1  }
0x87: {  	[tilespmem:s22], [sflag:$0x1] =	stream.indirect.gather [hbm4b:s4+s20], $0x80, s21, s20, $0xb8;
	[tilespmem:$0x1F180] =	vst v63  }
0x88: {  	_ =	swait.ge [sflag:s26], $0x2800  }
.Ltmp0:
0x89: {  	[sflag:s26] =	ssyncset.done $0x0;
	(pc) =	sbr.rel @p1 .LBB2_2-.Ltmp0, $4  }
0x8a: {  	s1 =	sadd.s32 $0x16100, s1;
	[sflag:s26] =	ssyncadd.s32 $0xFFFFD800  }
0x8b: {  	[spmem:s2] =	stream.indirect.scatter.add.f32 [tilespmem:s24], [sflag:$0x3], $0x80, s1, s20, $0xb8;
	[tilespmem:$0x1F180] =	vst v63  }
0x8c: {  	_ =	swait.ge [sflag:s14], $0x2800  }
0x8d: {  	[sflag:s14] =	ssyncset.done $0x0  }
0x8e: {  	[sflag:s14] =	ssyncadd.s32 $0xFFFFD800  }
0x8f: {  	v1 =	vld [tilespmem:$0x16010]  }
0x90: {  	v2 =	vld [tilespmem:$0x16020]  }
0x91: {  	v3 =	vld [tilespmem:$0x16030]  }
0x92: {  	v4 =	vld [tilespmem:$0x16040]  }
0x93: {  	v5 =	vld [tilespmem:$0x16050]  }
0x94: {  	v1 =	vadd.s32 v0, v1  }
0x95: {  	[tilespmem:$0x1A100] =	vst v1;
	v1 =	vadd.s32 v0, v2  }
0x96: {  	[tilespmem:$0x1A110] =	vst v1;
	v1 =	vadd.s32 v0, v3  }
0x97: {  	[tilespmem:$0x1A120] =	vst v1;
	v1 =	vadd.s32 v0, v4  }
0x98: {  	[tilespmem:$0x1A130] =	vst v1;
	v1 =	vadd.s32 v0, v5  }
0x99: {  	[tilespmem:$0x1A140] =	vst v1  }
0x9a: {  	[tilespmem:s24], [sflag:$0x2] =	stream.indirect.gather [hbm4b:s4+s20], $0x80, s23, s20, $0xb8;
	[tilespmem:$0x1F180] =	vst v63  }
0x9b: {  	_ =	swait.ge [sflag:s25], $0x2800  }
0x9c: {  	[sflag:s25] =	ssyncset.done $0x0  }
0x9d: {  	[sflag:s25] =	ssyncadd.s32 $0xFFFFD800  }
0x9e: {  	[spmem:s2] =	stream.indirect.scatter.add.f32 [tilespmem:s22], [sflag:$0x3], $0x80, s28, s20, $0xb8;
	[tilespmem:$0x1F180] =	vst v63  }
0x9f: {  	_ =	swait.ge [sflag:s14], $0x2800  }
0xa0: {  	[sflag:s14] =	ssyncset.done $0x0  }
0xa1: {  	[sflag:s14] =	ssyncadd.s32 $0xFFFFD800  }
0xa2: {  	_ =	swait.ge [sflag:s26], $0x2800  }
0xa3: {  	[sflag:s26] =	ssyncset.done $0x0  }
0xa4: {  	[sflag:s26] =	ssyncadd.s32 $0xFFFFD800  }
0xa5: {  	[spmem:s2] =	stream.indirect.scatter.add.f32 [tilespmem:s24], [sflag:$0x3], $0x80, s29, s20, $0xb8;
	[tilespmem:$0x1F180] =	vst v63  }
0xa6: {  	_ =	swait.ge [sflag:s14], $0x2800  }
0xa7: {  	[sflag:s14] =	ssyncset.done $0x0  }
0xa8: {  	[sflag:s14] =	ssyncadd.s32 $0xFFFFD800  }
0xa9: {  	[bflag:$0x0] =	sbarrier.arrive $0xFFFF  }
0xaa: {  	[hbm:s10], [sflag:s6] =	dma.local [spmem:s13], $0x2700  }
0xab: {  	s30 =	sadd.s32 $0x1, s30;
	_ =	swait.ge [sflag:s14], $0x2700  }
0xac: {  	p1 =	sne.s32 s30, s12;
	[sflag:s14] =	ssyncset.done $0x0  }
.Ltmp1:
0xad: {  	s0 =	simm.s32 @!p0 $0x3;
	[sflag:s14] =	ssyncadd.s32 $0xFFFFD900;
	(pc) =	sbr.rel @p1 .LBB2_1-.Ltmp1, $4  }
0xae: {  	[hbm:s11], [sflag:s6] =	dma.local @!p0 [spmem:s15], $0x100  }
0xaf: {  	_ =	swait.ge @!p0 [sflag:s0], $0x100  }
0xb0: {  	[sflag:s0] =	ssyncset.done @!p0 $0x0  }
0xb1: {  	[sflag:s0] =	ssyncadd.s32 @!p0 $0xFFFFFF00  }
0xb2: {  	_ =	sfence.sel $0x180000  }
0xb3: {  	[bflag:$0x0] =	sbarrier.arrive $0xFFFF  }
0xb4: {  	_ =	strace $0x90000053  }
0xb5: {  	s0 =	stileid.u32;
	[bflag:$0x2] =	sbarrier.arrive $0xFFFF  }
0xb6: {  	p0 =	sne.s32 s0, $0x0;
	s0 =	rddreg [dreg:$0x2]  }
0xb7: {  	s0 =	sadd.s32 @!p0 $0x100000, s0  }
0xb8: {  	[sflag:s0] =	ssyncadd.tile.s32 @!p0 $0x1;
	_ =	shalt  }
.Lfunc_end2:
_tile_overlayer_lowered:
.L_overlay_start_2:
0xb9: {  	(tag) =	ssettag $0x2  }
0xba: {  	s0 =	rddreg [dreg:$0x0];
	s2 =	stileid.u32  }
0xbb: {  	s1 =	rddreg [dreg:$0x1];
	p0 =	sne.s32 s2, $0x0  }
0xbc: {  	s3 =	rddreg [dreg:$0x2];
	[bflag:$0x3] =	sbarrier.arrive $0xFFFF;
	s2 =	simm.s32 @!p0 $0x1C03  }
0xbd: {  	[timem:s3], [sflag:s2] =	dma.local @!p0 [hbm:s0], s1  }
0xbe: {  	s0 =	simm.s32 @!p0 $0x3  }
0xbf: {  	_ =	swait.ge @!p0 [sflag:s0], s1  }
0xc0: {  	s1 =	ssub.s32 @!p0 $0x0, s1;
	[sflag:s0] =	ssyncset.done @!p0 $0x0  }
0xc1: {  	[sflag:s0] =	ssyncadd.s32 @!p0 s1  }
0xc2: {  	[bflag:$0x3] =	sbarrier.arrive $0xFFFF  }
0xc3: {  	_ =	shalt  }

// kernel: kernel.37.cloned.1.call-start
scs
__scs_entry_jumppad:
0x0: {  	(pc) =	sbr.rel $0x88, $3  }
0x1: {  	(tag) =	ssettag $0x0;
	lr =	simm.s32 $0x1  }
0x2: {  	[smem:$0x3F70] =	sst lr;
	_ =	strace $0xD0000000  }
0x3: {  	_ = 	snop  }
0x4: {  	_ = 	snop  }
0x5: {  	_ = 	snop  }
0x6: {  	_ = 	snop  }
0x7: {  	_ = 	snop  }
__scs_overlays_trampoline_lowered:
0x8: {  	[smem:$0x3F7F] =	sst s0  }
0x9: {  	[smem:$0x3F80] =	sst s1  }
0xa: {  	[smem:$0x3F81] =	sst s2  }
0xb: {  	[smem:$0x3F82] =	sst s3  }
0xc: {  	[smem:$0x3F83] =	sst s4  }
0xd: {  	[smem:$0x3F84] =	sst s5  }
0xe: {  	[smem:$0x3F85] =	sst s6  }
0xf: {  	[smem:$0x3F86] =	sst s7  }
0x10: {  	[smem:$0x3F87] =	sst s8  }
0x11: {  	[smem:$0x3F88] =	sst s9;
	s0 =	simm.s32 @!p0 $0x0  }
0x12: {  	s1 =	sld [smem:$0x3F6E];
	s0 =	simm.s32 @p0 $0x1  }
0x13: {  	[smem:$0x3F89] =	sst s0;
	s0 =	simm.s32 @!p1 $0x0  }
0x14: {  	s2 =	sld [smem:$0x3F6D];
	s0 =	simm.s32 @p1 $0x1  }
0x15: {  	[smem:$0x3F8A] =	sst s0;
	s0 =	simm.s32 @!p2 $0x0  }
0x16: {  	s3 =	sld [smem:$0x3FDB];
	s0 =	simm.s32 @p2 $0x1  }
0x17: {  	s4 =	simm.s32 $0x1BF5;
	[smem:$0x3F8C] =	sst s0  }
0x18: {  	s0 =	sld [smem:$0x3F6F];
	_ =	swait.ge [sflag:s4], $0x0  }
0x19: {  	s7 =	sld [smem:$0x3F70]  }
0x1a: {  	s8 =	sadd.s32 $0xFFFFE003, lr  }
0x1b: {  	s9 =	sadd.s32 $0xFFFFFEF7, lr;
	s5 =	simm.s32 $0xFFFFFFFF;
	p2 =	slt.u32 s8, $0xFFFFF086  }
0x1c: {  	p1 =	slt.u32 s9, $0xF7A;
	s5 =	simm.s32 @!p2 $0x0  }
0x1d: {  	s5 =	simm.s32 @p1 $0x1;
	p0 =	seq.s32 s7, s2  }
0x1e: {  	s7 =	smul.u32 @!p0 $0xF7A, s2;
	p2 =	seq.s32 @!p0 s5, $0x0  }
0x1f: {  	s9 =	smul.u32 $0xF7A, s1;
	s8 =	simm.s32 @!p0 $0x1BF5;
	p2 =	por !p2, p0  }
0x20: {  	[sflag:s8] =	ssyncset.s32 @!p0 $0xFFFFF086;
	s6 =	sadd.s32 @!p0 s3, s7;
	s7 =	simm.s32 @!p0 $0x108  }
0x21: {  	s3 =	sadd.s32 s3, s9;
	s6 =	sadd.s32 @!p0 $0x88, s6;
	s7 =	simm.s32 @p2 $0x1082  }
0x22: {  	[simem:s7], [sflag:s8] =	dma.local @!p0 [hbm:s6], $0xF7A  }
0x23: {  	s9 =	sor.u32 $0xD0000000, s2;
	s6 =	simm.s32 $0x108;
	_ =	swait.ge @!p0 [sflag:s8], $0x0  }
0x24: {  	s3 =	sadd.s32 $0x88, s3;
	s6 =	simm.s32 @!p1 $0x1082;
	[sflag:s4] =	ssyncset.s32 $0xFFFFF086  }
0x25: {  	[simem:s6], [sflag:s4] =	dma.local [hbm:s3], $0xF7A  }
0x26: {  	[smem:$0x3F70] =	sst s1;
	(tag) =	ssettag s2;
	_ =	strace s9  }
0x27: {  	s1 =	sld [smem:$0x3F80]  }
0x28: {  	s2 =	sld [smem:$0x3F81]  }
0x29: {  	s4 =	sld [smem:$0x3F83]  }
0x2a: {  	p0 =	seq.s32 s5, $0x0;
	s5 =	sld [smem:$0x3F84]  }
0x2b: {  	s6 =	sld [smem:$0x3F85]  }
0x2c: {  	s7 =	sld [smem:$0x3F86]  }
0x2d: {  	s3 =	simm.s32 $0x108;
	s8 =	sld [smem:$0x3F87]  }
0x2e: {  	s3 =	simm.s32 @!p0 $0x1082;
	s9 =	sld [smem:$0x3F88]  }
0x2f: {  	lr =	sadd.s32 s0, s3;
	s0 =	sld [smem:$0x3F7F]  }
0x30: {  	s3 =	sld [smem:$0x3F82]  }
0x31: {  	[smem:$0x3F8B] =	sst s10  }
0x32: {  	s10 =	sld [smem:$0x3F89];
	_ =	sdelay $0x3  }
0x33: {  	p0 =	seq.s32 s10, $0x1;
	s10 =	sld [smem:$0x3F8B];
	_ =	sdelay $0x3  }
0x34: {  	[smem:$0x3F8B] =	sst s10  }
0x35: {  	s10 =	sld [smem:$0x3F8A];
	_ =	sdelay $0x3  }
0x36: {  	p1 =	seq.s32 s10, $0x1;
	s10 =	sld [smem:$0x3F8B];
	_ =	sdelay $0x3  }
0x37: {  	[smem:$0x3F8B] =	sst s10  }
0x38: {  	s10 =	sld [smem:$0x3F8C]  }
0x39: {  	_ = 	snop;
	(pc) =	sbr.ind lr, $3  }
0x3a: {  	_ = 	snop  }
0x3b: {  	_ = 	snop  }
0x3c: {  	p2 =	seq.s32 s10, $0x1;
	s10 =	sld [smem:$0x3F8B]  }
0x3d: {  	_ =	shalt  }
0x3e: {  	_ =	shalt  }
0x3f: {  	_ =	shalt  }
0x40: {  	_ =	shalt  }
0x41: {  	_ =	shalt  }
0x42: {  	_ =	shalt  }
0x43: {  	_ =	shalt  }
0x44: {  	_ =	shalt  }
0x45: {  	_ =	shalt  }
0x46: {  	_ =	shalt  }
0x47: {  	_ =	shalt  }
0x48: {  	_ =	shalt  }
0x49: {  	_ =	shalt  }
0x4a: {  	_ =	shalt  }
0x4b: {  	_ =	shalt  }
0x4c: {  	_ =	shalt  }
0x4d: {  	_ =	shalt  }
0x4e: {  	_ =	shalt  }
0x4f: {  	_ =	shalt  }
0x50: {  	_ =	shalt  }
0x51: {  	_ =	shalt  }
0x52: {  	_ =	shalt  }
0x53: {  	_ =	shalt  }
0x54: {  	_ =	shalt  }
0x55: {  	_ =	shalt  }
0x56: {  	_ =	shalt  }
0x57: {  	_ =	shalt  }
0x58: {  	_ =	shalt  }
0x59: {  	_ =	shalt  }
0x5a: {  	_ =	shalt  }
0x5b: {  	_ =	shalt  }
0x5c: {  	_ =	shalt  }
0x5d: {  	_ =	shalt  }
0x5e: {  	_ =	shalt  }
0x5f: {  	_ =	shalt  }
0x60: {  	_ =	shalt  }
0x61: {  	_ =	shalt  }
0x62: {  	_ =	shalt  }
0x63: {  	_ =	shalt  }
0x64: {  	_ =	shalt  }
0x65: {  	_ =	shalt  }
0x66: {  	_ =	shalt  }
0x67: {  	_ =	shalt  }
0x68: {  	_ =	shalt  }
0x69: {  	_ =	shalt  }
0x6a: {  	_ =	shalt  }
0x6b: {  	_ =	shalt  }
0x6c: {  	_ =	shalt  }
0x6d: {  	_ =	shalt  }
0x6e: {  	_ =	shalt  }
0x6f: {  	_ =	shalt  }
0x70: {  	_ =	shalt  }
0x71: {  	_ =	shalt  }
0x72: {  	_ =	shalt  }
0x73: {  	_ =	shalt  }
0x74: {  	_ =	shalt  }
0x75: {  	_ =	shalt  }
0x76: {  	_ =	shalt  }
0x77: {  	_ =	shalt  }
0x78: {  	_ =	shalt  }
0x79: {  	_ =	shalt  }
0x7a: {  	_ =	shalt  }
0x7b: {  	_ =	shalt  }
0x7c: {  	_ =	shalt  }
0x7d: {  	_ =	shalt  }
0x7e: {  	_ =	shalt  }
0x7f: {  	_ =	shalt  }
0x80: {  	_ =	shalt  }
0x81: {  	_ =	shalt  }
0x82: {  	_ =	shalt  }
0x83: {  	_ =	shalt  }
0x84: {  	_ =	shalt  }
0x85: {  	_ =	shalt  }
0x86: {  	_ =	shalt  }
0x87: {  	_ =	shalt  }
.Lfunc_end0:
.L_simem_size_0:
called_computation.5_lowered:
.L_overlay_start_0:
0x88: {  	s2 =	sld [smem:$0x3FD9]  }
0x89: {  	s3 =	sld [smem:$0x3FFE];
	_ =	sdelay $0x1  }
0x8a: {  	s1 =	srdreg.scid  }
0x8b: {  	s0 =	sand.u32 $0x1, s1  }
0x8c: {  	s16 =	sshll.u32 s0, $0xA;
	s2 =	sadd.s32 s3, s2  }
0x8d: {  	s2 =	sadd.s32 s2, s16  }
0x8e: {  	[smem:$0x3F97] =	sst s2  }
0x8f: {  	_ = 	snop  }
0x90: {  	(tm) =	ssettm $0x1  }
0x91: {  	s17 =	sld [smem:$0x3FFB];
	_ =	sdelay $0x3  }
0x92: {  	_ =	strace s17  }
0x93: {  	s2 =	sld [smem:$0x3FFC];
	_ =	sdelay $0x3  }
0x94: {  	_ =	strace s2  }
0x95: {  	s2 =	sld [smem:$0x3FFD];
	_ =	sdelay $0x3  }
0x96: {  	_ =	strace s2  }
0x97: {  	_ =	strace $0x8FFFFFFF  }
0x98: {  	s18 =	sld [smem:$0x3FDB];
	_ =	sdelay $0x1  }
0x99: {  	s19 =	simm.s32 $_scs_section_size  }
0x9a: {  	s4 =	simm.s32 $_size__tile_overlayer_lowered;
	s5 =	simm.s32 $_tile_overlayer_lowered  }
0x9b: {  	s22 =	simm.s32 $0x1BFF;
	s21 =	sshll.u32 s5, $0x1;
	s2 =	sadd.s32 s19, s18  }
0x9c: {  	s6 =	simm.s32 $0x0;
	s20 =	sshll.u32 s4, $0x1;
	s4 =	sadd.s32 s21, s2  }
0x9d: {  	[timem:s6], [sflag:s22] =	dma.local [hbm:s4], s20  }
0x9e: {  	_ =	swait.ge [sflag:s22], s20  }
0x9f: {  	s3 =	ssub.s32 $0x0, s20;
	[sflag:s22] =	ssyncset.done $0x0  }
0xa0: {  	[sflag:s22] =	ssyncadd.s32 s3;
	_ =	sdelay $0x1  }
0xa1: {  	s23 =	simm.s32 $0x1B8B  }
0xa2: {  	_ =	swait.ge [sflag:s23], $0x1  }
0xa3: {  	[sflag:s23] =	ssyncset.done $0x0  }
0xa4: {  	s25 =	simm.s32 $0x1B8E;
	s24 =	sld [smem:$0x3FFE];
	[sflag:s23] =	ssyncadd.s32 $0xFFFFFFFF  }
0xa5: {  	s26 =	simm.s32 $execute0_lowered;
	[smem:$0x3FD2] =	sst s25  }
0xa6: {  	s4 =	sshll.u32 s26, $0x1;
	_ =	strace $0x80000055;
	[dreg:$0x1] =	wrdreg $0xFFFFFFFF  }
0xa7: {  	s28 =	simm.s32 $_size_execute0_lowered;
	s2 =	sadd.s32 s2, s4;
	[dreg:$0x0] =	wrdreg $0x0  }
0xa8: {  	s4 =	sshll.u32 s28, $0x1;
	[dreg:$0x2] =	wrdreg s2  }
0xa9: {  	[dreg:$0x3] =	wrdreg s4  }
0xaa: {  	[dreg:$0x4] =	wrdreg $0xC0  }
0xab: {  	_ =	task [dreg:s6], $0x5FFFF  }
0xac: {  	[dreg:$0x1] =	wrdreg $0xFFFFFFFF  }
0xad: {  	[dreg:$0x0] =	wrdreg $0x60  }
0xae: {  	[dreg:$0x2] =	wrdreg s24  }
0xaf: {  	[dreg:$0x3] =	wrdreg $0x0  }
0xb0: {  	[dreg:$0x4] =	wrdreg $0x9  }
0xb1: {  	_ =	task.clear_ibuf [dreg:s6], $0x5FFFF;
	_ =	strace $0x90000055  }
0xb2: {  	s29 =	simm.s32 $0x9;
	_ =	strace $0x80000057  }
0xb3: {  	_ =	swait.ge [sflag:s29], $0x1  }
0xb4: {  	[sflag:s29] =	ssyncadd.s32 $0xFFFFFFFF  }
0xb5: {  	_ =	strace $0x90000057  }
0xb6: {  	_ =	sfence  }
0xb7: {  	s30 =	sld [smem:$0x0];
	_ =	sdelay $0x2  }
0xb8: {  	s31 =	sshll.u32 s1, $0xD;
	s1 =	sshrl.u32 s1, $0x2  }
0xb9: {  	s3 =	sand.u32 $0x4000, s31;
	s1 =	sadd.s32 s1, s30  }
0xba: {  	s0 =	sor.u32 s3, s0;
	s1 =	sshll.u32 s1, $0x11  }
0xbb: {  	s0 =	sor.u32 s1, s0  }
0xbc: {  	s0 =	sadd.s32 $0x8F2B, s0  }
0xbd: {  	[sflag:s0] =	ssyncadd.remote.s32 $0x1  }
0xbe: {  	_ =	sfence.sel $0xFFFF  }
0xbf: {  	[dreg:$0x0] =	wrdreg $0xFFFFFFFF;
	(pc) =	sbr.abs _section_cstart, $3  }
0xc0: {  	[dreg:$0x1] =	wrdreg $0xFFFFFFFF  }
0xc1: {  	_ =	task.clear_ibuf [dreg:s6], $0x2FFFF;
	_ =	strace $0x9FFFFFFF  }
0xc2: {  	(tm) =	ssettm $0x7FFFFFFF  }
0xc3: {  	_ =	shalt  }
tec
execute0_lowered:
.L_overlay_start_1:
0x0: {  	(tag) =	ssettag $0x1  }
0x1: {  	s0 =	rddreg [dreg:$0x0]  }
0x2: {  	s2 =	rddreg [dreg:$0x1];
	s3 =	stileid.u32;
	s5 =	simm.s32 $0x0  }
0x3: {  	s24 =	srdreg.scid;
	s16 =	simm.s32 $0x80;
	s17 =	simm.s32 $0x400  }
0x4: {  	s18 =	simm.s32 $0x13900;
	s19 =	simm.s32 $0x16080;
	s20 =	simm.s32 $0x50  }
0x5: {  	s21 =	simm.s32 $0x1A080;
	s22 =	simm.s32 $0x1A180;
	s23 =	simm.s32 $0x1A100  }
0x6: {  	s29 =	simm.s32 $0x19F00;
	s30 =	simm.s32 $0x0;
	s1 =	sshrl.u32 s3, $0x3  }
0x7: {  	s4 =	sshll.u32 s3, $0x7;
	[smem:$0x7FF] =	sst s5;
	s5 =	sand.u32 $0x1, s24  }
0x8: {  	s7 =	sadd.s32 $0x66A00, s0;
	s6 =	smul.u32 $0x4E000, s3;
	s8 =	sshll.u32 s3, $0xB  }
0x9: {  	s10 =	smul.u32 $0x270, s3;
	s26 =	sshll.u32 s3, $0x6;
	s15 =	sadd.s32 $0x138000, s2  }
0xa: {  	p0 =	sne.s32 s3, $0xF;
	s24 =	simm.s32 $0x1C980;
	s1 =	smul.u32 $0x13C00, s1  }
0xb: {  	s4 =	sand.u32 $0x380, s4;
	_ =	strace $0x80000056;
	s28 =	smul.u32 $0x2710, s5  }
0xc: {  	s9 =	ssub.s32 $0x2, s5;
	s11 =	sadd.s32 s8, s0;
	s12 =	smul.u32 $0x138800, s5  }
0xd: {  	s15 =	sshrl.u32 @!p0 s15, $0x3;
	s25 =	sshrl.u32 s9, $0x1;
	s6 =	sshrl.u32 s6, $0x2  }
0xe: {  	s1 =	sor.u32 s4, s1;
	s4 =	sadd.s32 $0x18800, s0;
	s10 =	sadd.s32 s10, s28  }
0xf: {  	s13 =	ssub.s32 s9, s25;
	s14 =	sadd.s32 s6, s2;
	s31 =	sshrl.u32 s12, $0x3  }
0x10: {  	s6 =	sor.u32 $0x1C03, s26;
	s9 =	sadd.s32 $0xB800, s11;
	s25 =	simm.s32 $0x1  }
0x11: {  	s26 =	simm.s32 $0x2;
	v0 =	vmov s28;
	s28 =	simm.s32 $0x19E80;
	s1 =	sshrl.u32 s1, $0x3  }
0x12: {  	s10 =	sshll.u32 s10, $0x4;
	s12 =	sadd.s32 $0x27000, s31;
	s1 =	sadd.s32 s1, s0  }
0x13: {  	s0 =	sadd.s32 $0x102E00, s0;
	s5 =	sadd.s32 s7, s10;
	s7 =	sadd.s32 s7, s12  }
0x14: {  	s8 =	sadd.s32 $0x13800, s1;
	s10 =	sadd.s32 s0, s10;
	s11 =	sadd.s32 s0, s12  }
0x15: {  	s12 =	smax.u32 s13, $0x1;
	s13 =	sshrl.u32 s14, $0x3;
	s14 =	simm.s32 $0x3  }
.LBB2_1:
0x16: {  	[spmem:s13], [sflag:s6] =	dma.local [hbm:s5], $0x2700  }
0x17: {  	_ =	swait.ge [sflag:s14], $0x2700  }
0x18: {  	[sflag:s14] =	ssyncset.done $0x0  }
0x19: {  	s0 =	simm.s32 @!p0 $0x3;
	[sflag:s14] =	ssyncadd.s32 $0xFFFFD900  }
0x1a: {  	[spmem:s15], [sflag:s6] =	dma.local @!p0 [hbm:s7], $0x100  }
0x1b: {  	_ =	swait.ge @!p0 [sflag:s0], $0x100  }
0x1c: {  	[sflag:s0] =	ssyncset.done @!p0 $0x0  }
0x1d: {  	[sflag:s0] =	ssyncadd.s32 @!p0 $0xFFFFFF00  }
0x1e: {  	[tilespmem:s18], [sflag:$0x3] =	stream.strided.gather [hbm4b:s8+s16], $0x2780, s17, s16, $0x38;
	[tilespmem:$0x1F180] =	vst v63  }
0x1f: {  	_ =	swait.ge [sflag:s14], $0x2780  }
0x20: {  	[sflag:s14] =	ssyncset.done $0x0  }
0x21: {  	s3 =	simm.s32 $0x0;
	[sflag:s14] =	ssyncadd.s32 $0xFFFFD880  }
0x22: {  	[tilespmem:s19], [sflag:$0x3] =	stream.linear.gather [hbm4b:s9+s3], $0x3F00, $0x38;
	[tilespmem:$0x1F180] =	vst v63  }
0x23: {  	_ =	swait.ge [sflag:s14], $0x3F00  }
0x24: {  	[sflag:s14] =	ssyncset.done $0x0  }
0x25: {  	[sflag:s14] =	ssyncadd.s32 $0xFFFFC100  }
0x26: {  	[bflag:$0x0] =	sbarrier.arrive $0xFFFF  }
0x27: {  	v1 =	vld [tilespmem:$0x13900]  }
0x28: {  	v2 =	vld [tilespmem:$0x13910]  }
0x29: {  	v3 =	vld [tilespmem:$0x13920]  }
0x2a: {  	v4 =	vld [tilespmem:$0x13930]  }
0x2b: {  	v5 =	vld [tilespmem:$0x13940]  }
0x2c: {  	v1 =	vadd.s32 v0, v1  }
0x2d: {  	[tilespmem:$0x1A080] =	vst v1;
	v1 =	vadd.s32 v0, v2  }
0x2e: {  	[tilespmem:$0x1A090] =	vst v1;
	v1 =	vadd.s32 v0, v3  }
0x2f: {  	[tilespmem:$0x1A0A0] =	vst v1;
	v1 =	vadd.s32 v0, v4  }
0x30: {  	[tilespmem:$0x1A0B0] =	vst v1;
	v1 =	vadd.s32 v0, v5  }
0x31: {  	s31 =	simm.s32 $0x13970;
	[tilespmem:$0x1A0C0] =	vst v1  }
0x32: {  	[tilespmem:s22], [sflag:$0x1] =	stream.indirect.gather [hbm4b:s4+s20], $0x80, s21, s20, $0xb8;
	[tilespmem:$0x1F180] =	vst v63  }
0x33: {  	v1 =	vld [tilespmem:s31+$0xFFFFFFE0];
	_ =	sdelay $0x4  }
0x34: {  	v1 =	vadd.s32 v0, v1  }
0x35: {  	[tilespmem:$0x1A100] =	vst v1  }
0x36: {  	v1 =	vld [tilespmem:s31+$0xFFFFFFF0];
	_ =	sdelay $0x4  }
0x37: {  	v1 =	vadd.s32 v0, v1  }
0x38: {  	[tilespmem:$0x1A110] =	vst v1  }
0x39: {  	v1 =	vld [tilespmem:s31+$0x0];
	_ =	sdelay $0x4  }
0x3a: {  	v1 =	vadd.s32 v0, v1  }
0x3b: {  	[tilespmem:$0x1A120] =	vst v1  }
0x3c: {  	v1 =	vld [tilespmem:s31+$0x10];
	_ =	sdelay $0x4  }
0x3d: {  	v1 =	vadd.s32 v0, v1  }
0x3e: {  	[tilespmem:$0x1A130] =	vst v1  }
0x3f: {  	v1 =	vld [tilespmem:s31+$0x20];
	_ =	sdelay $0x4  }
0x40: {  	v1 =	vadd.s32 v0, v1  }
0x41: {  	[tilespmem:$0x1A140] =	vst v1  }
0x42: {  	[tilespmem:s24], [sflag:$0x2] =	stream.indirect.gather [hbm4b:s4+s20], $0x80, s23, s20, $0xb8;
	[tilespmem:$0x1F180] =	vst v63  }
0x43: {  	_ =	swait.ge [sflag:s25], $0x2800  }
0x44: {  	[sflag:s25] =	ssyncset.done $0x0  }
0x45: {  	s1 =	simm.s32 $0x16080;
	[sflag:s25] =	ssyncadd.s32 $0xFFFFD800  }
0x46: {  	[spmem:s2] =	stream.indirect.scatter.add.f32 [tilespmem:s22], [sflag:$0x3], $0x80, s1, s20, $0xb8;
	[tilespmem:$0x1F180] =	vst v63  }
0x47: {  	_ =	swait.ge [sflag:s14], $0x2800  }
0x48: {  	[sflag:s14] =	ssyncset.done $0x0  }
0x49: {  	[sflag:s14] =	ssyncadd.s32 $0xFFFFD800  }
0x4a: {  	v1 =	vld [tilespmem:s31+$0x30];
	_ =	sdelay $0x4  }
0x4b: {  	v1 =	vadd.s32 v0, v1  }
0x4c: {  	[tilespmem:$0x1A080] =	vst v1  }
0x4d: {  	v1 =	vld [tilespmem:s31+$0x40];
	_ =	sdelay $0x4  }
0x4e: {  	v1 =	vadd.s32 v0, v1  }
0x4f: {  	[tilespmem:$0x1A090] =	vst v1  }
0x50: {  	v1 =	vld [tilespmem:s31+$0x50];
	_ =	sdelay $0x4  }
0x51: {  	v1 =	vadd.s32 v0, v1  }
0x52: {  	[tilespmem:$0x1A0A0] =	vst v1  }
0x53: {  	v1 =	vld [tilespmem:s31+$0x60];
	_ =	sdelay $0x4  }
0x54: {  	v1 =	vadd.s32 v0, v1  }
0x55: {  	[tilespmem:$0x1A0B0] =	vst v1  }
0x56: {  	v1 =	vld [tilespmem:s31+$0x70];
	_ =	sdelay $0x4  }
0x57: {  	v1 =	vadd.s32 v0, v1  }
0x58: {  	[tilespmem:$0x1A0C0] =	vst v1  }
0x59: {  	[tilespmem:s22], [sflag:$0x1] =	stream.indirect.gather [hbm4b:s4+s20], $0x80, s21, s20, $0xb8;
	[tilespmem:$0x1F180] =	vst v63  }
0x5a: {  	_ =	swait.ge [sflag:s26], $0x2800  }
0x5b: {  	[sflag:s26] =	ssyncset.done $0x0  }
0x5c: {  	s3 =	simm.s32 $0x16100;
	[sflag:s26] =	ssyncadd.s32 $0xFFFFD800  }
0x5d: {  	[spmem:s2] =	stream.indirect.scatter.add.f32 [tilespmem:s24], [sflag:$0x3], $0x80, s3, s20, $0xb8;
	[tilespmem:$0x1F180] =	vst v63  }
0x5e: {  	_ =	swait.ge [sflag:s14], $0x2800  }
0x5f: {  	s0 =	simm.s32 $0x400;
	[sflag:s14] =	ssyncset.done $0x0  }
.LBB2_2:
0x60: {  	p1 =	sne.s32 s0, $0xF400;
	[sflag:s14] =	ssyncadd.s32 $0xFFFFD800;
	s31 =	sadd.s32 $0xA0, s31  }
0x61: {  	s1 =	smov.u32 s0;
	s0 =	sadd.s32 $0x400, s0;
	v1 =	vld [tilespmem:s31+$0xFFFFFFE0];
	_ =	sdelay $0x4  }
0x62: {  	v1 =	vadd.s32 v0, v1  }
0x63: {  	[tilespmem:$0x1A100] =	vst v1  }
0x64: {  	v1 =	vld [tilespmem:s31+$0xFFFFFFF0];
	_ =	sdelay $0x4  }
0x65: {  	v1 =	vadd.s32 v0, v1  }
0x66: {  	[tilespmem:$0x1A110] =	vst v1  }
0x67: {  	v1 =	vld [tilespmem:s31+$0x0];
	_ =	sdelay $0x4  }
0x68: {  	v1 =	vadd.s32 v0, v1  }
0x69: {  	[tilespmem:$0x1A120] =	vst v1  }
0x6a: {  	v1 =	vld [tilespmem:s31+$0x10];
	_ =	sdelay $0x4  }
0x6b: {  	v1 =	vadd.s32 v0, v1  }
0x6c: {  	[tilespmem:$0x1A130] =	vst v1  }
0x6d: {  	v1 =	vld [tilespmem:s31+$0x20];
	_ =	sdelay $0x4  }
0x6e: {  	v1 =	vadd.s32 v0, v1  }
0x6f: {  	[tilespmem:$0x1A140] =	vst v1  }
0x70: {  	[tilespmem:s24], [sflag:$0x2] =	stream.indirect.gather [hbm4b:s4+s20], $0x80, s23, s20, $0xb8;
	[tilespmem:$0x1F180] =	vst v63  }
0x71: {  	_ =	swait.ge [sflag:s25], $0x2800  }
0x72: {  	s1 =	sshra.s32 s1, $0x2;
	[sflag:s25] =	ssyncset.done $0x0  }
0x73: {  	s3 =	sadd.s32 $0x16080, s1;
	[sflag:s25] =	ssyncadd.s32 $0xFFFFD800  }
0x74: {  	[spmem:s2] =	stream.indirect.scatter.add.f32 [tilespmem:s22], [sflag:$0x3], $0x80, s3, s20, $0xb8;
	[tilespmem:$0x1F180] =	vst v63  }
0x75: {  	_ =	swait.ge [sflag:s14], $0x2800  }
0x76: {  	[sflag:s14] =	ssyncset.done $0x0  }
0x77: {  	[sflag:s14] =	ssyncadd.s32 $0xFFFFD800  }
0x78: {  	v1 =	vld [tilespmem:s31+$0x30];
	_ =	sdelay $0x4  }
0x79: {  	v1 =	vadd.s32 v0, v1  }
0x7a: {  	[tilespmem:$0x1A080] =	vst v1  }
0x7b: {  	v1 =	vld [tilespmem:s31+$0x40];
	_ =	sdelay $0x4  }
0x7c: {  	v1 =	vadd.s32 v0, v1  }
0x7d: {  	[tilespmem:$0x1A090] =	vst v1  }
0x7e: {  	v1 =	vld [tilespmem:s31+$0x50];
	_ =	sdelay $0x4  }
0x7f: {  	v1 =	vadd.s32 v0, v1  }
0x80: {  	[tilespmem:$0x1A0A0] =	vst v1  }
0x81: {  	v1 =	vld [tilespmem:s31+$0x60];
	_ =	sdelay $0x4  }
0x82: {  	v1 =	vadd.s32 v0, v1  }
0x83: {  	[tilespmem:$0x1A0B0] =	vst v1  }
0x84: {  	v1 =	vld [tilespmem:s31+$0x70];
	_ =	sdelay $0x4  }
0x85: {  	v1 =	vadd.s32 v0, v1  }
0x86: {  	[tilespmem:$0x1A0C0] =	vst v1  }
0x87: {  	[tilespmem:s22], [sflag:$0x1] =	stream.indirect.gather [hbm4b:s4+s20], $0x80, s21, s20, $0xb8;
	[tilespmem:$0x1F180] =	vst v63  }
0x88: {  	_ =	swait.ge [sflag:s26], $0x2800  }
.Ltmp0:
0x89: {  	[sflag:s26] =	ssyncset.done $0x0;
	(pc) =	sbr.rel @p1 .LBB2_2-.Ltmp0, $4  }
0x8a: {  	s1 =	sadd.s32 $0x16100, s1;
	[sflag:s26] =	ssyncadd.s32 $0xFFFFD800  }
0x8b: {  	[spmem:s2] =	stream.indirect.scatter.add.f32 [tilespmem:s24], [sflag:$0x3], $0x80, s1, s20, $0xb8;
	[tilespmem:$0x1F180] =	vst v63  }
0x8c: {  	_ =	swait.ge [sflag:s14], $0x2800  }
0x8d: {  	[sflag:s14] =	ssyncset.done $0x0  }
0x8e: {  	[sflag:s14] =	ssyncadd.s32 $0xFFFFD800  }
0x8f: {  	v1 =	vld [tilespmem:$0x16010]  }
0x90: {  	v2 =	vld [tilespmem:$0x16020]  }
0x91: {  	v3 =	vld [tilespmem:$0x16030]  }
0x92: {  	v4 =	vld [tilespmem:$0x16040]  }
0x93: {  	v5 =	vld [tilespmem:$0x16050]  }
0x94: {  	v1 =	vadd.s32 v0, v1  }
0x95: {  	[tilespmem:$0x1A100] =	vst v1;
	v1 =	vadd.s32 v0, v2  }
0x96: {  	[tilespmem:$0x1A110] =	vst v1;
	v1 =	vadd.s32 v0, v3  }
0x97: {  	[tilespmem:$0x1A120] =	vst v1;
	v1 =	vadd.s32 v0, v4  }
0x98: {  	[tilespmem:$0x1A130] =	vst v1;
	v1 =	vadd.s32 v0, v5  }
0x99: {  	[tilespmem:$0x1A140] =	vst v1  }
0x9a: {  	[tilespmem:s24], [sflag:$0x2] =	stream.indirect.gather [hbm4b:s4+s20], $0x80, s23, s20, $0xb8;
	[tilespmem:$0x1F180] =	vst v63  }
0x9b: {  	_ =	swait.ge [sflag:s25], $0x2800  }
0x9c: {  	[sflag:s25] =	ssyncset.done $0x0  }
0x9d: {  	[sflag:s25] =	ssyncadd.s32 $0xFFFFD800  }
0x9e: {  	[spmem:s2] =	stream.indirect.scatter.add.f32 [tilespmem:s22], [sflag:$0x3], $0x80, s28, s20, $0xb8;
	[tilespmem:$0x1F180] =	vst v63  }
0x9f: {  	_ =	swait.ge [sflag:s14], $0x2800  }
0xa0: {  	[sflag:s14] =	ssyncset.done $0x0  }
0xa1: {  	[sflag:s14] =	ssyncadd.s32 $0xFFFFD800  }
0xa2: {  	_ =	swait.ge [sflag:s26], $0x2800  }
0xa3: {  	[sflag:s26] =	ssyncset.done $0x0  }
0xa4: {  	[sflag:s26] =	ssyncadd.s32 $0xFFFFD800  }
0xa5: {  	[spmem:s2] =	stream.indirect.scatter.add.f32 [tilespmem:s24], [sflag:$0x3], $0x80, s29, s20, $0xb8;
	[tilespmem:$0x1F180] =	vst v63  }
0xa6: {  	_ =	swait.ge [sflag:s14], $0x2800  }
0xa7: {  	[sflag:s14] =	ssyncset.done $0x0  }
0xa8: {  	[sflag:s14] =	ssyncadd.s32 $0xFFFFD800  }
0xa9: {  	[bflag:$0x0] =	sbarrier.arrive $0xFFFF  }
0xaa: {  	[hbm:s10], [sflag:s6] =	dma.local [spmem:s13], $0x2700  }
0xab: {  	s30 =	sadd.s32 $0x1, s30;
	_ =	swait.ge [sflag:s14], $0x2700  }
0xac: {  	p1 =	sne.s32 s30, s12;
	[sflag:s14] =	ssyncset.done $0x0  }
.Ltmp1:
0xad: {  	s0 =	simm.s32 @!p0 $0x3;
	[sflag:s14] =	ssyncadd.s32 $0xFFFFD900;
	(pc) =	sbr.rel @p1 .LBB2_1-.Ltmp1, $4  }
0xae: {  	[hbm:s11], [sflag:s6] =	dma.local @!p0 [spmem:s15], $0x100  }
0xaf: {  	_ =	swait.ge @!p0 [sflag:s0], $0x100  }
0xb0: {  	[sflag:s0] =	ssyncset.done @!p0 $0x0  }
0xb1: {  	[sflag:s0] =	ssyncadd.s32 @!p0 $0xFFFFFF00  }
0xb2: {  	_ =	sfence.sel $0x180000  }
0xb3: {  	[bflag:$0x0] =	sbarrier.arrive $0xFFFF  }
0xb4: {  	_ =	strace $0x90000056  }
0xb5: {  	s0 =	stileid.u32;
	[bflag:$0x2] =	sbarrier.arrive $0xFFFF  }
0xb6: {  	p0 =	sne.s32 s0, $0x0;
	s0 =	rddreg [dreg:$0x2]  }
0xb7: {  	s0 =	sadd.s32 @!p0 $0x100000, s0  }
0xb8: {  	[sflag:s0] =	ssyncadd.tile.s32 @!p0 $0x1;
	_ =	shalt  }
.Lfunc_end2:
_tile_overlayer_lowered:
.L_overlay_start_2:
0xb9: {  	(tag) =	ssettag $0x2  }
0xba: {  	s0 =	rddreg [dreg:$0x0];
	s2 =	stileid.u32  }
0xbb: {  	s1 =	rddreg [dreg:$0x1];
	p0 =	sne.s32 s2, $0x0  }
0xbc: {  	s3 =	rddreg [dreg:$0x2];
	[bflag:$0x3] =	sbarrier.arrive $0xFFFF;
	s2 =	simm.s32 @!p0 $0x1C03  }
0xbd: {  	[timem:s3], [sflag:s2] =	dma.local @!p0 [hbm:s0], s1  }
0xbe: {  	s0 =	simm.s32 @!p0 $0x3  }
0xbf: {  	_ =	swait.ge @!p0 [sflag:s0], s1  }
0xc0: {  	s1 =	ssub.s32 @!p0 $0x0, s1;
	[sflag:s0] =	ssyncset.done @!p0 $0x0  }
0xc1: {  	[sflag:s0] =	ssyncadd.s32 @!p0 s1  }
0xc2: {  	[bflag:$0x3] =	sbarrier.arrive $0xFFFF  }
0xc3: {  	_ =	shalt  }

// kernel: kernel.40.cloned.1.call-start
scs
__scs_entry_jumppad:
0x0: {  	(pc) =	sbr.rel $0x88, $3  }
0x1: {  	(tag) =	ssettag $0x0;
	lr =	simm.s32 $0x1  }
0x2: {  	[smem:$0x3F70] =	sst lr;
	_ =	strace $0xD0000000  }
0x3: {  	_ = 	snop  }
0x4: {  	_ = 	snop  }
0x5: {  	_ = 	snop  }
0x6: {  	_ = 	snop  }
0x7: {  	_ = 	snop  }
__scs_overlays_trampoline_lowered:
0x8: {  	[smem:$0x3F7F] =	sst s0  }
0x9: {  	[smem:$0x3F80] =	sst s1  }
0xa: {  	[smem:$0x3F81] =	sst s2  }
0xb: {  	[smem:$0x3F82] =	sst s3  }
0xc: {  	[smem:$0x3F83] =	sst s4  }
0xd: {  	[smem:$0x3F84] =	sst s5  }
0xe: {  	[smem:$0x3F85] =	sst s6  }
0xf: {  	[smem:$0x3F86] =	sst s7  }
0x10: {  	[smem:$0x3F87] =	sst s8  }
0x11: {  	[smem:$0x3F88] =	sst s9;
	s0 =	simm.s32 @!p0 $0x0  }
0x12: {  	s1 =	sld [smem:$0x3F6E];
	s0 =	simm.s32 @p0 $0x1  }
0x13: {  	[smem:$0x3F89] =	sst s0;
	s0 =	simm.s32 @!p1 $0x0  }
0x14: {  	s2 =	sld [smem:$0x3F6D];
	s0 =	simm.s32 @p1 $0x1  }
0x15: {  	[smem:$0x3F8A] =	sst s0;
	s0 =	simm.s32 @!p2 $0x0  }
0x16: {  	s3 =	sld [smem:$0x3FDB];
	s0 =	simm.s32 @p2 $0x1  }
0x17: {  	s4 =	simm.s32 $0x1BF5;
	[smem:$0x3F8C] =	sst s0  }
0x18: {  	s0 =	sld [smem:$0x3F6F];
	_ =	swait.ge [sflag:s4], $0x0  }
0x19: {  	s7 =	sld [smem:$0x3F70]  }
0x1a: {  	s8 =	sadd.s32 $0xFFFFE003, lr  }
0x1b: {  	s9 =	sadd.s32 $0xFFFFFEF7, lr;
	s5 =	simm.s32 $0xFFFFFFFF;
	p2 =	slt.u32 s8, $0xFFFFF086  }
0x1c: {  	p1 =	slt.u32 s9, $0xF7A;
	s5 =	simm.s32 @!p2 $0x0  }
0x1d: {  	s5 =	simm.s32 @p1 $0x1;
	p0 =	seq.s32 s7, s2  }
0x1e: {  	s7 =	smul.u32 @!p0 $0xF7A, s2;
	p2 =	seq.s32 @!p0 s5, $0x0  }
0x1f: {  	s9 =	smul.u32 $0xF7A, s1;
	s8 =	simm.s32 @!p0 $0x1BF5;
	p2 =	por !p2, p0  }
0x20: {  	[sflag:s8] =	ssyncset.s32 @!p0 $0xFFFFF086;
	s6 =	sadd.s32 @!p0 s3, s7;
	s7 =	simm.s32 @!p0 $0x108  }
0x21: {  	s3 =	sadd.s32 s3, s9;
	s6 =	sadd.s32 @!p0 $0x88, s6;
	s7 =	simm.s32 @p2 $0x1082  }
0x22: {  	[simem:s7], [sflag:s8] =	dma.local @!p0 [hbm:s6], $0xF7A  }
0x23: {  	s9 =	sor.u32 $0xD0000000, s2;
	s6 =	simm.s32 $0x108;
	_ =	swait.ge @!p0 [sflag:s8], $0x0  }
0x24: {  	s3 =	sadd.s32 $0x88, s3;
	s6 =	simm.s32 @!p1 $0x1082;
	[sflag:s4] =	ssyncset.s32 $0xFFFFF086  }
0x25: {  	[simem:s6], [sflag:s4] =	dma.local [hbm:s3], $0xF7A  }
0x26: {  	[smem:$0x3F70] =	sst s1;
	(tag) =	ssettag s2;
	_ =	strace s9  }
0x27: {  	s1 =	sld [smem:$0x3F80]  }
0x28: {  	s2 =	sld [smem:$0x3F81]  }
0x29: {  	s4 =	sld [smem:$0x3F83]  }
0x2a: {  	p0 =	seq.s32 s5, $0x0;
	s5 =	sld [smem:$0x3F84]  }
0x2b: {  	s6 =	sld [smem:$0x3F85]  }
0x2c: {  	s7 =	sld [smem:$0x3F86]  }
0x2d: {  	s3 =	simm.s32 $0x108;
	s8 =	sld [smem:$0x3F87]  }
0x2e: {  	s3 =	simm.s32 @!p0 $0x1082;
	s9 =	sld [smem:$0x3F88]  }
0x2f: {  	lr =	sadd.s32 s0, s3;
	s0 =	sld [smem:$0x3F7F]  }
0x30: {  	s3 =	sld [smem:$0x3F82]  }
0x31: {  	[smem:$0x3F8B] =	sst s10  }
0x32: {  	s10 =	sld [smem:$0x3F89];
	_ =	sdelay $0x3  }
0x33: {  	p0 =	seq.s32 s10, $0x1;
	s10 =	sld [smem:$0x3F8B];
	_ =	sdelay $0x3  }
0x34: {  	[smem:$0x3F8B] =	sst s10  }
0x35: {  	s10 =	sld [smem:$0x3F8A];
	_ =	sdelay $0x3  }
0x36: {  	p1 =	seq.s32 s10, $0x1;
	s10 =	sld [smem:$0x3F8B];
	_ =	sdelay $0x3  }
0x37: {  	[smem:$0x3F8B] =	sst s10  }
0x38: {  	s10 =	sld [smem:$0x3F8C]  }
0x39: {  	_ = 	snop;
	(pc) =	sbr.ind lr, $3  }
0x3a: {  	_ = 	snop  }
0x3b: {  	_ = 	snop  }
0x3c: {  	p2 =	seq.s32 s10, $0x1;
	s10 =	sld [smem:$0x3F8B]  }
0x3d: {  	_ =	shalt  }
0x3e: {  	_ =	shalt  }
0x3f: {  	_ =	shalt  }
0x40: {  	_ =	shalt  }
0x41: {  	_ =	shalt  }
0x42: {  	_ =	shalt  }
0x43: {  	_ =	shalt  }
0x44: {  	_ =	shalt  }
0x45: {  	_ =	shalt  }
0x46: {  	_ =	shalt  }
0x47: {  	_ =	shalt  }
0x48: {  	_ =	shalt  }
0x49: {  	_ =	shalt  }
0x4a: {  	_ =	shalt  }
0x4b: {  	_ =	shalt  }
0x4c: {  	_ =	shalt  }
0x4d: {  	_ =	shalt  }
0x4e: {  	_ =	shalt  }
0x4f: {  	_ =	shalt  }
0x50: {  	_ =	shalt  }
0x51: {  	_ =	shalt  }
0x52: {  	_ =	shalt  }
0x53: {  	_ =	shalt  }
0x54: {  	_ =	shalt  }
0x55: {  	_ =	shalt  }
0x56: {  	_ =	shalt  }
0x57: {  	_ =	shalt  }
0x58: {  	_ =	shalt  }
0x59: {  	_ =	shalt  }
0x5a: {  	_ =	shalt  }
0x5b: {  	_ =	shalt  }
0x5c: {  	_ =	shalt  }
0x5d: {  	_ =	shalt  }
0x5e: {  	_ =	shalt  }
0x5f: {  	_ =	shalt  }
0x60: {  	_ =	shalt  }
0x61: {  	_ =	shalt  }
0x62: {  	_ =	shalt  }
0x63: {  	_ =	shalt  }
0x64: {  	_ =	shalt  }
0x65: {  	_ =	shalt  }
0x66: {  	_ =	shalt  }
0x67: {  	_ =	shalt  }
0x68: {  	_ =	shalt  }
0x69: {  	_ =	shalt  }
0x6a: {  	_ =	shalt  }
0x6b: {  	_ =	shalt  }
0x6c: {  	_ =	shalt  }
0x6d: {  	_ =	shalt  }
0x6e: {  	_ =	shalt  }
0x6f: {  	_ =	shalt  }
0x70: {  	_ =	shalt  }
0x71: {  	_ =	shalt  }
0x72: {  	_ =	shalt  }
0x73: {  	_ =	shalt  }
0x74: {  	_ =	shalt  }
0x75: {  	_ =	shalt  }
0x76: {  	_ =	shalt  }
0x77: {  	_ =	shalt  }
0x78: {  	_ =	shalt  }
0x79: {  	_ =	shalt  }
0x7a: {  	_ =	shalt  }
0x7b: {  	_ =	shalt  }
0x7c: {  	_ =	shalt  }
0x7d: {  	_ =	shalt  }
0x7e: {  	_ =	shalt  }
0x7f: {  	_ =	shalt  }
0x80: {  	_ =	shalt  }
0x81: {  	_ =	shalt  }
0x82: {  	_ =	shalt  }
0x83: {  	_ =	shalt  }
0x84: {  	_ =	shalt  }
0x85: {  	_ =	shalt  }
0x86: {  	_ =	shalt  }
0x87: {  	_ =	shalt  }
.Lfunc_end0:
.L_simem_size_0:
called_computation.6_lowered:
.L_overlay_start_0:
0x88: {  	s2 =	sld [smem:$0x3FD9]  }
0x89: {  	s3 =	sld [smem:$0x3FFE];
	_ =	sdelay $0x1  }
0x8a: {  	s1 =	srdreg.scid  }
0x8b: {  	s0 =	sand.u32 $0x1, s1  }
0x8c: {  	s16 =	sshll.u32 s0, $0xA;
	s2 =	sadd.s32 s3, s2  }
0x8d: {  	s2 =	sadd.s32 s2, s16  }
0x8e: {  	[smem:$0x3F97] =	sst s2  }
0x8f: {  	_ = 	snop  }
0x90: {  	(tm) =	ssettm $0x1  }
0x91: {  	s17 =	sld [smem:$0x3FFB];
	_ =	sdelay $0x3  }
0x92: {  	_ =	strace s17  }
0x93: {  	s2 =	sld [smem:$0x3FFC];
	_ =	sdelay $0x3  }
0x94: {  	_ =	strace s2  }
0x95: {  	s2 =	sld [smem:$0x3FFD];
	_ =	sdelay $0x3  }
0x96: {  	_ =	strace s2  }
0x97: {  	_ =	strace $0x8FFFFFFF  }
0x98: {  	s18 =	sld [smem:$0x3FDB];
	_ =	sdelay $0x1  }
0x99: {  	s19 =	simm.s32 $_scs_section_size  }
0x9a: {  	s4 =	simm.s32 $_size__tile_overlayer_lowered;
	s5 =	simm.s32 $_tile_overlayer_lowered  }
0x9b: {  	s22 =	simm.s32 $0x1BFF;
	s21 =	sshll.u32 s5, $0x1;
	s2 =	sadd.s32 s19, s18  }
0x9c: {  	s6 =	simm.s32 $0x0;
	s20 =	sshll.u32 s4, $0x1;
	s4 =	sadd.s32 s21, s2  }
0x9d: {  	[timem:s6], [sflag:s22] =	dma.local [hbm:s4], s20  }
0x9e: {  	_ =	swait.ge [sflag:s22], s20  }
0x9f: {  	s3 =	ssub.s32 $0x0, s20;
	[sflag:s22] =	ssyncset.done $0x0  }
0xa0: {  	[sflag:s22] =	ssyncadd.s32 s3;
	_ =	sdelay $0x1  }
0xa1: {  	s23 =	simm.s32 $0x1B8B  }
0xa2: {  	_ =	swait.ge [sflag:s23], $0x1  }
0xa3: {  	[sflag:s23] =	ssyncset.done $0x0  }
0xa4: {  	s25 =	simm.s32 $0x1B8E;
	s24 =	sld [smem:$0x3FFE];
	[sflag:s23] =	ssyncadd.s32 $0xFFFFFFFF  }
0xa5: {  	s26 =	simm.s32 $execute0_lowered;
	[smem:$0x3FD2] =	sst s25  }
0xa6: {  	s4 =	sshll.u32 s26, $0x1;
	_ =	strace $0x80000058;
	[dreg:$0x1] =	wrdreg $0xFFFFFFFF  }
0xa7: {  	s28 =	simm.s32 $_size_execute0_lowered;
	s2 =	sadd.s32 s2, s4;
	[dreg:$0x0] =	wrdreg $0x0  }
0xa8: {  	s4 =	sshll.u32 s28, $0x1;
	[dreg:$0x2] =	wrdreg s2  }
0xa9: {  	[dreg:$0x3] =	wrdreg s4  }
0xaa: {  	[dreg:$0x4] =	wrdreg $0xC0  }
0xab: {  	_ =	task [dreg:s6], $0x5FFFF  }
0xac: {  	[dreg:$0x1] =	wrdreg $0xFFFFFFFF  }
0xad: {  	[dreg:$0x0] =	wrdreg $0x60  }
0xae: {  	[dreg:$0x2] =	wrdreg s24  }
0xaf: {  	[dreg:$0x3] =	wrdreg $0x0  }
0xb0: {  	[dreg:$0x4] =	wrdreg $0x9  }
0xb1: {  	_ =	task.clear_ibuf [dreg:s6], $0x5FFFF;
	_ =	strace $0x90000058  }
0xb2: {  	s29 =	simm.s32 $0x9;
	_ =	strace $0x8000005A  }
0xb3: {  	_ =	swait.ge [sflag:s29], $0x1  }
0xb4: {  	[sflag:s29] =	ssyncadd.s32 $0xFFFFFFFF  }
0xb5: {  	_ =	strace $0x9000005A  }
0xb6: {  	_ =	sfence  }
0xb7: {  	s30 =	sld [smem:$0x0];
	_ =	sdelay $0x2  }
0xb8: {  	s31 =	sshll.u32 s1, $0xD;
	s1 =	sshrl.u32 s1, $0x2  }
0xb9: {  	s3 =	sand.u32 $0x4000, s31;
	s1 =	sadd.s32 s1, s30  }
0xba: {  	s0 =	sor.u32 s3, s0;
	s1 =	sshll.u32 s1, $0x11  }
0xbb: {  	s0 =	sor.u32 s1, s0  }
0xbc: {  	s0 =	sadd.s32 $0x8F2B, s0  }
0xbd: {  	[sflag:s0] =	ssyncadd.remote.s32 $0x1  }
0xbe: {  	_ =	sfence.sel $0xFFFF  }
0xbf: {  	[dreg:$0x0] =	wrdreg $0xFFFFFFFF;
	(pc) =	sbr.abs _section_cstart, $3  }
0xc0: {  	[dreg:$0x1] =	wrdreg $0xFFFFFFFF  }
0xc1: {  	_ =	task.clear_ibuf [dreg:s6], $0x2FFFF;
	_ =	strace $0x9FFFFFFF  }
0xc2: {  	(tm) =	ssettm $0x7FFFFFFF  }
0xc3: {  	_ =	shalt  }
tec
execute0_lowered:
.L_overlay_start_1:
0x0: {  	(tag) =	ssettag $0x1  }
0x1: {  	s0 =	rddreg [dreg:$0x0]  }
0x2: {  	s2 =	rddreg [dreg:$0x1];
	s3 =	stileid.u32;
	s5 =	simm.s32 $0x0  }
0x3: {  	s24 =	srdreg.scid;
	s16 =	simm.s32 $0x80;
	s17 =	simm.s32 $0x400  }
0x4: {  	s18 =	simm.s32 $0x13900;
	s19 =	simm.s32 $0x16080;
	s20 =	simm.s32 $0x50  }
0x5: {  	s21 =	simm.s32 $0x1A080;
	s22 =	simm.s32 $0x1A180;
	s23 =	simm.s32 $0x1A100  }
0x6: {  	s29 =	simm.s32 $0x19F00;
	s30 =	simm.s32 $0x0;
	s1 =	sshrl.u32 s3, $0x3  }
0x7: {  	s4 =	sshll.u32 s3, $0x7;
	[smem:$0x7FF] =	sst s5;
	s5 =	sand.u32 $0x1, s24  }
0x8: {  	s7 =	sadd.s32 $0x66A00, s0;
	s6 =	smul.u32 $0x4E000, s3;
	s8 =	sshll.u32 s3, $0xB  }
0x9: {  	s10 =	smul.u32 $0x270, s3;
	s26 =	sshll.u32 s3, $0x6;
	s15 =	sadd.s32 $0x138000, s2  }
0xa: {  	p0 =	sne.s32 s3, $0xF;
	s24 =	simm.s32 $0x1C980;
	s1 =	smul.u32 $0x13C00, s1  }
0xb: {  	s4 =	sand.u32 $0x380, s4;
	_ =	strace $0x80000059;
	s28 =	smul.u32 $0x2710, s5  }
0xc: {  	s9 =	ssub.s32 $0x2, s5;
	s11 =	sadd.s32 s8, s0;
	s12 =	smul.u32 $0x138800, s5  }
0xd: {  	s15 =	sshrl.u32 @!p0 s15, $0x3;
	s25 =	sshrl.u32 s9, $0x1;
	s6 =	sshrl.u32 s6, $0x2  }
0xe: {  	s1 =	sor.u32 s4, s1;
	s4 =	sadd.s32 $0x18800, s0;
	s10 =	sadd.s32 s10, s28  }
0xf: {  	s13 =	ssub.s32 s9, s25;
	s14 =	sadd.s32 s6, s2;
	s31 =	sshrl.u32 s12, $0x3  }
0x10: {  	s6 =	sor.u32 $0x1C03, s26;
	s9 =	sadd.s32 $0xB800, s11;
	s25 =	simm.s32 $0x1  }
0x11: {  	s26 =	simm.s32 $0x2;
	v0 =	vmov s28;
	s28 =	simm.s32 $0x19E80;
	s1 =	sshrl.u32 s1, $0x3  }
0x12: {  	s10 =	sshll.u32 s10, $0x4;
	s12 =	sadd.s32 $0x27000, s31;
	s1 =	sadd.s32 s1, s0  }
0x13: {  	s0 =	sadd.s32 $0xB4C00, s0;
	s5 =	sadd.s32 s7, s10;
	s7 =	sadd.s32 s7, s12  }
0x14: {  	s8 =	sadd.s32 $0x13800, s1;
	s10 =	sadd.s32 s0, s10;
	s11 =	sadd.s32 s0, s12  }
0x15: {  	s12 =	smax.u32 s13, $0x1;
	s13 =	sshrl.u32 s14, $0x3;
	s14 =	simm.s32 $0x3  }
.LBB2_1:
0x16: {  	[spmem:s13], [sflag:s6] =	dma.local [hbm:s5], $0x2700  }
0x17: {  	_ =	swait.ge [sflag:s14], $0x2700  }
0x18: {  	[sflag:s14] =	ssyncset.done $0x0  }
0x19: {  	s0 =	simm.s32 @!p0 $0x3;
	[sflag:s14] =	ssyncadd.s32 $0xFFFFD900  }
0x1a: {  	[spmem:s15], [sflag:s6] =	dma.local @!p0 [hbm:s7], $0x100  }
0x1b: {  	_ =	swait.ge @!p0 [sflag:s0], $0x100  }
0x1c: {  	[sflag:s0] =	ssyncset.done @!p0 $0x0  }
0x1d: {  	[sflag:s0] =	ssyncadd.s32 @!p0 $0xFFFFFF00  }
0x1e: {  	[tilespmem:s18], [sflag:$0x3] =	stream.strided.gather [hbm4b:s8+s16], $0x2780, s17, s16, $0x38;
	[tilespmem:$0x1F180] =	vst v63  }
0x1f: {  	_ =	swait.ge [sflag:s14], $0x2780  }
0x20: {  	[sflag:s14] =	ssyncset.done $0x0  }
0x21: {  	s3 =	simm.s32 $0x0;
	[sflag:s14] =	ssyncadd.s32 $0xFFFFD880  }
0x22: {  	[tilespmem:s19], [sflag:$0x3] =	stream.linear.gather [hbm4b:s9+s3], $0x3F00, $0x38;
	[tilespmem:$0x1F180] =	vst v63  }
0x23: {  	_ =	swait.ge [sflag:s14], $0x3F00  }
0x24: {  	[sflag:s14] =	ssyncset.done $0x0  }
0x25: {  	[sflag:s14] =	ssyncadd.s32 $0xFFFFC100  }
0x26: {  	[bflag:$0x0] =	sbarrier.arrive $0xFFFF  }
0x27: {  	v1 =	vld [tilespmem:$0x13900]  }
0x28: {  	v2 =	vld [tilespmem:$0x13910]  }
0x29: {  	v3 =	vld [tilespmem:$0x13920]  }
0x2a: {  	v4 =	vld [tilespmem:$0x13930]  }
0x2b: {  	v5 =	vld [tilespmem:$0x13940]  }
0x2c: {  	v1 =	vadd.s32 v0, v1  }
0x2d: {  	[tilespmem:$0x1A080] =	vst v1;
	v1 =	vadd.s32 v0, v2  }
0x2e: {  	[tilespmem:$0x1A090] =	vst v1;
	v1 =	vadd.s32 v0, v3  }
0x2f: {  	[tilespmem:$0x1A0A0] =	vst v1;
	v1 =	vadd.s32 v0, v4  }
0x30: {  	[tilespmem:$0x1A0B0] =	vst v1;
	v1 =	vadd.s32 v0, v5  }
0x31: {  	s31 =	simm.s32 $0x13970;
	[tilespmem:$0x1A0C0] =	vst v1  }
0x32: {  	[tilespmem:s22], [sflag:$0x1] =	stream.indirect.gather [hbm4b:s4+s20], $0x80, s21, s20, $0xb8;
	[tilespmem:$0x1F180] =	vst v63  }
0x33: {  	v1 =	vld [tilespmem:s31+$0xFFFFFFE0];
	_ =	sdelay $0x4  }
0x34: {  	v1 =	vadd.s32 v0, v1  }
0x35: {  	[tilespmem:$0x1A100] =	vst v1  }
0x36: {  	v1 =	vld [tilespmem:s31+$0xFFFFFFF0];
	_ =	sdelay $0x4  }
0x37: {  	v1 =	vadd.s32 v0, v1  }
0x38: {  	[tilespmem:$0x1A110] =	vst v1  }
0x39: {  	v1 =	vld [tilespmem:s31+$0x0];
	_ =	sdelay $0x4  }
0x3a: {  	v1 =	vadd.s32 v0, v1  }
0x3b: {  	[tilespmem:$0x1A120] =	vst v1  }
0x3c: {  	v1 =	vld [tilespmem:s31+$0x10];
	_ =	sdelay $0x4  }
0x3d: {  	v1 =	vadd.s32 v0, v1  }
0x3e: {  	[tilespmem:$0x1A130] =	vst v1  }
0x3f: {  	v1 =	vld [tilespmem:s31+$0x20];
	_ =	sdelay $0x4  }
0x40: {  	v1 =	vadd.s32 v0, v1  }
0x41: {  	[tilespmem:$0x1A140] =	vst v1  }
0x42: {  	[tilespmem:s24], [sflag:$0x2] =	stream.indirect.gather [hbm4b:s4+s20], $0x80, s23, s20, $0xb8;
	[tilespmem:$0x1F180] =	vst v63  }
0x43: {  	_ =	swait.ge [sflag:s25], $0x2800  }
0x44: {  	[sflag:s25] =	ssyncset.done $0x0  }
0x45: {  	s1 =	simm.s32 $0x16080;
	[sflag:s25] =	ssyncadd.s32 $0xFFFFD800  }
0x46: {  	[spmem:s2] =	stream.indirect.scatter.add.f32 [tilespmem:s22], [sflag:$0x3], $0x80, s1, s20, $0xb8;
	[tilespmem:$0x1F180] =	vst v63  }
0x47: {  	_ =	swait.ge [sflag:s14], $0x2800  }
0x48: {  	[sflag:s14] =	ssyncset.done $0x0  }
0x49: {  	[sflag:s14] =	ssyncadd.s32 $0xFFFFD800  }
0x4a: {  	v1 =	vld [tilespmem:s31+$0x30];
	_ =	sdelay $0x4  }
0x4b: {  	v1 =	vadd.s32 v0, v1  }
0x4c: {  	[tilespmem:$0x1A080] =	vst v1  }
0x4d: {  	v1 =	vld [tilespmem:s31+$0x40];
	_ =	sdelay $0x4  }
0x4e: {  	v1 =	vadd.s32 v0, v1  }
0x4f: {  	[tilespmem:$0x1A090] =	vst v1  }
0x50: {  	v1 =	vld [tilespmem:s31+$0x50];
	_ =	sdelay $0x4  }
0x51: {  	v1 =	vadd.s32 v0, v1  }
0x52: {  	[tilespmem:$0x1A0A0] =	vst v1  }
0x53: {  	v1 =	vld [tilespmem:s31+$0x60];
	_ =	sdelay $0x4  }
0x54: {  	v1 =	vadd.s32 v0, v1  }
0x55: {  	[tilespmem:$0x1A0B0] =	vst v1  }
0x56: {  	v1 =	vld [tilespmem:s31+$0x70];
	_ =	sdelay $0x4  }
0x57: {  	v1 =	vadd.s32 v0, v1  }
0x58: {  	[tilespmem:$0x1A0C0] =	vst v1  }
0x59: {  	[tilespmem:s22], [sflag:$0x1] =	stream.indirect.gather [hbm4b:s4+s20], $0x80, s21, s20, $0xb8;
	[tilespmem:$0x1F180] =	vst v63  }
0x5a: {  	_ =	swait.ge [sflag:s26], $0x2800  }
0x5b: {  	[sflag:s26] =	ssyncset.done $0x0  }
0x5c: {  	s3 =	simm.s32 $0x16100;
	[sflag:s26] =	ssyncadd.s32 $0xFFFFD800  }
0x5d: {  	[spmem:s2] =	stream.indirect.scatter.add.f32 [tilespmem:s24], [sflag:$0x3], $0x80, s3, s20, $0xb8;
	[tilespmem:$0x1F180] =	vst v63  }
0x5e: {  	_ =	swait.ge [sflag:s14], $0x2800  }
0x5f: {  	s0 =	simm.s32 $0x400;
	[sflag:s14] =	ssyncset.done $0x0  }
.LBB2_2:
0x60: {  	p1 =	sne.s32 s0, $0xF400;
	[sflag:s14] =	ssyncadd.s32 $0xFFFFD800;
	s31 =	sadd.s32 $0xA0, s31  }
0x61: {  	s1 =	smov.u32 s0;
	s0 =	sadd.s32 $0x400, s0;
	v1 =	vld [tilespmem:s31+$0xFFFFFFE0];
	_ =	sdelay $0x4  }
0x62: {  	v1 =	vadd.s32 v0, v1  }
0x63: {  	[tilespmem:$0x1A100] =	vst v1  }
0x64: {  	v1 =	vld [tilespmem:s31+$0xFFFFFFF0];
	_ =	sdelay $0x4  }
0x65: {  	v1 =	vadd.s32 v0, v1  }
0x66: {  	[tilespmem:$0x1A110] =	vst v1  }
0x67: {  	v1 =	vld [tilespmem:s31+$0x0];
	_ =	sdelay $0x4  }
0x68: {  	v1 =	vadd.s32 v0, v1  }
0x69: {  	[tilespmem:$0x1A120] =	vst v1  }
0x6a: {  	v1 =	vld [tilespmem:s31+$0x10];
	_ =	sdelay $0x4  }
0x6b: {  	v1 =	vadd.s32 v0, v1  }
0x6c: {  	[tilespmem:$0x1A130] =	vst v1  }
0x6d: {  	v1 =	vld [tilespmem:s31+$0x20];
	_ =	sdelay $0x4  }
0x6e: {  	v1 =	vadd.s32 v0, v1  }
0x6f: {  	[tilespmem:$0x1A140] =	vst v1  }
0x70: {  	[tilespmem:s24], [sflag:$0x2] =	stream.indirect.gather [hbm4b:s4+s20], $0x80, s23, s20, $0xb8;
	[tilespmem:$0x1F180] =	vst v63  }
0x71: {  	_ =	swait.ge [sflag:s25], $0x2800  }
0x72: {  	s1 =	sshra.s32 s1, $0x2;
	[sflag:s25] =	ssyncset.done $0x0  }
0x73: {  	s3 =	sadd.s32 $0x16080, s1;
	[sflag:s25] =	ssyncadd.s32 $0xFFFFD800  }
0x74: {  	[spmem:s2] =	stream.indirect.scatter.add.f32 [tilespmem:s22], [sflag:$0x3], $0x80, s3, s20, $0xb8;
	[tilespmem:$0x1F180] =	vst v63  }
0x75: {  	_ =	swait.ge [sflag:s14], $0x2800  }
0x76: {  	[sflag:s14] =	ssyncset.done $0x0  }
0x77: {  	[sflag:s14] =	ssyncadd.s32 $0xFFFFD800  }
0x78: {  	v1 =	vld [tilespmem:s31+$0x30];
	_ =	sdelay $0x4  }
0x79: {  	v1 =	vadd.s32 v0, v1  }
0x7a: {  	[tilespmem:$0x1A080] =	vst v1  }
0x7b: {  	v1 =	vld [tilespmem:s31+$0x40];
	_ =	sdelay $0x4  }
0x7c: {  	v1 =	vadd.s32 v0, v1  }
0x7d: {  	[tilespmem:$0x1A090] =	vst v1  }
0x7e: {  	v1 =	vld [tilespmem:s31+$0x50];
	_ =	sdelay $0x4  }
0x7f: {  	v1 =	vadd.s32 v0, v1  }
0x80: {  	[tilespmem:$0x1A0A0] =	vst v1  }
0x81: {  	v1 =	vld [tilespmem:s31+$0x60];
	_ =	sdelay $0x4  }
0x82: {  	v1 =	vadd.s32 v0, v1  }
0x83: {  	[tilespmem:$0x1A0B0] =	vst v1  }
0x84: {  	v1 =	vld [tilespmem:s31+$0x70];
	_ =	sdelay $0x4  }
0x85: {  	v1 =	vadd.s32 v0, v1  }
0x86: {  	[tilespmem:$0x1A0C0] =	vst v1  }
0x87: {  	[tilespmem:s22], [sflag:$0x1] =	stream.indirect.gather [hbm4b:s4+s20], $0x80, s21, s20, $0xb8;
	[tilespmem:$0x1F180] =	vst v63  }
0x88: {  	_ =	swait.ge [sflag:s26], $0x2800  }
.Ltmp0:
0x89: {  	[sflag:s26] =	ssyncset.done $0x0;
	(pc) =	sbr.rel @p1 .LBB2_2-.Ltmp0, $4  }
0x8a: {  	s1 =	sadd.s32 $0x16100, s1;
	[sflag:s26] =	ssyncadd.s32 $0xFFFFD800  }
0x8b: {  	[spmem:s2] =	stream.indirect.scatter.add.f32 [tilespmem:s24], [sflag:$0x3], $0x80, s1, s20, $0xb8;
	[tilespmem:$0x1F180] =	vst v63  }
0x8c: {  	_ =	swait.ge [sflag:s14], $0x2800  }
0x8d: {  	[sflag:s14] =	ssyncset.done $0x0  }
0x8e: {  	[sflag:s14] =	ssyncadd.s32 $0xFFFFD800  }
0x8f: {  	v1 =	vld [tilespmem:$0x16010]  }
0x90: {  	v2 =	vld [tilespmem:$0x16020]  }
0x91: {  	v3 =	vld [tilespmem:$0x16030]  }
0x92: {  	v4 =	vld [tilespmem:$0x16040]  }
0x93: {  	v5 =	vld [tilespmem:$0x16050]  }
0x94: {  	v1 =	vadd.s32 v0, v1  }
0x95: {  	[tilespmem:$0x1A100] =	vst v1;
	v1 =	vadd.s32 v0, v2  }
0x96: {  	[tilespmem:$0x1A110] =	vst v1;
	v1 =	vadd.s32 v0, v3  }
0x97: {  	[tilespmem:$0x1A120] =	vst v1;
	v1 =	vadd.s32 v0, v4  }
0x98: {  	[tilespmem:$0x1A130] =	vst v1;
	v1 =	vadd.s32 v0, v5  }
0x99: {  	[tilespmem:$0x1A140] =	vst v1  }
0x9a: {  	[tilespmem:s24], [sflag:$0x2] =	stream.indirect.gather [hbm4b:s4+s20], $0x80, s23, s20, $0xb8;
	[tilespmem:$0x1F180] =	vst v63  }
0x9b: {  	_ =	swait.ge [sflag:s25], $0x2800  }
0x9c: {  	[sflag:s25] =	ssyncset.done $0x0  }
0x9d: {  	[sflag:s25] =	ssyncadd.s32 $0xFFFFD800  }
0x9e: {  	[spmem:s2] =	stream.indirect.scatter.add.f32 [tilespmem:s22], [sflag:$0x3], $0x80, s28, s20, $0xb8;
	[tilespmem:$0x1F180] =	vst v63  }
0x9f: {  	_ =	swait.ge [sflag:s14], $0x2800  }
0xa0: {  	[sflag:s14] =	ssyncset.done $0x0  }
0xa1: {  	[sflag:s14] =	ssyncadd.s32 $0xFFFFD800  }
0xa2: {  	_ =	swait.ge [sflag:s26], $0x2800  }
0xa3: {  	[sflag:s26] =	ssyncset.done $0x0  }
0xa4: {  	[sflag:s26] =	ssyncadd.s32 $0xFFFFD800  }
0xa5: {  	[spmem:s2] =	stream.indirect.scatter.add.f32 [tilespmem:s24], [sflag:$0x3], $0x80, s29, s20, $0xb8;
	[tilespmem:$0x1F180] =	vst v63  }
0xa6: {  	_ =	swait.ge [sflag:s14], $0x2800  }
0xa7: {  	[sflag:s14] =	ssyncset.done $0x0  }
0xa8: {  	[sflag:s14] =	ssyncadd.s32 $0xFFFFD800  }
0xa9: {  	[bflag:$0x0] =	sbarrier.arrive $0xFFFF  }
0xaa: {  	[hbm:s10], [sflag:s6] =	dma.local [spmem:s13], $0x2700  }
0xab: {  	s30 =	sadd.s32 $0x1, s30;
	_ =	swait.ge [sflag:s14], $0x2700  }
0xac: {  	p1 =	sne.s32 s30, s12;
	[sflag:s14] =	ssyncset.done $0x0  }
.Ltmp1:
0xad: {  	s0 =	simm.s32 @!p0 $0x3;
	[sflag:s14] =	ssyncadd.s32 $0xFFFFD900;
	(pc) =	sbr.rel @p1 .LBB2_1-.Ltmp1, $4  }
0xae: {  	[hbm:s11], [sflag:s6] =	dma.local @!p0 [spmem:s15], $0x100  }
0xaf: {  	_ =	swait.ge @!p0 [sflag:s0], $0x100  }
0xb0: {  	[sflag:s0] =	ssyncset.done @!p0 $0x0  }
0xb1: {  	[sflag:s0] =	ssyncadd.s32 @!p0 $0xFFFFFF00  }
0xb2: {  	_ =	sfence.sel $0x180000  }
0xb3: {  	[bflag:$0x0] =	sbarrier.arrive $0xFFFF  }
0xb4: {  	_ =	strace $0x90000059  }
0xb5: {  	s0 =	stileid.u32;
	[bflag:$0x2] =	sbarrier.arrive $0xFFFF  }
0xb6: {  	p0 =	sne.s32 s0, $0x0;
	s0 =	rddreg [dreg:$0x2]  }
0xb7: {  	s0 =	sadd.s32 @!p0 $0x100000, s0  }
0xb8: {  	[sflag:s0] =	ssyncadd.tile.s32 @!p0 $0x1;
	_ =	shalt  }
.Lfunc_end2:
_tile_overlayer_lowered:
.L_overlay_start_2:
0xb9: {  	(tag) =	ssettag $0x2  }
0xba: {  	s0 =	rddreg [dreg:$0x0];
	s2 =	stileid.u32  }
0xbb: {  	s1 =	rddreg [dreg:$0x1];
	p0 =	sne.s32 s2, $0x0  }
0xbc: {  	s3 =	rddreg [dreg:$0x2];
	[bflag:$0x3] =	sbarrier.arrive $0xFFFF;
	s2 =	simm.s32 @!p0 $0x1C03  }
0xbd: {  	[timem:s3], [sflag:s2] =	dma.local @!p0 [hbm:s0], s1  }
0xbe: {  	s0 =	simm.s32 @!p0 $0x3  }
0xbf: {  	_ =	swait.ge @!p0 [sflag:s0], s1  }
0xc0: {  	s1 =	ssub.s32 @!p0 $0x0, s1;
	[sflag:s0] =	ssyncset.done @!p0 $0x0  }
0xc1: {  	[sflag:s0] =	ssyncadd.s32 @!p0 s1  }
0xc2: {  	[bflag:$0x3] =	sbarrier.arrive $0xFFFF  }
0xc3: {  	_ =	shalt  }

</sc_bundles>
